<compile_context>
chip_gen: v7x
topology: tpu7x:2x2x1
jax: 0.10.2.dev20260603
libtpu: 0.0.44.dev20260713+nightly
codegen_flags: <defaults>
</compile_context>

<pallas_src>
import functools

import jax
import jax.numpy as jnp
from jax import lax
from jax.experimental import pallas as pl
from jax.experimental.pallas import tpu as pltpu
from jax.experimental.pallas import tpu_sc as plsc

N = 10000
E = 320000
D_IN = 128
D_HID = 256
D_OUT = 128
H = 128
LANE = 128
NT = 16
Np = 10240
RPT = Np // NT
BCH = 16
EPT = E // NT
NBLK = -(-EPT // (2 * BCH * LANE)) * 2
NCH = NBLK * BCH
EPT_D = E // (2 * NT)
NBLK_D = -(-EPT_D // (BCH * LANE))
NCH_D = NBLK_D * BCH
TR = 1000
GR = N // TR

_mesh = plsc.VectorSubcoreMesh(core_axis_name="c", subcore_axis_name="s")



@functools.partial(
    pl.kernel,
    out_type=jax.ShapeDtypeStruct((2 * Np, H), jnp.float32),
    mesh=_mesh,
    scratch_types=[
        pltpu.VMEM((2, LANE), jnp.int32),
        pltpu.VMEM((2, LANE), jnp.int32),
        pltpu.VMEM((LANE, H), jnp.float32),
        pltpu.VMEM((LANE, H), jnp.float32),
        pltpu.VMEM_SHARED((Np, H), jnp.float32),
        pltpu.SemaphoreType.DMA,
        pltpu.SemaphoreType.DMA,
        pltpu.SemaphoreType.DMA,
        pltpu.SemaphoreType.DMA,
    ],
)
def _agg(hp_hbm, sd_hbm, out_hbm, sd0, sd1, rows0, rows1, acc_sh,
         g0, g1, s0, s1):
    c = lax.axis_index("c")
    s = lax.axis_index("s")
    wid = c * NT + s
    base = c * Np + s * RPT
    pltpu.sync_copy(hp_hbm.at[pl.ds(base, RPT)], acc_sh.at[pl.ds(s * RPT, RPT)])
    plsc.subcore_barrier()

    dummy = hp_hbm.at[pl.ds(0, LANE)]

    def wait(buf, sem):
        pltpu.make_async_copy(dummy, buf, sem).wait()

    pltpu.sync_copy(sd_hbm.at[wid].at[0], sd0)
    pltpu.async_copy(hp_hbm.at[sd0.at[0]], rows0, g0)
    pltpu.sync_copy(sd_hbm.at[wid].at[1], sd1)
    pltpu.async_copy(hp_hbm.at[sd1.at[0]], rows1, g1)

    def pair(i, carry):
        j = 2 * i
        wait(rows0, g0)
        pltpu.async_copy(rows0, acc_sh.at[sd0.at[1]], s0, add=True)
        wait(rows1, g1)

        @pl.when(i < NCH // 2 - 1)
        def _():
            wait(rows0, s0)
            pltpu.sync_copy(sd_hbm.at[wid].at[j + 2], sd0)
            pltpu.async_copy(hp_hbm.at[sd0.at[0]], rows0, g0)

        pltpu.async_copy(rows1, acc_sh.at[sd1.at[1]], s1, add=True)

        @pl.when(i < NCH // 2 - 1)
        def _():
            wait(rows1, s1)
            pltpu.sync_copy(sd_hbm.at[wid].at[j + 3], sd1)
            pltpu.async_copy(hp_hbm.at[sd1.at[0]], rows1, g1)

        return carry

    lax.fori_loop(0, NCH // 2, pair, 0)
    wait(rows0, s0)
    wait(rows1, s1)
    plsc.subcore_barrier()
    pltpu.sync_copy(acc_sh.at[pl.ds(s * RPT, RPT)], out_hbm.at[pl.ds(base, RPT)])


@functools.partial(
    pl.kernel,
    out_type=jax.ShapeDtypeStruct((2 * Np, H), jnp.float32),
    mesh=_mesh,
    scratch_types=[
        pltpu.VMEM((BCH, LANE), jnp.int32),
        pltpu.VMEM((BCH, LANE), jnp.int32),
        pltpu.VMEM((LANE, H), jnp.float32),
        pltpu.VMEM_SHARED((Np, H), jnp.float32),
        pltpu.SemaphoreType.DMA,
        pltpu.SemaphoreType.DMA,
        pltpu.SemaphoreType.DMA,
    ],
)
def _degk(dst_hbm, ones_hbm, out_hbm, dA, dB, ones_v, acc_sh, ss, bA, bB):
    c = lax.axis_index("c")
    s = lax.axis_index("s")
    wid = c * NT + s
    base = c * Np + s * RPT
    pltpu.sync_copy(ones_hbm, acc_sh.at[pl.ds(s * RPT, RPT)])
    pltpu.sync_copy(ones_hbm.at[pl.ds(0, LANE)], ones_v)
    plsc.subcore_barrier()

    bdummy = dst_hbm.at[wid].at[0]
    sdummy = ones_hbm.at[pl.ds(0, LANE)]
    pltpu.sync_copy(dst_hbm.at[wid].at[0], dA)
    pltpu.async_copy(dst_hbm.at[wid].at[1], dB, bB)

    for j in range(NBLK_D):
        blk, bsem = (dA, bA) if j % 2 == 0 else (dB, bB)
        if j >= 1:
            pltpu.make_async_copy(bdummy, blk, bsem).wait()
        for k in range(BCH):
            pltpu.async_copy(ones_v, acc_sh.at[blk.at[k]], ss, add=True)
        for k in range(BCH):
            pltpu.make_async_copy(sdummy, ones_v, ss).wait()
        if j + 2 < NBLK_D:
            pltpu.async_copy(dst_hbm.at[wid].at[j + 2], blk, bsem)

    plsc.subcore_barrier()
    pltpu.sync_copy(acc_sh.at[pl.ds(s * RPT, RPT)], out_hbm.at[pl.ds(base, RPT)])



def _l1_body(x_ref, w_ref, degt_ref, hp_ref, dinv_ref):
    degt = degt_ref[...]
    deg = degt[0, :, :1] + degt[1, :, :1] - 1.0
    dinv = lax.rsqrt(deg)
    h = jnp.dot(x_ref[...], w_ref[...], preferred_element_type=jnp.float32)
    hp_ref[0] = h * dinv
    dinv_ref[...] = dinv


def _mid_body(agg_ref, dinv_ref, b_ref, w_ref, hp_ref):
    a = agg_ref[...]
    dinv = dinv_ref[...]
    b = b_ref[...]
    t0 = jnp.maximum(a[0] * dinv + b[:, :H], 0.0)
    t1 = jnp.maximum(a[1] * dinv + b[:, H:], 0.0)
    h = (jnp.dot(t0, w_ref[:H], preferred_element_type=jnp.float32)
         + jnp.dot(t1, w_ref[H:], preferred_element_type=jnp.float32))
    hp_ref[0] = h * dinv


def _fin_body(agg_ref, dinv_ref, b3_ref, wo1_ref, bo1_ref, wo2_ref, bo2_ref,
              out_ref):
    a = agg_ref[...]
    dinv = dinv_ref[...]
    b3 = b3_ref[...]
    t0 = jnp.maximum(a[0] * dinv + b3[:, :H], 0.0)
    t1 = jnp.maximum(a[1] * dinv + b3[:, H:], 0.0)
    u = (jnp.dot(t0, wo1_ref[:H], preferred_element_type=jnp.float32)
         + jnp.dot(t1, wo1_ref[H:], preferred_element_type=jnp.float32)
         + bo1_ref[...])
    out_ref[...] = (jnp.dot(u, wo2_ref[...], preferred_element_type=jnp.float32)
                    + bo2_ref[...])


def _layer1(x, W1, degt):
    return pl.pallas_call(
        _l1_body,
        grid=(GR, 2),
        in_specs=[
            pl.BlockSpec((TR, D_IN), lambda r, j: (r, 0)),
            pl.BlockSpec((D_IN, H), lambda r, j: (0, j)),
            pl.BlockSpec((2, TR, H), lambda r, j: (0, r, 0)),
        ],
        out_specs=[
            pl.BlockSpec((1, TR, H), lambda r, j: (j, r, 0)),
            pl.BlockSpec((TR, 1), lambda r, j: (r, 0)),
        ],
        out_shape=[
            jax.ShapeDtypeStruct((2, Np, H), jnp.float32),
            jax.ShapeDtypeStruct((N, 1), jnp.float32),
        ],
    )(x, W1, degt)


def _mid(agg, dinv, b, W):
    return pl.pallas_call(
        _mid_body,
        grid=(GR, 2),
        in_specs=[
            pl.BlockSpec((2, TR, H), lambda r, j: (0, r, 0)),
            pl.BlockSpec((TR, 1), lambda r, j: (r, 0)),
            pl.BlockSpec((1, D_HID), lambda r, j: (0, 0)),
            pl.BlockSpec((D_HID, H), lambda r, j: (0, j)),
        ],
        out_specs=pl.BlockSpec((1, TR, H), lambda r, j: (j, r, 0)),
        out_shape=jax.ShapeDtypeStruct((2, Np, H), jnp.float32),
    )(agg, dinv, b, W)


def _final(agg, dinv, b3, Wo1, bo1, Wo2, bo2):
    return pl.pallas_call(
        _fin_body,
        grid=(GR,),
        in_specs=[
            pl.BlockSpec((2, TR, H), lambda r: (0, r, 0)),
            pl.BlockSpec((TR, 1), lambda r: (r, 0)),
            pl.BlockSpec((1, D_HID), lambda r: (0, 0)),
            pl.BlockSpec((D_HID, D_HID), lambda r: (0, 0)),
            pl.BlockSpec((1, D_HID), lambda r: (0, 0)),
            pl.BlockSpec((D_HID, D_OUT), lambda r: (0, 0)),
            pl.BlockSpec((1, D_OUT), lambda r: (0, 0)),
        ],
        out_specs=pl.BlockSpec((TR, D_OUT), lambda r: (r, 0)),
        out_shape=jax.ShapeDtypeStruct((N, D_OUT), jnp.float32),
    )(agg, dinv, b3, Wo1, bo1, Wo2, bo2)



def _pad_dst_rows(n_rows, pad_len):
    per = (Np - N) // NT
    tile_s = (jnp.arange(n_rows, dtype=jnp.int32) % NT) * per
    cyc = jnp.arange(pad_len, dtype=jnp.int32) % per
    return N + tile_s[:, None] + cyc[None, :]


def _build_sd2(src, dst):
    src_t = src.reshape(NT, EPT)
    src_t = jnp.pad(src_t, ((0, 0), (0, NCH * LANE - EPT))
                    ).reshape(NT, NCH, LANE)
    dst_t = jnp.concatenate(
        [dst.reshape(NT, EPT), _pad_dst_rows(NT, NCH * LANE - EPT)],
        axis=1).reshape(NT, NCH, LANE)
    sd = jnp.stack([src_t, dst_t], axis=2)
    sd = sd.reshape(NT, NBLK, 2 * BCH, LANE)
    off = jnp.tile(jnp.array([[Np], [0]], jnp.int32), (BCH, 1))[None, None]
    sd2 = jnp.concatenate([sd[None], sd[None] + off[None]], axis=0)
    return sd2.reshape(2 * NT, NCH, 2, LANE)


def _build_dstd(dst):
    dst_d = jnp.concatenate(
        [dst.reshape(2 * NT, EPT_D),
         _pad_dst_rows(2 * NT, NCH_D * LANE - EPT_D)], axis=1)
    return dst_d.reshape(2 * NT, NBLK_D, BCH, LANE)


@jax.jit
def _run(x, src, dst, W1, b1, W2, b2, W3, b3, Wo1, bo1, Wo2, bo2):
    sd2 = _build_sd2(src, dst)
    dst_d = _build_dstd(dst)
    ones_tab = jnp.ones((RPT, H), jnp.float32)
    degt = _degk(dst_d, ones_tab).reshape(2, Np, H)

    hp, dinv = _layer1(x, W1, degt)
    agg = _agg(hp.reshape(2 * Np, H), sd2).reshape(2, Np, H)

    hp = _mid(agg, dinv, b1.reshape(1, D_HID), W2)
    agg = _agg(hp.reshape(2 * Np, H), sd2).reshape(2, Np, H)

    hp = _mid(agg, dinv, b2.reshape(1, D_HID), W3)
    agg = _agg(hp.reshape(2 * Np, H), sd2).reshape(2, Np, H)

    return _final(agg, dinv, b3.reshape(1, D_HID), Wo1,
                  bo1.reshape(1, D_HID), Wo2, bo2.reshape(1, D_OUT))


def kernel(x, edge_index, W1, b1, W2, b2, W3, b3, Wo1, bo1, Wo2, bo2):
    src = edge_index[0].astype(jnp.int32)
    dst = edge_index[1].astype(jnp.int32)
    return _run(x, src, dst, W1, b1, W2, b2, W3, b3, Wo1, bo1, Wo2, bo2)

# --- scband reference (transcript-rebuilt; emitter-appended) ---
"""Pipeline reference for scband-model-8014408974412 (READ-ONLY COPY).

The authoritative reference and input builder live on the scoring server;
editing this copy changes nothing except your own understanding.
"""

import jax, jax.numpy as jnp
import numpy as np

N_NODES = 10000
N_EDGES = 320000
D_IN = 128
D_HID = 256
D_OUT = 128


def setup_inputs(seed: int = 0) -> dict:
    key = jax.random.key(seed)
    ks = jax.random.split(key, 16)
    x = jax.random.normal(ks[0], (N_NODES, D_IN), dtype=jnp.float32)
    edge_index = jax.random.randint(ks[1], (2, N_EDGES), 0, N_NODES, dtype=jnp.int64 if jax.config.jax_enable_x64 else jnp.int32)
    def glorot(k, shp):
        fan_in, fan_out = shp[0], shp[1]
        lim = (6.0 / (fan_in + fan_out)) ** 0.5
        return jax.random.uniform(k, shp, dtype=jnp.float32, minval=-lim, maxval=lim)
    W1 = glorot(ks[2], (D_IN, D_HID)); b1 = jnp.zeros((D_HID,), jnp.float32)
    W2 = glorot(ks[3], (D_HID, D_HID)); b2 = jnp.zeros((D_HID,), jnp.float32)
    W3 = glorot(ks[4], (D_HID, D_HID)); b3 = jnp.zeros((D_HID,), jnp.float32)
    Wo1 = glorot(ks[5], (D_HID, D_HID)); bo1 = jnp.zeros((D_HID,), jnp.float32)
    Wo2 = glorot(ks[6], (D_HID, D_OUT)); bo2 = jnp.zeros((D_OUT,), jnp.float32)
    return {"x": x, "edge_index": edge_index, "W1": W1, "b1": b1, "W2": W2, "b2": b2, "W3": W3, "b3": b3, "Wo1": Wo1, "bo1": bo1, "Wo2": Wo2, "bo2": bo2}


def gcn_conv(x, edge_index, W, b):
    # PyG GCNConv: linear transform, add self-loops, symmetric normalization, sum-aggregate, bias
    N = x.shape[0]
    h = x @ W
    loops = jnp.arange(N, dtype=edge_index.dtype)
    src = jnp.concatenate([edge_index[0], loops])
    dst = jnp.concatenate([edge_index[1], loops])
    deg = jnp.zeros((N,), jnp.float32).at[dst].add(1.0)
    dinv = jnp.where(deg > 0, deg ** -0.5, 0.0)
    norm = dinv[src] * dinv[dst]
    msg = h[src] * norm[:, None]
    out = jnp.zeros((N, h.shape[1]), jnp.float32).at[dst].add(msg)
    return out + b


def reference(x, edge_index, W1, b1, W2, b2, W3, b3, Wo1, bo1, Wo2, bo2):
    h = jax.nn.relu(gcn_conv(x, edge_index, W1, b1))
    h = jax.nn.relu(gcn_conv(h, edge_index, W2, b2))
    h = jax.nn.relu(gcn_conv(h, edge_index, W3, b3))
    h = h @ Wo1 + bo1
    return h @ Wo2 + bo2

if __name__ == "__main__":
    import jax
    _d = setup_inputs()
    print(jax.jit(kernel)(*tuple(_d.values())))

</pallas_src>

<mosaic_0001>
#map = affine_map<(d0, d1) -> (0, 0)>
#map1 = affine_map<(d0, d1) -> (0, 0, 0, 0)>
module attributes {stable_mosaic.version = 14 : i64} {
  func.func @_agg(%arg0: i32, %arg1: i32, %arg2: memref<20480x128xf32, #tpu.memory_space<hbm>>, %arg3: memref<32x160x2x128xi32, #tpu.memory_space<hbm>>, %arg4: memref<20480x128xf32, #tpu.memory_space<hbm>>, %arg5: memref<2x128xi32, #tpu.memory_space<vmem>>, %arg6: memref<2x128xi32, #tpu.memory_space<vmem>>, %arg7: memref<128x128xf32, #tpu.memory_space<vmem>>, %arg8: memref<128x128xf32, #tpu.memory_space<vmem>>, %arg9: memref<10240x128xf32, #tpu.memory_space<vmem_shared>>, %arg10: memref<!tpu.dma_semaphore, #tpu.memory_space<semaphore_mem>>, %arg11: memref<!tpu.dma_semaphore, #tpu.memory_space<semaphore_mem>>, %arg12: memref<!tpu.dma_semaphore, #tpu.memory_space<semaphore_mem>>, %arg13: memref<!tpu.dma_semaphore, #tpu.memory_space<semaphore_mem>>) attributes {dimension_semantics = [#tpu.dimension_semantics<core_parallel>, #tpu.dimension_semantics<subcore_parallel>], iteration_bounds = array<i64: 2, 16>, scalar_prefetch = 0 : i64, scratch_operands = 9 : i64, tpu.core_type = #tpu.core_type<sc_vector_subcore>, window_params = [{transform_indices = #map}, {transform_indices = #map1}, {transform_indices = #map}]} {
    %mul3A = arith.constant 16 : i32
    %mul3A_0 = arith.muli %arg0, %mul3A : i32
    %add3A = arith.addi %mul3A_0, %arg1 : i32
    %mul3A_1 = arith.constant 10240 : i32
    %mul3A_2 = arith.muli %arg0, %mul3A_1 : i32
    %mul3A_3 = arith.constant 640 : i32
    %mul3A_4 = arith.muli %arg1, %mul3A_3 : i32
    %add3A_5 = arith.addi %mul3A_2, %mul3A_4 : i32
    %mul3A_6 = arith.constant 640 : i32
    %mul3A_7 = arith.muli %arg1, %mul3A_6 : i32
    "tpu.region"() ({
      %run_scoped3A_41 = tpu.sem_alloc : memref<!tpu.dma_semaphore, #tpu.memory_space<semaphore_mem>>
      %dma_start3A_42 = arith.constant 0 : i32
      %dma_start3A_43 = tpu.memref_slice %arg9[%mul3A_7, %dma_start3A_42] : memref<10240x128xf32, #tpu.memory_space<vmem_shared>> -> memref<640x128xf32, #tpu.memory_space<vmem_shared>>
      %dma_start3A_44 = arith.constant 0 : i32
      %dma_start3A_45 = tpu.memref_slice %arg2[%add3A_5, %dma_start3A_44] : memref<20480x128xf32, #tpu.memory_space<hbm>> -> memref<640x128xf32, #tpu.memory_space<hbm>>
      tpu.enqueue_dma source(%dma_start3A_45 : memref<640x128xf32, #tpu.memory_space<hbm>>) target(%dma_start3A_43 : memref<640x128xf32, #tpu.memory_space<vmem_shared>>) target_semaphore(%run_scoped3A_41 : memref<!tpu.dma_semaphore, #tpu.memory_space<semaphore_mem>>)
      %dma_wait3A_46 = arith.constant 0 : i32
      %dma_wait3A_47 = tpu.memref_slice %arg9[%mul3A_7, %dma_wait3A_46] : memref<10240x128xf32, #tpu.memory_space<vmem_shared>> -> memref<640x128xf32, #tpu.memory_space<vmem_shared>>
      %dma_wait3A_48 = arith.constant 0 : i32
      %dma_wait3A_49 = tpu.memref_slice %arg2[%add3A_5, %dma_wait3A_48] : memref<20480x128xf32, #tpu.memory_space<hbm>> -> memref<640x128xf32, #tpu.memory_space<hbm>>
      tpu.wait_dma2 semaphore(%run_scoped3A_41 : memref<!tpu.dma_semaphore, #tpu.memory_space<semaphore_mem>>) src(%dma_wait3A_49 : memref<640x128xf32, #tpu.memory_space<hbm>>) dst(%dma_wait3A_47 : memref<640x128xf32, #tpu.memory_space<vmem_shared>>)
      tpu.yield
    }) : () -> ()
    %barrier3A = arith.constant 0 : index
    tpu.barrier barrier_id(%barrier3A)
    %run_scoped3A = arith.constant 0 : i32
    "tpu.region"() ({
      %run_scoped3A_41 = tpu.sem_alloc : memref<!tpu.dma_semaphore, #tpu.memory_space<semaphore_mem>>
      %dma_start3A_42 = arith.constant 0 : i32
      %dma_start3A_43 = arith.constant 0 : i32
      %dma_start3A_44 = arith.constant 0 : i32
      %dma_start3A_45 = tpu.memref_slice %arg3[%add3A, %dma_start3A_42, %dma_start3A_43, %dma_start3A_44] : memref<32x160x2x128xi32, #tpu.memory_space<hbm>> -> memref<1x160x2x128xi32, #tpu.memory_space<hbm>>
      %dma_start3A_46 = tpu.memref_squeeze %dma_start3A_45 : memref<1x160x2x128xi32, #tpu.memory_space<hbm>> -> memref<160x2x128xi32, #tpu.memory_space<hbm>>
      %dma_start3A_47 = arith.constant 0 : i32
      %dma_start3A_48 = arith.constant 0 : i32
      %dma_start3A_49 = tpu.memref_slice %dma_start3A_46[%run_scoped3A, %dma_start3A_47, %dma_start3A_48] : memref<160x2x128xi32, #tpu.memory_space<hbm>> -> memref<1x2x128xi32, #tpu.memory_space<hbm>>
      %dma_start3A_50 = tpu.memref_squeeze %dma_start3A_49 : memref<1x2x128xi32, #tpu.memory_space<hbm>> -> memref<2x128xi32, #tpu.memory_space<hbm>>
      %dma_start3A_51 = arith.constant 0 : i32
      %dma_start3A_52 = arith.constant 0 : i32
      %dma_start3A_53 = arith.constant 0 : i32
      %dma_start3A_54 = tpu.memref_slice %arg3[%add3A, %dma_start3A_51, %dma_start3A_52, %dma_start3A_53] : memref<32x160x2x128xi32, #tpu.memory_space<hbm>> -> memref<1x160x2x128xi32, #tpu.memory_space<hbm>>
      %dma_start3A_55 = tpu.memref_squeeze %dma_start3A_54 : memref<1x160x2x128xi32, #tpu.memory_space<hbm>> -> memref<160x2x128xi32, #tpu.memory_space<hbm>>
      %dma_start3A_56 = arith.constant 0 : i32
      %dma_start3A_57 = arith.constant 0 : i32
      %dma_start3A_58 = tpu.memref_slice %dma_start3A_55[%run_scoped3A, %dma_start3A_56, %dma_start3A_57] : memref<160x2x128xi32, #tpu.memory_space<hbm>> -> memref<1x2x128xi32, #tpu.memory_space<hbm>>
      %dma_start3A_59 = tpu.memref_squeeze %dma_start3A_58 : memref<1x2x128xi32, #tpu.memory_space<hbm>> -> memref<2x128xi32, #tpu.memory_space<hbm>>
      tpu.enqueue_dma source(%dma_start3A_59 : memref<2x128xi32, #tpu.memory_space<hbm>>) target(%arg5 : memref<2x128xi32, #tpu.memory_space<vmem>>) target_semaphore(%run_scoped3A_41 : memref<!tpu.dma_semaphore, #tpu.memory_space<semaphore_mem>>)
      %dma_wait3A_60 = arith.constant 0 : i32
      %dma_wait3A_61 = arith.constant 0 : i32
      %dma_wait3A_62 = arith.constant 0 : i32
      %dma_wait3A_63 = tpu.memref_slice %arg3[%add3A, %dma_wait3A_60, %dma_wait3A_61, %dma_wait3A_62] : memref<32x160x2x128xi32, #tpu.memory_space<hbm>> -> memref<1x160x2x128xi32, #tpu.memory_space<hbm>>
      %dma_wait3A_64 = tpu.memref_squeeze %dma_wait3A_63 : memref<1x160x2x128xi32, #tpu.memory_space<hbm>> -> memref<160x2x128xi32, #tpu.memory_space<hbm>>
      %dma_wait3A_65 = arith.constant 0 : i32
      %dma_wait3A_66 = arith.constant 0 : i32
      %dma_wait3A_67 = tpu.memref_slice %dma_wait3A_64[%run_scoped3A, %dma_wait3A_65, %dma_wait3A_66] : memref<160x2x128xi32, #tpu.memory_space<hbm>> -> memref<1x2x128xi32, #tpu.memory_space<hbm>>
      %dma_wait3A_68 = tpu.memref_squeeze %dma_wait3A_67 : memref<1x2x128xi32, #tpu.memory_space<hbm>> -> memref<2x128xi32, #tpu.memory_space<hbm>>
      %dma_wait3A_69 = arith.constant 0 : i32
      %dma_wait3A_70 = arith.constant 0 : i32
      %dma_wait3A_71 = arith.constant 0 : i32
      %dma_wait3A_72 = tpu.memref_slice %arg3[%add3A, %dma_wait3A_69, %dma_wait3A_70, %dma_wait3A_71] : memref<32x160x2x128xi32, #tpu.memory_space<hbm>> -> memref<1x160x2x128xi32, #tpu.memory_space<hbm>>
      %dma_wait3A_73 = tpu.memref_squeeze %dma_wait3A_72 : memref<1x160x2x128xi32, #tpu.memory_space<hbm>> -> memref<160x2x128xi32, #tpu.memory_space<hbm>>
      %dma_wait3A_74 = arith.constant 0 : i32
      %dma_wait3A_75 = arith.constant 0 : i32
      %dma_wait3A_76 = tpu.memref_slice %dma_wait3A_73[%run_scoped3A, %dma_wait3A_74, %dma_wait3A_75] : memref<160x2x128xi32, #tpu.memory_space<hbm>> -> memref<1x2x128xi32, #tpu.memory_space<hbm>>
      %dma_wait3A_77 = tpu.memref_squeeze %dma_wait3A_76 : memref<1x2x128xi32, #tpu.memory_space<hbm>> -> memref<2x128xi32, #tpu.memory_space<hbm>>
      tpu.wait_dma2 semaphore(%run_scoped3A_41 : memref<!tpu.dma_semaphore, #tpu.memory_space<semaphore_mem>>) src(%dma_wait3A_77 : memref<2x128xi32, #tpu.memory_space<hbm>>) dst(%arg5 : memref<2x128xi32, #tpu.memory_space<vmem>>)
      tpu.yield
    }) : () -> ()
    %dma_start3A = arith.constant 0 : i32
    %dma_start3A_8 = arith.constant 0 : i32
    %dma_start3A_9 = tpu.memref_slice %arg5[%dma_start3A, %dma_start3A_8] : memref<2x128xi32, #tpu.memory_space<vmem>> -> memref<1x128xi32, #tpu.memory_space<vmem>>
    %dma_start3A_10 = tpu.memref_squeeze %dma_start3A_9 : memref<1x128xi32, #tpu.memory_space<vmem>> -> memref<128xi32, #tpu.memory_space<vmem>>
    %dma_start3A_11 = arith.constant 0 : i32
    %dma_start3A_12 = arith.constant 0 : i32
    %dma_start3A_13 = tpu.memref_slice %arg2[%dma_start3A_11, %dma_start3A_12] : memref<20480x128xf32, #tpu.memory_space<hbm>> -> memref<20480x128xf32, #tpu.memory_space<hbm>>
    tpu.enqueue_indirect_dma source(%dma_start3A_13 : memref<20480x128xf32, #tpu.memory_space<hbm>>) target(%arg7 : memref<128x128xf32, #tpu.memory_space<vmem>>) offsets(%dma_start3A_10 : memref<128xi32, #tpu.memory_space<vmem>>) semaphore(%arg10 : memref<!tpu.dma_semaphore, #tpu.memory_space<semaphore_mem>>)
    %run_scoped3A_14 = arith.constant 1 : i32
    "tpu.region"() ({
      %run_scoped3A_41 = tpu.sem_alloc : memref<!tpu.dma_semaphore, #tpu.memory_space<semaphore_mem>>
      %dma_start3A_42 = arith.constant 0 : i32
      %dma_start3A_43 = arith.constant 0 : i32
      %dma_start3A_44 = arith.constant 0 : i32
      %dma_start3A_45 = tpu.memref_slice %arg3[%add3A, %dma_start3A_42, %dma_start3A_43, %dma_start3A_44] : memref<32x160x2x128xi32, #tpu.memory_space<hbm>> -> memref<1x160x2x128xi32, #tpu.memory_space<hbm>>
      %dma_start3A_46 = tpu.memref_squeeze %dma_start3A_45 : memref<1x160x2x128xi32, #tpu.memory_space<hbm>> -> memref<160x2x128xi32, #tpu.memory_space<hbm>>
      %dma_start3A_47 = arith.constant 0 : i32
      %dma_start3A_48 = arith.constant 0 : i32
      %dma_start3A_49 = tpu.memref_slice %dma_start3A_46[%run_scoped3A_14, %dma_start3A_47, %dma_start3A_48] : memref<160x2x128xi32, #tpu.memory_space<hbm>> -> memref<1x2x128xi32, #tpu.memory_space<hbm>>
      %dma_start3A_50 = tpu.memref_squeeze %dma_start3A_49 : memref<1x2x128xi32, #tpu.memory_space<hbm>> -> memref<2x128xi32, #tpu.memory_space<hbm>>
      %dma_start3A_51 = arith.constant 0 : i32
      %dma_start3A_52 = arith.constant 0 : i32
      %dma_start3A_53 = arith.constant 0 : i32
      %dma_start3A_54 = tpu.memref_slice %arg3[%add3A, %dma_start3A_51, %dma_start3A_52, %dma_start3A_53] : memref<32x160x2x128xi32, #tpu.memory_space<hbm>> -> memref<1x160x2x128xi32, #tpu.memory_space<hbm>>
      %dma_start3A_55 = tpu.memref_squeeze %dma_start3A_54 : memref<1x160x2x128xi32, #tpu.memory_space<hbm>> -> memref<160x2x128xi32, #tpu.memory_space<hbm>>
      %dma_start3A_56 = arith.constant 0 : i32
      %dma_start3A_57 = arith.constant 0 : i32
      %dma_start3A_58 = tpu.memref_slice %dma_start3A_55[%run_scoped3A_14, %dma_start3A_56, %dma_start3A_57] : memref<160x2x128xi32, #tpu.memory_space<hbm>> -> memref<1x2x128xi32, #tpu.memory_space<hbm>>
      %dma_start3A_59 = tpu.memref_squeeze %dma_start3A_58 : memref<1x2x128xi32, #tpu.memory_space<hbm>> -> memref<2x128xi32, #tpu.memory_space<hbm>>
      tpu.enqueue_dma source(%dma_start3A_59 : memref<2x128xi32, #tpu.memory_space<hbm>>) target(%arg6 : memref<2x128xi32, #tpu.memory_space<vmem>>) target_semaphore(%run_scoped3A_41 : memref<!tpu.dma_semaphore, #tpu.memory_space<semaphore_mem>>)
      %dma_wait3A_60 = arith.constant 0 : i32
      %dma_wait3A_61 = arith.constant 0 : i32
      %dma_wait3A_62 = arith.constant 0 : i32
      %dma_wait3A_63 = tpu.memref_slice %arg3[%add3A, %dma_wait3A_60, %dma_wait3A_61, %dma_wait3A_62] : memref<32x160x2x128xi32, #tpu.memory_space<hbm>> -> memref<1x160x2x128xi32, #tpu.memory_space<hbm>>
      %dma_wait3A_64 = tpu.memref_squeeze %dma_wait3A_63 : memref<1x160x2x128xi32, #tpu.memory_space<hbm>> -> memref<160x2x128xi32, #tpu.memory_space<hbm>>
      %dma_wait3A_65 = arith.constant 0 : i32
      %dma_wait3A_66 = arith.constant 0 : i32
      %dma_wait3A_67 = tpu.memref_slice %dma_wait3A_64[%run_scoped3A_14, %dma_wait3A_65, %dma_wait3A_66] : memref<160x2x128xi32, #tpu.memory_space<hbm>> -> memref<1x2x128xi32, #tpu.memory_space<hbm>>
      %dma_wait3A_68 = tpu.memref_squeeze %dma_wait3A_67 : memref<1x2x128xi32, #tpu.memory_space<hbm>> -> memref<2x128xi32, #tpu.memory_space<hbm>>
      %dma_wait3A_69 = arith.constant 0 : i32
      %dma_wait3A_70 = arith.constant 0 : i32
      %dma_wait3A_71 = arith.constant 0 : i32
      %dma_wait3A_72 = tpu.memref_slice %arg3[%add3A, %dma_wait3A_69, %dma_wait3A_70, %dma_wait3A_71] : memref<32x160x2x128xi32, #tpu.memory_space<hbm>> -> memref<1x160x2x128xi32, #tpu.memory_space<hbm>>
      %dma_wait3A_73 = tpu.memref_squeeze %dma_wait3A_72 : memref<1x160x2x128xi32, #tpu.memory_space<hbm>> -> memref<160x2x128xi32, #tpu.memory_space<hbm>>
      %dma_wait3A_74 = arith.constant 0 : i32
      %dma_wait3A_75 = arith.constant 0 : i32
      %dma_wait3A_76 = tpu.memref_slice %dma_wait3A_73[%run_scoped3A_14, %dma_wait3A_74, %dma_wait3A_75] : memref<160x2x128xi32, #tpu.memory_space<hbm>> -> memref<1x2x128xi32, #tpu.memory_space<hbm>>
      %dma_wait3A_77 = tpu.memref_squeeze %dma_wait3A_76 : memref<1x2x128xi32, #tpu.memory_space<hbm>> -> memref<2x128xi32, #tpu.memory_space<hbm>>
      tpu.wait_dma2 semaphore(%run_scoped3A_41 : memref<!tpu.dma_semaphore, #tpu.memory_space<semaphore_mem>>) src(%dma_wait3A_77 : memref<2x128xi32, #tpu.memory_space<hbm>>) dst(%arg6 : memref<2x128xi32, #tpu.memory_space<vmem>>)
      tpu.yield
    }) : () -> ()
    %dma_start3A_15 = arith.constant 0 : i32
    %dma_start3A_16 = arith.constant 0 : i32
    %dma_start3A_17 = tpu.memref_slice %arg6[%dma_start3A_15, %dma_start3A_16] : memref<2x128xi32, #tpu.memory_space<vmem>> -> memref<1x128xi32, #tpu.memory_space<vmem>>
    %dma_start3A_18 = tpu.memref_squeeze %dma_start3A_17 : memref<1x128xi32, #tpu.memory_space<vmem>> -> memref<128xi32, #tpu.memory_space<vmem>>
    %dma_start3A_19 = arith.constant 0 : i32
    %dma_start3A_20 = arith.constant 0 : i32
    %dma_start3A_21 = tpu.memref_slice %arg2[%dma_start3A_19, %dma_start3A_20] : memref<20480x128xf32, #tpu.memory_space<hbm>> -> memref<20480x128xf32, #tpu.memory_space<hbm>>
    tpu.enqueue_indirect_dma source(%dma_start3A_21 : memref<20480x128xf32, #tpu.memory_space<hbm>>) target(%arg8 : memref<128x128xf32, #tpu.memory_space<vmem>>) offsets(%dma_start3A_18 : memref<128xi32, #tpu.memory_space<vmem>>) semaphore(%arg11 : memref<!tpu.dma_semaphore, #tpu.memory_space<semaphore_mem>>)
    %scan3A = arith.constant 0 : i32
    %scan3A_22 = arith.constant 0 : i32
    %scan3A_23 = arith.constant 80 : i32
    %scan3A_24 = arith.addi %scan3A_22, %scan3A_23 : i32
    %scan3A_25 = arith.constant 1 : i32
    scf.for %scan3A_41 = %scan3A_22 to %scan3A_24 step %scan3A_25  : i32 {
      %mul3A_42 = arith.constant 2 : i32
      %mul3A_43 = arith.muli %mul3A_42, %scan3A_41 : i32
      %dma_wait3A_44 = arith.constant 0 : i32
      %dma_wait3A_45 = arith.constant 0 : i32
      %dma_wait3A_46 = tpu.memref_slice %arg2[%dma_wait3A_44, %dma_wait3A_45] : memref<20480x128xf32, #tpu.memory_space<hbm>> -> memref<128x128xf32, #tpu.memory_space<hbm>>
      %dma_wait3A_47 = arith.constant 0 : i32
      %dma_wait3A_48 = arith.constant 0 : i32
      %dma_wait3A_49 = tpu.memref_slice %arg2[%dma_wait3A_47, %dma_wait3A_48] : memref<20480x128xf32, #tpu.memory_space<hbm>> -> memref<128x128xf32, #tpu.memory_space<hbm>>
      tpu.wait_dma2 semaphore(%arg10 : memref<!tpu.dma_semaphore, #tpu.memory_space<semaphore_mem>>) src(%dma_wait3A_49 : memref<128x128xf32, #tpu.memory_space<hbm>>) dst(%arg7 : memref<128x128xf32, #tpu.memory_space<vmem>>)
      %dma_start3A_50 = arith.constant 1 : i32
      %dma_start3A_51 = arith.constant 0 : i32
      %dma_start3A_52 = tpu.memref_slice %arg5[%dma_start3A_50, %dma_start3A_51] : memref<2x128xi32, #tpu.memory_space<vmem>> -> memref<1x128xi32, #tpu.memory_space<vmem>>
      %dma_start3A_53 = tpu.memref_squeeze %dma_start3A_52 : memref<1x128xi32, #tpu.memory_space<vmem>> -> memref<128xi32, #tpu.memory_space<vmem>>
      %dma_start3A_54 = arith.constant 0 : i32
      %dma_start3A_55 = arith.constant 0 : i32
      %dma_start3A_56 = tpu.memref_slice %arg9[%dma_start3A_54, %dma_start3A_55] : memref<10240x128xf32, #tpu.memory_space<vmem_shared>> -> memref<10240x128xf32, #tpu.memory_space<vmem_shared>>
      tpu.enqueue_indirect_dma source(%arg7 : memref<128x128xf32, #tpu.memory_space<vmem>>) target(%dma_start3A_56 : memref<10240x128xf32, #tpu.memory_space<vmem_shared>>) offsets(%dma_start3A_53 : memref<128xi32, #tpu.memory_space<vmem>>) semaphore(%arg12 : memref<!tpu.dma_semaphore, #tpu.memory_space<semaphore_mem>>) {add = true}
      %dma_wait3A_57 = arith.constant 0 : i32
      %dma_wait3A_58 = arith.constant 0 : i32
      %dma_wait3A_59 = tpu.memref_slice %arg2[%dma_wait3A_57, %dma_wait3A_58] : memref<20480x128xf32, #tpu.memory_space<hbm>> -> memref<128x128xf32, #tpu.memory_space<hbm>>
      %dma_wait3A_60 = arith.constant 0 : i32
      %dma_wait3A_61 = arith.constant 0 : i32
      %dma_wait3A_62 = tpu.memref_slice %arg2[%dma_wait3A_60, %dma_wait3A_61] : memref<20480x128xf32, #tpu.memory_space<hbm>> -> memref<128x128xf32, #tpu.memory_space<hbm>>
      tpu.wait_dma2 semaphore(%arg11 : memref<!tpu.dma_semaphore, #tpu.memory_space<semaphore_mem>>) src(%dma_wait3A_62 : memref<128x128xf32, #tpu.memory_space<hbm>>) dst(%arg8 : memref<128x128xf32, #tpu.memory_space<vmem>>)
      %lt3A = arith.constant 79 : i32
      %lt3A_63 = arith.cmpi slt, %scan3A_41, %lt3A : i32
      %convert_element_type3A = arith.extui %lt3A_63 : i1 to i32
      %cond3A = arith.constant 0 : i32
      %cond3A_64 = arith.cmpi ne, %convert_element_type3A, %cond3A : i32
      scf.if %cond3A_64 {
        %dma_wait3A_77 = arith.constant 0 : i32
        %dma_wait3A_78 = arith.constant 0 : i32
        %dma_wait3A_79 = tpu.memref_slice %arg2[%dma_wait3A_77, %dma_wait3A_78] : memref<20480x128xf32, #tpu.memory_space<hbm>> -> memref<128x128xf32, #tpu.memory_space<hbm>>
        %dma_wait3A_80 = arith.constant 0 : i32
        %dma_wait3A_81 = arith.constant 0 : i32
        %dma_wait3A_82 = tpu.memref_slice %arg2[%dma_wait3A_80, %dma_wait3A_81] : memref<20480x128xf32, #tpu.memory_space<hbm>> -> memref<128x128xf32, #tpu.memory_space<hbm>>
        tpu.wait_dma2 semaphore(%arg12 : memref<!tpu.dma_semaphore, #tpu.memory_space<semaphore_mem>>) src(%dma_wait3A_82 : memref<128x128xf32, #tpu.memory_space<hbm>>) dst(%arg7 : memref<128x128xf32, #tpu.memory_space<vmem>>)
        %add3A_83 = arith.constant 2 : i32
        %add3A_84 = arith.addi %mul3A_43, %add3A_83 : i32
        "tpu.region"() ({
          %run_scoped3A_92 = tpu.sem_alloc : memref<!tpu.dma_semaphore, #tpu.memory_space<semaphore_mem>>
          %dma_start3A_93 = arith.constant 0 : i32
          %dma_start3A_94 = arith.constant 0 : i32
          %dma_start3A_95 = arith.constant 0 : i32
          %dma_start3A_96 = tpu.memref_slice %arg3[%add3A, %dma_start3A_93, %dma_start3A_94, %dma_start3A_95] : memref<32x160x2x128xi32, #tpu.memory_space<hbm>> -> memref<1x160x2x128xi32, #tpu.memory_space<hbm>>
          %dma_start3A_97 = tpu.memref_squeeze %dma_start3A_96 : memref<1x160x2x128xi32, #tpu.memory_space<hbm>> -> memref<160x2x128xi32, #tpu.memory_space<hbm>>
          %dma_start3A_98 = arith.constant 0 : i32
          %dma_start3A_99 = arith.constant 0 : i32
          %dma_start3A_100 = tpu.memref_slice %dma_start3A_97[%add3A_84, %dma_start3A_98, %dma_start3A_99] : memref<160x2x128xi32, #tpu.memory_space<hbm>> -> memref<1x2x128xi32, #tpu.memory_space<hbm>>
          %dma_start3A_101 = tpu.memref_squeeze %dma_start3A_100 : memref<1x2x128xi32, #tpu.memory_space<hbm>> -> memref<2x128xi32, #tpu.memory_space<hbm>>
          %dma_start3A_102 = arith.constant 0 : i32
          %dma_start3A_103 = arith.constant 0 : i32
          %dma_start3A_104 = arith.constant 0 : i32
          %dma_start3A_105 = tpu.memref_slice %arg3[%add3A, %dma_start3A_102, %dma_start3A_103, %dma_start3A_104] : memref<32x160x2x128xi32, #tpu.memory_space<hbm>> -> memref<1x160x2x128xi32, #tpu.memory_space<hbm>>
          %dma_start3A_106 = tpu.memref_squeeze %dma_start3A_105 : memref<1x160x2x128xi32, #tpu.memory_space<hbm>> -> memref<160x2x128xi32, #tpu.memory_space<hbm>>
          %dma_start3A_107 = arith.constant 0 : i32
          %dma_start3A_108 = arith.constant 0 : i32
          %dma_start3A_109 = tpu.memref_slice %dma_start3A_106[%add3A_84, %dma_start3A_107, %dma_start3A_108] : memref<160x2x128xi32, #tpu.memory_space<hbm>> -> memref<1x2x128xi32, #tpu.memory_space<hbm>>
          %dma_start3A_110 = tpu.memref_squeeze %dma_start3A_109 : memref<1x2x128xi32, #tpu.memory_space<hbm>> -> memref<2x128xi32, #tpu.memory_space<hbm>>
          tpu.enqueue_dma source(%dma_start3A_110 : memref<2x128xi32, #tpu.memory_space<hbm>>) target(%arg5 : memref<2x128xi32, #tpu.memory_space<vmem>>) target_semaphore(%run_scoped3A_92 : memref<!tpu.dma_semaphore, #tpu.memory_space<semaphore_mem>>)
          %dma_wait3A_111 = arith.constant 0 : i32
          %dma_wait3A_112 = arith.constant 0 : i32
          %dma_wait3A_113 = arith.constant 0 : i32
          %dma_wait3A_114 = tpu.memref_slice %arg3[%add3A, %dma_wait3A_111, %dma_wait3A_112, %dma_wait3A_113] : memref<32x160x2x128xi32, #tpu.memory_space<hbm>> -> memref<1x160x2x128xi32, #tpu.memory_space<hbm>>
          %dma_wait3A_115 = tpu.memref_squeeze %dma_wait3A_114 : memref<1x160x2x128xi32, #tpu.memory_space<hbm>> -> memref<160x2x128xi32, #tpu.memory_space<hbm>>
          %dma_wait3A_116 = arith.constant 0 : i32
          %dma_wait3A_117 = arith.constant 0 : i32
          %dma_wait3A_118 = tpu.memref_slice %dma_wait3A_115[%add3A_84, %dma_wait3A_116, %dma_wait3A_117] : memref<160x2x128xi32, #tpu.memory_space<hbm>> -> memref<1x2x128xi32, #tpu.memory_space<hbm>>
          %dma_wait3A_119 = tpu.memref_squeeze %dma_wait3A_118 : memref<1x2x128xi32, #tpu.memory_space<hbm>> -> memref<2x128xi32, #tpu.memory_space<hbm>>
          %dma_wait3A_120 = arith.constant 0 : i32
          %dma_wait3A_121 = arith.constant 0 : i32
          %dma_wait3A_122 = arith.constant 0 : i32
          %dma_wait3A_123 = tpu.memref_slice %arg3[%add3A, %dma_wait3A_120, %dma_wait3A_121, %dma_wait3A_122] : memref<32x160x2x128xi32, #tpu.memory_space<hbm>> -> memref<1x160x2x128xi32, #tpu.memory_space<hbm>>
          %dma_wait3A_124 = tpu.memref_squeeze %dma_wait3A_123 : memref<1x160x2x128xi32, #tpu.memory_space<hbm>> -> memref<160x2x128xi32, #tpu.memory_space<hbm>>
          %dma_wait3A_125 = arith.constant 0 : i32
          %dma_wait3A_126 = arith.constant 0 : i32
          %dma_wait3A_127 = tpu.memref_slice %dma_wait3A_124[%add3A_84, %dma_wait3A_125, %dma_wait3A_126] : memref<160x2x128xi32, #tpu.memory_space<hbm>> -> memref<1x2x128xi32, #tpu.memory_space<hbm>>
          %dma_wait3A_128 = tpu.memref_squeeze %dma_wait3A_127 : memref<1x2x128xi32, #tpu.memory_space<hbm>> -> memref<2x128xi32, #tpu.memory_space<hbm>>
          tpu.wait_dma2 semaphore(%run_scoped3A_92 : memref<!tpu.dma_semaphore, #tpu.memory_space<semaphore_mem>>) src(%dma_wait3A_128 : memref<2x128xi32, #tpu.memory_space<hbm>>) dst(%arg5 : memref<2x128xi32, #tpu.memory_space<vmem>>)
          tpu.yield
        }) : () -> ()
        %dma_start3A_85 = arith.constant 0 : i32
        %dma_start3A_86 = arith.constant 0 : i32
        %dma_start3A_87 = tpu.memref_slice %arg5[%dma_start3A_85, %dma_start3A_86] : memref<2x128xi32, #tpu.memory_space<vmem>> -> memref<1x128xi32, #tpu.memory_space<vmem>>
        %dma_start3A_88 = tpu.memref_squeeze %dma_start3A_87 : memref<1x128xi32, #tpu.memory_space<vmem>> -> memref<128xi32, #tpu.memory_space<vmem>>
        %dma_start3A_89 = arith.constant 0 : i32
        %dma_start3A_90 = arith.constant 0 : i32
        %dma_start3A_91 = tpu.memref_slice %arg2[%dma_start3A_89, %dma_start3A_90] : memref<20480x128xf32, #tpu.memory_space<hbm>> -> memref<20480x128xf32, #tpu.memory_space<hbm>>
        tpu.enqueue_indirect_dma source(%dma_start3A_91 : memref<20480x128xf32, #tpu.memory_space<hbm>>) target(%arg7 : memref<128x128xf32, #tpu.memory_space<vmem>>) offsets(%dma_start3A_88 : memref<128xi32, #tpu.memory_space<vmem>>) semaphore(%arg10 : memref<!tpu.dma_semaphore, #tpu.memory_space<semaphore_mem>>)
      } else {
      }
      %dma_start3A_65 = arith.constant 1 : i32
      %dma_start3A_66 = arith.constant 0 : i32
      %dma_start3A_67 = tpu.memref_slice %arg6[%dma_start3A_65, %dma_start3A_66] : memref<2x128xi32, #tpu.memory_space<vmem>> -> memref<1x128xi32, #tpu.memory_space<vmem>>
      %dma_start3A_68 = tpu.memref_squeeze %dma_start3A_67 : memref<1x128xi32, #tpu.memory_space<vmem>> -> memref<128xi32, #tpu.memory_space<vmem>>
      %dma_start3A_69 = arith.constant 0 : i32
      %dma_start3A_70 = arith.constant 0 : i32
      %dma_start3A_71 = tpu.memref_slice %arg9[%dma_start3A_69, %dma_start3A_70] : memref<10240x128xf32, #tpu.memory_space<vmem_shared>> -> memref<10240x128xf32, #tpu.memory_space<vmem_shared>>
      tpu.enqueue_indirect_dma source(%arg8 : memref<128x128xf32, #tpu.memory_space<vmem>>) target(%dma_start3A_71 : memref<10240x128xf32, #tpu.memory_space<vmem_shared>>) offsets(%dma_start3A_68 : memref<128xi32, #tpu.memory_space<vmem>>) semaphore(%arg13 : memref<!tpu.dma_semaphore, #tpu.memory_space<semaphore_mem>>) {add = true}
      %lt3A_72 = arith.constant 79 : i32
      %lt3A_73 = arith.cmpi slt, %scan3A_41, %lt3A_72 : i32
      %convert_element_type3A_74 = arith.extui %lt3A_73 : i1 to i32
      %cond3A_75 = arith.constant 0 : i32
      %cond3A_76 = arith.cmpi ne, %convert_element_type3A_74, %cond3A_75 : i32
      scf.if %cond3A_76 {
        %dma_wait3A_77 = arith.constant 0 : i32
        %dma_wait3A_78 = arith.constant 0 : i32
        %dma_wait3A_79 = tpu.memref_slice %arg2[%dma_wait3A_77, %dma_wait3A_78] : memref<20480x128xf32, #tpu.memory_space<hbm>> -> memref<128x128xf32, #tpu.memory_space<hbm>>
        %dma_wait3A_80 = arith.constant 0 : i32
        %dma_wait3A_81 = arith.constant 0 : i32
        %dma_wait3A_82 = tpu.memref_slice %arg2[%dma_wait3A_80, %dma_wait3A_81] : memref<20480x128xf32, #tpu.memory_space<hbm>> -> memref<128x128xf32, #tpu.memory_space<hbm>>
        tpu.wait_dma2 semaphore(%arg13 : memref<!tpu.dma_semaphore, #tpu.memory_space<semaphore_mem>>) src(%dma_wait3A_82 : memref<128x128xf32, #tpu.memory_space<hbm>>) dst(%arg8 : memref<128x128xf32, #tpu.memory_space<vmem>>)
        %add3A_83 = arith.constant 3 : i32
        %add3A_84 = arith.addi %mul3A_43, %add3A_83 : i32
        "tpu.region"() ({
          %run_scoped3A_92 = tpu.sem_alloc : memref<!tpu.dma_semaphore, #tpu.memory_space<semaphore_mem>>
          %dma_start3A_93 = arith.constant 0 : i32
          %dma_start3A_94 = arith.constant 0 : i32
          %dma_start3A_95 = arith.constant 0 : i32
          %dma_start3A_96 = tpu.memref_slice %arg3[%add3A, %dma_start3A_93, %dma_start3A_94, %dma_start3A_95] : memref<32x160x2x128xi32, #tpu.memory_space<hbm>> -> memref<1x160x2x128xi32, #tpu.memory_space<hbm>>
          %dma_start3A_97 = tpu.memref_squeeze %dma_start3A_96 : memref<1x160x2x128xi32, #tpu.memory_space<hbm>> -> memref<160x2x128xi32, #tpu.memory_space<hbm>>
          %dma_start3A_98 = arith.constant 0 : i32
          %dma_start3A_99 = arith.constant 0 : i32
          %dma_start3A_100 = tpu.memref_slice %dma_start3A_97[%add3A_84, %dma_start3A_98, %dma_start3A_99] : memref<160x2x128xi32, #tpu.memory_space<hbm>> -> memref<1x2x128xi32, #tpu.memory_space<hbm>>
          %dma_start3A_101 = tpu.memref_squeeze %dma_start3A_100 : memref<1x2x128xi32, #tpu.memory_space<hbm>> -> memref<2x128xi32, #tpu.memory_space<hbm>>
          %dma_start3A_102 = arith.constant 0 : i32
          %dma_start3A_103 = arith.constant 0 : i32
          %dma_start3A_104 = arith.constant 0 : i32
          %dma_start3A_105 = tpu.memref_slice %arg3[%add3A, %dma_start3A_102, %dma_start3A_103, %dma_start3A_104] : memref<32x160x2x128xi32, #tpu.memory_space<hbm>> -> memref<1x160x2x128xi32, #tpu.memory_space<hbm>>
          %dma_start3A_106 = tpu.memref_squeeze %dma_start3A_105 : memref<1x160x2x128xi32, #tpu.memory_space<hbm>> -> memref<160x2x128xi32, #tpu.memory_space<hbm>>
          %dma_start3A_107 = arith.constant 0 : i32
          %dma_start3A_108 = arith.constant 0 : i32
          %dma_start3A_109 = tpu.memref_slice %dma_start3A_106[%add3A_84, %dma_start3A_107, %dma_start3A_108] : memref<160x2x128xi32, #tpu.memory_space<hbm>> -> memref<1x2x128xi32, #tpu.memory_space<hbm>>
          %dma_start3A_110 = tpu.memref_squeeze %dma_start3A_109 : memref<1x2x128xi32, #tpu.memory_space<hbm>> -> memref<2x128xi32, #tpu.memory_space<hbm>>
          tpu.enqueue_dma source(%dma_start3A_110 : memref<2x128xi32, #tpu.memory_space<hbm>>) target(%arg6 : memref<2x128xi32, #tpu.memory_space<vmem>>) target_semaphore(%run_scoped3A_92 : memref<!tpu.dma_semaphore, #tpu.memory_space<semaphore_mem>>)
          %dma_wait3A_111 = arith.constant 0 : i32
          %dma_wait3A_112 = arith.constant 0 : i32
          %dma_wait3A_113 = arith.constant 0 : i32
          %dma_wait3A_114 = tpu.memref_slice %arg3[%add3A, %dma_wait3A_111, %dma_wait3A_112, %dma_wait3A_113] : memref<32x160x2x128xi32, #tpu.memory_space<hbm>> -> memref<1x160x2x128xi32, #tpu.memory_space<hbm>>
          %dma_wait3A_115 = tpu.memref_squeeze %dma_wait3A_114 : memref<1x160x2x128xi32, #tpu.memory_space<hbm>> -> memref<160x2x128xi32, #tpu.memory_space<hbm>>
          %dma_wait3A_116 = arith.constant 0 : i32
          %dma_wait3A_117 = arith.constant 0 : i32
          %dma_wait3A_118 = tpu.memref_slice %dma_wait3A_115[%add3A_84, %dma_wait3A_116, %dma_wait3A_117] : memref<160x2x128xi32, #tpu.memory_space<hbm>> -> memref<1x2x128xi32, #tpu.memory_space<hbm>>
          %dma_wait3A_119 = tpu.memref_squeeze %dma_wait3A_118 : memref<1x2x128xi32, #tpu.memory_space<hbm>> -> memref<2x128xi32, #tpu.memory_space<hbm>>
          %dma_wait3A_120 = arith.constant 0 : i32
          %dma_wait3A_121 = arith.constant 0 : i32
          %dma_wait3A_122 = arith.constant 0 : i32
          %dma_wait3A_123 = tpu.memref_slice %arg3[%add3A, %dma_wait3A_120, %dma_wait3A_121, %dma_wait3A_122] : memref<32x160x2x128xi32, #tpu.memory_space<hbm>> -> memref<1x160x2x128xi32, #tpu.memory_space<hbm>>
          %dma_wait3A_124 = tpu.memref_squeeze %dma_wait3A_123 : memref<1x160x2x128xi32, #tpu.memory_space<hbm>> -> memref<160x2x128xi32, #tpu.memory_space<hbm>>
          %dma_wait3A_125 = arith.constant 0 : i32
          %dma_wait3A_126 = arith.constant 0 : i32
          %dma_wait3A_127 = tpu.memref_slice %dma_wait3A_124[%add3A_84, %dma_wait3A_125, %dma_wait3A_126] : memref<160x2x128xi32, #tpu.memory_space<hbm>> -> memref<1x2x128xi32, #tpu.memory_space<hbm>>
          %dma_wait3A_128 = tpu.memref_squeeze %dma_wait3A_127 : memref<1x2x128xi32, #tpu.memory_space<hbm>> -> memref<2x128xi32, #tpu.memory_space<hbm>>
          tpu.wait_dma2 semaphore(%run_scoped3A_92 : memref<!tpu.dma_semaphore, #tpu.memory_space<semaphore_mem>>) src(%dma_wait3A_128 : memref<2x128xi32, #tpu.memory_space<hbm>>) dst(%arg6 : memref<2x128xi32, #tpu.memory_space<vmem>>)
          tpu.yield
        }) : () -> ()
        %dma_start3A_85 = arith.constant 0 : i32
        %dma_start3A_86 = arith.constant 0 : i32
        %dma_start3A_87 = tpu.memref_slice %arg6[%dma_start3A_85, %dma_start3A_86] : memref<2x128xi32, #tpu.memory_space<vmem>> -> memref<1x128xi32, #tpu.memory_space<vmem>>
        %dma_start3A_88 = tpu.memref_squeeze %dma_start3A_87 : memref<1x128xi32, #tpu.memory_space<vmem>> -> memref<128xi32, #tpu.memory_space<vmem>>
        %dma_start3A_89 = arith.constant 0 : i32
        %dma_start3A_90 = arith.constant 0 : i32
        %dma_start3A_91 = tpu.memref_slice %arg2[%dma_start3A_89, %dma_start3A_90] : memref<20480x128xf32, #tpu.memory_space<hbm>> -> memref<20480x128xf32, #tpu.memory_space<hbm>>
        tpu.enqueue_indirect_dma source(%dma_start3A_91 : memref<20480x128xf32, #tpu.memory_space<hbm>>) target(%arg8 : memref<128x128xf32, #tpu.memory_space<vmem>>) offsets(%dma_start3A_88 : memref<128xi32, #tpu.memory_space<vmem>>) semaphore(%arg11 : memref<!tpu.dma_semaphore, #tpu.memory_space<semaphore_mem>>)
      } else {
      }
    }
    %scan3A_26 = arith.constant 80 : i32
    %dma_wait3A = arith.constant 0 : i32
    %dma_wait3A_27 = arith.constant 0 : i32
    %dma_wait3A_28 = tpu.memref_slice %arg2[%dma_wait3A, %dma_wait3A_27] : memref<20480x128xf32, #tpu.memory_space<hbm>> -> memref<128x128xf32, #tpu.memory_space<hbm>>
    %dma_wait3A_29 = arith.constant 0 : i32
    %dma_wait3A_30 = arith.constant 0 : i32
    %dma_wait3A_31 = tpu.memref_slice %arg2[%dma_wait3A_29, %dma_wait3A_30] : memref<20480x128xf32, #tpu.memory_space<hbm>> -> memref<128x128xf32, #tpu.memory_space<hbm>>
    tpu.wait_dma2 semaphore(%arg12 : memref<!tpu.dma_semaphore, #tpu.memory_space<semaphore_mem>>) src(%dma_wait3A_31 : memref<128x128xf32, #tpu.memory_space<hbm>>) dst(%arg7 : memref<128x128xf32, #tpu.memory_space<vmem>>)
    %dma_wait3A_32 = arith.constant 0 : i32
    %dma_wait3A_33 = arith.constant 0 : i32
    %dma_wait3A_34 = tpu.memref_slice %arg2[%dma_wait3A_32, %dma_wait3A_33] : memref<20480x128xf32, #tpu.memory_space<hbm>> -> memref<128x128xf32, #tpu.memory_space<hbm>>
    %dma_wait3A_35 = arith.constant 0 : i32
    %dma_wait3A_36 = arith.constant 0 : i32
    %dma_wait3A_37 = tpu.memref_slice %arg2[%dma_wait3A_35, %dma_wait3A_36] : memref<20480x128xf32, #tpu.memory_space<hbm>> -> memref<128x128xf32, #tpu.memory_space<hbm>>
    tpu.wait_dma2 semaphore(%arg13 : memref<!tpu.dma_semaphore, #tpu.memory_space<semaphore_mem>>) src(%dma_wait3A_37 : memref<128x128xf32, #tpu.memory_space<hbm>>) dst(%arg8 : memref<128x128xf32, #tpu.memory_space<vmem>>)
    %barrier3A_38 = arith.constant 0 : index
    tpu.barrier barrier_id(%barrier3A_38)
    %mul3A_39 = arith.constant 640 : i32
    %mul3A_40 = arith.muli %arg1, %mul3A_39 : i32
    "tpu.region"() ({
      %run_scoped3A_41 = tpu.sem_alloc : memref<!tpu.dma_semaphore, #tpu.memory_space<semaphore_mem>>
      %dma_start3A_42 = arith.constant 0 : i32
      %dma_start3A_43 = tpu.memref_slice %arg4[%add3A_5, %dma_start3A_42] : memref<20480x128xf32, #tpu.memory_space<hbm>> -> memref<640x128xf32, #tpu.memory_space<hbm>>
      %dma_start3A_44 = arith.constant 0 : i32
      %dma_start3A_45 = tpu.memref_slice %arg9[%mul3A_40, %dma_start3A_44] : memref<10240x128xf32, #tpu.memory_space<vmem_shared>> -> memref<640x128xf32, #tpu.memory_space<vmem_shared>>
      tpu.enqueue_dma source(%dma_start3A_45 : memref<640x128xf32, #tpu.memory_space<vmem_shared>>) target(%dma_start3A_43 : memref<640x128xf32, #tpu.memory_space<hbm>>) target_semaphore(%run_scoped3A_41 : memref<!tpu.dma_semaphore, #tpu.memory_space<semaphore_mem>>)
      %dma_wait3A_46 = arith.constant 0 : i32
      %dma_wait3A_47 = tpu.memref_slice %arg4[%add3A_5, %dma_wait3A_46] : memref<20480x128xf32, #tpu.memory_space<hbm>> -> memref<640x128xf32, #tpu.memory_space<hbm>>
      %dma_wait3A_48 = arith.constant 0 : i32
      %dma_wait3A_49 = tpu.memref_slice %arg9[%mul3A_40, %dma_wait3A_48] : memref<10240x128xf32, #tpu.memory_space<vmem_shared>> -> memref<640x128xf32, #tpu.memory_space<vmem_shared>>
      tpu.wait_dma2 semaphore(%run_scoped3A_41 : memref<!tpu.dma_semaphore, #tpu.memory_space<semaphore_mem>>) src(%dma_wait3A_49 : memref<640x128xf32, #tpu.memory_space<vmem_shared>>) dst(%dma_wait3A_47 : memref<640x128xf32, #tpu.memory_space<hbm>>)
      tpu.yield
    }) : () -> ()
    return
  }
}

#map = affine_map<(d0, d1) -> (0, 0, 0, 0)>
#map1 = affine_map<(d0, d1) -> (0, 0)>
module attributes {stable_mosaic.version = 14 : i64} {
  func.func @_degk(%arg0: i32, %arg1: i32, %arg2: memref<32x5x16x128xi32, #tpu.memory_space<hbm>>, %arg3: memref<640x128xf32, #tpu.memory_space<hbm>>, %arg4: memref<20480x128xf32, #tpu.memory_space<hbm>>, %arg5: memref<16x128xi32, #tpu.memory_space<vmem>>, %arg6: memref<16x128xi32, #tpu.memory_space<vmem>>, %arg7: memref<128x128xf32, #tpu.memory_space<vmem>>, %arg8: memref<10240x128xf32, #tpu.memory_space<vmem_shared>>, %arg9: memref<!tpu.dma_semaphore, #tpu.memory_space<semaphore_mem>>, %arg10: memref<!tpu.dma_semaphore, #tpu.memory_space<semaphore_mem>>, %arg11: memref<!tpu.dma_semaphore, #tpu.memory_space<semaphore_mem>>) attributes {dimension_semantics = [#tpu.dimension_semantics<core_parallel>, #tpu.dimension_semantics<subcore_parallel>], iteration_bounds = array<i64: 2, 16>, scalar_prefetch = 0 : i64, scratch_operands = 7 : i64, tpu.core_type = #tpu.core_type<sc_vector_subcore>, window_params = [{transform_indices = #map}, {transform_indices = #map1}, {transform_indices = #map1}]} {
    %mul3A = arith.constant 16 : i32
    %mul3A_0 = arith.muli %arg0, %mul3A : i32
    %add3A = arith.addi %mul3A_0, %arg1 : i32
    %mul3A_1 = arith.constant 10240 : i32
    %mul3A_2 = arith.muli %arg0, %mul3A_1 : i32
    %mul3A_3 = arith.constant 640 : i32
    %mul3A_4 = arith.muli %arg1, %mul3A_3 : i32
    %add3A_5 = arith.addi %mul3A_2, %mul3A_4 : i32
    %mul3A_6 = arith.constant 640 : i32
    %mul3A_7 = arith.muli %arg1, %mul3A_6 : i32
    "tpu.region"() ({
      %run_scoped3A_1201 = tpu.sem_alloc : memref<!tpu.dma_semaphore, #tpu.memory_space<semaphore_mem>>
      %dma_start3A_1202 = arith.constant 0 : i32
      %dma_start3A_1203 = tpu.memref_slice %arg8[%mul3A_7, %dma_start3A_1202] : memref<10240x128xf32, #tpu.memory_space<vmem_shared>> -> memref<640x128xf32, #tpu.memory_space<vmem_shared>>
      tpu.enqueue_dma source(%arg3 : memref<640x128xf32, #tpu.memory_space<hbm>>) target(%dma_start3A_1203 : memref<640x128xf32, #tpu.memory_space<vmem_shared>>) target_semaphore(%run_scoped3A_1201 : memref<!tpu.dma_semaphore, #tpu.memory_space<semaphore_mem>>)
      %dma_wait3A_1204 = arith.constant 0 : i32
      %dma_wait3A_1205 = tpu.memref_slice %arg8[%mul3A_7, %dma_wait3A_1204] : memref<10240x128xf32, #tpu.memory_space<vmem_shared>> -> memref<640x128xf32, #tpu.memory_space<vmem_shared>>
      tpu.wait_dma2 semaphore(%run_scoped3A_1201 : memref<!tpu.dma_semaphore, #tpu.memory_space<semaphore_mem>>) src(%arg3 : memref<640x128xf32, #tpu.memory_space<hbm>>) dst(%dma_wait3A_1205 : memref<640x128xf32, #tpu.memory_space<vmem_shared>>)
      tpu.yield
    }) : () -> ()
    "tpu.region"() ({
      %run_scoped3A_1201 = tpu.sem_alloc : memref<!tpu.dma_semaphore, #tpu.memory_space<semaphore_mem>>
      %dma_start3A_1202 = arith.constant 0 : i32
      %dma_start3A_1203 = arith.constant 0 : i32
      %dma_start3A_1204 = tpu.memref_slice %arg3[%dma_start3A_1202, %dma_start3A_1203] : memref<640x128xf32, #tpu.memory_space<hbm>> -> memref<128x128xf32, #tpu.memory_space<hbm>>
      %dma_start3A_1205 = arith.constant 0 : i32
      %dma_start3A_1206 = arith.constant 0 : i32
      %dma_start3A_1207 = tpu.memref_slice %arg3[%dma_start3A_1205, %dma_start3A_1206] : memref<640x128xf32, #tpu.memory_space<hbm>> -> memref<128x128xf32, #tpu.memory_space<hbm>>
      tpu.enqueue_dma source(%dma_start3A_1207 : memref<128x128xf32, #tpu.memory_space<hbm>>) target(%arg7 : memref<128x128xf32, #tpu.memory_space<vmem>>) target_semaphore(%run_scoped3A_1201 : memref<!tpu.dma_semaphore, #tpu.memory_space<semaphore_mem>>)
      %dma_wait3A_1208 = arith.constant 0 : i32
      %dma_wait3A_1209 = arith.constant 0 : i32
      %dma_wait3A_1210 = tpu.memref_slice %arg3[%dma_wait3A_1208, %dma_wait3A_1209] : memref<640x128xf32, #tpu.memory_space<hbm>> -> memref<128x128xf32, #tpu.memory_space<hbm>>
      %dma_wait3A_1211 = arith.constant 0 : i32
      %dma_wait3A_1212 = arith.constant 0 : i32
      %dma_wait3A_1213 = tpu.memref_slice %arg3[%dma_wait3A_1211, %dma_wait3A_1212] : memref<640x128xf32, #tpu.memory_space<hbm>> -> memref<128x128xf32, #tpu.memory_space<hbm>>
      tpu.wait_dma2 semaphore(%run_scoped3A_1201 : memref<!tpu.dma_semaphore, #tpu.memory_space<semaphore_mem>>) src(%dma_wait3A_1213 : memref<128x128xf32, #tpu.memory_space<hbm>>) dst(%arg7 : memref<128x128xf32, #tpu.memory_space<vmem>>)
      tpu.yield
    }) : () -> ()
    %barrier3A = arith.constant 0 : index
    tpu.barrier barrier_id(%barrier3A)
    %run_scoped3A = arith.constant 0 : i32
    "tpu.region"() ({
      %run_scoped3A_1201 = tpu.sem_alloc : memref<!tpu.dma_semaphore, #tpu.memory_space<semaphore_mem>>
      %dma_start3A_1202 = arith.constant 0 : i32
      %dma_start3A_1203 = arith.constant 0 : i32
      %dma_start3A_1204 = arith.constant 0 : i32
      %dma_start3A_1205 = tpu.memref_slice %arg2[%add3A, %dma_start3A_1202, %dma_start3A_1203, %dma_start3A_1204] : memref<32x5x16x128xi32, #tpu.memory_space<hbm>> -> memref<1x5x16x128xi32, #tpu.memory_space<hbm>>
      %dma_start3A_1206 = tpu.memref_squeeze %dma_start3A_1205 : memref<1x5x16x128xi32, #tpu.memory_space<hbm>> -> memref<5x16x128xi32, #tpu.memory_space<hbm>>
      %dma_start3A_1207 = arith.constant 0 : i32
      %dma_start3A_1208 = arith.constant 0 : i32
      %dma_start3A_1209 = tpu.memref_slice %dma_start3A_1206[%run_scoped3A, %dma_start3A_1207, %dma_start3A_1208] : memref<5x16x128xi32, #tpu.memory_space<hbm>> -> memref<1x16x128xi32, #tpu.memory_space<hbm>>
      %dma_start3A_1210 = tpu.memref_squeeze %dma_start3A_1209 : memref<1x16x128xi32, #tpu.memory_space<hbm>> -> memref<16x128xi32, #tpu.memory_space<hbm>>
      %dma_start3A_1211 = arith.constant 0 : i32
      %dma_start3A_1212 = arith.constant 0 : i32
      %dma_start3A_1213 = arith.constant 0 : i32
      %dma_start3A_1214 = tpu.memref_slice %arg2[%add3A, %dma_start3A_1211, %dma_start3A_1212, %dma_start3A_1213] : memref<32x5x16x128xi32, #tpu.memory_space<hbm>> -> memref<1x5x16x128xi32, #tpu.memory_space<hbm>>
      %dma_start3A_1215 = tpu.memref_squeeze %dma_start3A_1214 : memref<1x5x16x128xi32, #tpu.memory_space<hbm>> -> memref<5x16x128xi32, #tpu.memory_space<hbm>>
      %dma_start3A_1216 = arith.constant 0 : i32
      %dma_start3A_1217 = arith.constant 0 : i32
      %dma_start3A_1218 = tpu.memref_slice %dma_start3A_1215[%run_scoped3A, %dma_start3A_1216, %dma_start3A_1217] : memref<5x16x128xi32, #tpu.memory_space<hbm>> -> memref<1x16x128xi32, #tpu.memory_space<hbm>>
      %dma_start3A_1219 = tpu.memref_squeeze %dma_start3A_1218 : memref<1x16x128xi32, #tpu.memory_space<hbm>> -> memref<16x128xi32, #tpu.memory_space<hbm>>
      tpu.enqueue_dma source(%dma_start3A_1219 : memref<16x128xi32, #tpu.memory_space<hbm>>) target(%arg5 : memref<16x128xi32, #tpu.memory_space<vmem>>) target_semaphore(%run_scoped3A_1201 : memref<!tpu.dma_semaphore, #tpu.memory_space<semaphore_mem>>)
      %dma_wait3A_1220 = arith.constant 0 : i32
      %dma_wait3A_1221 = arith.constant 0 : i32
      %dma_wait3A_1222 = arith.constant 0 : i32
      %dma_wait3A_1223 = tpu.memref_slice %arg2[%add3A, %dma_wait3A_1220, %dma_wait3A_1221, %dma_wait3A_1222] : memref<32x5x16x128xi32, #tpu.memory_space<hbm>> -> memref<1x5x16x128xi32, #tpu.memory_space<hbm>>
      %dma_wait3A_1224 = tpu.memref_squeeze %dma_wait3A_1223 : memref<1x5x16x128xi32, #tpu.memory_space<hbm>> -> memref<5x16x128xi32, #tpu.memory_space<hbm>>
      %dma_wait3A_1225 = arith.constant 0 : i32
      %dma_wait3A_1226 = arith.constant 0 : i32
      %dma_wait3A_1227 = tpu.memref_slice %dma_wait3A_1224[%run_scoped3A, %dma_wait3A_1225, %dma_wait3A_1226] : memref<5x16x128xi32, #tpu.memory_space<hbm>> -> memref<1x16x128xi32, #tpu.memory_space<hbm>>
      %dma_wait3A_1228 = tpu.memref_squeeze %dma_wait3A_1227 : memref<1x16x128xi32, #tpu.memory_space<hbm>> -> memref<16x128xi32, #tpu.memory_space<hbm>>
      %dma_wait3A_1229 = arith.constant 0 : i32
      %dma_wait3A_1230 = arith.constant 0 : i32
      %dma_wait3A_1231 = arith.constant 0 : i32
      %dma_wait3A_1232 = tpu.memref_slice %arg2[%add3A, %dma_wait3A_1229, %dma_wait3A_1230, %dma_wait3A_1231] : memref<32x5x16x128xi32, #tpu.memory_space<hbm>> -> memref<1x5x16x128xi32, #tpu.memory_space<hbm>>
      %dma_wait3A_1233 = tpu.memref_squeeze %dma_wait3A_1232 : memref<1x5x16x128xi32, #tpu.memory_space<hbm>> -> memref<5x16x128xi32, #tpu.memory_space<hbm>>
      %dma_wait3A_1234 = arith.constant 0 : i32
      %dma_wait3A_1235 = arith.constant 0 : i32
      %dma_wait3A_1236 = tpu.memref_slice %dma_wait3A_1233[%run_scoped3A, %dma_wait3A_1234, %dma_wait3A_1235] : memref<5x16x128xi32, #tpu.memory_space<hbm>> -> memref<1x16x128xi32, #tpu.memory_space<hbm>>
      %dma_wait3A_1237 = tpu.memref_squeeze %dma_wait3A_1236 : memref<1x16x128xi32, #tpu.memory_space<hbm>> -> memref<16x128xi32, #tpu.memory_space<hbm>>
      tpu.wait_dma2 semaphore(%run_scoped3A_1201 : memref<!tpu.dma_semaphore, #tpu.memory_space<semaphore_mem>>) src(%dma_wait3A_1237 : memref<16x128xi32, #tpu.memory_space<hbm>>) dst(%arg5 : memref<16x128xi32, #tpu.memory_space<vmem>>)
      tpu.yield
    }) : () -> ()
    %dma_start3A = arith.constant 1 : i32
    %dma_start3A_8 = arith.constant 0 : i32
    %dma_start3A_9 = arith.constant 0 : i32
    %dma_start3A_10 = arith.constant 0 : i32
    %dma_start3A_11 = tpu.memref_slice %arg2[%add3A, %dma_start3A_8, %dma_start3A_9, %dma_start3A_10] : memref<32x5x16x128xi32, #tpu.memory_space<hbm>> -> memref<1x5x16x128xi32, #tpu.memory_space<hbm>>
    %dma_start3A_12 = tpu.memref_squeeze %dma_start3A_11 : memref<1x5x16x128xi32, #tpu.memory_space<hbm>> -> memref<5x16x128xi32, #tpu.memory_space<hbm>>
    %dma_start3A_13 = arith.constant 0 : i32
    %dma_start3A_14 = arith.constant 0 : i32
    %dma_start3A_15 = tpu.memref_slice %dma_start3A_12[%dma_start3A, %dma_start3A_13, %dma_start3A_14] : memref<5x16x128xi32, #tpu.memory_space<hbm>> -> memref<1x16x128xi32, #tpu.memory_space<hbm>>
    %dma_start3A_16 = tpu.memref_squeeze %dma_start3A_15 : memref<1x16x128xi32, #tpu.memory_space<hbm>> -> memref<16x128xi32, #tpu.memory_space<hbm>>
    %dma_start3A_17 = arith.constant 0 : i32
    %dma_start3A_18 = arith.constant 0 : i32
    %dma_start3A_19 = arith.constant 0 : i32
    %dma_start3A_20 = tpu.memref_slice %arg2[%add3A, %dma_start3A_17, %dma_start3A_18, %dma_start3A_19] : memref<32x5x16x128xi32, #tpu.memory_space<hbm>> -> memref<1x5x16x128xi32, #tpu.memory_space<hbm>>
    %dma_start3A_21 = tpu.memref_squeeze %dma_start3A_20 : memref<1x5x16x128xi32, #tpu.memory_space<hbm>> -> memref<5x16x128xi32, #tpu.memory_space<hbm>>
    %dma_start3A_22 = arith.constant 0 : i32
    %dma_start3A_23 = arith.constant 0 : i32
    %dma_start3A_24 = tpu.memref_slice %dma_start3A_21[%dma_start3A, %dma_start3A_22, %dma_start3A_23] : memref<5x16x128xi32, #tpu.memory_space<hbm>> -> memref<1x16x128xi32, #tpu.memory_space<hbm>>
    %dma_start3A_25 = tpu.memref_squeeze %dma_start3A_24 : memref<1x16x128xi32, #tpu.memory_space<hbm>> -> memref<16x128xi32, #tpu.memory_space<hbm>>
    tpu.enqueue_dma source(%dma_start3A_25 : memref<16x128xi32, #tpu.memory_space<hbm>>) target(%arg6 : memref<16x128xi32, #tpu.memory_space<vmem>>) target_semaphore(%arg11 : memref<!tpu.dma_semaphore, #tpu.memory_space<semaphore_mem>>)
    %dma_start3A_26 = arith.constant 0 : i32
    %dma_start3A_27 = arith.constant 0 : i32
    %dma_start3A_28 = tpu.memref_slice %arg5[%dma_start3A_26, %dma_start3A_27] : memref<16x128xi32, #tpu.memory_space<vmem>> -> memref<1x128xi32, #tpu.memory_space<vmem>>
    %dma_start3A_29 = tpu.memref_squeeze %dma_start3A_28 : memref<1x128xi32, #tpu.memory_space<vmem>> -> memref<128xi32, #tpu.memory_space<vmem>>
    %dma_start3A_30 = arith.constant 0 : i32
    %dma_start3A_31 = arith.constant 0 : i32
    %dma_start3A_32 = tpu.memref_slice %arg8[%dma_start3A_30, %dma_start3A_31] : memref<10240x128xf32, #tpu.memory_space<vmem_shared>> -> memref<10240x128xf32, #tpu.memory_space<vmem_shared>>
    tpu.enqueue_indirect_dma source(%arg7 : memref<128x128xf32, #tpu.memory_space<vmem>>) target(%dma_start3A_32 : memref<10240x128xf32, #tpu.memory_space<vmem_shared>>) offsets(%dma_start3A_29 : memref<128xi32, #tpu.memory_space<vmem>>) semaphore(%arg9 : memref<!tpu.dma_semaphore, #tpu.memory_space<semaphore_mem>>) {add = true}
    %dma_start3A_33 = arith.constant 1 : i32
    %dma_start3A_34 = arith.constant 0 : i32
    %dma_start3A_35 = tpu.memref_slice %arg5[%dma_start3A_33, %dma_start3A_34] : memref<16x128xi32, #tpu.memory_space<vmem>> -> memref<1x128xi32, #tpu.memory_space<vmem>>
    %dma_start3A_36 = tpu.memref_squeeze %dma_start3A_35 : memref<1x128xi32, #tpu.memory_space<vmem>> -> memref<128xi32, #tpu.memory_space<vmem>>
    %dma_start3A_37 = arith.constant 0 : i32
    %dma_start3A_38 = arith.constant 0 : i32
    %dma_start3A_39 = tpu.memref_slice %arg8[%dma_start3A_37, %dma_start3A_38] : memref<10240x128xf32, #tpu.memory_space<vmem_shared>> -> memref<10240x128xf32, #tpu.memory_space<vmem_shared>>
    tpu.enqueue_indirect_dma source(%arg7 : memref<128x128xf32, #tpu.memory_space<vmem>>) target(%dma_start3A_39 : memref<10240x128xf32, #tpu.memory_space<vmem_shared>>) offsets(%dma_start3A_36 : memref<128xi32, #tpu.memory_space<vmem>>) semaphore(%arg9 : memref<!tpu.dma_semaphore, #tpu.memory_space<semaphore_mem>>) {add = true}
    %dma_start3A_40 = arith.constant 2 : i32
    %dma_start3A_41 = arith.constant 0 : i32
    %dma_start3A_42 = tpu.memref_slice %arg5[%dma_start3A_40, %dma_start3A_41] : memref<16x128xi32, #tpu.memory_space<vmem>> -> memref<1x128xi32, #tpu.memory_space<vmem>>
    %dma_start3A_43 = tpu.memref_squeeze %dma_start3A_42 : memref<1x128xi32, #tpu.memory_space<vmem>> -> memref<128xi32, #tpu.memory_space<vmem>>
    %dma_start3A_44 = arith.constant 0 : i32
    %dma_start3A_45 = arith.constant 0 : i32
    %dma_start3A_46 = tpu.memref_slice %arg8[%dma_start3A_44, %dma_start3A_45] : memref<10240x128xf32, #tpu.memory_space<vmem_shared>> -> memref<10240x128xf32, #tpu.memory_space<vmem_shared>>
    tpu.enqueue_indirect_dma source(%arg7 : memref<128x128xf32, #tpu.memory_space<vmem>>) target(%dma_start3A_46 : memref<10240x128xf32, #tpu.memory_space<vmem_shared>>) offsets(%dma_start3A_43 : memref<128xi32, #tpu.memory_space<vmem>>) semaphore(%arg9 : memref<!tpu.dma_semaphore, #tpu.memory_space<semaphore_mem>>) {add = true}
    %dma_start3A_47 = arith.constant 3 : i32
    %dma_start3A_48 = arith.constant 0 : i32
    %dma_start3A_49 = tpu.memref_slice %arg5[%dma_start3A_47, %dma_start3A_48] : memref<16x128xi32, #tpu.memory_space<vmem>> -> memref<1x128xi32, #tpu.memory_space<vmem>>
    %dma_start3A_50 = tpu.memref_squeeze %dma_start3A_49 : memref<1x128xi32, #tpu.memory_space<vmem>> -> memref<128xi32, #tpu.memory_space<vmem>>
    %dma_start3A_51 = arith.constant 0 : i32
    %dma_start3A_52 = arith.constant 0 : i32
    %dma_start3A_53 = tpu.memref_slice %arg8[%dma_start3A_51, %dma_start3A_52] : memref<10240x128xf32, #tpu.memory_space<vmem_shared>> -> memref<10240x128xf32, #tpu.memory_space<vmem_shared>>
    tpu.enqueue_indirect_dma source(%arg7 : memref<128x128xf32, #tpu.memory_space<vmem>>) target(%dma_start3A_53 : memref<10240x128xf32, #tpu.memory_space<vmem_shared>>) offsets(%dma_start3A_50 : memref<128xi32, #tpu.memory_space<vmem>>) semaphore(%arg9 : memref<!tpu.dma_semaphore, #tpu.memory_space<semaphore_mem>>) {add = true}
    %dma_start3A_54 = arith.constant 4 : i32
    %dma_start3A_55 = arith.constant 0 : i32
    %dma_start3A_56 = tpu.memref_slice %arg5[%dma_start3A_54, %dma_start3A_55] : memref<16x128xi32, #tpu.memory_space<vmem>> -> memref<1x128xi32, #tpu.memory_space<vmem>>
    %dma_start3A_57 = tpu.memref_squeeze %dma_start3A_56 : memref<1x128xi32, #tpu.memory_space<vmem>> -> memref<128xi32, #tpu.memory_space<vmem>>
    %dma_start3A_58 = arith.constant 0 : i32
    %dma_start3A_59 = arith.constant 0 : i32
    %dma_start3A_60 = tpu.memref_slice %arg8[%dma_start3A_58, %dma_start3A_59] : memref<10240x128xf32, #tpu.memory_space<vmem_shared>> -> memref<10240x128xf32, #tpu.memory_space<vmem_shared>>
    tpu.enqueue_indirect_dma source(%arg7 : memref<128x128xf32, #tpu.memory_space<vmem>>) target(%dma_start3A_60 : memref<10240x128xf32, #tpu.memory_space<vmem_shared>>) offsets(%dma_start3A_57 : memref<128xi32, #tpu.memory_space<vmem>>) semaphore(%arg9 : memref<!tpu.dma_semaphore, #tpu.memory_space<semaphore_mem>>) {add = true}
    %dma_start3A_61 = arith.constant 5 : i32
    %dma_start3A_62 = arith.constant 0 : i32
    %dma_start3A_63 = tpu.memref_slice %arg5[%dma_start3A_61, %dma_start3A_62] : memref<16x128xi32, #tpu.memory_space<vmem>> -> memref<1x128xi32, #tpu.memory_space<vmem>>
    %dma_start3A_64 = tpu.memref_squeeze %dma_start3A_63 : memref<1x128xi32, #tpu.memory_space<vmem>> -> memref<128xi32, #tpu.memory_space<vmem>>
    %dma_start3A_65 = arith.constant 0 : i32
    %dma_start3A_66 = arith.constant 0 : i32
    %dma_start3A_67 = tpu.memref_slice %arg8[%dma_start3A_65, %dma_start3A_66] : memref<10240x128xf32, #tpu.memory_space<vmem_shared>> -> memref<10240x128xf32, #tpu.memory_space<vmem_shared>>
    tpu.enqueue_indirect_dma source(%arg7 : memref<128x128xf32, #tpu.memory_space<vmem>>) target(%dma_start3A_67 : memref<10240x128xf32, #tpu.memory_space<vmem_shared>>) offsets(%dma_start3A_64 : memref<128xi32, #tpu.memory_space<vmem>>) semaphore(%arg9 : memref<!tpu.dma_semaphore, #tpu.memory_space<semaphore_mem>>) {add = true}
    %dma_start3A_68 = arith.constant 6 : i32
    %dma_start3A_69 = arith.constant 0 : i32
    %dma_start3A_70 = tpu.memref_slice %arg5[%dma_start3A_68, %dma_start3A_69] : memref<16x128xi32, #tpu.memory_space<vmem>> -> memref<1x128xi32, #tpu.memory_space<vmem>>
    %dma_start3A_71 = tpu.memref_squeeze %dma_start3A_70 : memref<1x128xi32, #tpu.memory_space<vmem>> -> memref<128xi32, #tpu.memory_space<vmem>>
    %dma_start3A_72 = arith.constant 0 : i32
    %dma_start3A_73 = arith.constant 0 : i32
    %dma_start3A_74 = tpu.memref_slice %arg8[%dma_start3A_72, %dma_start3A_73] : memref<10240x128xf32, #tpu.memory_space<vmem_shared>> -> memref<10240x128xf32, #tpu.memory_space<vmem_shared>>
    tpu.enqueue_indirect_dma source(%arg7 : memref<128x128xf32, #tpu.memory_space<vmem>>) target(%dma_start3A_74 : memref<10240x128xf32, #tpu.memory_space<vmem_shared>>) offsets(%dma_start3A_71 : memref<128xi32, #tpu.memory_space<vmem>>) semaphore(%arg9 : memref<!tpu.dma_semaphore, #tpu.memory_space<semaphore_mem>>) {add = true}
    %dma_start3A_75 = arith.constant 7 : i32
    %dma_start3A_76 = arith.constant 0 : i32
    %dma_start3A_77 = tpu.memref_slice %arg5[%dma_start3A_75, %dma_start3A_76] : memref<16x128xi32, #tpu.memory_space<vmem>> -> memref<1x128xi32, #tpu.memory_space<vmem>>
    %dma_start3A_78 = tpu.memref_squeeze %dma_start3A_77 : memref<1x128xi32, #tpu.memory_space<vmem>> -> memref<128xi32, #tpu.memory_space<vmem>>
    %dma_start3A_79 = arith.constant 0 : i32
    %dma_start3A_80 = arith.constant 0 : i32
    %dma_start3A_81 = tpu.memref_slice %arg8[%dma_start3A_79, %dma_start3A_80] : memref<10240x128xf32, #tpu.memory_space<vmem_shared>> -> memref<10240x128xf32, #tpu.memory_space<vmem_shared>>
    tpu.enqueue_indirect_dma source(%arg7 : memref<128x128xf32, #tpu.memory_space<vmem>>) target(%dma_start3A_81 : memref<10240x128xf32, #tpu.memory_space<vmem_shared>>) offsets(%dma_start3A_78 : memref<128xi32, #tpu.memory_space<vmem>>) semaphore(%arg9 : memref<!tpu.dma_semaphore, #tpu.memory_space<semaphore_mem>>) {add = true}
    %dma_start3A_82 = arith.constant 8 : i32
    %dma_start3A_83 = arith.constant 0 : i32
    %dma_start3A_84 = tpu.memref_slice %arg5[%dma_start3A_82, %dma_start3A_83] : memref<16x128xi32, #tpu.memory_space<vmem>> -> memref<1x128xi32, #tpu.memory_space<vmem>>
    %dma_start3A_85 = tpu.memref_squeeze %dma_start3A_84 : memref<1x128xi32, #tpu.memory_space<vmem>> -> memref<128xi32, #tpu.memory_space<vmem>>
    %dma_start3A_86 = arith.constant 0 : i32
    %dma_start3A_87 = arith.constant 0 : i32
    %dma_start3A_88 = tpu.memref_slice %arg8[%dma_start3A_86, %dma_start3A_87] : memref<10240x128xf32, #tpu.memory_space<vmem_shared>> -> memref<10240x128xf32, #tpu.memory_space<vmem_shared>>
    tpu.enqueue_indirect_dma source(%arg7 : memref<128x128xf32, #tpu.memory_space<vmem>>) target(%dma_start3A_88 : memref<10240x128xf32, #tpu.memory_space<vmem_shared>>) offsets(%dma_start3A_85 : memref<128xi32, #tpu.memory_space<vmem>>) semaphore(%arg9 : memref<!tpu.dma_semaphore, #tpu.memory_space<semaphore_mem>>) {add = true}
    %dma_start3A_89 = arith.constant 9 : i32
    %dma_start3A_90 = arith.constant 0 : i32
    %dma_start3A_91 = tpu.memref_slice %arg5[%dma_start3A_89, %dma_start3A_90] : memref<16x128xi32, #tpu.memory_space<vmem>> -> memref<1x128xi32, #tpu.memory_space<vmem>>
    %dma_start3A_92 = tpu.memref_squeeze %dma_start3A_91 : memref<1x128xi32, #tpu.memory_space<vmem>> -> memref<128xi32, #tpu.memory_space<vmem>>
    %dma_start3A_93 = arith.constant 0 : i32
    %dma_start3A_94 = arith.constant 0 : i32
    %dma_start3A_95 = tpu.memref_slice %arg8[%dma_start3A_93, %dma_start3A_94] : memref<10240x128xf32, #tpu.memory_space<vmem_shared>> -> memref<10240x128xf32, #tpu.memory_space<vmem_shared>>
    tpu.enqueue_indirect_dma source(%arg7 : memref<128x128xf32, #tpu.memory_space<vmem>>) target(%dma_start3A_95 : memref<10240x128xf32, #tpu.memory_space<vmem_shared>>) offsets(%dma_start3A_92 : memref<128xi32, #tpu.memory_space<vmem>>) semaphore(%arg9 : memref<!tpu.dma_semaphore, #tpu.memory_space<semaphore_mem>>) {add = true}
    %dma_start3A_96 = arith.constant 10 : i32
    %dma_start3A_97 = arith.constant 0 : i32
    %dma_start3A_98 = tpu.memref_slice %arg5[%dma_start3A_96, %dma_start3A_97] : memref<16x128xi32, #tpu.memory_space<vmem>> -> memref<1x128xi32, #tpu.memory_space<vmem>>
    %dma_start3A_99 = tpu.memref_squeeze %dma_start3A_98 : memref<1x128xi32, #tpu.memory_space<vmem>> -> memref<128xi32, #tpu.memory_space<vmem>>
    %dma_start3A_100 = arith.constant 0 : i32
    %dma_start3A_101 = arith.constant 0 : i32
    %dma_start3A_102 = tpu.memref_slice %arg8[%dma_start3A_100, %dma_start3A_101] : memref<10240x128xf32, #tpu.memory_space<vmem_shared>> -> memref<10240x128xf32, #tpu.memory_space<vmem_shared>>
    tpu.enqueue_indirect_dma source(%arg7 : memref<128x128xf32, #tpu.memory_space<vmem>>) target(%dma_start3A_102 : memref<10240x128xf32, #tpu.memory_space<vmem_shared>>) offsets(%dma_start3A_99 : memref<128xi32, #tpu.memory_space<vmem>>) semaphore(%arg9 : memref<!tpu.dma_semaphore, #tpu.memory_space<semaphore_mem>>) {add = true}
    %dma_start3A_103 = arith.constant 11 : i32
    %dma_start3A_104 = arith.constant 0 : i32
    %dma_start3A_105 = tpu.memref_slice %arg5[%dma_start3A_103, %dma_start3A_104] : memref<16x128xi32, #tpu.memory_space<vmem>> -> memref<1x128xi32, #tpu.memory_space<vmem>>
    %dma_start3A_106 = tpu.memref_squeeze %dma_start3A_105 : memref<1x128xi32, #tpu.memory_space<vmem>> -> memref<128xi32, #tpu.memory_space<vmem>>
    %dma_start3A_107 = arith.constant 0 : i32
    %dma_start3A_108 = arith.constant 0 : i32
    %dma_start3A_109 = tpu.memref_slice %arg8[%dma_start3A_107, %dma_start3A_108] : memref<10240x128xf32, #tpu.memory_space<vmem_shared>> -> memref<10240x128xf32, #tpu.memory_space<vmem_shared>>
    tpu.enqueue_indirect_dma source(%arg7 : memref<128x128xf32, #tpu.memory_space<vmem>>) target(%dma_start3A_109 : memref<10240x128xf32, #tpu.memory_space<vmem_shared>>) offsets(%dma_start3A_106 : memref<128xi32, #tpu.memory_space<vmem>>) semaphore(%arg9 : memref<!tpu.dma_semaphore, #tpu.memory_space<semaphore_mem>>) {add = true}
    %dma_start3A_110 = arith.constant 12 : i32
    %dma_start3A_111 = arith.constant 0 : i32
    %dma_start3A_112 = tpu.memref_slice %arg5[%dma_start3A_110, %dma_start3A_111] : memref<16x128xi32, #tpu.memory_space<vmem>> -> memref<1x128xi32, #tpu.memory_space<vmem>>
    %dma_start3A_113 = tpu.memref_squeeze %dma_start3A_112 : memref<1x128xi32, #tpu.memory_space<vmem>> -> memref<128xi32, #tpu.memory_space<vmem>>
    %dma_start3A_114 = arith.constant 0 : i32
    %dma_start3A_115 = arith.constant 0 : i32
    %dma_start3A_116 = tpu.memref_slice %arg8[%dma_start3A_114, %dma_start3A_115] : memref<10240x128xf32, #tpu.memory_space<vmem_shared>> -> memref<10240x128xf32, #tpu.memory_space<vmem_shared>>
    tpu.enqueue_indirect_dma source(%arg7 : memref<128x128xf32, #tpu.memory_space<vmem>>) target(%dma_start3A_116 : memref<10240x128xf32, #tpu.memory_space<vmem_shared>>) offsets(%dma_start3A_113 : memref<128xi32, #tpu.memory_space<vmem>>) semaphore(%arg9 : memref<!tpu.dma_semaphore, #tpu.memory_space<semaphore_mem>>) {add = true}
    %dma_start3A_117 = arith.constant 13 : i32
    %dma_start3A_118 = arith.constant 0 : i32
    %dma_start3A_119 = tpu.memref_slice %arg5[%dma_start3A_117, %dma_start3A_118] : memref<16x128xi32, #tpu.memory_space<vmem>> -> memref<1x128xi32, #tpu.memory_space<vmem>>
    %dma_start3A_120 = tpu.memref_squeeze %dma_start3A_119 : memref<1x128xi32, #tpu.memory_space<vmem>> -> memref<128xi32, #tpu.memory_space<vmem>>
    %dma_start3A_121 = arith.constant 0 : i32
    %dma_start3A_122 = arith.constant 0 : i32
    %dma_start3A_123 = tpu.memref_slice %arg8[%dma_start3A_121, %dma_start3A_122] : memref<10240x128xf32, #tpu.memory_space<vmem_shared>> -> memref<10240x128xf32, #tpu.memory_space<vmem_shared>>
    tpu.enqueue_indirect_dma source(%arg7 : memref<128x128xf32, #tpu.memory_space<vmem>>) target(%dma_start3A_123 : memref<10240x128xf32, #tpu.memory_space<vmem_shared>>) offsets(%dma_start3A_120 : memref<128xi32, #tpu.memory_space<vmem>>) semaphore(%arg9 : memref<!tpu.dma_semaphore, #tpu.memory_space<semaphore_mem>>) {add = true}
    %dma_start3A_124 = arith.constant 14 : i32
    %dma_start3A_125 = arith.constant 0 : i32
    %dma_start3A_126 = tpu.memref_slice %arg5[%dma_start3A_124, %dma_start3A_125] : memref<16x128xi32, #tpu.memory_space<vmem>> -> memref<1x128xi32, #tpu.memory_space<vmem>>
    %dma_start3A_127 = tpu.memref_squeeze %dma_start3A_126 : memref<1x128xi32, #tpu.memory_space<vmem>> -> memref<128xi32, #tpu.memory_space<vmem>>
    %dma_start3A_128 = arith.constant 0 : i32
    %dma_start3A_129 = arith.constant 0 : i32
    %dma_start3A_130 = tpu.memref_slice %arg8[%dma_start3A_128, %dma_start3A_129] : memref<10240x128xf32, #tpu.memory_space<vmem_shared>> -> memref<10240x128xf32, #tpu.memory_space<vmem_shared>>
    tpu.enqueue_indirect_dma source(%arg7 : memref<128x128xf32, #tpu.memory_space<vmem>>) target(%dma_start3A_130 : memref<10240x128xf32, #tpu.memory_space<vmem_shared>>) offsets(%dma_start3A_127 : memref<128xi32, #tpu.memory_space<vmem>>) semaphore(%arg9 : memref<!tpu.dma_semaphore, #tpu.memory_space<semaphore_mem>>) {add = true}
    %dma_start3A_131 = arith.constant 15 : i32
    %dma_start3A_132 = arith.constant 0 : i32
    %dma_start3A_133 = tpu.memref_slice %arg5[%dma_start3A_131, %dma_start3A_132] : memref<16x128xi32, #tpu.memory_space<vmem>> -> memref<1x128xi32, #tpu.memory_space<vmem>>
    %dma_start3A_134 = tpu.memref_squeeze %dma_start3A_133 : memref<1x128xi32, #tpu.memory_space<vmem>> -> memref<128xi32, #tpu.memory_space<vmem>>
    %dma_start3A_135 = arith.constant 0 : i32
    %dma_start3A_136 = arith.constant 0 : i32
    %dma_start3A_137 = tpu.memref_slice %arg8[%dma_start3A_135, %dma_start3A_136] : memref<10240x128xf32, #tpu.memory_space<vmem_shared>> -> memref<10240x128xf32, #tpu.memory_space<vmem_shared>>
    tpu.enqueue_indirect_dma source(%arg7 : memref<128x128xf32, #tpu.memory_space<vmem>>) target(%dma_start3A_137 : memref<10240x128xf32, #tpu.memory_space<vmem_shared>>) offsets(%dma_start3A_134 : memref<128xi32, #tpu.memory_space<vmem>>) semaphore(%arg9 : memref<!tpu.dma_semaphore, #tpu.memory_space<semaphore_mem>>) {add = true}
    %dma_wait3A = arith.constant 0 : i32
    %dma_wait3A_138 = arith.constant 0 : i32
    %dma_wait3A_139 = tpu.memref_slice %arg3[%dma_wait3A, %dma_wait3A_138] : memref<640x128xf32, #tpu.memory_space<hbm>> -> memref<128x128xf32, #tpu.memory_space<hbm>>
    %dma_wait3A_140 = arith.constant 0 : i32
    %dma_wait3A_141 = arith.constant 0 : i32
    %dma_wait3A_142 = tpu.memref_slice %arg3[%dma_wait3A_140, %dma_wait3A_141] : memref<640x128xf32, #tpu.memory_space<hbm>> -> memref<128x128xf32, #tpu.memory_space<hbm>>
    tpu.wait_dma2 semaphore(%arg9 : memref<!tpu.dma_semaphore, #tpu.memory_space<semaphore_mem>>) src(%dma_wait3A_142 : memref<128x128xf32, #tpu.memory_space<hbm>>) dst(%arg7 : memref<128x128xf32, #tpu.memory_space<vmem>>)
    %dma_wait3A_143 = arith.constant 0 : i32
    %dma_wait3A_144 = arith.constant 0 : i32
    %dma_wait3A_145 = tpu.memref_slice %arg3[%dma_wait3A_143, %dma_wait3A_144] : memref<640x128xf32, #tpu.memory_space<hbm>> -> memref<128x128xf32, #tpu.memory_space<hbm>>
    %dma_wait3A_146 = arith.constant 0 : i32
    %dma_wait3A_147 = arith.constant 0 : i32
    %dma_wait3A_148 = tpu.memref_slice %arg3[%dma_wait3A_146, %dma_wait3A_147] : memref<640x128xf32, #tpu.memory_space<hbm>> -> memref<128x128xf32, #tpu.memory_space<hbm>>
    tpu.wait_dma2 semaphore(%arg9 : memref<!tpu.dma_semaphore, #tpu.memory_space<semaphore_mem>>) src(%dma_wait3A_148 : memref<128x128xf32, #tpu.memory_space<hbm>>) dst(%arg7 : memref<128x128xf32, #tpu.memory_space<vmem>>)
    %dma_wait3A_149 = arith.constant 0 : i32
    %dma_wait3A_150 = arith.constant 0 : i32
    %dma_wait3A_151 = tpu.memref_slice %arg3[%dma_wait3A_149, %dma_wait3A_150] : memref<640x128xf32, #tpu.memory_space<hbm>> -> memref<128x128xf32, #tpu.memory_space<hbm>>
    %dma_wait3A_152 = arith.constant 0 : i32
    %dma_wait3A_153 = arith.constant 0 : i32
    %dma_wait3A_154 = tpu.memref_slice %arg3[%dma_wait3A_152, %dma_wait3A_153] : memref<640x128xf32, #tpu.memory_space<hbm>> -> memref<128x128xf32, #tpu.memory_space<hbm>>
    tpu.wait_dma2 semaphore(%arg9 : memref<!tpu.dma_semaphore, #tpu.memory_space<semaphore_mem>>) src(%dma_wait3A_154 : memref<128x128xf32, #tpu.memory_space<hbm>>) dst(%arg7 : memref<128x128xf32, #tpu.memory_space<vmem>>)
    %dma_wait3A_155 = arith.constant 0 : i32
    %dma_wait3A_156 = arith.constant 0 : i32
    %dma_wait3A_157 = tpu.memref_slice %arg3[%dma_wait3A_155, %dma_wait3A_156] : memref<640x128xf32, #tpu.memory_space<hbm>> -> memref<128x128xf32, #tpu.memory_space<hbm>>
    %dma_wait3A_158 = arith.constant 0 : i32
    %dma_wait3A_159 = arith.constant 0 : i32
    %dma_wait3A_160 = tpu.memref_slice %arg3[%dma_wait3A_158, %dma_wait3A_159] : memref<640x128xf32, #tpu.memory_space<hbm>> -> memref<128x128xf32, #tpu.memory_space<hbm>>
    tpu.wait_dma2 semaphore(%arg9 : memref<!tpu.dma_semaphore, #tpu.memory_space<semaphore_mem>>) src(%dma_wait3A_160 : memref<128x128xf32, #tpu.memory_space<hbm>>) dst(%arg7 : memref<128x128xf32, #tpu.memory_space<vmem>>)
    %dma_wait3A_161 = arith.constant 0 : i32
    %dma_wait3A_162 = arith.constant 0 : i32
    %dma_wait3A_163 = tpu.memref_slice %arg3[%dma_wait3A_161, %dma_wait3A_162] : memref<640x128xf32, #tpu.memory_space<hbm>> -> memref<128x128xf32, #tpu.memory_space<hbm>>
    %dma_wait3A_164 = arith.constant 0 : i32
    %dma_wait3A_165 = arith.constant 0 : i32
    %dma_wait3A_166 = tpu.memref_slice %arg3[%dma_wait3A_164, %dma_wait3A_165] : memref<640x128xf32, #tpu.memory_space<hbm>> -> memref<128x128xf32, #tpu.memory_space<hbm>>
    tpu.wait_dma2 semaphore(%arg9 : memref<!tpu.dma_semaphore, #tpu.memory_space<semaphore_mem>>) src(%dma_wait3A_166 : memref<128x128xf32, #tpu.memory_space<hbm>>) dst(%arg7 : memref<128x128xf32, #tpu.memory_space<vmem>>)
    %dma_wait3A_167 = arith.constant 0 : i32
    %dma_wait3A_168 = arith.constant 0 : i32
    %dma_wait3A_169 = tpu.memref_slice %arg3[%dma_wait3A_167, %dma_wait3A_168] : memref<640x128xf32, #tpu.memory_space<hbm>> -> memref<128x128xf32, #tpu.memory_space<hbm>>
    %dma_wait3A_170 = arith.constant 0 : i32
    %dma_wait3A_171 = arith.constant 0 : i32
    %dma_wait3A_172 = tpu.memref_slice %arg3[%dma_wait3A_170, %dma_wait3A_171] : memref<640x128xf32, #tpu.memory_space<hbm>> -> memref<128x128xf32, #tpu.memory_space<hbm>>
    tpu.wait_dma2 semaphore(%arg9 : memref<!tpu.dma_semaphore, #tpu.memory_space<semaphore_mem>>) src(%dma_wait3A_172 : memref<128x128xf32, #tpu.memory_space<hbm>>) dst(%arg7 : memref<128x128xf32, #tpu.memory_space<vmem>>)
    %dma_wait3A_173 = arith.constant 0 : i32
    %dma_wait3A_174 = arith.constant 0 : i32
    %dma_wait3A_175 = tpu.memref_slice %arg3[%dma_wait3A_173, %dma_wait3A_174] : memref<640x128xf32, #tpu.memory_space<hbm>> -> memref<128x128xf32, #tpu.memory_space<hbm>>
    %dma_wait3A_176 = arith.constant 0 : i32
    %dma_wait3A_177 = arith.constant 0 : i32
    %dma_wait3A_178 = tpu.memref_slice %arg3[%dma_wait3A_176, %dma_wait3A_177] : memref<640x128xf32, #tpu.memory_space<hbm>> -> memref<128x128xf32, #tpu.memory_space<hbm>>
    tpu.wait_dma2 semaphore(%arg9 : memref<!tpu.dma_semaphore, #tpu.memory_space<semaphore_mem>>) src(%dma_wait3A_178 : memref<128x128xf32, #tpu.memory_space<hbm>>) dst(%arg7 : memref<128x128xf32, #tpu.memory_space<vmem>>)
    %dma_wait3A_179 = arith.constant 0 : i32
    %dma_wait3A_180 = arith.constant 0 : i32
    %dma_wait3A_181 = tpu.memref_slice %arg3[%dma_wait3A_179, %dma_wait3A_180] : memref<640x128xf32, #tpu.memory_space<hbm>> -> memref<128x128xf32, #tpu.memory_space<hbm>>
    %dma_wait3A_182 = arith.constant 0 : i32
    %dma_wait3A_183 = arith.constant 0 : i32
    %dma_wait3A_184 = tpu.memref_slice %arg3[%dma_wait3A_182, %dma_wait3A_183] : memref<640x128xf32, #tpu.memory_space<hbm>> -> memref<128x128xf32, #tpu.memory_space<hbm>>
    tpu.wait_dma2 semaphore(%arg9 : memref<!tpu.dma_semaphore, #tpu.memory_space<semaphore_mem>>) src(%dma_wait3A_184 : memref<128x128xf32, #tpu.memory_space<hbm>>) dst(%arg7 : memref<128x128xf32, #tpu.memory_space<vmem>>)
    %dma_wait3A_185 = arith.constant 0 : i32
    %dma_wait3A_186 = arith.constant 0 : i32
    %dma_wait3A_187 = tpu.memref_slice %arg3[%dma_wait3A_185, %dma_wait3A_186] : memref<640x128xf32, #tpu.memory_space<hbm>> -> memref<128x128xf32, #tpu.memory_space<hbm>>
    %dma_wait3A_188 = arith.constant 0 : i32
    %dma_wait3A_189 = arith.constant 0 : i32
    %dma_wait3A_190 = tpu.memref_slice %arg3[%dma_wait3A_188, %dma_wait3A_189] : memref<640x128xf32, #tpu.memory_space<hbm>> -> memref<128x128xf32, #tpu.memory_space<hbm>>
    tpu.wait_dma2 semaphore(%arg9 : memref<!tpu.dma_semaphore, #tpu.memory_space<semaphore_mem>>) src(%dma_wait3A_190 : memref<128x128xf32, #tpu.memory_space<hbm>>) dst(%arg7 : memref<128x128xf32, #tpu.memory_space<vmem>>)
    %dma_wait3A_191 = arith.constant 0 : i32
    %dma_wait3A_192 = arith.constant 0 : i32
    %dma_wait3A_193 = tpu.memref_slice %arg3[%dma_wait3A_191, %dma_wait3A_192] : memref<640x128xf32, #tpu.memory_space<hbm>> -> memref<128x128xf32, #tpu.memory_space<hbm>>
    %dma_wait3A_194 = arith.constant 0 : i32
    %dma_wait3A_195 = arith.constant 0 : i32
    %dma_wait3A_196 = tpu.memref_slice %arg3[%dma_wait3A_194, %dma_wait3A_195] : memref<640x128xf32, #tpu.memory_space<hbm>> -> memref<128x128xf32, #tpu.memory_space<hbm>>
    tpu.wait_dma2 semaphore(%arg9 : memref<!tpu.dma_semaphore, #tpu.memory_space<semaphore_mem>>) src(%dma_wait3A_196 : memref<128x128xf32, #tpu.memory_space<hbm>>) dst(%arg7 : memref<128x128xf32, #tpu.memory_space<vmem>>)
    %dma_wait3A_197 = arith.constant 0 : i32
    %dma_wait3A_198 = arith.constant 0 : i32
    %dma_wait3A_199 = tpu.memref_slice %arg3[%dma_wait3A_197, %dma_wait3A_198] : memref<640x128xf32, #tpu.memory_space<hbm>> -> memref<128x128xf32, #tpu.memory_space<hbm>>
    %dma_wait3A_200 = arith.constant 0 : i32
    %dma_wait3A_201 = arith.constant 0 : i32
    %dma_wait3A_202 = tpu.memref_slice %arg3[%dma_wait3A_200, %dma_wait3A_201] : memref<640x128xf32, #tpu.memory_space<hbm>> -> memref<128x128xf32, #tpu.memory_space<hbm>>
    tpu.wait_dma2 semaphore(%arg9 : memref<!tpu.dma_semaphore, #tpu.memory_space<semaphore_mem>>) src(%dma_wait3A_202 : memref<128x128xf32, #tpu.memory_space<hbm>>) dst(%arg7 : memref<128x128xf32, #tpu.memory_space<vmem>>)
    %dma_wait3A_203 = arith.constant 0 : i32
    %dma_wait3A_204 = arith.constant 0 : i32
    %dma_wait3A_205 = tpu.memref_slice %arg3[%dma_wait3A_203, %dma_wait3A_204] : memref<640x128xf32, #tpu.memory_space<hbm>> -> memref<128x128xf32, #tpu.memory_space<hbm>>
    %dma_wait3A_206 = arith.constant 0 : i32
    %dma_wait3A_207 = arith.constant 0 : i32
    %dma_wait3A_208 = tpu.memref_slice %arg3[%dma_wait3A_206, %dma_wait3A_207] : memref<640x128xf32, #tpu.memory_space<hbm>> -> memref<128x128xf32, #tpu.memory_space<hbm>>
    tpu.wait_dma2 semaphore(%arg9 : memref<!tpu.dma_semaphore, #tpu.memory_space<semaphore_mem>>) src(%dma_wait3A_208 : memref<128x128xf32, #tpu.memory_space<hbm>>) dst(%arg7 : memref<128x128xf32, #tpu.memory_space<vmem>>)
    %dma_wait3A_209 = arith.constant 0 : i32
    %dma_wait3A_210 = arith.constant 0 : i32
    %dma_wait3A_211 = tpu.memref_slice %arg3[%dma_wait3A_209, %dma_wait3A_210] : memref<640x128xf32, #tpu.memory_space<hbm>> -> memref<128x128xf32, #tpu.memory_space<hbm>>
    %dma_wait3A_212 = arith.constant 0 : i32
    %dma_wait3A_213 = arith.constant 0 : i32
    %dma_wait3A_214 = tpu.memref_slice %arg3[%dma_wait3A_212, %dma_wait3A_213] : memref<640x128xf32, #tpu.memory_space<hbm>> -> memref<128x128xf32, #tpu.memory_space<hbm>>
    tpu.wait_dma2 semaphore(%arg9 : memref<!tpu.dma_semaphore, #tpu.memory_space<semaphore_mem>>) src(%dma_wait3A_214 : memref<128x128xf32, #tpu.memory_space<hbm>>) dst(%arg7 : memref<128x128xf32, #tpu.memory_space<vmem>>)
    %dma_wait3A_215 = arith.constant 0 : i32
    %dma_wait3A_216 = arith.constant 0 : i32
    %dma_wait3A_217 = tpu.memref_slice %arg3[%dma_wait3A_215, %dma_wait3A_216] : memref<640x128xf32, #tpu.memory_space<hbm>> -> memref<128x128xf32, #tpu.memory_space<hbm>>
    %dma_wait3A_218 = arith.constant 0 : i32
    %dma_wait3A_219 = arith.constant 0 : i32
    %dma_wait3A_220 = tpu.memref_slice %arg3[%dma_wait3A_218, %dma_wait3A_219] : memref<640x128xf32, #tpu.memory_space<hbm>> -> memref<128x128xf32, #tpu.memory_space<hbm>>
    tpu.wait_dma2 semaphore(%arg9 : memref<!tpu.dma_semaphore, #tpu.memory_space<semaphore_mem>>) src(%dma_wait3A_220 : memref<128x128xf32, #tpu.memory_space<hbm>>) dst(%arg7 : memref<128x128xf32, #tpu.memory_space<vmem>>)
    %dma_wait3A_221 = arith.constant 0 : i32
    %dma_wait3A_222 = arith.constant 0 : i32
    %dma_wait3A_223 = tpu.memref_slice %arg3[%dma_wait3A_221, %dma_wait3A_222] : memref<640x128xf32, #tpu.memory_space<hbm>> -> memref<128x128xf32, #tpu.memory_space<hbm>>
    %dma_wait3A_224 = arith.constant 0 : i32
    %dma_wait3A_225 = arith.constant 0 : i32
    %dma_wait3A_226 = tpu.memref_slice %arg3[%dma_wait3A_224, %dma_wait3A_225] : memref<640x128xf32, #tpu.memory_space<hbm>> -> memref<128x128xf32, #tpu.memory_space<hbm>>
    tpu.wait_dma2 semaphore(%arg9 : memref<!tpu.dma_semaphore, #tpu.memory_space<semaphore_mem>>) src(%dma_wait3A_226 : memref<128x128xf32, #tpu.memory_space<hbm>>) dst(%arg7 : memref<128x128xf32, #tpu.memory_space<vmem>>)
    %dma_wait3A_227 = arith.constant 0 : i32
    %dma_wait3A_228 = arith.constant 0 : i32
    %dma_wait3A_229 = tpu.memref_slice %arg3[%dma_wait3A_227, %dma_wait3A_228] : memref<640x128xf32, #tpu.memory_space<hbm>> -> memref<128x128xf32, #tpu.memory_space<hbm>>
    %dma_wait3A_230 = arith.constant 0 : i32
    %dma_wait3A_231 = arith.constant 0 : i32
    %dma_wait3A_232 = tpu.memref_slice %arg3[%dma_wait3A_230, %dma_wait3A_231] : memref<640x128xf32, #tpu.memory_space<hbm>> -> memref<128x128xf32, #tpu.memory_space<hbm>>
    tpu.wait_dma2 semaphore(%arg9 : memref<!tpu.dma_semaphore, #tpu.memory_space<semaphore_mem>>) src(%dma_wait3A_232 : memref<128x128xf32, #tpu.memory_space<hbm>>) dst(%arg7 : memref<128x128xf32, #tpu.memory_space<vmem>>)
    %dma_start3A_233 = arith.constant 2 : i32
    %dma_start3A_234 = arith.constant 0 : i32
    %dma_start3A_235 = arith.constant 0 : i32
    %dma_start3A_236 = arith.constant 0 : i32
    %dma_start3A_237 = tpu.memref_slice %arg2[%add3A, %dma_start3A_234, %dma_start3A_235, %dma_start3A_236] : memref<32x5x16x128xi32, #tpu.memory_space<hbm>> -> memref<1x5x16x128xi32, #tpu.memory_space<hbm>>
    %dma_start3A_238 = tpu.memref_squeeze %dma_start3A_237 : memref<1x5x16x128xi32, #tpu.memory_space<hbm>> -> memref<5x16x128xi32, #tpu.memory_space<hbm>>
    %dma_start3A_239 = arith.constant 0 : i32
    %dma_start3A_240 = arith.constant 0 : i32
    %dma_start3A_241 = tpu.memref_slice %dma_start3A_238[%dma_start3A_233, %dma_start3A_239, %dma_start3A_240] : memref<5x16x128xi32, #tpu.memory_space<hbm>> -> memref<1x16x128xi32, #tpu.memory_space<hbm>>
    %dma_start3A_242 = tpu.memref_squeeze %dma_start3A_241 : memref<1x16x128xi32, #tpu.memory_space<hbm>> -> memref<16x128xi32, #tpu.memory_space<hbm>>
    %dma_start3A_243 = arith.constant 0 : i32
    %dma_start3A_244 = arith.constant 0 : i32
    %dma_start3A_245 = arith.constant 0 : i32
    %dma_start3A_246 = tpu.memref_slice %arg2[%add3A, %dma_start3A_243, %dma_start3A_244, %dma_start3A_245] : memref<32x5x16x128xi32, #tpu.memory_space<hbm>> -> memref<1x5x16x128xi32, #tpu.memory_space<hbm>>
    %dma_start3A_247 = tpu.memref_squeeze %dma_start3A_246 : memref<1x5x16x128xi32, #tpu.memory_space<hbm>> -> memref<5x16x128xi32, #tpu.memory_space<hbm>>
    %dma_start3A_248 = arith.constant 0 : i32
    %dma_start3A_249 = arith.constant 0 : i32
    %dma_start3A_250 = tpu.memref_slice %dma_start3A_247[%dma_start3A_233, %dma_start3A_248, %dma_start3A_249] : memref<5x16x128xi32, #tpu.memory_space<hbm>> -> memref<1x16x128xi32, #tpu.memory_space<hbm>>
    %dma_start3A_251 = tpu.memref_squeeze %dma_start3A_250 : memref<1x16x128xi32, #tpu.memory_space<hbm>> -> memref<16x128xi32, #tpu.memory_space<hbm>>
    tpu.enqueue_dma source(%dma_start3A_251 : memref<16x128xi32, #tpu.memory_space<hbm>>) target(%arg5 : memref<16x128xi32, #tpu.memory_space<vmem>>) target_semaphore(%arg10 : memref<!tpu.dma_semaphore, #tpu.memory_space<semaphore_mem>>)
    %dma_wait3A_252 = arith.constant 0 : i32
    %dma_wait3A_253 = arith.constant 0 : i32
    %dma_wait3A_254 = arith.constant 0 : i32
    %dma_wait3A_255 = arith.constant 0 : i32
    %dma_wait3A_256 = tpu.memref_slice %arg2[%add3A, %dma_wait3A_253, %dma_wait3A_254, %dma_wait3A_255] : memref<32x5x16x128xi32, #tpu.memory_space<hbm>> -> memref<1x5x16x128xi32, #tpu.memory_space<hbm>>
    %dma_wait3A_257 = tpu.memref_squeeze %dma_wait3A_256 : memref<1x5x16x128xi32, #tpu.memory_space<hbm>> -> memref<5x16x128xi32, #tpu.memory_space<hbm>>
    %dma_wait3A_258 = arith.constant 0 : i32
    %dma_wait3A_259 = arith.constant 0 : i32
    %dma_wait3A_260 = tpu.memref_slice %dma_wait3A_257[%dma_wait3A_252, %dma_wait3A_258, %dma_wait3A_259] : memref<5x16x128xi32, #tpu.memory_space<hbm>> -> memref<1x16x128xi32, #tpu.memory_space<hbm>>
    %dma_wait3A_261 = tpu.memref_squeeze %dma_wait3A_260 : memref<1x16x128xi32, #tpu.memory_space<hbm>> -> memref<16x128xi32, #tpu.memory_space<hbm>>
    %dma_wait3A_262 = arith.constant 0 : i32
    %dma_wait3A_263 = arith.constant 0 : i32
    %dma_wait3A_264 = arith.constant 0 : i32
    %dma_wait3A_265 = tpu.memref_slice %arg2[%add3A, %dma_wait3A_262, %dma_wait3A_263, %dma_wait3A_264] : memref<32x5x16x128xi32, #tpu.memory_space<hbm>> -> memref<1x5x16x128xi32, #tpu.memory_space<hbm>>
    %dma_wait3A_266 = tpu.memref_squeeze %dma_wait3A_265 : memref<1x5x16x128xi32, #tpu.memory_space<hbm>> -> memref<5x16x128xi32, #tpu.memory_space<hbm>>
    %dma_wait3A_267 = arith.constant 0 : i32
    %dma_wait3A_268 = arith.constant 0 : i32
    %dma_wait3A_269 = tpu.memref_slice %dma_wait3A_266[%dma_wait3A_252, %dma_wait3A_267, %dma_wait3A_268] : memref<5x16x128xi32, #tpu.memory_space<hbm>> -> memref<1x16x128xi32, #tpu.memory_space<hbm>>
    %dma_wait3A_270 = tpu.memref_squeeze %dma_wait3A_269 : memref<1x16x128xi32, #tpu.memory_space<hbm>> -> memref<16x128xi32, #tpu.memory_space<hbm>>
    tpu.wait_dma2 semaphore(%arg11 : memref<!tpu.dma_semaphore, #tpu.memory_space<semaphore_mem>>) src(%dma_wait3A_270 : memref<16x128xi32, #tpu.memory_space<hbm>>) dst(%arg6 : memref<16x128xi32, #tpu.memory_space<vmem>>)
    %dma_start3A_271 = arith.constant 0 : i32
    %dma_start3A_272 = arith.constant 0 : i32
    %dma_start3A_273 = tpu.memref_slice %arg6[%dma_start3A_271, %dma_start3A_272] : memref<16x128xi32, #tpu.memory_space<vmem>> -> memref<1x128xi32, #tpu.memory_space<vmem>>
    %dma_start3A_274 = tpu.memref_squeeze %dma_start3A_273 : memref<1x128xi32, #tpu.memory_space<vmem>> -> memref<128xi32, #tpu.memory_space<vmem>>
    %dma_start3A_275 = arith.constant 0 : i32
    %dma_start3A_276 = arith.constant 0 : i32
    %dma_start3A_277 = tpu.memref_slice %arg8[%dma_start3A_275, %dma_start3A_276] : memref<10240x128xf32, #tpu.memory_space<vmem_shared>> -> memref<10240x128xf32, #tpu.memory_space<vmem_shared>>
    tpu.enqueue_indirect_dma source(%arg7 : memref<128x128xf32, #tpu.memory_space<vmem>>) target(%dma_start3A_277 : memref<10240x128xf32, #tpu.memory_space<vmem_shared>>) offsets(%dma_start3A_274 : memref<128xi32, #tpu.memory_space<vmem>>) semaphore(%arg9 : memref<!tpu.dma_semaphore, #tpu.memory_space<semaphore_mem>>) {add = true}
    %dma_start3A_278 = arith.constant 1 : i32
    %dma_start3A_279 = arith.constant 0 : i32
    %dma_start3A_280 = tpu.memref_slice %arg6[%dma_start3A_278, %dma_start3A_279] : memref<16x128xi32, #tpu.memory_space<vmem>> -> memref<1x128xi32, #tpu.memory_space<vmem>>
    %dma_start3A_281 = tpu.memref_squeeze %dma_start3A_280 : memref<1x128xi32, #tpu.memory_space<vmem>> -> memref<128xi32, #tpu.memory_space<vmem>>
    %dma_start3A_282 = arith.constant 0 : i32
    %dma_start3A_283 = arith.constant 0 : i32
    %dma_start3A_284 = tpu.memref_slice %arg8[%dma_start3A_282, %dma_start3A_283] : memref<10240x128xf32, #tpu.memory_space<vmem_shared>> -> memref<10240x128xf32, #tpu.memory_space<vmem_shared>>
    tpu.enqueue_indirect_dma source(%arg7 : memref<128x128xf32, #tpu.memory_space<vmem>>) target(%dma_start3A_284 : memref<10240x128xf32, #tpu.memory_space<vmem_shared>>) offsets(%dma_start3A_281 : memref<128xi32, #tpu.memory_space<vmem>>) semaphore(%arg9 : memref<!tpu.dma_semaphore, #tpu.memory_space<semaphore_mem>>) {add = true}
    %dma_start3A_285 = arith.constant 2 : i32
    %dma_start3A_286 = arith.constant 0 : i32
    %dma_start3A_287 = tpu.memref_slice %arg6[%dma_start3A_285, %dma_start3A_286] : memref<16x128xi32, #tpu.memory_space<vmem>> -> memref<1x128xi32, #tpu.memory_space<vmem>>
    %dma_start3A_288 = tpu.memref_squeeze %dma_start3A_287 : memref<1x128xi32, #tpu.memory_space<vmem>> -> memref<128xi32, #tpu.memory_space<vmem>>
    %dma_start3A_289 = arith.constant 0 : i32
    %dma_start3A_290 = arith.constant 0 : i32
    %dma_start3A_291 = tpu.memref_slice %arg8[%dma_start3A_289, %dma_start3A_290] : memref<10240x128xf32, #tpu.memory_space<vmem_shared>> -> memref<10240x128xf32, #tpu.memory_space<vmem_shared>>
    tpu.enqueue_indirect_dma source(%arg7 : memref<128x128xf32, #tpu.memory_space<vmem>>) target(%dma_start3A_291 : memref<10240x128xf32, #tpu.memory_space<vmem_shared>>) offsets(%dma_start3A_288 : memref<128xi32, #tpu.memory_space<vmem>>) semaphore(%arg9 : memref<!tpu.dma_semaphore, #tpu.memory_space<semaphore_mem>>) {add = true}
    %dma_start3A_292 = arith.constant 3 : i32
    %dma_start3A_293 = arith.constant 0 : i32
    %dma_start3A_294 = tpu.memref_slice %arg6[%dma_start3A_292, %dma_start3A_293] : memref<16x128xi32, #tpu.memory_space<vmem>> -> memref<1x128xi32, #tpu.memory_space<vmem>>
    %dma_start3A_295 = tpu.memref_squeeze %dma_start3A_294 : memref<1x128xi32, #tpu.memory_space<vmem>> -> memref<128xi32, #tpu.memory_space<vmem>>
    %dma_start3A_296 = arith.constant 0 : i32
    %dma_start3A_297 = arith.constant 0 : i32
    %dma_start3A_298 = tpu.memref_slice %arg8[%dma_start3A_296, %dma_start3A_297] : memref<10240x128xf32, #tpu.memory_space<vmem_shared>> -> memref<10240x128xf32, #tpu.memory_space<vmem_shared>>
    tpu.enqueue_indirect_dma source(%arg7 : memref<128x128xf32, #tpu.memory_space<vmem>>) target(%dma_start3A_298 : memref<10240x128xf32, #tpu.memory_space<vmem_shared>>) offsets(%dma_start3A_295 : memref<128xi32, #tpu.memory_space<vmem>>) semaphore(%arg9 : memref<!tpu.dma_semaphore, #tpu.memory_space<semaphore_mem>>) {add = true}
    %dma_start3A_299 = arith.constant 4 : i32
    %dma_start3A_300 = arith.constant 0 : i32
    %dma_start3A_301 = tpu.memref_slice %arg6[%dma_start3A_299, %dma_start3A_300] : memref<16x128xi32, #tpu.memory_space<vmem>> -> memref<1x128xi32, #tpu.memory_space<vmem>>
    %dma_start3A_302 = tpu.memref_squeeze %dma_start3A_301 : memref<1x128xi32, #tpu.memory_space<vmem>> -> memref<128xi32, #tpu.memory_space<vmem>>
    %dma_start3A_303 = arith.constant 0 : i32
    %dma_start3A_304 = arith.constant 0 : i32
    %dma_start3A_305 = tpu.memref_slice %arg8[%dma_start3A_303, %dma_start3A_304] : memref<10240x128xf32, #tpu.memory_space<vmem_shared>> -> memref<10240x128xf32, #tpu.memory_space<vmem_shared>>
    tpu.enqueue_indirect_dma source(%arg7 : memref<128x128xf32, #tpu.memory_space<vmem>>) target(%dma_start3A_305 : memref<10240x128xf32, #tpu.memory_space<vmem_shared>>) offsets(%dma_start3A_302 : memref<128xi32, #tpu.memory_space<vmem>>) semaphore(%arg9 : memref<!tpu.dma_semaphore, #tpu.memory_space<semaphore_mem>>) {add = true}
    %dma_start3A_306 = arith.constant 5 : i32
    %dma_start3A_307 = arith.constant 0 : i32
    %dma_start3A_308 = tpu.memref_slice %arg6[%dma_start3A_306, %dma_start3A_307] : memref<16x128xi32, #tpu.memory_space<vmem>> -> memref<1x128xi32, #tpu.memory_space<vmem>>
    %dma_start3A_309 = tpu.memref_squeeze %dma_start3A_308 : memref<1x128xi32, #tpu.memory_space<vmem>> -> memref<128xi32, #tpu.memory_space<vmem>>
    %dma_start3A_310 = arith.constant 0 : i32
    %dma_start3A_311 = arith.constant 0 : i32
    %dma_start3A_312 = tpu.memref_slice %arg8[%dma_start3A_310, %dma_start3A_311] : memref<10240x128xf32, #tpu.memory_space<vmem_shared>> -> memref<10240x128xf32, #tpu.memory_space<vmem_shared>>
    tpu.enqueue_indirect_dma source(%arg7 : memref<128x128xf32, #tpu.memory_space<vmem>>) target(%dma_start3A_312 : memref<10240x128xf32, #tpu.memory_space<vmem_shared>>) offsets(%dma_start3A_309 : memref<128xi32, #tpu.memory_space<vmem>>) semaphore(%arg9 : memref<!tpu.dma_semaphore, #tpu.memory_space<semaphore_mem>>) {add = true}
    %dma_start3A_313 = arith.constant 6 : i32
    %dma_start3A_314 = arith.constant 0 : i32
    %dma_start3A_315 = tpu.memref_slice %arg6[%dma_start3A_313, %dma_start3A_314] : memref<16x128xi32, #tpu.memory_space<vmem>> -> memref<1x128xi32, #tpu.memory_space<vmem>>
    %dma_start3A_316 = tpu.memref_squeeze %dma_start3A_315 : memref<1x128xi32, #tpu.memory_space<vmem>> -> memref<128xi32, #tpu.memory_space<vmem>>
    %dma_start3A_317 = arith.constant 0 : i32
    %dma_start3A_318 = arith.constant 0 : i32
    %dma_start3A_319 = tpu.memref_slice %arg8[%dma_start3A_317, %dma_start3A_318] : memref<10240x128xf32, #tpu.memory_space<vmem_shared>> -> memref<10240x128xf32, #tpu.memory_space<vmem_shared>>
    tpu.enqueue_indirect_dma source(%arg7 : memref<128x128xf32, #tpu.memory_space<vmem>>) target(%dma_start3A_319 : memref<10240x128xf32, #tpu.memory_space<vmem_shared>>) offsets(%dma_start3A_316 : memref<128xi32, #tpu.memory_space<vmem>>) semaphore(%arg9 : memref<!tpu.dma_semaphore, #tpu.memory_space<semaphore_mem>>) {add = true}
    %dma_start3A_320 = arith.constant 7 : i32
    %dma_start3A_321 = arith.constant 0 : i32
    %dma_start3A_322 = tpu.memref_slice %arg6[%dma_start3A_320, %dma_start3A_321] : memref<16x128xi32, #tpu.memory_space<vmem>> -> memref<1x128xi32, #tpu.memory_space<vmem>>
    %dma_start3A_323 = tpu.memref_squeeze %dma_start3A_322 : memref<1x128xi32, #tpu.memory_space<vmem>> -> memref<128xi32, #tpu.memory_space<vmem>>
    %dma_start3A_324 = arith.constant 0 : i32
    %dma_start3A_325 = arith.constant 0 : i32
    %dma_start3A_326 = tpu.memref_slice %arg8[%dma_start3A_324, %dma_start3A_325] : memref<10240x128xf32, #tpu.memory_space<vmem_shared>> -> memref<10240x128xf32, #tpu.memory_space<vmem_shared>>
    tpu.enqueue_indirect_dma source(%arg7 : memref<128x128xf32, #tpu.memory_space<vmem>>) target(%dma_start3A_326 : memref<10240x128xf32, #tpu.memory_space<vmem_shared>>) offsets(%dma_start3A_323 : memref<128xi32, #tpu.memory_space<vmem>>) semaphore(%arg9 : memref<!tpu.dma_semaphore, #tpu.memory_space<semaphore_mem>>) {add = true}
    %dma_start3A_327 = arith.constant 8 : i32
    %dma_start3A_328 = arith.constant 0 : i32
    %dma_start3A_329 = tpu.memref_slice %arg6[%dma_start3A_327, %dma_start3A_328] : memref<16x128xi32, #tpu.memory_space<vmem>> -> memref<1x128xi32, #tpu.memory_space<vmem>>
    %dma_start3A_330 = tpu.memref_squeeze %dma_start3A_329 : memref<1x128xi32, #tpu.memory_space<vmem>> -> memref<128xi32, #tpu.memory_space<vmem>>
    %dma_start3A_331 = arith.constant 0 : i32
    %dma_start3A_332 = arith.constant 0 : i32
    %dma_start3A_333 = tpu.memref_slice %arg8[%dma_start3A_331, %dma_start3A_332] : memref<10240x128xf32, #tpu.memory_space<vmem_shared>> -> memref<10240x128xf32, #tpu.memory_space<vmem_shared>>
    tpu.enqueue_indirect_dma source(%arg7 : memref<128x128xf32, #tpu.memory_space<vmem>>) target(%dma_start3A_333 : memref<10240x128xf32, #tpu.memory_space<vmem_shared>>) offsets(%dma_start3A_330 : memref<128xi32, #tpu.memory_space<vmem>>) semaphore(%arg9 : memref<!tpu.dma_semaphore, #tpu.memory_space<semaphore_mem>>) {add = true}
    %dma_start3A_334 = arith.constant 9 : i32
    %dma_start3A_335 = arith.constant 0 : i32
    %dma_start3A_336 = tpu.memref_slice %arg6[%dma_start3A_334, %dma_start3A_335] : memref<16x128xi32, #tpu.memory_space<vmem>> -> memref<1x128xi32, #tpu.memory_space<vmem>>
    %dma_start3A_337 = tpu.memref_squeeze %dma_start3A_336 : memref<1x128xi32, #tpu.memory_space<vmem>> -> memref<128xi32, #tpu.memory_space<vmem>>
    %dma_start3A_338 = arith.constant 0 : i32
    %dma_start3A_339 = arith.constant 0 : i32
    %dma_start3A_340 = tpu.memref_slice %arg8[%dma_start3A_338, %dma_start3A_339] : memref<10240x128xf32, #tpu.memory_space<vmem_shared>> -> memref<10240x128xf32, #tpu.memory_space<vmem_shared>>
    tpu.enqueue_indirect_dma source(%arg7 : memref<128x128xf32, #tpu.memory_space<vmem>>) target(%dma_start3A_340 : memref<10240x128xf32, #tpu.memory_space<vmem_shared>>) offsets(%dma_start3A_337 : memref<128xi32, #tpu.memory_space<vmem>>) semaphore(%arg9 : memref<!tpu.dma_semaphore, #tpu.memory_space<semaphore_mem>>) {add = true}
    %dma_start3A_341 = arith.constant 10 : i32
    %dma_start3A_342 = arith.constant 0 : i32
    %dma_start3A_343 = tpu.memref_slice %arg6[%dma_start3A_341, %dma_start3A_342] : memref<16x128xi32, #tpu.memory_space<vmem>> -> memref<1x128xi32, #tpu.memory_space<vmem>>
    %dma_start3A_344 = tpu.memref_squeeze %dma_start3A_343 : memref<1x128xi32, #tpu.memory_space<vmem>> -> memref<128xi32, #tpu.memory_space<vmem>>
    %dma_start3A_345 = arith.constant 0 : i32
    %dma_start3A_346 = arith.constant 0 : i32
    %dma_start3A_347 = tpu.memref_slice %arg8[%dma_start3A_345, %dma_start3A_346] : memref<10240x128xf32, #tpu.memory_space<vmem_shared>> -> memref<10240x128xf32, #tpu.memory_space<vmem_shared>>
    tpu.enqueue_indirect_dma source(%arg7 : memref<128x128xf32, #tpu.memory_space<vmem>>) target(%dma_start3A_347 : memref<10240x128xf32, #tpu.memory_space<vmem_shared>>) offsets(%dma_start3A_344 : memref<128xi32, #tpu.memory_space<vmem>>) semaphore(%arg9 : memref<!tpu.dma_semaphore, #tpu.memory_space<semaphore_mem>>) {add = true}
    %dma_start3A_348 = arith.constant 11 : i32
    %dma_start3A_349 = arith.constant 0 : i32
    %dma_start3A_350 = tpu.memref_slice %arg6[%dma_start3A_348, %dma_start3A_349] : memref<16x128xi32, #tpu.memory_space<vmem>> -> memref<1x128xi32, #tpu.memory_space<vmem>>
    %dma_start3A_351 = tpu.memref_squeeze %dma_start3A_350 : memref<1x128xi32, #tpu.memory_space<vmem>> -> memref<128xi32, #tpu.memory_space<vmem>>
    %dma_start3A_352 = arith.constant 0 : i32
    %dma_start3A_353 = arith.constant 0 : i32
    %dma_start3A_354 = tpu.memref_slice %arg8[%dma_start3A_352, %dma_start3A_353] : memref<10240x128xf32, #tpu.memory_space<vmem_shared>> -> memref<10240x128xf32, #tpu.memory_space<vmem_shared>>
    tpu.enqueue_indirect_dma source(%arg7 : memref<128x128xf32, #tpu.memory_space<vmem>>) target(%dma_start3A_354 : memref<10240x128xf32, #tpu.memory_space<vmem_shared>>) offsets(%dma_start3A_351 : memref<128xi32, #tpu.memory_space<vmem>>) semaphore(%arg9 : memref<!tpu.dma_semaphore, #tpu.memory_space<semaphore_mem>>) {add = true}
    %dma_start3A_355 = arith.constant 12 : i32
    %dma_start3A_356 = arith.constant 0 : i32
    %dma_start3A_357 = tpu.memref_slice %arg6[%dma_start3A_355, %dma_start3A_356] : memref<16x128xi32, #tpu.memory_space<vmem>> -> memref<1x128xi32, #tpu.memory_space<vmem>>
    %dma_start3A_358 = tpu.memref_squeeze %dma_start3A_357 : memref<1x128xi32, #tpu.memory_space<vmem>> -> memref<128xi32, #tpu.memory_space<vmem>>
    %dma_start3A_359 = arith.constant 0 : i32
    %dma_start3A_360 = arith.constant 0 : i32
    %dma_start3A_361 = tpu.memref_slice %arg8[%dma_start3A_359, %dma_start3A_360] : memref<10240x128xf32, #tpu.memory_space<vmem_shared>> -> memref<10240x128xf32, #tpu.memory_space<vmem_shared>>
    tpu.enqueue_indirect_dma source(%arg7 : memref<128x128xf32, #tpu.memory_space<vmem>>) target(%dma_start3A_361 : memref<10240x128xf32, #tpu.memory_space<vmem_shared>>) offsets(%dma_start3A_358 : memref<128xi32, #tpu.memory_space<vmem>>) semaphore(%arg9 : memref<!tpu.dma_semaphore, #tpu.memory_space<semaphore_mem>>) {add = true}
    %dma_start3A_362 = arith.constant 13 : i32
    %dma_start3A_363 = arith.constant 0 : i32
    %dma_start3A_364 = tpu.memref_slice %arg6[%dma_start3A_362, %dma_start3A_363] : memref<16x128xi32, #tpu.memory_space<vmem>> -> memref<1x128xi32, #tpu.memory_space<vmem>>
    %dma_start3A_365 = tpu.memref_squeeze %dma_start3A_364 : memref<1x128xi32, #tpu.memory_space<vmem>> -> memref<128xi32, #tpu.memory_space<vmem>>
    %dma_start3A_366 = arith.constant 0 : i32
    %dma_start3A_367 = arith.constant 0 : i32
    %dma_start3A_368 = tpu.memref_slice %arg8[%dma_start3A_366, %dma_start3A_367] : memref<10240x128xf32, #tpu.memory_space<vmem_shared>> -> memref<10240x128xf32, #tpu.memory_space<vmem_shared>>
    tpu.enqueue_indirect_dma source(%arg7 : memref<128x128xf32, #tpu.memory_space<vmem>>) target(%dma_start3A_368 : memref<10240x128xf32, #tpu.memory_space<vmem_shared>>) offsets(%dma_start3A_365 : memref<128xi32, #tpu.memory_space<vmem>>) semaphore(%arg9 : memref<!tpu.dma_semaphore, #tpu.memory_space<semaphore_mem>>) {add = true}
    %dma_start3A_369 = arith.constant 14 : i32
    %dma_start3A_370 = arith.constant 0 : i32
    %dma_start3A_371 = tpu.memref_slice %arg6[%dma_start3A_369, %dma_start3A_370] : memref<16x128xi32, #tpu.memory_space<vmem>> -> memref<1x128xi32, #tpu.memory_space<vmem>>
    %dma_start3A_372 = tpu.memref_squeeze %dma_start3A_371 : memref<1x128xi32, #tpu.memory_space<vmem>> -> memref<128xi32, #tpu.memory_space<vmem>>
    %dma_start3A_373 = arith.constant 0 : i32
    %dma_start3A_374 = arith.constant 0 : i32
    %dma_start3A_375 = tpu.memref_slice %arg8[%dma_start3A_373, %dma_start3A_374] : memref<10240x128xf32, #tpu.memory_space<vmem_shared>> -> memref<10240x128xf32, #tpu.memory_space<vmem_shared>>
    tpu.enqueue_indirect_dma source(%arg7 : memref<128x128xf32, #tpu.memory_space<vmem>>) target(%dma_start3A_375 : memref<10240x128xf32, #tpu.memory_space<vmem_shared>>) offsets(%dma_start3A_372 : memref<128xi32, #tpu.memory_space<vmem>>) semaphore(%arg9 : memref<!tpu.dma_semaphore, #tpu.memory_space<semaphore_mem>>) {add = true}
    %dma_start3A_376 = arith.constant 15 : i32
    %dma_start3A_377 = arith.constant 0 : i32
    %dma_start3A_378 = tpu.memref_slice %arg6[%dma_start3A_376, %dma_start3A_377] : memref<16x128xi32, #tpu.memory_space<vmem>> -> memref<1x128xi32, #tpu.memory_space<vmem>>
    %dma_start3A_379 = tpu.memref_squeeze %dma_start3A_378 : memref<1x128xi32, #tpu.memory_space<vmem>> -> memref<128xi32, #tpu.memory_space<vmem>>
    %dma_start3A_380 = arith.constant 0 : i32
    %dma_start3A_381 = arith.constant 0 : i32
    %dma_start3A_382 = tpu.memref_slice %arg8[%dma_start3A_380, %dma_start3A_381] : memref<10240x128xf32, #tpu.memory_space<vmem_shared>> -> memref<10240x128xf32, #tpu.memory_space<vmem_shared>>
    tpu.enqueue_indirect_dma source(%arg7 : memref<128x128xf32, #tpu.memory_space<vmem>>) target(%dma_start3A_382 : memref<10240x128xf32, #tpu.memory_space<vmem_shared>>) offsets(%dma_start3A_379 : memref<128xi32, #tpu.memory_space<vmem>>) semaphore(%arg9 : memref<!tpu.dma_semaphore, #tpu.memory_space<semaphore_mem>>) {add = true}
    %dma_wait3A_383 = arith.constant 0 : i32
    %dma_wait3A_384 = arith.constant 0 : i32
    %dma_wait3A_385 = tpu.memref_slice %arg3[%dma_wait3A_383, %dma_wait3A_384] : memref<640x128xf32, #tpu.memory_space<hbm>> -> memref<128x128xf32, #tpu.memory_space<hbm>>
    %dma_wait3A_386 = arith.constant 0 : i32
    %dma_wait3A_387 = arith.constant 0 : i32
    %dma_wait3A_388 = tpu.memref_slice %arg3[%dma_wait3A_386, %dma_wait3A_387] : memref<640x128xf32, #tpu.memory_space<hbm>> -> memref<128x128xf32, #tpu.memory_space<hbm>>
    tpu.wait_dma2 semaphore(%arg9 : memref<!tpu.dma_semaphore, #tpu.memory_space<semaphore_mem>>) src(%dma_wait3A_388 : memref<128x128xf32, #tpu.memory_space<hbm>>) dst(%arg7 : memref<128x128xf32, #tpu.memory_space<vmem>>)
    %dma_wait3A_389 = arith.constant 0 : i32
    %dma_wait3A_390 = arith.constant 0 : i32
    %dma_wait3A_391 = tpu.memref_slice %arg3[%dma_wait3A_389, %dma_wait3A_390] : memref<640x128xf32, #tpu.memory_space<hbm>> -> memref<128x128xf32, #tpu.memory_space<hbm>>
    %dma_wait3A_392 = arith.constant 0 : i32
    %dma_wait3A_393 = arith.constant 0 : i32
    %dma_wait3A_394 = tpu.memref_slice %arg3[%dma_wait3A_392, %dma_wait3A_393] : memref<640x128xf32, #tpu.memory_space<hbm>> -> memref<128x128xf32, #tpu.memory_space<hbm>>
    tpu.wait_dma2 semaphore(%arg9 : memref<!tpu.dma_semaphore, #tpu.memory_space<semaphore_mem>>) src(%dma_wait3A_394 : memref<128x128xf32, #tpu.memory_space<hbm>>) dst(%arg7 : memref<128x128xf32, #tpu.memory_space<vmem>>)
    %dma_wait3A_395 = arith.constant 0 : i32
    %dma_wait3A_396 = arith.constant 0 : i32
    %dma_wait3A_397 = tpu.memref_slice %arg3[%dma_wait3A_395, %dma_wait3A_396] : memref<640x128xf32, #tpu.memory_space<hbm>> -> memref<128x128xf32, #tpu.memory_space<hbm>>
    %dma_wait3A_398 = arith.constant 0 : i32
    %dma_wait3A_399 = arith.constant 0 : i32
    %dma_wait3A_400 = tpu.memref_slice %arg3[%dma_wait3A_398, %dma_wait3A_399] : memref<640x128xf32, #tpu.memory_space<hbm>> -> memref<128x128xf32, #tpu.memory_space<hbm>>
    tpu.wait_dma2 semaphore(%arg9 : memref<!tpu.dma_semaphore, #tpu.memory_space<semaphore_mem>>) src(%dma_wait3A_400 : memref<128x128xf32, #tpu.memory_space<hbm>>) dst(%arg7 : memref<128x128xf32, #tpu.memory_space<vmem>>)
    %dma_wait3A_401 = arith.constant 0 : i32
    %dma_wait3A_402 = arith.constant 0 : i32
    %dma_wait3A_403 = tpu.memref_slice %arg3[%dma_wait3A_401, %dma_wait3A_402] : memref<640x128xf32, #tpu.memory_space<hbm>> -> memref<128x128xf32, #tpu.memory_space<hbm>>
    %dma_wait3A_404 = arith.constant 0 : i32
    %dma_wait3A_405 = arith.constant 0 : i32
    %dma_wait3A_406 = tpu.memref_slice %arg3[%dma_wait3A_404, %dma_wait3A_405] : memref<640x128xf32, #tpu.memory_space<hbm>> -> memref<128x128xf32, #tpu.memory_space<hbm>>
    tpu.wait_dma2 semaphore(%arg9 : memref<!tpu.dma_semaphore, #tpu.memory_space<semaphore_mem>>) src(%dma_wait3A_406 : memref<128x128xf32, #tpu.memory_space<hbm>>) dst(%arg7 : memref<128x128xf32, #tpu.memory_space<vmem>>)
    %dma_wait3A_407 = arith.constant 0 : i32
    %dma_wait3A_408 = arith.constant 0 : i32
    %dma_wait3A_409 = tpu.memref_slice %arg3[%dma_wait3A_407, %dma_wait3A_408] : memref<640x128xf32, #tpu.memory_space<hbm>> -> memref<128x128xf32, #tpu.memory_space<hbm>>
    %dma_wait3A_410 = arith.constant 0 : i32
    %dma_wait3A_411 = arith.constant 0 : i32
    %dma_wait3A_412 = tpu.memref_slice %arg3[%dma_wait3A_410, %dma_wait3A_411] : memref<640x128xf32, #tpu.memory_space<hbm>> -> memref<128x128xf32, #tpu.memory_space<hbm>>
    tpu.wait_dma2 semaphore(%arg9 : memref<!tpu.dma_semaphore, #tpu.memory_space<semaphore_mem>>) src(%dma_wait3A_412 : memref<128x128xf32, #tpu.memory_space<hbm>>) dst(%arg7 : memref<128x128xf32, #tpu.memory_space<vmem>>)
    %dma_wait3A_413 = arith.constant 0 : i32
    %dma_wait3A_414 = arith.constant 0 : i32
    %dma_wait3A_415 = tpu.memref_slice %arg3[%dma_wait3A_413, %dma_wait3A_414] : memref<640x128xf32, #tpu.memory_space<hbm>> -> memref<128x128xf32, #tpu.memory_space<hbm>>
    %dma_wait3A_416 = arith.constant 0 : i32
    %dma_wait3A_417 = arith.constant 0 : i32
    %dma_wait3A_418 = tpu.memref_slice %arg3[%dma_wait3A_416, %dma_wait3A_417] : memref<640x128xf32, #tpu.memory_space<hbm>> -> memref<128x128xf32, #tpu.memory_space<hbm>>
    tpu.wait_dma2 semaphore(%arg9 : memref<!tpu.dma_semaphore, #tpu.memory_space<semaphore_mem>>) src(%dma_wait3A_418 : memref<128x128xf32, #tpu.memory_space<hbm>>) dst(%arg7 : memref<128x128xf32, #tpu.memory_space<vmem>>)
    %dma_wait3A_419 = arith.constant 0 : i32
    %dma_wait3A_420 = arith.constant 0 : i32
    %dma_wait3A_421 = tpu.memref_slice %arg3[%dma_wait3A_419, %dma_wait3A_420] : memref<640x128xf32, #tpu.memory_space<hbm>> -> memref<128x128xf32, #tpu.memory_space<hbm>>
    %dma_wait3A_422 = arith.constant 0 : i32
    %dma_wait3A_423 = arith.constant 0 : i32
    %dma_wait3A_424 = tpu.memref_slice %arg3[%dma_wait3A_422, %dma_wait3A_423] : memref<640x128xf32, #tpu.memory_space<hbm>> -> memref<128x128xf32, #tpu.memory_space<hbm>>
    tpu.wait_dma2 semaphore(%arg9 : memref<!tpu.dma_semaphore, #tpu.memory_space<semaphore_mem>>) src(%dma_wait3A_424 : memref<128x128xf32, #tpu.memory_space<hbm>>) dst(%arg7 : memref<128x128xf32, #tpu.memory_space<vmem>>)
    %dma_wait3A_425 = arith.constant 0 : i32
    %dma_wait3A_426 = arith.constant 0 : i32
    %dma_wait3A_427 = tpu.memref_slice %arg3[%dma_wait3A_425, %dma_wait3A_426] : memref<640x128xf32, #tpu.memory_space<hbm>> -> memref<128x128xf32, #tpu.memory_space<hbm>>
    %dma_wait3A_428 = arith.constant 0 : i32
    %dma_wait3A_429 = arith.constant 0 : i32
    %dma_wait3A_430 = tpu.memref_slice %arg3[%dma_wait3A_428, %dma_wait3A_429] : memref<640x128xf32, #tpu.memory_space<hbm>> -> memref<128x128xf32, #tpu.memory_space<hbm>>
    tpu.wait_dma2 semaphore(%arg9 : memref<!tpu.dma_semaphore, #tpu.memory_space<semaphore_mem>>) src(%dma_wait3A_430 : memref<128x128xf32, #tpu.memory_space<hbm>>) dst(%arg7 : memref<128x128xf32, #tpu.memory_space<vmem>>)
    %dma_wait3A_431 = arith.constant 0 : i32
    %dma_wait3A_432 = arith.constant 0 : i32
    %dma_wait3A_433 = tpu.memref_slice %arg3[%dma_wait3A_431, %dma_wait3A_432] : memref<640x128xf32, #tpu.memory_space<hbm>> -> memref<128x128xf32, #tpu.memory_space<hbm>>
    %dma_wait3A_434 = arith.constant 0 : i32
    %dma_wait3A_435 = arith.constant 0 : i32
    %dma_wait3A_436 = tpu.memref_slice %arg3[%dma_wait3A_434, %dma_wait3A_435] : memref<640x128xf32, #tpu.memory_space<hbm>> -> memref<128x128xf32, #tpu.memory_space<hbm>>
    tpu.wait_dma2 semaphore(%arg9 : memref<!tpu.dma_semaphore, #tpu.memory_space<semaphore_mem>>) src(%dma_wait3A_436 : memref<128x128xf32, #tpu.memory_space<hbm>>) dst(%arg7 : memref<128x128xf32, #tpu.memory_space<vmem>>)
    %dma_wait3A_437 = arith.constant 0 : i32
    %dma_wait3A_438 = arith.constant 0 : i32
    %dma_wait3A_439 = tpu.memref_slice %arg3[%dma_wait3A_437, %dma_wait3A_438] : memref<640x128xf32, #tpu.memory_space<hbm>> -> memref<128x128xf32, #tpu.memory_space<hbm>>
    %dma_wait3A_440 = arith.constant 0 : i32
    %dma_wait3A_441 = arith.constant 0 : i32
    %dma_wait3A_442 = tpu.memref_slice %arg3[%dma_wait3A_440, %dma_wait3A_441] : memref<640x128xf32, #tpu.memory_space<hbm>> -> memref<128x128xf32, #tpu.memory_space<hbm>>
    tpu.wait_dma2 semaphore(%arg9 : memref<!tpu.dma_semaphore, #tpu.memory_space<semaphore_mem>>) src(%dma_wait3A_442 : memref<128x128xf32, #tpu.memory_space<hbm>>) dst(%arg7 : memref<128x128xf32, #tpu.memory_space<vmem>>)
    %dma_wait3A_443 = arith.constant 0 : i32
    %dma_wait3A_444 = arith.constant 0 : i32
    %dma_wait3A_445 = tpu.memref_slice %arg3[%dma_wait3A_443, %dma_wait3A_444] : memref<640x128xf32, #tpu.memory_space<hbm>> -> memref<128x128xf32, #tpu.memory_space<hbm>>
    %dma_wait3A_446 = arith.constant 0 : i32
    %dma_wait3A_447 = arith.constant 0 : i32
    %dma_wait3A_448 = tpu.memref_slice %arg3[%dma_wait3A_446, %dma_wait3A_447] : memref<640x128xf32, #tpu.memory_space<hbm>> -> memref<128x128xf32, #tpu.memory_space<hbm>>
    tpu.wait_dma2 semaphore(%arg9 : memref<!tpu.dma_semaphore, #tpu.memory_space<semaphore_mem>>) src(%dma_wait3A_448 : memref<128x128xf32, #tpu.memory_space<hbm>>) dst(%arg7 : memref<128x128xf32, #tpu.memory_space<vmem>>)
    %dma_wait3A_449 = arith.constant 0 : i32
    %dma_wait3A_450 = arith.constant 0 : i32
    %dma_wait3A_451 = tpu.memref_slice %arg3[%dma_wait3A_449, %dma_wait3A_450] : memref<640x128xf32, #tpu.memory_space<hbm>> -> memref<128x128xf32, #tpu.memory_space<hbm>>
    %dma_wait3A_452 = arith.constant 0 : i32
    %dma_wait3A_453 = arith.constant 0 : i32
    %dma_wait3A_454 = tpu.memref_slice %arg3[%dma_wait3A_452, %dma_wait3A_453] : memref<640x128xf32, #tpu.memory_space<hbm>> -> memref<128x128xf32, #tpu.memory_space<hbm>>
    tpu.wait_dma2 semaphore(%arg9 : memref<!tpu.dma_semaphore, #tpu.memory_space<semaphore_mem>>) src(%dma_wait3A_454 : memref<128x128xf32, #tpu.memory_space<hbm>>) dst(%arg7 : memref<128x128xf32, #tpu.memory_space<vmem>>)
    %dma_wait3A_455 = arith.constant 0 : i32
    %dma_wait3A_456 = arith.constant 0 : i32
    %dma_wait3A_457 = tpu.memref_slice %arg3[%dma_wait3A_455, %dma_wait3A_456] : memref<640x128xf32, #tpu.memory_space<hbm>> -> memref<128x128xf32, #tpu.memory_space<hbm>>
    %dma_wait3A_458 = arith.constant 0 : i32
    %dma_wait3A_459 = arith.constant 0 : i32
    %dma_wait3A_460 = tpu.memref_slice %arg3[%dma_wait3A_458, %dma_wait3A_459] : memref<640x128xf32, #tpu.memory_space<hbm>> -> memref<128x128xf32, #tpu.memory_space<hbm>>
    tpu.wait_dma2 semaphore(%arg9 : memref<!tpu.dma_semaphore, #tpu.memory_space<semaphore_mem>>) src(%dma_wait3A_460 : memref<128x128xf32, #tpu.memory_space<hbm>>) dst(%arg7 : memref<128x128xf32, #tpu.memory_space<vmem>>)
    %dma_wait3A_461 = arith.constant 0 : i32
    %dma_wait3A_462 = arith.constant 0 : i32
    %dma_wait3A_463 = tpu.memref_slice %arg3[%dma_wait3A_461, %dma_wait3A_462] : memref<640x128xf32, #tpu.memory_space<hbm>> -> memref<128x128xf32, #tpu.memory_space<hbm>>
    %dma_wait3A_464 = arith.constant 0 : i32
    %dma_wait3A_465 = arith.constant 0 : i32
    %dma_wait3A_466 = tpu.memref_slice %arg3[%dma_wait3A_464, %dma_wait3A_465] : memref<640x128xf32, #tpu.memory_space<hbm>> -> memref<128x128xf32, #tpu.memory_space<hbm>>
    tpu.wait_dma2 semaphore(%arg9 : memref<!tpu.dma_semaphore, #tpu.memory_space<semaphore_mem>>) src(%dma_wait3A_466 : memref<128x128xf32, #tpu.memory_space<hbm>>) dst(%arg7 : memref<128x128xf32, #tpu.memory_space<vmem>>)
    %dma_wait3A_467 = arith.constant 0 : i32
    %dma_wait3A_468 = arith.constant 0 : i32
    %dma_wait3A_469 = tpu.memref_slice %arg3[%dma_wait3A_467, %dma_wait3A_468] : memref<640x128xf32, #tpu.memory_space<hbm>> -> memref<128x128xf32, #tpu.memory_space<hbm>>
    %dma_wait3A_470 = arith.constant 0 : i32
    %dma_wait3A_471 = arith.constant 0 : i32
    %dma_wait3A_472 = tpu.memref_slice %arg3[%dma_wait3A_470, %dma_wait3A_471] : memref<640x128xf32, #tpu.memory_space<hbm>> -> memref<128x128xf32, #tpu.memory_space<hbm>>
    tpu.wait_dma2 semaphore(%arg9 : memref<!tpu.dma_semaphore, #tpu.memory_space<semaphore_mem>>) src(%dma_wait3A_472 : memref<128x128xf32, #tpu.memory_space<hbm>>) dst(%arg7 : memref<128x128xf32, #tpu.memory_space<vmem>>)
    %dma_wait3A_473 = arith.constant 0 : i32
    %dma_wait3A_474 = arith.constant 0 : i32
    %dma_wait3A_475 = tpu.memref_slice %arg3[%dma_wait3A_473, %dma_wait3A_474] : memref<640x128xf32, #tpu.memory_space<hbm>> -> memref<128x128xf32, #tpu.memory_space<hbm>>
    %dma_wait3A_476 = arith.constant 0 : i32
    %dma_wait3A_477 = arith.constant 0 : i32
    %dma_wait3A_478 = tpu.memref_slice %arg3[%dma_wait3A_476, %dma_wait3A_477] : memref<640x128xf32, #tpu.memory_space<hbm>> -> memref<128x128xf32, #tpu.memory_space<hbm>>
    tpu.wait_dma2 semaphore(%arg9 : memref<!tpu.dma_semaphore, #tpu.memory_space<semaphore_mem>>) src(%dma_wait3A_478 : memref<128x128xf32, #tpu.memory_space<hbm>>) dst(%arg7 : memref<128x128xf32, #tpu.memory_space<vmem>>)
    %dma_start3A_479 = arith.constant 3 : i32
    %dma_start3A_480 = arith.constant 0 : i32
    %dma_start3A_481 = arith.constant 0 : i32
    %dma_start3A_482 = arith.constant 0 : i32
    %dma_start3A_483 = tpu.memref_slice %arg2[%add3A, %dma_start3A_480, %dma_start3A_481, %dma_start3A_482] : memref<32x5x16x128xi32, #tpu.memory_space<hbm>> -> memref<1x5x16x128xi32, #tpu.memory_space<hbm>>
    %dma_start3A_484 = tpu.memref_squeeze %dma_start3A_483 : memref<1x5x16x128xi32, #tpu.memory_space<hbm>> -> memref<5x16x128xi32, #tpu.memory_space<hbm>>
    %dma_start3A_485 = arith.constant 0 : i32
    %dma_start3A_486 = arith.constant 0 : i32
    %dma_start3A_487 = tpu.memref_slice %dma_start3A_484[%dma_start3A_479, %dma_start3A_485, %dma_start3A_486] : memref<5x16x128xi32, #tpu.memory_space<hbm>> -> memref<1x16x128xi32, #tpu.memory_space<hbm>>
    %dma_start3A_488 = tpu.memref_squeeze %dma_start3A_487 : memref<1x16x128xi32, #tpu.memory_space<hbm>> -> memref<16x128xi32, #tpu.memory_space<hbm>>
    %dma_start3A_489 = arith.constant 0 : i32
    %dma_start3A_490 = arith.constant 0 : i32
    %dma_start3A_491 = arith.constant 0 : i32
    %dma_start3A_492 = tpu.memref_slice %arg2[%add3A, %dma_start3A_489, %dma_start3A_490, %dma_start3A_491] : memref<32x5x16x128xi32, #tpu.memory_space<hbm>> -> memref<1x5x16x128xi32, #tpu.memory_space<hbm>>
    %dma_start3A_493 = tpu.memref_squeeze %dma_start3A_492 : memref<1x5x16x128xi32, #tpu.memory_space<hbm>> -> memref<5x16x128xi32, #tpu.memory_space<hbm>>
    %dma_start3A_494 = arith.constant 0 : i32
    %dma_start3A_495 = arith.constant 0 : i32
    %dma_start3A_496 = tpu.memref_slice %dma_start3A_493[%dma_start3A_479, %dma_start3A_494, %dma_start3A_495] : memref<5x16x128xi32, #tpu.memory_space<hbm>> -> memref<1x16x128xi32, #tpu.memory_space<hbm>>
    %dma_start3A_497 = tpu.memref_squeeze %dma_start3A_496 : memref<1x16x128xi32, #tpu.memory_space<hbm>> -> memref<16x128xi32, #tpu.memory_space<hbm>>
    tpu.enqueue_dma source(%dma_start3A_497 : memref<16x128xi32, #tpu.memory_space<hbm>>) target(%arg6 : memref<16x128xi32, #tpu.memory_space<vmem>>) target_semaphore(%arg11 : memref<!tpu.dma_semaphore, #tpu.memory_space<semaphore_mem>>)
    %dma_wait3A_498 = arith.constant 0 : i32
    %dma_wait3A_499 = arith.constant 0 : i32
    %dma_wait3A_500 = arith.constant 0 : i32
    %dma_wait3A_501 = arith.constant 0 : i32
    %dma_wait3A_502 = tpu.memref_slice %arg2[%add3A, %dma_wait3A_499, %dma_wait3A_500, %dma_wait3A_501] : memref<32x5x16x128xi32, #tpu.memory_space<hbm>> -> memref<1x5x16x128xi32, #tpu.memory_space<hbm>>
    %dma_wait3A_503 = tpu.memref_squeeze %dma_wait3A_502 : memref<1x5x16x128xi32, #tpu.memory_space<hbm>> -> memref<5x16x128xi32, #tpu.memory_space<hbm>>
    %dma_wait3A_504 = arith.constant 0 : i32
    %dma_wait3A_505 = arith.constant 0 : i32
    %dma_wait3A_506 = tpu.memref_slice %dma_wait3A_503[%dma_wait3A_498, %dma_wait3A_504, %dma_wait3A_505] : memref<5x16x128xi32, #tpu.memory_space<hbm>> -> memref<1x16x128xi32, #tpu.memory_space<hbm>>
    %dma_wait3A_507 = tpu.memref_squeeze %dma_wait3A_506 : memref<1x16x128xi32, #tpu.memory_space<hbm>> -> memref<16x128xi32, #tpu.memory_space<hbm>>
    %dma_wait3A_508 = arith.constant 0 : i32
    %dma_wait3A_509 = arith.constant 0 : i32
    %dma_wait3A_510 = arith.constant 0 : i32
    %dma_wait3A_511 = tpu.memref_slice %arg2[%add3A, %dma_wait3A_508, %dma_wait3A_509, %dma_wait3A_510] : memref<32x5x16x128xi32, #tpu.memory_space<hbm>> -> memref<1x5x16x128xi32, #tpu.memory_space<hbm>>
    %dma_wait3A_512 = tpu.memref_squeeze %dma_wait3A_511 : memref<1x5x16x128xi32, #tpu.memory_space<hbm>> -> memref<5x16x128xi32, #tpu.memory_space<hbm>>
    %dma_wait3A_513 = arith.constant 0 : i32
    %dma_wait3A_514 = arith.constant 0 : i32
    %dma_wait3A_515 = tpu.memref_slice %dma_wait3A_512[%dma_wait3A_498, %dma_wait3A_513, %dma_wait3A_514] : memref<5x16x128xi32, #tpu.memory_space<hbm>> -> memref<1x16x128xi32, #tpu.memory_space<hbm>>
    %dma_wait3A_516 = tpu.memref_squeeze %dma_wait3A_515 : memref<1x16x128xi32, #tpu.memory_space<hbm>> -> memref<16x128xi32, #tpu.memory_space<hbm>>
    tpu.wait_dma2 semaphore(%arg10 : memref<!tpu.dma_semaphore, #tpu.memory_space<semaphore_mem>>) src(%dma_wait3A_516 : memref<16x128xi32, #tpu.memory_space<hbm>>) dst(%arg5 : memref<16x128xi32, #tpu.memory_space<vmem>>)
    %dma_start3A_517 = arith.constant 0 : i32
    %dma_start3A_518 = arith.constant 0 : i32
    %dma_start3A_519 = tpu.memref_slice %arg5[%dma_start3A_517, %dma_start3A_518] : memref<16x128xi32, #tpu.memory_space<vmem>> -> memref<1x128xi32, #tpu.memory_space<vmem>>
    %dma_start3A_520 = tpu.memref_squeeze %dma_start3A_519 : memref<1x128xi32, #tpu.memory_space<vmem>> -> memref<128xi32, #tpu.memory_space<vmem>>
    %dma_start3A_521 = arith.constant 0 : i32
    %dma_start3A_522 = arith.constant 0 : i32
    %dma_start3A_523 = tpu.memref_slice %arg8[%dma_start3A_521, %dma_start3A_522] : memref<10240x128xf32, #tpu.memory_space<vmem_shared>> -> memref<10240x128xf32, #tpu.memory_space<vmem_shared>>
    tpu.enqueue_indirect_dma source(%arg7 : memref<128x128xf32, #tpu.memory_space<vmem>>) target(%dma_start3A_523 : memref<10240x128xf32, #tpu.memory_space<vmem_shared>>) offsets(%dma_start3A_520 : memref<128xi32, #tpu.memory_space<vmem>>) semaphore(%arg9 : memref<!tpu.dma_semaphore, #tpu.memory_space<semaphore_mem>>) {add = true}
    %dma_start3A_524 = arith.constant 1 : i32
    %dma_start3A_525 = arith.constant 0 : i32
    %dma_start3A_526 = tpu.memref_slice %arg5[%dma_start3A_524, %dma_start3A_525] : memref<16x128xi32, #tpu.memory_space<vmem>> -> memref<1x128xi32, #tpu.memory_space<vmem>>
    %dma_start3A_527 = tpu.memref_squeeze %dma_start3A_526 : memref<1x128xi32, #tpu.memory_space<vmem>> -> memref<128xi32, #tpu.memory_space<vmem>>
    %dma_start3A_528 = arith.constant 0 : i32
    %dma_start3A_529 = arith.constant 0 : i32
    %dma_start3A_530 = tpu.memref_slice %arg8[%dma_start3A_528, %dma_start3A_529] : memref<10240x128xf32, #tpu.memory_space<vmem_shared>> -> memref<10240x128xf32, #tpu.memory_space<vmem_shared>>
    tpu.enqueue_indirect_dma source(%arg7 : memref<128x128xf32, #tpu.memory_space<vmem>>) target(%dma_start3A_530 : memref<10240x128xf32, #tpu.memory_space<vmem_shared>>) offsets(%dma_start3A_527 : memref<128xi32, #tpu.memory_space<vmem>>) semaphore(%arg9 : memref<!tpu.dma_semaphore, #tpu.memory_space<semaphore_mem>>) {add = true}
    %dma_start3A_531 = arith.constant 2 : i32
    %dma_start3A_532 = arith.constant 0 : i32
    %dma_start3A_533 = tpu.memref_slice %arg5[%dma_start3A_531, %dma_start3A_532] : memref<16x128xi32, #tpu.memory_space<vmem>> -> memref<1x128xi32, #tpu.memory_space<vmem>>
    %dma_start3A_534 = tpu.memref_squeeze %dma_start3A_533 : memref<1x128xi32, #tpu.memory_space<vmem>> -> memref<128xi32, #tpu.memory_space<vmem>>
    %dma_start3A_535 = arith.constant 0 : i32
    %dma_start3A_536 = arith.constant 0 : i32
    %dma_start3A_537 = tpu.memref_slice %arg8[%dma_start3A_535, %dma_start3A_536] : memref<10240x128xf32, #tpu.memory_space<vmem_shared>> -> memref<10240x128xf32, #tpu.memory_space<vmem_shared>>
    tpu.enqueue_indirect_dma source(%arg7 : memref<128x128xf32, #tpu.memory_space<vmem>>) target(%dma_start3A_537 : memref<10240x128xf32, #tpu.memory_space<vmem_shared>>) offsets(%dma_start3A_534 : memref<128xi32, #tpu.memory_space<vmem>>) semaphore(%arg9 : memref<!tpu.dma_semaphore, #tpu.memory_space<semaphore_mem>>) {add = true}
    %dma_start3A_538 = arith.constant 3 : i32
    %dma_start3A_539 = arith.constant 0 : i32
    %dma_start3A_540 = tpu.memref_slice %arg5[%dma_start3A_538, %dma_start3A_539] : memref<16x128xi32, #tpu.memory_space<vmem>> -> memref<1x128xi32, #tpu.memory_space<vmem>>
    %dma_start3A_541 = tpu.memref_squeeze %dma_start3A_540 : memref<1x128xi32, #tpu.memory_space<vmem>> -> memref<128xi32, #tpu.memory_space<vmem>>
    %dma_start3A_542 = arith.constant 0 : i32
    %dma_start3A_543 = arith.constant 0 : i32
    %dma_start3A_544 = tpu.memref_slice %arg8[%dma_start3A_542, %dma_start3A_543] : memref<10240x128xf32, #tpu.memory_space<vmem_shared>> -> memref<10240x128xf32, #tpu.memory_space<vmem_shared>>
    tpu.enqueue_indirect_dma source(%arg7 : memref<128x128xf32, #tpu.memory_space<vmem>>) target(%dma_start3A_544 : memref<10240x128xf32, #tpu.memory_space<vmem_shared>>) offsets(%dma_start3A_541 : memref<128xi32, #tpu.memory_space<vmem>>) semaphore(%arg9 : memref<!tpu.dma_semaphore, #tpu.memory_space<semaphore_mem>>) {add = true}
    %dma_start3A_545 = arith.constant 4 : i32
    %dma_start3A_546 = arith.constant 0 : i32
    %dma_start3A_547 = tpu.memref_slice %arg5[%dma_start3A_545, %dma_start3A_546] : memref<16x128xi32, #tpu.memory_space<vmem>> -> memref<1x128xi32, #tpu.memory_space<vmem>>
    %dma_start3A_548 = tpu.memref_squeeze %dma_start3A_547 : memref<1x128xi32, #tpu.memory_space<vmem>> -> memref<128xi32, #tpu.memory_space<vmem>>
    %dma_start3A_549 = arith.constant 0 : i32
    %dma_start3A_550 = arith.constant 0 : i32
    %dma_start3A_551 = tpu.memref_slice %arg8[%dma_start3A_549, %dma_start3A_550] : memref<10240x128xf32, #tpu.memory_space<vmem_shared>> -> memref<10240x128xf32, #tpu.memory_space<vmem_shared>>
    tpu.enqueue_indirect_dma source(%arg7 : memref<128x128xf32, #tpu.memory_space<vmem>>) target(%dma_start3A_551 : memref<10240x128xf32, #tpu.memory_space<vmem_shared>>) offsets(%dma_start3A_548 : memref<128xi32, #tpu.memory_space<vmem>>) semaphore(%arg9 : memref<!tpu.dma_semaphore, #tpu.memory_space<semaphore_mem>>) {add = true}
    %dma_start3A_552 = arith.constant 5 : i32
    %dma_start3A_553 = arith.constant 0 : i32
    %dma_start3A_554 = tpu.memref_slice %arg5[%dma_start3A_552, %dma_start3A_553] : memref<16x128xi32, #tpu.memory_space<vmem>> -> memref<1x128xi32, #tpu.memory_space<vmem>>
    %dma_start3A_555 = tpu.memref_squeeze %dma_start3A_554 : memref<1x128xi32, #tpu.memory_space<vmem>> -> memref<128xi32, #tpu.memory_space<vmem>>
    %dma_start3A_556 = arith.constant 0 : i32
    %dma_start3A_557 = arith.constant 0 : i32
    %dma_start3A_558 = tpu.memref_slice %arg8[%dma_start3A_556, %dma_start3A_557] : memref<10240x128xf32, #tpu.memory_space<vmem_shared>> -> memref<10240x128xf32, #tpu.memory_space<vmem_shared>>
    tpu.enqueue_indirect_dma source(%arg7 : memref<128x128xf32, #tpu.memory_space<vmem>>) target(%dma_start3A_558 : memref<10240x128xf32, #tpu.memory_space<vmem_shared>>) offsets(%dma_start3A_555 : memref<128xi32, #tpu.memory_space<vmem>>) semaphore(%arg9 : memref<!tpu.dma_semaphore, #tpu.memory_space<semaphore_mem>>) {add = true}
    %dma_start3A_559 = arith.constant 6 : i32
    %dma_start3A_560 = arith.constant 0 : i32
    %dma_start3A_561 = tpu.memref_slice %arg5[%dma_start3A_559, %dma_start3A_560] : memref<16x128xi32, #tpu.memory_space<vmem>> -> memref<1x128xi32, #tpu.memory_space<vmem>>
    %dma_start3A_562 = tpu.memref_squeeze %dma_start3A_561 : memref<1x128xi32, #tpu.memory_space<vmem>> -> memref<128xi32, #tpu.memory_space<vmem>>
    %dma_start3A_563 = arith.constant 0 : i32
    %dma_start3A_564 = arith.constant 0 : i32
    %dma_start3A_565 = tpu.memref_slice %arg8[%dma_start3A_563, %dma_start3A_564] : memref<10240x128xf32, #tpu.memory_space<vmem_shared>> -> memref<10240x128xf32, #tpu.memory_space<vmem_shared>>
    tpu.enqueue_indirect_dma source(%arg7 : memref<128x128xf32, #tpu.memory_space<vmem>>) target(%dma_start3A_565 : memref<10240x128xf32, #tpu.memory_space<vmem_shared>>) offsets(%dma_start3A_562 : memref<128xi32, #tpu.memory_space<vmem>>) semaphore(%arg9 : memref<!tpu.dma_semaphore, #tpu.memory_space<semaphore_mem>>) {add = true}
    %dma_start3A_566 = arith.constant 7 : i32
    %dma_start3A_567 = arith.constant 0 : i32
    %dma_start3A_568 = tpu.memref_slice %arg5[%dma_start3A_566, %dma_start3A_567] : memref<16x128xi32, #tpu.memory_space<vmem>> -> memref<1x128xi32, #tpu.memory_space<vmem>>
    %dma_start3A_569 = tpu.memref_squeeze %dma_start3A_568 : memref<1x128xi32, #tpu.memory_space<vmem>> -> memref<128xi32, #tpu.memory_space<vmem>>
    %dma_start3A_570 = arith.constant 0 : i32
    %dma_start3A_571 = arith.constant 0 : i32
    %dma_start3A_572 = tpu.memref_slice %arg8[%dma_start3A_570, %dma_start3A_571] : memref<10240x128xf32, #tpu.memory_space<vmem_shared>> -> memref<10240x128xf32, #tpu.memory_space<vmem_shared>>
    tpu.enqueue_indirect_dma source(%arg7 : memref<128x128xf32, #tpu.memory_space<vmem>>) target(%dma_start3A_572 : memref<10240x128xf32, #tpu.memory_space<vmem_shared>>) offsets(%dma_start3A_569 : memref<128xi32, #tpu.memory_space<vmem>>) semaphore(%arg9 : memref<!tpu.dma_semaphore, #tpu.memory_space<semaphore_mem>>) {add = true}
    %dma_start3A_573 = arith.constant 8 : i32
    %dma_start3A_574 = arith.constant 0 : i32
    %dma_start3A_575 = tpu.memref_slice %arg5[%dma_start3A_573, %dma_start3A_574] : memref<16x128xi32, #tpu.memory_space<vmem>> -> memref<1x128xi32, #tpu.memory_space<vmem>>
    %dma_start3A_576 = tpu.memref_squeeze %dma_start3A_575 : memref<1x128xi32, #tpu.memory_space<vmem>> -> memref<128xi32, #tpu.memory_space<vmem>>
    %dma_start3A_577 = arith.constant 0 : i32
    %dma_start3A_578 = arith.constant 0 : i32
    %dma_start3A_579 = tpu.memref_slice %arg8[%dma_start3A_577, %dma_start3A_578] : memref<10240x128xf32, #tpu.memory_space<vmem_shared>> -> memref<10240x128xf32, #tpu.memory_space<vmem_shared>>
    tpu.enqueue_indirect_dma source(%arg7 : memref<128x128xf32, #tpu.memory_space<vmem>>) target(%dma_start3A_579 : memref<10240x128xf32, #tpu.memory_space<vmem_shared>>) offsets(%dma_start3A_576 : memref<128xi32, #tpu.memory_space<vmem>>) semaphore(%arg9 : memref<!tpu.dma_semaphore, #tpu.memory_space<semaphore_mem>>) {add = true}
    %dma_start3A_580 = arith.constant 9 : i32
    %dma_start3A_581 = arith.constant 0 : i32
    %dma_start3A_582 = tpu.memref_slice %arg5[%dma_start3A_580, %dma_start3A_581] : memref<16x128xi32, #tpu.memory_space<vmem>> -> memref<1x128xi32, #tpu.memory_space<vmem>>
    %dma_start3A_583 = tpu.memref_squeeze %dma_start3A_582 : memref<1x128xi32, #tpu.memory_space<vmem>> -> memref<128xi32, #tpu.memory_space<vmem>>
    %dma_start3A_584 = arith.constant 0 : i32
    %dma_start3A_585 = arith.constant 0 : i32
    %dma_start3A_586 = tpu.memref_slice %arg8[%dma_start3A_584, %dma_start3A_585] : memref<10240x128xf32, #tpu.memory_space<vmem_shared>> -> memref<10240x128xf32, #tpu.memory_space<vmem_shared>>
    tpu.enqueue_indirect_dma source(%arg7 : memref<128x128xf32, #tpu.memory_space<vmem>>) target(%dma_start3A_586 : memref<10240x128xf32, #tpu.memory_space<vmem_shared>>) offsets(%dma_start3A_583 : memref<128xi32, #tpu.memory_space<vmem>>) semaphore(%arg9 : memref<!tpu.dma_semaphore, #tpu.memory_space<semaphore_mem>>) {add = true}
    %dma_start3A_587 = arith.constant 10 : i32
    %dma_start3A_588 = arith.constant 0 : i32
    %dma_start3A_589 = tpu.memref_slice %arg5[%dma_start3A_587, %dma_start3A_588] : memref<16x128xi32, #tpu.memory_space<vmem>> -> memref<1x128xi32, #tpu.memory_space<vmem>>
    %dma_start3A_590 = tpu.memref_squeeze %dma_start3A_589 : memref<1x128xi32, #tpu.memory_space<vmem>> -> memref<128xi32, #tpu.memory_space<vmem>>
    %dma_start3A_591 = arith.constant 0 : i32
    %dma_start3A_592 = arith.constant 0 : i32
    %dma_start3A_593 = tpu.memref_slice %arg8[%dma_start3A_591, %dma_start3A_592] : memref<10240x128xf32, #tpu.memory_space<vmem_shared>> -> memref<10240x128xf32, #tpu.memory_space<vmem_shared>>
    tpu.enqueue_indirect_dma source(%arg7 : memref<128x128xf32, #tpu.memory_space<vmem>>) target(%dma_start3A_593 : memref<10240x128xf32, #tpu.memory_space<vmem_shared>>) offsets(%dma_start3A_590 : memref<128xi32, #tpu.memory_space<vmem>>) semaphore(%arg9 : memref<!tpu.dma_semaphore, #tpu.memory_space<semaphore_mem>>) {add = true}
    %dma_start3A_594 = arith.constant 11 : i32
    %dma_start3A_595 = arith.constant 0 : i32
    %dma_start3A_596 = tpu.memref_slice %arg5[%dma_start3A_594, %dma_start3A_595] : memref<16x128xi32, #tpu.memory_space<vmem>> -> memref<1x128xi32, #tpu.memory_space<vmem>>
    %dma_start3A_597 = tpu.memref_squeeze %dma_start3A_596 : memref<1x128xi32, #tpu.memory_space<vmem>> -> memref<128xi32, #tpu.memory_space<vmem>>
    %dma_start3A_598 = arith.constant 0 : i32
    %dma_start3A_599 = arith.constant 0 : i32
    %dma_start3A_600 = tpu.memref_slice %arg8[%dma_start3A_598, %dma_start3A_599] : memref<10240x128xf32, #tpu.memory_space<vmem_shared>> -> memref<10240x128xf32, #tpu.memory_space<vmem_shared>>
    tpu.enqueue_indirect_dma source(%arg7 : memref<128x128xf32, #tpu.memory_space<vmem>>) target(%dma_start3A_600 : memref<10240x128xf32, #tpu.memory_space<vmem_shared>>) offsets(%dma_start3A_597 : memref<128xi32, #tpu.memory_space<vmem>>) semaphore(%arg9 : memref<!tpu.dma_semaphore, #tpu.memory_space<semaphore_mem>>) {add = true}
    %dma_start3A_601 = arith.constant 12 : i32
    %dma_start3A_602 = arith.constant 0 : i32
    %dma_start3A_603 = tpu.memref_slice %arg5[%dma_start3A_601, %dma_start3A_602] : memref<16x128xi32, #tpu.memory_space<vmem>> -> memref<1x128xi32, #tpu.memory_space<vmem>>
    %dma_start3A_604 = tpu.memref_squeeze %dma_start3A_603 : memref<1x128xi32, #tpu.memory_space<vmem>> -> memref<128xi32, #tpu.memory_space<vmem>>
    %dma_start3A_605 = arith.constant 0 : i32
    %dma_start3A_606 = arith.constant 0 : i32
    %dma_start3A_607 = tpu.memref_slice %arg8[%dma_start3A_605, %dma_start3A_606] : memref<10240x128xf32, #tpu.memory_space<vmem_shared>> -> memref<10240x128xf32, #tpu.memory_space<vmem_shared>>
    tpu.enqueue_indirect_dma source(%arg7 : memref<128x128xf32, #tpu.memory_space<vmem>>) target(%dma_start3A_607 : memref<10240x128xf32, #tpu.memory_space<vmem_shared>>) offsets(%dma_start3A_604 : memref<128xi32, #tpu.memory_space<vmem>>) semaphore(%arg9 : memref<!tpu.dma_semaphore, #tpu.memory_space<semaphore_mem>>) {add = true}
    %dma_start3A_608 = arith.constant 13 : i32
    %dma_start3A_609 = arith.constant 0 : i32
    %dma_start3A_610 = tpu.memref_slice %arg5[%dma_start3A_608, %dma_start3A_609] : memref<16x128xi32, #tpu.memory_space<vmem>> -> memref<1x128xi32, #tpu.memory_space<vmem>>
    %dma_start3A_611 = tpu.memref_squeeze %dma_start3A_610 : memref<1x128xi32, #tpu.memory_space<vmem>> -> memref<128xi32, #tpu.memory_space<vmem>>
    %dma_start3A_612 = arith.constant 0 : i32
    %dma_start3A_613 = arith.constant 0 : i32
    %dma_start3A_614 = tpu.memref_slice %arg8[%dma_start3A_612, %dma_start3A_613] : memref<10240x128xf32, #tpu.memory_space<vmem_shared>> -> memref<10240x128xf32, #tpu.memory_space<vmem_shared>>
    tpu.enqueue_indirect_dma source(%arg7 : memref<128x128xf32, #tpu.memory_space<vmem>>) target(%dma_start3A_614 : memref<10240x128xf32, #tpu.memory_space<vmem_shared>>) offsets(%dma_start3A_611 : memref<128xi32, #tpu.memory_space<vmem>>) semaphore(%arg9 : memref<!tpu.dma_semaphore, #tpu.memory_space<semaphore_mem>>) {add = true}
    %dma_start3A_615 = arith.constant 14 : i32
    %dma_start3A_616 = arith.constant 0 : i32
    %dma_start3A_617 = tpu.memref_slice %arg5[%dma_start3A_615, %dma_start3A_616] : memref<16x128xi32, #tpu.memory_space<vmem>> -> memref<1x128xi32, #tpu.memory_space<vmem>>
    %dma_start3A_618 = tpu.memref_squeeze %dma_start3A_617 : memref<1x128xi32, #tpu.memory_space<vmem>> -> memref<128xi32, #tpu.memory_space<vmem>>
    %dma_start3A_619 = arith.constant 0 : i32
    %dma_start3A_620 = arith.constant 0 : i32
    %dma_start3A_621 = tpu.memref_slice %arg8[%dma_start3A_619, %dma_start3A_620] : memref<10240x128xf32, #tpu.memory_space<vmem_shared>> -> memref<10240x128xf32, #tpu.memory_space<vmem_shared>>
    tpu.enqueue_indirect_dma source(%arg7 : memref<128x128xf32, #tpu.memory_space<vmem>>) target(%dma_start3A_621 : memref<10240x128xf32, #tpu.memory_space<vmem_shared>>) offsets(%dma_start3A_618 : memref<128xi32, #tpu.memory_space<vmem>>) semaphore(%arg9 : memref<!tpu.dma_semaphore, #tpu.memory_space<semaphore_mem>>) {add = true}
    %dma_start3A_622 = arith.constant 15 : i32
    %dma_start3A_623 = arith.constant 0 : i32
    %dma_start3A_624 = tpu.memref_slice %arg5[%dma_start3A_622, %dma_start3A_623] : memref<16x128xi32, #tpu.memory_space<vmem>> -> memref<1x128xi32, #tpu.memory_space<vmem>>
    %dma_start3A_625 = tpu.memref_squeeze %dma_start3A_624 : memref<1x128xi32, #tpu.memory_space<vmem>> -> memref<128xi32, #tpu.memory_space<vmem>>
    %dma_start3A_626 = arith.constant 0 : i32
    %dma_start3A_627 = arith.constant 0 : i32
    %dma_start3A_628 = tpu.memref_slice %arg8[%dma_start3A_626, %dma_start3A_627] : memref<10240x128xf32, #tpu.memory_space<vmem_shared>> -> memref<10240x128xf32, #tpu.memory_space<vmem_shared>>
    tpu.enqueue_indirect_dma source(%arg7 : memref<128x128xf32, #tpu.memory_space<vmem>>) target(%dma_start3A_628 : memref<10240x128xf32, #tpu.memory_space<vmem_shared>>) offsets(%dma_start3A_625 : memref<128xi32, #tpu.memory_space<vmem>>) semaphore(%arg9 : memref<!tpu.dma_semaphore, #tpu.memory_space<semaphore_mem>>) {add = true}
    %dma_wait3A_629 = arith.constant 0 : i32
    %dma_wait3A_630 = arith.constant 0 : i32
    %dma_wait3A_631 = tpu.memref_slice %arg3[%dma_wait3A_629, %dma_wait3A_630] : memref<640x128xf32, #tpu.memory_space<hbm>> -> memref<128x128xf32, #tpu.memory_space<hbm>>
    %dma_wait3A_632 = arith.constant 0 : i32
    %dma_wait3A_633 = arith.constant 0 : i32
    %dma_wait3A_634 = tpu.memref_slice %arg3[%dma_wait3A_632, %dma_wait3A_633] : memref<640x128xf32, #tpu.memory_space<hbm>> -> memref<128x128xf32, #tpu.memory_space<hbm>>
    tpu.wait_dma2 semaphore(%arg9 : memref<!tpu.dma_semaphore, #tpu.memory_space<semaphore_mem>>) src(%dma_wait3A_634 : memref<128x128xf32, #tpu.memory_space<hbm>>) dst(%arg7 : memref<128x128xf32, #tpu.memory_space<vmem>>)
    %dma_wait3A_635 = arith.constant 0 : i32
    %dma_wait3A_636 = arith.constant 0 : i32
    %dma_wait3A_637 = tpu.memref_slice %arg3[%dma_wait3A_635, %dma_wait3A_636] : memref<640x128xf32, #tpu.memory_space<hbm>> -> memref<128x128xf32, #tpu.memory_space<hbm>>
    %dma_wait3A_638 = arith.constant 0 : i32
    %dma_wait3A_639 = arith.constant 0 : i32
    %dma_wait3A_640 = tpu.memref_slice %arg3[%dma_wait3A_638, %dma_wait3A_639] : memref<640x128xf32, #tpu.memory_space<hbm>> -> memref<128x128xf32, #tpu.memory_space<hbm>>
    tpu.wait_dma2 semaphore(%arg9 : memref<!tpu.dma_semaphore, #tpu.memory_space<semaphore_mem>>) src(%dma_wait3A_640 : memref<128x128xf32, #tpu.memory_space<hbm>>) dst(%arg7 : memref<128x128xf32, #tpu.memory_space<vmem>>)
    %dma_wait3A_641 = arith.constant 0 : i32
    %dma_wait3A_642 = arith.constant 0 : i32
    %dma_wait3A_643 = tpu.memref_slice %arg3[%dma_wait3A_641, %dma_wait3A_642] : memref<640x128xf32, #tpu.memory_space<hbm>> -> memref<128x128xf32, #tpu.memory_space<hbm>>
    %dma_wait3A_644 = arith.constant 0 : i32
    %dma_wait3A_645 = arith.constant 0 : i32
    %dma_wait3A_646 = tpu.memref_slice %arg3[%dma_wait3A_644, %dma_wait3A_645] : memref<640x128xf32, #tpu.memory_space<hbm>> -> memref<128x128xf32, #tpu.memory_space<hbm>>
    tpu.wait_dma2 semaphore(%arg9 : memref<!tpu.dma_semaphore, #tpu.memory_space<semaphore_mem>>) src(%dma_wait3A_646 : memref<128x128xf32, #tpu.memory_space<hbm>>) dst(%arg7 : memref<128x128xf32, #tpu.memory_space<vmem>>)
    %dma_wait3A_647 = arith.constant 0 : i32
    %dma_wait3A_648 = arith.constant 0 : i32
    %dma_wait3A_649 = tpu.memref_slice %arg3[%dma_wait3A_647, %dma_wait3A_648] : memref<640x128xf32, #tpu.memory_space<hbm>> -> memref<128x128xf32, #tpu.memory_space<hbm>>
    %dma_wait3A_650 = arith.constant 0 : i32
    %dma_wait3A_651 = arith.constant 0 : i32
    %dma_wait3A_652 = tpu.memref_slice %arg3[%dma_wait3A_650, %dma_wait3A_651] : memref<640x128xf32, #tpu.memory_space<hbm>> -> memref<128x128xf32, #tpu.memory_space<hbm>>
    tpu.wait_dma2 semaphore(%arg9 : memref<!tpu.dma_semaphore, #tpu.memory_space<semaphore_mem>>) src(%dma_wait3A_652 : memref<128x128xf32, #tpu.memory_space<hbm>>) dst(%arg7 : memref<128x128xf32, #tpu.memory_space<vmem>>)
    %dma_wait3A_653 = arith.constant 0 : i32
    %dma_wait3A_654 = arith.constant 0 : i32
    %dma_wait3A_655 = tpu.memref_slice %arg3[%dma_wait3A_653, %dma_wait3A_654] : memref<640x128xf32, #tpu.memory_space<hbm>> -> memref<128x128xf32, #tpu.memory_space<hbm>>
    %dma_wait3A_656 = arith.constant 0 : i32
    %dma_wait3A_657 = arith.constant 0 : i32
    %dma_wait3A_658 = tpu.memref_slice %arg3[%dma_wait3A_656, %dma_wait3A_657] : memref<640x128xf32, #tpu.memory_space<hbm>> -> memref<128x128xf32, #tpu.memory_space<hbm>>
    tpu.wait_dma2 semaphore(%arg9 : memref<!tpu.dma_semaphore, #tpu.memory_space<semaphore_mem>>) src(%dma_wait3A_658 : memref<128x128xf32, #tpu.memory_space<hbm>>) dst(%arg7 : memref<128x128xf32, #tpu.memory_space<vmem>>)
    %dma_wait3A_659 = arith.constant 0 : i32
    %dma_wait3A_660 = arith.constant 0 : i32
    %dma_wait3A_661 = tpu.memref_slice %arg3[%dma_wait3A_659, %dma_wait3A_660] : memref<640x128xf32, #tpu.memory_space<hbm>> -> memref<128x128xf32, #tpu.memory_space<hbm>>
    %dma_wait3A_662 = arith.constant 0 : i32
    %dma_wait3A_663 = arith.constant 0 : i32
    %dma_wait3A_664 = tpu.memref_slice %arg3[%dma_wait3A_662, %dma_wait3A_663] : memref<640x128xf32, #tpu.memory_space<hbm>> -> memref<128x128xf32, #tpu.memory_space<hbm>>
    tpu.wait_dma2 semaphore(%arg9 : memref<!tpu.dma_semaphore, #tpu.memory_space<semaphore_mem>>) src(%dma_wait3A_664 : memref<128x128xf32, #tpu.memory_space<hbm>>) dst(%arg7 : memref<128x128xf32, #tpu.memory_space<vmem>>)
    %dma_wait3A_665 = arith.constant 0 : i32
    %dma_wait3A_666 = arith.constant 0 : i32
    %dma_wait3A_667 = tpu.memref_slice %arg3[%dma_wait3A_665, %dma_wait3A_666] : memref<640x128xf32, #tpu.memory_space<hbm>> -> memref<128x128xf32, #tpu.memory_space<hbm>>
    %dma_wait3A_668 = arith.constant 0 : i32
    %dma_wait3A_669 = arith.constant 0 : i32
    %dma_wait3A_670 = tpu.memref_slice %arg3[%dma_wait3A_668, %dma_wait3A_669] : memref<640x128xf32, #tpu.memory_space<hbm>> -> memref<128x128xf32, #tpu.memory_space<hbm>>
    tpu.wait_dma2 semaphore(%arg9 : memref<!tpu.dma_semaphore, #tpu.memory_space<semaphore_mem>>) src(%dma_wait3A_670 : memref<128x128xf32, #tpu.memory_space<hbm>>) dst(%arg7 : memref<128x128xf32, #tpu.memory_space<vmem>>)
    %dma_wait3A_671 = arith.constant 0 : i32
    %dma_wait3A_672 = arith.constant 0 : i32
    %dma_wait3A_673 = tpu.memref_slice %arg3[%dma_wait3A_671, %dma_wait3A_672] : memref<640x128xf32, #tpu.memory_space<hbm>> -> memref<128x128xf32, #tpu.memory_space<hbm>>
    %dma_wait3A_674 = arith.constant 0 : i32
    %dma_wait3A_675 = arith.constant 0 : i32
    %dma_wait3A_676 = tpu.memref_slice %arg3[%dma_wait3A_674, %dma_wait3A_675] : memref<640x128xf32, #tpu.memory_space<hbm>> -> memref<128x128xf32, #tpu.memory_space<hbm>>
    tpu.wait_dma2 semaphore(%arg9 : memref<!tpu.dma_semaphore, #tpu.memory_space<semaphore_mem>>) src(%dma_wait3A_676 : memref<128x128xf32, #tpu.memory_space<hbm>>) dst(%arg7 : memref<128x128xf32, #tpu.memory_space<vmem>>)
    %dma_wait3A_677 = arith.constant 0 : i32
    %dma_wait3A_678 = arith.constant 0 : i32
    %dma_wait3A_679 = tpu.memref_slice %arg3[%dma_wait3A_677, %dma_wait3A_678] : memref<640x128xf32, #tpu.memory_space<hbm>> -> memref<128x128xf32, #tpu.memory_space<hbm>>
    %dma_wait3A_680 = arith.constant 0 : i32
    %dma_wait3A_681 = arith.constant 0 : i32
    %dma_wait3A_682 = tpu.memref_slice %arg3[%dma_wait3A_680, %dma_wait3A_681] : memref<640x128xf32, #tpu.memory_space<hbm>> -> memref<128x128xf32, #tpu.memory_space<hbm>>
    tpu.wait_dma2 semaphore(%arg9 : memref<!tpu.dma_semaphore, #tpu.memory_space<semaphore_mem>>) src(%dma_wait3A_682 : memref<128x128xf32, #tpu.memory_space<hbm>>) dst(%arg7 : memref<128x128xf32, #tpu.memory_space<vmem>>)
    %dma_wait3A_683 = arith.constant 0 : i32
    %dma_wait3A_684 = arith.constant 0 : i32
    %dma_wait3A_685 = tpu.memref_slice %arg3[%dma_wait3A_683, %dma_wait3A_684] : memref<640x128xf32, #tpu.memory_space<hbm>> -> memref<128x128xf32, #tpu.memory_space<hbm>>
    %dma_wait3A_686 = arith.constant 0 : i32
    %dma_wait3A_687 = arith.constant 0 : i32
    %dma_wait3A_688 = tpu.memref_slice %arg3[%dma_wait3A_686, %dma_wait3A_687] : memref<640x128xf32, #tpu.memory_space<hbm>> -> memref<128x128xf32, #tpu.memory_space<hbm>>
    tpu.wait_dma2 semaphore(%arg9 : memref<!tpu.dma_semaphore, #tpu.memory_space<semaphore_mem>>) src(%dma_wait3A_688 : memref<128x128xf32, #tpu.memory_space<hbm>>) dst(%arg7 : memref<128x128xf32, #tpu.memory_space<vmem>>)
    %dma_wait3A_689 = arith.constant 0 : i32
    %dma_wait3A_690 = arith.constant 0 : i32
    %dma_wait3A_691 = tpu.memref_slice %arg3[%dma_wait3A_689, %dma_wait3A_690] : memref<640x128xf32, #tpu.memory_space<hbm>> -> memref<128x128xf32, #tpu.memory_space<hbm>>
    %dma_wait3A_692 = arith.constant 0 : i32
    %dma_wait3A_693 = arith.constant 0 : i32
    %dma_wait3A_694 = tpu.memref_slice %arg3[%dma_wait3A_692, %dma_wait3A_693] : memref<640x128xf32, #tpu.memory_space<hbm>> -> memref<128x128xf32, #tpu.memory_space<hbm>>
    tpu.wait_dma2 semaphore(%arg9 : memref<!tpu.dma_semaphore, #tpu.memory_space<semaphore_mem>>) src(%dma_wait3A_694 : memref<128x128xf32, #tpu.memory_space<hbm>>) dst(%arg7 : memref<128x128xf32, #tpu.memory_space<vmem>>)
    %dma_wait3A_695 = arith.constant 0 : i32
    %dma_wait3A_696 = arith.constant 0 : i32
    %dma_wait3A_697 = tpu.memref_slice %arg3[%dma_wait3A_695, %dma_wait3A_696] : memref<640x128xf32, #tpu.memory_space<hbm>> -> memref<128x128xf32, #tpu.memory_space<hbm>>
    %dma_wait3A_698 = arith.constant 0 : i32
    %dma_wait3A_699 = arith.constant 0 : i32
    %dma_wait3A_700 = tpu.memref_slice %arg3[%dma_wait3A_698, %dma_wait3A_699] : memref<640x128xf32, #tpu.memory_space<hbm>> -> memref<128x128xf32, #tpu.memory_space<hbm>>
    tpu.wait_dma2 semaphore(%arg9 : memref<!tpu.dma_semaphore, #tpu.memory_space<semaphore_mem>>) src(%dma_wait3A_700 : memref<128x128xf32, #tpu.memory_space<hbm>>) dst(%arg7 : memref<128x128xf32, #tpu.memory_space<vmem>>)
    %dma_wait3A_701 = arith.constant 0 : i32
    %dma_wait3A_702 = arith.constant 0 : i32
    %dma_wait3A_703 = tpu.memref_slice %arg3[%dma_wait3A_701, %dma_wait3A_702] : memref<640x128xf32, #tpu.memory_space<hbm>> -> memref<128x128xf32, #tpu.memory_space<hbm>>
    %dma_wait3A_704 = arith.constant 0 : i32
    %dma_wait3A_705 = arith.constant 0 : i32
    %dma_wait3A_706 = tpu.memref_slice %arg3[%dma_wait3A_704, %dma_wait3A_705] : memref<640x128xf32, #tpu.memory_space<hbm>> -> memref<128x128xf32, #tpu.memory_space<hbm>>
    tpu.wait_dma2 semaphore(%arg9 : memref<!tpu.dma_semaphore, #tpu.memory_space<semaphore_mem>>) src(%dma_wait3A_706 : memref<128x128xf32, #tpu.memory_space<hbm>>) dst(%arg7 : memref<128x128xf32, #tpu.memory_space<vmem>>)
    %dma_wait3A_707 = arith.constant 0 : i32
    %dma_wait3A_708 = arith.constant 0 : i32
    %dma_wait3A_709 = tpu.memref_slice %arg3[%dma_wait3A_707, %dma_wait3A_708] : memref<640x128xf32, #tpu.memory_space<hbm>> -> memref<128x128xf32, #tpu.memory_space<hbm>>
    %dma_wait3A_710 = arith.constant 0 : i32
    %dma_wait3A_711 = arith.constant 0 : i32
    %dma_wait3A_712 = tpu.memref_slice %arg3[%dma_wait3A_710, %dma_wait3A_711] : memref<640x128xf32, #tpu.memory_space<hbm>> -> memref<128x128xf32, #tpu.memory_space<hbm>>
    tpu.wait_dma2 semaphore(%arg9 : memref<!tpu.dma_semaphore, #tpu.memory_space<semaphore_mem>>) src(%dma_wait3A_712 : memref<128x128xf32, #tpu.memory_space<hbm>>) dst(%arg7 : memref<128x128xf32, #tpu.memory_space<vmem>>)
    %dma_wait3A_713 = arith.constant 0 : i32
    %dma_wait3A_714 = arith.constant 0 : i32
    %dma_wait3A_715 = tpu.memref_slice %arg3[%dma_wait3A_713, %dma_wait3A_714] : memref<640x128xf32, #tpu.memory_space<hbm>> -> memref<128x128xf32, #tpu.memory_space<hbm>>
    %dma_wait3A_716 = arith.constant 0 : i32
    %dma_wait3A_717 = arith.constant 0 : i32
    %dma_wait3A_718 = tpu.memref_slice %arg3[%dma_wait3A_716, %dma_wait3A_717] : memref<640x128xf32, #tpu.memory_space<hbm>> -> memref<128x128xf32, #tpu.memory_space<hbm>>
    tpu.wait_dma2 semaphore(%arg9 : memref<!tpu.dma_semaphore, #tpu.memory_space<semaphore_mem>>) src(%dma_wait3A_718 : memref<128x128xf32, #tpu.memory_space<hbm>>) dst(%arg7 : memref<128x128xf32, #tpu.memory_space<vmem>>)
    %dma_wait3A_719 = arith.constant 0 : i32
    %dma_wait3A_720 = arith.constant 0 : i32
    %dma_wait3A_721 = tpu.memref_slice %arg3[%dma_wait3A_719, %dma_wait3A_720] : memref<640x128xf32, #tpu.memory_space<hbm>> -> memref<128x128xf32, #tpu.memory_space<hbm>>
    %dma_wait3A_722 = arith.constant 0 : i32
    %dma_wait3A_723 = arith.constant 0 : i32
    %dma_wait3A_724 = tpu.memref_slice %arg3[%dma_wait3A_722, %dma_wait3A_723] : memref<640x128xf32, #tpu.memory_space<hbm>> -> memref<128x128xf32, #tpu.memory_space<hbm>>
    tpu.wait_dma2 semaphore(%arg9 : memref<!tpu.dma_semaphore, #tpu.memory_space<semaphore_mem>>) src(%dma_wait3A_724 : memref<128x128xf32, #tpu.memory_space<hbm>>) dst(%arg7 : memref<128x128xf32, #tpu.memory_space<vmem>>)
    %dma_start3A_725 = arith.constant 4 : i32
    %dma_start3A_726 = arith.constant 0 : i32
    %dma_start3A_727 = arith.constant 0 : i32
    %dma_start3A_728 = arith.constant 0 : i32
    %dma_start3A_729 = tpu.memref_slice %arg2[%add3A, %dma_start3A_726, %dma_start3A_727, %dma_start3A_728] : memref<32x5x16x128xi32, #tpu.memory_space<hbm>> -> memref<1x5x16x128xi32, #tpu.memory_space<hbm>>
    %dma_start3A_730 = tpu.memref_squeeze %dma_start3A_729 : memref<1x5x16x128xi32, #tpu.memory_space<hbm>> -> memref<5x16x128xi32, #tpu.memory_space<hbm>>
    %dma_start3A_731 = arith.constant 0 : i32
    %dma_start3A_732 = arith.constant 0 : i32
    %dma_start3A_733 = tpu.memref_slice %dma_start3A_730[%dma_start3A_725, %dma_start3A_731, %dma_start3A_732] : memref<5x16x128xi32, #tpu.memory_space<hbm>> -> memref<1x16x128xi32, #tpu.memory_space<hbm>>
    %dma_start3A_734 = tpu.memref_squeeze %dma_start3A_733 : memref<1x16x128xi32, #tpu.memory_space<hbm>> -> memref<16x128xi32, #tpu.memory_space<hbm>>
    %dma_start3A_735 = arith.constant 0 : i32
    %dma_start3A_736 = arith.constant 0 : i32
    %dma_start3A_737 = arith.constant 0 : i32
    %dma_start3A_738 = tpu.memref_slice %arg2[%add3A, %dma_start3A_735, %dma_start3A_736, %dma_start3A_737] : memref<32x5x16x128xi32, #tpu.memory_space<hbm>> -> memref<1x5x16x128xi32, #tpu.memory_space<hbm>>
    %dma_start3A_739 = tpu.memref_squeeze %dma_start3A_738 : memref<1x5x16x128xi32, #tpu.memory_space<hbm>> -> memref<5x16x128xi32, #tpu.memory_space<hbm>>
    %dma_start3A_740 = arith.constant 0 : i32
    %dma_start3A_741 = arith.constant 0 : i32
    %dma_start3A_742 = tpu.memref_slice %dma_start3A_739[%dma_start3A_725, %dma_start3A_740, %dma_start3A_741] : memref<5x16x128xi32, #tpu.memory_space<hbm>> -> memref<1x16x128xi32, #tpu.memory_space<hbm>>
    %dma_start3A_743 = tpu.memref_squeeze %dma_start3A_742 : memref<1x16x128xi32, #tpu.memory_space<hbm>> -> memref<16x128xi32, #tpu.memory_space<hbm>>
    tpu.enqueue_dma source(%dma_start3A_743 : memref<16x128xi32, #tpu.memory_space<hbm>>) target(%arg5 : memref<16x128xi32, #tpu.memory_space<vmem>>) target_semaphore(%arg10 : memref<!tpu.dma_semaphore, #tpu.memory_space<semaphore_mem>>)
    %dma_wait3A_744 = arith.constant 0 : i32
    %dma_wait3A_745 = arith.constant 0 : i32
    %dma_wait3A_746 = arith.constant 0 : i32
    %dma_wait3A_747 = arith.constant 0 : i32
    %dma_wait3A_748 = tpu.memref_slice %arg2[%add3A, %dma_wait3A_745, %dma_wait3A_746, %dma_wait3A_747] : memref<32x5x16x128xi32, #tpu.memory_space<hbm>> -> memref<1x5x16x128xi32, #tpu.memory_space<hbm>>
    %dma_wait3A_749 = tpu.memref_squeeze %dma_wait3A_748 : memref<1x5x16x128xi32, #tpu.memory_space<hbm>> -> memref<5x16x128xi32, #tpu.memory_space<hbm>>
    %dma_wait3A_750 = arith.constant 0 : i32
    %dma_wait3A_751 = arith.constant 0 : i32
    %dma_wait3A_752 = tpu.memref_slice %dma_wait3A_749[%dma_wait3A_744, %dma_wait3A_750, %dma_wait3A_751] : memref<5x16x128xi32, #tpu.memory_space<hbm>> -> memref<1x16x128xi32, #tpu.memory_space<hbm>>
    %dma_wait3A_753 = tpu.memref_squeeze %dma_wait3A_752 : memref<1x16x128xi32, #tpu.memory_space<hbm>> -> memref<16x128xi32, #tpu.memory_space<hbm>>
    %dma_wait3A_754 = arith.constant 0 : i32
    %dma_wait3A_755 = arith.constant 0 : i32
    %dma_wait3A_756 = arith.constant 0 : i32
    %dma_wait3A_757 = tpu.memref_slice %arg2[%add3A, %dma_wait3A_754, %dma_wait3A_755, %dma_wait3A_756] : memref<32x5x16x128xi32, #tpu.memory_space<hbm>> -> memref<1x5x16x128xi32, #tpu.memory_space<hbm>>
    %dma_wait3A_758 = tpu.memref_squeeze %dma_wait3A_757 : memref<1x5x16x128xi32, #tpu.memory_space<hbm>> -> memref<5x16x128xi32, #tpu.memory_space<hbm>>
    %dma_wait3A_759 = arith.constant 0 : i32
    %dma_wait3A_760 = arith.constant 0 : i32
    %dma_wait3A_761 = tpu.memref_slice %dma_wait3A_758[%dma_wait3A_744, %dma_wait3A_759, %dma_wait3A_760] : memref<5x16x128xi32, #tpu.memory_space<hbm>> -> memref<1x16x128xi32, #tpu.memory_space<hbm>>
    %dma_wait3A_762 = tpu.memref_squeeze %dma_wait3A_761 : memref<1x16x128xi32, #tpu.memory_space<hbm>> -> memref<16x128xi32, #tpu.memory_space<hbm>>
    tpu.wait_dma2 semaphore(%arg11 : memref<!tpu.dma_semaphore, #tpu.memory_space<semaphore_mem>>) src(%dma_wait3A_762 : memref<16x128xi32, #tpu.memory_space<hbm>>) dst(%arg6 : memref<16x128xi32, #tpu.memory_space<vmem>>)
    %dma_start3A_763 = arith.constant 0 : i32
    %dma_start3A_764 = arith.constant 0 : i32
    %dma_start3A_765 = tpu.memref_slice %arg6[%dma_start3A_763, %dma_start3A_764] : memref<16x128xi32, #tpu.memory_space<vmem>> -> memref<1x128xi32, #tpu.memory_space<vmem>>
    %dma_start3A_766 = tpu.memref_squeeze %dma_start3A_765 : memref<1x128xi32, #tpu.memory_space<vmem>> -> memref<128xi32, #tpu.memory_space<vmem>>
    %dma_start3A_767 = arith.constant 0 : i32
    %dma_start3A_768 = arith.constant 0 : i32
    %dma_start3A_769 = tpu.memref_slice %arg8[%dma_start3A_767, %dma_start3A_768] : memref<10240x128xf32, #tpu.memory_space<vmem_shared>> -> memref<10240x128xf32, #tpu.memory_space<vmem_shared>>
    tpu.enqueue_indirect_dma source(%arg7 : memref<128x128xf32, #tpu.memory_space<vmem>>) target(%dma_start3A_769 : memref<10240x128xf32, #tpu.memory_space<vmem_shared>>) offsets(%dma_start3A_766 : memref<128xi32, #tpu.memory_space<vmem>>) semaphore(%arg9 : memref<!tpu.dma_semaphore, #tpu.memory_space<semaphore_mem>>) {add = true}
    %dma_start3A_770 = arith.constant 1 : i32
    %dma_start3A_771 = arith.constant 0 : i32
    %dma_start3A_772 = tpu.memref_slice %arg6[%dma_start3A_770, %dma_start3A_771] : memref<16x128xi32, #tpu.memory_space<vmem>> -> memref<1x128xi32, #tpu.memory_space<vmem>>
    %dma_start3A_773 = tpu.memref_squeeze %dma_start3A_772 : memref<1x128xi32, #tpu.memory_space<vmem>> -> memref<128xi32, #tpu.memory_space<vmem>>
    %dma_start3A_774 = arith.constant 0 : i32
    %dma_start3A_775 = arith.constant 0 : i32
    %dma_start3A_776 = tpu.memref_slice %arg8[%dma_start3A_774, %dma_start3A_775] : memref<10240x128xf32, #tpu.memory_space<vmem_shared>> -> memref<10240x128xf32, #tpu.memory_space<vmem_shared>>
    tpu.enqueue_indirect_dma source(%arg7 : memref<128x128xf32, #tpu.memory_space<vmem>>) target(%dma_start3A_776 : memref<10240x128xf32, #tpu.memory_space<vmem_shared>>) offsets(%dma_start3A_773 : memref<128xi32, #tpu.memory_space<vmem>>) semaphore(%arg9 : memref<!tpu.dma_semaphore, #tpu.memory_space<semaphore_mem>>) {add = true}
    %dma_start3A_777 = arith.constant 2 : i32
    %dma_start3A_778 = arith.constant 0 : i32
    %dma_start3A_779 = tpu.memref_slice %arg6[%dma_start3A_777, %dma_start3A_778] : memref<16x128xi32, #tpu.memory_space<vmem>> -> memref<1x128xi32, #tpu.memory_space<vmem>>
    %dma_start3A_780 = tpu.memref_squeeze %dma_start3A_779 : memref<1x128xi32, #tpu.memory_space<vmem>> -> memref<128xi32, #tpu.memory_space<vmem>>
    %dma_start3A_781 = arith.constant 0 : i32
    %dma_start3A_782 = arith.constant 0 : i32
    %dma_start3A_783 = tpu.memref_slice %arg8[%dma_start3A_781, %dma_start3A_782] : memref<10240x128xf32, #tpu.memory_space<vmem_shared>> -> memref<10240x128xf32, #tpu.memory_space<vmem_shared>>
    tpu.enqueue_indirect_dma source(%arg7 : memref<128x128xf32, #tpu.memory_space<vmem>>) target(%dma_start3A_783 : memref<10240x128xf32, #tpu.memory_space<vmem_shared>>) offsets(%dma_start3A_780 : memref<128xi32, #tpu.memory_space<vmem>>) semaphore(%arg9 : memref<!tpu.dma_semaphore, #tpu.memory_space<semaphore_mem>>) {add = true}
    %dma_start3A_784 = arith.constant 3 : i32
    %dma_start3A_785 = arith.constant 0 : i32
    %dma_start3A_786 = tpu.memref_slice %arg6[%dma_start3A_784, %dma_start3A_785] : memref<16x128xi32, #tpu.memory_space<vmem>> -> memref<1x128xi32, #tpu.memory_space<vmem>>
    %dma_start3A_787 = tpu.memref_squeeze %dma_start3A_786 : memref<1x128xi32, #tpu.memory_space<vmem>> -> memref<128xi32, #tpu.memory_space<vmem>>
    %dma_start3A_788 = arith.constant 0 : i32
    %dma_start3A_789 = arith.constant 0 : i32
    %dma_start3A_790 = tpu.memref_slice %arg8[%dma_start3A_788, %dma_start3A_789] : memref<10240x128xf32, #tpu.memory_space<vmem_shared>> -> memref<10240x128xf32, #tpu.memory_space<vmem_shared>>
    tpu.enqueue_indirect_dma source(%arg7 : memref<128x128xf32, #tpu.memory_space<vmem>>) target(%dma_start3A_790 : memref<10240x128xf32, #tpu.memory_space<vmem_shared>>) offsets(%dma_start3A_787 : memref<128xi32, #tpu.memory_space<vmem>>) semaphore(%arg9 : memref<!tpu.dma_semaphore, #tpu.memory_space<semaphore_mem>>) {add = true}
    %dma_start3A_791 = arith.constant 4 : i32
    %dma_start3A_792 = arith.constant 0 : i32
    %dma_start3A_793 = tpu.memref_slice %arg6[%dma_start3A_791, %dma_start3A_792] : memref<16x128xi32, #tpu.memory_space<vmem>> -> memref<1x128xi32, #tpu.memory_space<vmem>>
    %dma_start3A_794 = tpu.memref_squeeze %dma_start3A_793 : memref<1x128xi32, #tpu.memory_space<vmem>> -> memref<128xi32, #tpu.memory_space<vmem>>
    %dma_start3A_795 = arith.constant 0 : i32
    %dma_start3A_796 = arith.constant 0 : i32
    %dma_start3A_797 = tpu.memref_slice %arg8[%dma_start3A_795, %dma_start3A_796] : memref<10240x128xf32, #tpu.memory_space<vmem_shared>> -> memref<10240x128xf32, #tpu.memory_space<vmem_shared>>
    tpu.enqueue_indirect_dma source(%arg7 : memref<128x128xf32, #tpu.memory_space<vmem>>) target(%dma_start3A_797 : memref<10240x128xf32, #tpu.memory_space<vmem_shared>>) offsets(%dma_start3A_794 : memref<128xi32, #tpu.memory_space<vmem>>) semaphore(%arg9 : memref<!tpu.dma_semaphore, #tpu.memory_space<semaphore_mem>>) {add = true}
    %dma_start3A_798 = arith.constant 5 : i32
    %dma_start3A_799 = arith.constant 0 : i32
    %dma_start3A_800 = tpu.memref_slice %arg6[%dma_start3A_798, %dma_start3A_799] : memref<16x128xi32, #tpu.memory_space<vmem>> -> memref<1x128xi32, #tpu.memory_space<vmem>>
    %dma_start3A_801 = tpu.memref_squeeze %dma_start3A_800 : memref<1x128xi32, #tpu.memory_space<vmem>> -> memref<128xi32, #tpu.memory_space<vmem>>
    %dma_start3A_802 = arith.constant 0 : i32
    %dma_start3A_803 = arith.constant 0 : i32
    %dma_start3A_804 = tpu.memref_slice %arg8[%dma_start3A_802, %dma_start3A_803] : memref<10240x128xf32, #tpu.memory_space<vmem_shared>> -> memref<10240x128xf32, #tpu.memory_space<vmem_shared>>
    tpu.enqueue_indirect_dma source(%arg7 : memref<128x128xf32, #tpu.memory_space<vmem>>) target(%dma_start3A_804 : memref<10240x128xf32, #tpu.memory_space<vmem_shared>>) offsets(%dma_start3A_801 : memref<128xi32, #tpu.memory_space<vmem>>) semaphore(%arg9 : memref<!tpu.dma_semaphore, #tpu.memory_space<semaphore_mem>>) {add = true}
    %dma_start3A_805 = arith.constant 6 : i32
    %dma_start3A_806 = arith.constant 0 : i32
    %dma_start3A_807 = tpu.memref_slice %arg6[%dma_start3A_805, %dma_start3A_806] : memref<16x128xi32, #tpu.memory_space<vmem>> -> memref<1x128xi32, #tpu.memory_space<vmem>>
    %dma_start3A_808 = tpu.memref_squeeze %dma_start3A_807 : memref<1x128xi32, #tpu.memory_space<vmem>> -> memref<128xi32, #tpu.memory_space<vmem>>
    %dma_start3A_809 = arith.constant 0 : i32
    %dma_start3A_810 = arith.constant 0 : i32
    %dma_start3A_811 = tpu.memref_slice %arg8[%dma_start3A_809, %dma_start3A_810] : memref<10240x128xf32, #tpu.memory_space<vmem_shared>> -> memref<10240x128xf32, #tpu.memory_space<vmem_shared>>
    tpu.enqueue_indirect_dma source(%arg7 : memref<128x128xf32, #tpu.memory_space<vmem>>) target(%dma_start3A_811 : memref<10240x128xf32, #tpu.memory_space<vmem_shared>>) offsets(%dma_start3A_808 : memref<128xi32, #tpu.memory_space<vmem>>) semaphore(%arg9 : memref<!tpu.dma_semaphore, #tpu.memory_space<semaphore_mem>>) {add = true}
    %dma_start3A_812 = arith.constant 7 : i32
    %dma_start3A_813 = arith.constant 0 : i32
    %dma_start3A_814 = tpu.memref_slice %arg6[%dma_start3A_812, %dma_start3A_813] : memref<16x128xi32, #tpu.memory_space<vmem>> -> memref<1x128xi32, #tpu.memory_space<vmem>>
    %dma_start3A_815 = tpu.memref_squeeze %dma_start3A_814 : memref<1x128xi32, #tpu.memory_space<vmem>> -> memref<128xi32, #tpu.memory_space<vmem>>
    %dma_start3A_816 = arith.constant 0 : i32
    %dma_start3A_817 = arith.constant 0 : i32
    %dma_start3A_818 = tpu.memref_slice %arg8[%dma_start3A_816, %dma_start3A_817] : memref<10240x128xf32, #tpu.memory_space<vmem_shared>> -> memref<10240x128xf32, #tpu.memory_space<vmem_shared>>
    tpu.enqueue_indirect_dma source(%arg7 : memref<128x128xf32, #tpu.memory_space<vmem>>) target(%dma_start3A_818 : memref<10240x128xf32, #tpu.memory_space<vmem_shared>>) offsets(%dma_start3A_815 : memref<128xi32, #tpu.memory_space<vmem>>) semaphore(%arg9 : memref<!tpu.dma_semaphore, #tpu.memory_space<semaphore_mem>>) {add = true}
    %dma_start3A_819 = arith.constant 8 : i32
    %dma_start3A_820 = arith.constant 0 : i32
    %dma_start3A_821 = tpu.memref_slice %arg6[%dma_start3A_819, %dma_start3A_820] : memref<16x128xi32, #tpu.memory_space<vmem>> -> memref<1x128xi32, #tpu.memory_space<vmem>>
    %dma_start3A_822 = tpu.memref_squeeze %dma_start3A_821 : memref<1x128xi32, #tpu.memory_space<vmem>> -> memref<128xi32, #tpu.memory_space<vmem>>
    %dma_start3A_823 = arith.constant 0 : i32
    %dma_start3A_824 = arith.constant 0 : i32
    %dma_start3A_825 = tpu.memref_slice %arg8[%dma_start3A_823, %dma_start3A_824] : memref<10240x128xf32, #tpu.memory_space<vmem_shared>> -> memref<10240x128xf32, #tpu.memory_space<vmem_shared>>
    tpu.enqueue_indirect_dma source(%arg7 : memref<128x128xf32, #tpu.memory_space<vmem>>) target(%dma_start3A_825 : memref<10240x128xf32, #tpu.memory_space<vmem_shared>>) offsets(%dma_start3A_822 : memref<128xi32, #tpu.memory_space<vmem>>) semaphore(%arg9 : memref<!tpu.dma_semaphore, #tpu.memory_space<semaphore_mem>>) {add = true}
    %dma_start3A_826 = arith.constant 9 : i32
    %dma_start3A_827 = arith.constant 0 : i32
    %dma_start3A_828 = tpu.memref_slice %arg6[%dma_start3A_826, %dma_start3A_827] : memref<16x128xi32, #tpu.memory_space<vmem>> -> memref<1x128xi32, #tpu.memory_space<vmem>>
    %dma_start3A_829 = tpu.memref_squeeze %dma_start3A_828 : memref<1x128xi32, #tpu.memory_space<vmem>> -> memref<128xi32, #tpu.memory_space<vmem>>
    %dma_start3A_830 = arith.constant 0 : i32
    %dma_start3A_831 = arith.constant 0 : i32
    %dma_start3A_832 = tpu.memref_slice %arg8[%dma_start3A_830, %dma_start3A_831] : memref<10240x128xf32, #tpu.memory_space<vmem_shared>> -> memref<10240x128xf32, #tpu.memory_space<vmem_shared>>
    tpu.enqueue_indirect_dma source(%arg7 : memref<128x128xf32, #tpu.memory_space<vmem>>) target(%dma_start3A_832 : memref<10240x128xf32, #tpu.memory_space<vmem_shared>>) offsets(%dma_start3A_829 : memref<128xi32, #tpu.memory_space<vmem>>) semaphore(%arg9 : memref<!tpu.dma_semaphore, #tpu.memory_space<semaphore_mem>>) {add = true}
    %dma_start3A_833 = arith.constant 10 : i32
    %dma_start3A_834 = arith.constant 0 : i32
    %dma_start3A_835 = tpu.memref_slice %arg6[%dma_start3A_833, %dma_start3A_834] : memref<16x128xi32, #tpu.memory_space<vmem>> -> memref<1x128xi32, #tpu.memory_space<vmem>>
    %dma_start3A_836 = tpu.memref_squeeze %dma_start3A_835 : memref<1x128xi32, #tpu.memory_space<vmem>> -> memref<128xi32, #tpu.memory_space<vmem>>
    %dma_start3A_837 = arith.constant 0 : i32
    %dma_start3A_838 = arith.constant 0 : i32
    %dma_start3A_839 = tpu.memref_slice %arg8[%dma_start3A_837, %dma_start3A_838] : memref<10240x128xf32, #tpu.memory_space<vmem_shared>> -> memref<10240x128xf32, #tpu.memory_space<vmem_shared>>
    tpu.enqueue_indirect_dma source(%arg7 : memref<128x128xf32, #tpu.memory_space<vmem>>) target(%dma_start3A_839 : memref<10240x128xf32, #tpu.memory_space<vmem_shared>>) offsets(%dma_start3A_836 : memref<128xi32, #tpu.memory_space<vmem>>) semaphore(%arg9 : memref<!tpu.dma_semaphore, #tpu.memory_space<semaphore_mem>>) {add = true}
    %dma_start3A_840 = arith.constant 11 : i32
    %dma_start3A_841 = arith.constant 0 : i32
    %dma_start3A_842 = tpu.memref_slice %arg6[%dma_start3A_840, %dma_start3A_841] : memref<16x128xi32, #tpu.memory_space<vmem>> -> memref<1x128xi32, #tpu.memory_space<vmem>>
    %dma_start3A_843 = tpu.memref_squeeze %dma_start3A_842 : memref<1x128xi32, #tpu.memory_space<vmem>> -> memref<128xi32, #tpu.memory_space<vmem>>
    %dma_start3A_844 = arith.constant 0 : i32
    %dma_start3A_845 = arith.constant 0 : i32
    %dma_start3A_846 = tpu.memref_slice %arg8[%dma_start3A_844, %dma_start3A_845] : memref<10240x128xf32, #tpu.memory_space<vmem_shared>> -> memref<10240x128xf32, #tpu.memory_space<vmem_shared>>
    tpu.enqueue_indirect_dma source(%arg7 : memref<128x128xf32, #tpu.memory_space<vmem>>) target(%dma_start3A_846 : memref<10240x128xf32, #tpu.memory_space<vmem_shared>>) offsets(%dma_start3A_843 : memref<128xi32, #tpu.memory_space<vmem>>) semaphore(%arg9 : memref<!tpu.dma_semaphore, #tpu.memory_space<semaphore_mem>>) {add = true}
    %dma_start3A_847 = arith.constant 12 : i32
    %dma_start3A_848 = arith.constant 0 : i32
    %dma_start3A_849 = tpu.memref_slice %arg6[%dma_start3A_847, %dma_start3A_848] : memref<16x128xi32, #tpu.memory_space<vmem>> -> memref<1x128xi32, #tpu.memory_space<vmem>>
    %dma_start3A_850 = tpu.memref_squeeze %dma_start3A_849 : memref<1x128xi32, #tpu.memory_space<vmem>> -> memref<128xi32, #tpu.memory_space<vmem>>
    %dma_start3A_851 = arith.constant 0 : i32
    %dma_start3A_852 = arith.constant 0 : i32
    %dma_start3A_853 = tpu.memref_slice %arg8[%dma_start3A_851, %dma_start3A_852] : memref<10240x128xf32, #tpu.memory_space<vmem_shared>> -> memref<10240x128xf32, #tpu.memory_space<vmem_shared>>
    tpu.enqueue_indirect_dma source(%arg7 : memref<128x128xf32, #tpu.memory_space<vmem>>) target(%dma_start3A_853 : memref<10240x128xf32, #tpu.memory_space<vmem_shared>>) offsets(%dma_start3A_850 : memref<128xi32, #tpu.memory_space<vmem>>) semaphore(%arg9 : memref<!tpu.dma_semaphore, #tpu.memory_space<semaphore_mem>>) {add = true}
    %dma_start3A_854 = arith.constant 13 : i32
    %dma_start3A_855 = arith.constant 0 : i32
    %dma_start3A_856 = tpu.memref_slice %arg6[%dma_start3A_854, %dma_start3A_855] : memref<16x128xi32, #tpu.memory_space<vmem>> -> memref<1x128xi32, #tpu.memory_space<vmem>>
    %dma_start3A_857 = tpu.memref_squeeze %dma_start3A_856 : memref<1x128xi32, #tpu.memory_space<vmem>> -> memref<128xi32, #tpu.memory_space<vmem>>
    %dma_start3A_858 = arith.constant 0 : i32
    %dma_start3A_859 = arith.constant 0 : i32
    %dma_start3A_860 = tpu.memref_slice %arg8[%dma_start3A_858, %dma_start3A_859] : memref<10240x128xf32, #tpu.memory_space<vmem_shared>> -> memref<10240x128xf32, #tpu.memory_space<vmem_shared>>
    tpu.enqueue_indirect_dma source(%arg7 : memref<128x128xf32, #tpu.memory_space<vmem>>) target(%dma_start3A_860 : memref<10240x128xf32, #tpu.memory_space<vmem_shared>>) offsets(%dma_start3A_857 : memref<128xi32, #tpu.memory_space<vmem>>) semaphore(%arg9 : memref<!tpu.dma_semaphore, #tpu.memory_space<semaphore_mem>>) {add = true}
    %dma_start3A_861 = arith.constant 14 : i32
    %dma_start3A_862 = arith.constant 0 : i32
    %dma_start3A_863 = tpu.memref_slice %arg6[%dma_start3A_861, %dma_start3A_862] : memref<16x128xi32, #tpu.memory_space<vmem>> -> memref<1x128xi32, #tpu.memory_space<vmem>>
    %dma_start3A_864 = tpu.memref_squeeze %dma_start3A_863 : memref<1x128xi32, #tpu.memory_space<vmem>> -> memref<128xi32, #tpu.memory_space<vmem>>
    %dma_start3A_865 = arith.constant 0 : i32
    %dma_start3A_866 = arith.constant 0 : i32
    %dma_start3A_867 = tpu.memref_slice %arg8[%dma_start3A_865, %dma_start3A_866] : memref<10240x128xf32, #tpu.memory_space<vmem_shared>> -> memref<10240x128xf32, #tpu.memory_space<vmem_shared>>
    tpu.enqueue_indirect_dma source(%arg7 : memref<128x128xf32, #tpu.memory_space<vmem>>) target(%dma_start3A_867 : memref<10240x128xf32, #tpu.memory_space<vmem_shared>>) offsets(%dma_start3A_864 : memref<128xi32, #tpu.memory_space<vmem>>) semaphore(%arg9 : memref<!tpu.dma_semaphore, #tpu.memory_space<semaphore_mem>>) {add = true}
    %dma_start3A_868 = arith.constant 15 : i32
    %dma_start3A_869 = arith.constant 0 : i32
    %dma_start3A_870 = tpu.memref_slice %arg6[%dma_start3A_868, %dma_start3A_869] : memref<16x128xi32, #tpu.memory_space<vmem>> -> memref<1x128xi32, #tpu.memory_space<vmem>>
    %dma_start3A_871 = tpu.memref_squeeze %dma_start3A_870 : memref<1x128xi32, #tpu.memory_space<vmem>> -> memref<128xi32, #tpu.memory_space<vmem>>
    %dma_start3A_872 = arith.constant 0 : i32
    %dma_start3A_873 = arith.constant 0 : i32
    %dma_start3A_874 = tpu.memref_slice %arg8[%dma_start3A_872, %dma_start3A_873] : memref<10240x128xf32, #tpu.memory_space<vmem_shared>> -> memref<10240x128xf32, #tpu.memory_space<vmem_shared>>
    tpu.enqueue_indirect_dma source(%arg7 : memref<128x128xf32, #tpu.memory_space<vmem>>) target(%dma_start3A_874 : memref<10240x128xf32, #tpu.memory_space<vmem_shared>>) offsets(%dma_start3A_871 : memref<128xi32, #tpu.memory_space<vmem>>) semaphore(%arg9 : memref<!tpu.dma_semaphore, #tpu.memory_space<semaphore_mem>>) {add = true}
    %dma_wait3A_875 = arith.constant 0 : i32
    %dma_wait3A_876 = arith.constant 0 : i32
    %dma_wait3A_877 = tpu.memref_slice %arg3[%dma_wait3A_875, %dma_wait3A_876] : memref<640x128xf32, #tpu.memory_space<hbm>> -> memref<128x128xf32, #tpu.memory_space<hbm>>
    %dma_wait3A_878 = arith.constant 0 : i32
    %dma_wait3A_879 = arith.constant 0 : i32
    %dma_wait3A_880 = tpu.memref_slice %arg3[%dma_wait3A_878, %dma_wait3A_879] : memref<640x128xf32, #tpu.memory_space<hbm>> -> memref<128x128xf32, #tpu.memory_space<hbm>>
    tpu.wait_dma2 semaphore(%arg9 : memref<!tpu.dma_semaphore, #tpu.memory_space<semaphore_mem>>) src(%dma_wait3A_880 : memref<128x128xf32, #tpu.memory_space<hbm>>) dst(%arg7 : memref<128x128xf32, #tpu.memory_space<vmem>>)
    %dma_wait3A_881 = arith.constant 0 : i32
    %dma_wait3A_882 = arith.constant 0 : i32
    %dma_wait3A_883 = tpu.memref_slice %arg3[%dma_wait3A_881, %dma_wait3A_882] : memref<640x128xf32, #tpu.memory_space<hbm>> -> memref<128x128xf32, #tpu.memory_space<hbm>>
    %dma_wait3A_884 = arith.constant 0 : i32
    %dma_wait3A_885 = arith.constant 0 : i32
    %dma_wait3A_886 = tpu.memref_slice %arg3[%dma_wait3A_884, %dma_wait3A_885] : memref<640x128xf32, #tpu.memory_space<hbm>> -> memref<128x128xf32, #tpu.memory_space<hbm>>
    tpu.wait_dma2 semaphore(%arg9 : memref<!tpu.dma_semaphore, #tpu.memory_space<semaphore_mem>>) src(%dma_wait3A_886 : memref<128x128xf32, #tpu.memory_space<hbm>>) dst(%arg7 : memref<128x128xf32, #tpu.memory_space<vmem>>)
    %dma_wait3A_887 = arith.constant 0 : i32
    %dma_wait3A_888 = arith.constant 0 : i32
    %dma_wait3A_889 = tpu.memref_slice %arg3[%dma_wait3A_887, %dma_wait3A_888] : memref<640x128xf32, #tpu.memory_space<hbm>> -> memref<128x128xf32, #tpu.memory_space<hbm>>
    %dma_wait3A_890 = arith.constant 0 : i32
    %dma_wait3A_891 = arith.constant 0 : i32
    %dma_wait3A_892 = tpu.memref_slice %arg3[%dma_wait3A_890, %dma_wait3A_891] : memref<640x128xf32, #tpu.memory_space<hbm>> -> memref<128x128xf32, #tpu.memory_space<hbm>>
    tpu.wait_dma2 semaphore(%arg9 : memref<!tpu.dma_semaphore, #tpu.memory_space<semaphore_mem>>) src(%dma_wait3A_892 : memref<128x128xf32, #tpu.memory_space<hbm>>) dst(%arg7 : memref<128x128xf32, #tpu.memory_space<vmem>>)
    %dma_wait3A_893 = arith.constant 0 : i32
    %dma_wait3A_894 = arith.constant 0 : i32
    %dma_wait3A_895 = tpu.memref_slice %arg3[%dma_wait3A_893, %dma_wait3A_894] : memref<640x128xf32, #tpu.memory_space<hbm>> -> memref<128x128xf32, #tpu.memory_space<hbm>>
    %dma_wait3A_896 = arith.constant 0 : i32
    %dma_wait3A_897 = arith.constant 0 : i32
    %dma_wait3A_898 = tpu.memref_slice %arg3[%dma_wait3A_896, %dma_wait3A_897] : memref<640x128xf32, #tpu.memory_space<hbm>> -> memref<128x128xf32, #tpu.memory_space<hbm>>
    tpu.wait_dma2 semaphore(%arg9 : memref<!tpu.dma_semaphore, #tpu.memory_space<semaphore_mem>>) src(%dma_wait3A_898 : memref<128x128xf32, #tpu.memory_space<hbm>>) dst(%arg7 : memref<128x128xf32, #tpu.memory_space<vmem>>)
    %dma_wait3A_899 = arith.constant 0 : i32
    %dma_wait3A_900 = arith.constant 0 : i32
    %dma_wait3A_901 = tpu.memref_slice %arg3[%dma_wait3A_899, %dma_wait3A_900] : memref<640x128xf32, #tpu.memory_space<hbm>> -> memref<128x128xf32, #tpu.memory_space<hbm>>
    %dma_wait3A_902 = arith.constant 0 : i32
    %dma_wait3A_903 = arith.constant 0 : i32
    %dma_wait3A_904 = tpu.memref_slice %arg3[%dma_wait3A_902, %dma_wait3A_903] : memref<640x128xf32, #tpu.memory_space<hbm>> -> memref<128x128xf32, #tpu.memory_space<hbm>>
    tpu.wait_dma2 semaphore(%arg9 : memref<!tpu.dma_semaphore, #tpu.memory_space<semaphore_mem>>) src(%dma_wait3A_904 : memref<128x128xf32, #tpu.memory_space<hbm>>) dst(%arg7 : memref<128x128xf32, #tpu.memory_space<vmem>>)
    %dma_wait3A_905 = arith.constant 0 : i32
    %dma_wait3A_906 = arith.constant 0 : i32
    %dma_wait3A_907 = tpu.memref_slice %arg3[%dma_wait3A_905, %dma_wait3A_906] : memref<640x128xf32, #tpu.memory_space<hbm>> -> memref<128x128xf32, #tpu.memory_space<hbm>>
    %dma_wait3A_908 = arith.constant 0 : i32
    %dma_wait3A_909 = arith.constant 0 : i32
    %dma_wait3A_910 = tpu.memref_slice %arg3[%dma_wait3A_908, %dma_wait3A_909] : memref<640x128xf32, #tpu.memory_space<hbm>> -> memref<128x128xf32, #tpu.memory_space<hbm>>
    tpu.wait_dma2 semaphore(%arg9 : memref<!tpu.dma_semaphore, #tpu.memory_space<semaphore_mem>>) src(%dma_wait3A_910 : memref<128x128xf32, #tpu.memory_space<hbm>>) dst(%arg7 : memref<128x128xf32, #tpu.memory_space<vmem>>)
    %dma_wait3A_911 = arith.constant 0 : i32
    %dma_wait3A_912 = arith.constant 0 : i32
    %dma_wait3A_913 = tpu.memref_slice %arg3[%dma_wait3A_911, %dma_wait3A_912] : memref<640x128xf32, #tpu.memory_space<hbm>> -> memref<128x128xf32, #tpu.memory_space<hbm>>
    %dma_wait3A_914 = arith.constant 0 : i32
    %dma_wait3A_915 = arith.constant 0 : i32
    %dma_wait3A_916 = tpu.memref_slice %arg3[%dma_wait3A_914, %dma_wait3A_915] : memref<640x128xf32, #tpu.memory_space<hbm>> -> memref<128x128xf32, #tpu.memory_space<hbm>>
    tpu.wait_dma2 semaphore(%arg9 : memref<!tpu.dma_semaphore, #tpu.memory_space<semaphore_mem>>) src(%dma_wait3A_916 : memref<128x128xf32, #tpu.memory_space<hbm>>) dst(%arg7 : memref<128x128xf32, #tpu.memory_space<vmem>>)
    %dma_wait3A_917 = arith.constant 0 : i32
    %dma_wait3A_918 = arith.constant 0 : i32
    %dma_wait3A_919 = tpu.memref_slice %arg3[%dma_wait3A_917, %dma_wait3A_918] : memref<640x128xf32, #tpu.memory_space<hbm>> -> memref<128x128xf32, #tpu.memory_space<hbm>>
    %dma_wait3A_920 = arith.constant 0 : i32
    %dma_wait3A_921 = arith.constant 0 : i32
    %dma_wait3A_922 = tpu.memref_slice %arg3[%dma_wait3A_920, %dma_wait3A_921] : memref<640x128xf32, #tpu.memory_space<hbm>> -> memref<128x128xf32, #tpu.memory_space<hbm>>
    tpu.wait_dma2 semaphore(%arg9 : memref<!tpu.dma_semaphore, #tpu.memory_space<semaphore_mem>>) src(%dma_wait3A_922 : memref<128x128xf32, #tpu.memory_space<hbm>>) dst(%arg7 : memref<128x128xf32, #tpu.memory_space<vmem>>)
    %dma_wait3A_923 = arith.constant 0 : i32
    %dma_wait3A_924 = arith.constant 0 : i32
    %dma_wait3A_925 = tpu.memref_slice %arg3[%dma_wait3A_923, %dma_wait3A_924] : memref<640x128xf32, #tpu.memory_space<hbm>> -> memref<128x128xf32, #tpu.memory_space<hbm>>
    %dma_wait3A_926 = arith.constant 0 : i32
    %dma_wait3A_927 = arith.constant 0 : i32
    %dma_wait3A_928 = tpu.memref_slice %arg3[%dma_wait3A_926, %dma_wait3A_927] : memref<640x128xf32, #tpu.memory_space<hbm>> -> memref<128x128xf32, #tpu.memory_space<hbm>>
    tpu.wait_dma2 semaphore(%arg9 : memref<!tpu.dma_semaphore, #tpu.memory_space<semaphore_mem>>) src(%dma_wait3A_928 : memref<128x128xf32, #tpu.memory_space<hbm>>) dst(%arg7 : memref<128x128xf32, #tpu.memory_space<vmem>>)
    %dma_wait3A_929 = arith.constant 0 : i32
    %dma_wait3A_930 = arith.constant 0 : i32
    %dma_wait3A_931 = tpu.memref_slice %arg3[%dma_wait3A_929, %dma_wait3A_930] : memref<640x128xf32, #tpu.memory_space<hbm>> -> memref<128x128xf32, #tpu.memory_space<hbm>>
    %dma_wait3A_932 = arith.constant 0 : i32
    %dma_wait3A_933 = arith.constant 0 : i32
    %dma_wait3A_934 = tpu.memref_slice %arg3[%dma_wait3A_932, %dma_wait3A_933] : memref<640x128xf32, #tpu.memory_space<hbm>> -> memref<128x128xf32, #tpu.memory_space<hbm>>
    tpu.wait_dma2 semaphore(%arg9 : memref<!tpu.dma_semaphore, #tpu.memory_space<semaphore_mem>>) src(%dma_wait3A_934 : memref<128x128xf32, #tpu.memory_space<hbm>>) dst(%arg7 : memref<128x128xf32, #tpu.memory_space<vmem>>)
    %dma_wait3A_935 = arith.constant 0 : i32
    %dma_wait3A_936 = arith.constant 0 : i32
    %dma_wait3A_937 = tpu.memref_slice %arg3[%dma_wait3A_935, %dma_wait3A_936] : memref<640x128xf32, #tpu.memory_space<hbm>> -> memref<128x128xf32, #tpu.memory_space<hbm>>
    %dma_wait3A_938 = arith.constant 0 : i32
    %dma_wait3A_939 = arith.constant 0 : i32
    %dma_wait3A_940 = tpu.memref_slice %arg3[%dma_wait3A_938, %dma_wait3A_939] : memref<640x128xf32, #tpu.memory_space<hbm>> -> memref<128x128xf32, #tpu.memory_space<hbm>>
    tpu.wait_dma2 semaphore(%arg9 : memref<!tpu.dma_semaphore, #tpu.memory_space<semaphore_mem>>) src(%dma_wait3A_940 : memref<128x128xf32, #tpu.memory_space<hbm>>) dst(%arg7 : memref<128x128xf32, #tpu.memory_space<vmem>>)
    %dma_wait3A_941 = arith.constant 0 : i32
    %dma_wait3A_942 = arith.constant 0 : i32
    %dma_wait3A_943 = tpu.memref_slice %arg3[%dma_wait3A_941, %dma_wait3A_942] : memref<640x128xf32, #tpu.memory_space<hbm>> -> memref<128x128xf32, #tpu.memory_space<hbm>>
    %dma_wait3A_944 = arith.constant 0 : i32
    %dma_wait3A_945 = arith.constant 0 : i32
    %dma_wait3A_946 = tpu.memref_slice %arg3[%dma_wait3A_944, %dma_wait3A_945] : memref<640x128xf32, #tpu.memory_space<hbm>> -> memref<128x128xf32, #tpu.memory_space<hbm>>
    tpu.wait_dma2 semaphore(%arg9 : memref<!tpu.dma_semaphore, #tpu.memory_space<semaphore_mem>>) src(%dma_wait3A_946 : memref<128x128xf32, #tpu.memory_space<hbm>>) dst(%arg7 : memref<128x128xf32, #tpu.memory_space<vmem>>)
    %dma_wait3A_947 = arith.constant 0 : i32
    %dma_wait3A_948 = arith.constant 0 : i32
    %dma_wait3A_949 = tpu.memref_slice %arg3[%dma_wait3A_947, %dma_wait3A_948] : memref<640x128xf32, #tpu.memory_space<hbm>> -> memref<128x128xf32, #tpu.memory_space<hbm>>
    %dma_wait3A_950 = arith.constant 0 : i32
    %dma_wait3A_951 = arith.constant 0 : i32
    %dma_wait3A_952 = tpu.memref_slice %arg3[%dma_wait3A_950, %dma_wait3A_951] : memref<640x128xf32, #tpu.memory_space<hbm>> -> memref<128x128xf32, #tpu.memory_space<hbm>>
    tpu.wait_dma2 semaphore(%arg9 : memref<!tpu.dma_semaphore, #tpu.memory_space<semaphore_mem>>) src(%dma_wait3A_952 : memref<128x128xf32, #tpu.memory_space<hbm>>) dst(%arg7 : memref<128x128xf32, #tpu.memory_space<vmem>>)
    %dma_wait3A_953 = arith.constant 0 : i32
    %dma_wait3A_954 = arith.constant 0 : i32
    %dma_wait3A_955 = tpu.memref_slice %arg3[%dma_wait3A_953, %dma_wait3A_954] : memref<640x128xf32, #tpu.memory_space<hbm>> -> memref<128x128xf32, #tpu.memory_space<hbm>>
    %dma_wait3A_956 = arith.constant 0 : i32
    %dma_wait3A_957 = arith.constant 0 : i32
    %dma_wait3A_958 = tpu.memref_slice %arg3[%dma_wait3A_956, %dma_wait3A_957] : memref<640x128xf32, #tpu.memory_space<hbm>> -> memref<128x128xf32, #tpu.memory_space<hbm>>
    tpu.wait_dma2 semaphore(%arg9 : memref<!tpu.dma_semaphore, #tpu.memory_space<semaphore_mem>>) src(%dma_wait3A_958 : memref<128x128xf32, #tpu.memory_space<hbm>>) dst(%arg7 : memref<128x128xf32, #tpu.memory_space<vmem>>)
    %dma_wait3A_959 = arith.constant 0 : i32
    %dma_wait3A_960 = arith.constant 0 : i32
    %dma_wait3A_961 = tpu.memref_slice %arg3[%dma_wait3A_959, %dma_wait3A_960] : memref<640x128xf32, #tpu.memory_space<hbm>> -> memref<128x128xf32, #tpu.memory_space<hbm>>
    %dma_wait3A_962 = arith.constant 0 : i32
    %dma_wait3A_963 = arith.constant 0 : i32
    %dma_wait3A_964 = tpu.memref_slice %arg3[%dma_wait3A_962, %dma_wait3A_963] : memref<640x128xf32, #tpu.memory_space<hbm>> -> memref<128x128xf32, #tpu.memory_space<hbm>>
    tpu.wait_dma2 semaphore(%arg9 : memref<!tpu.dma_semaphore, #tpu.memory_space<semaphore_mem>>) src(%dma_wait3A_964 : memref<128x128xf32, #tpu.memory_space<hbm>>) dst(%arg7 : memref<128x128xf32, #tpu.memory_space<vmem>>)
    %dma_wait3A_965 = arith.constant 0 : i32
    %dma_wait3A_966 = arith.constant 0 : i32
    %dma_wait3A_967 = tpu.memref_slice %arg3[%dma_wait3A_965, %dma_wait3A_966] : memref<640x128xf32, #tpu.memory_space<hbm>> -> memref<128x128xf32, #tpu.memory_space<hbm>>
    %dma_wait3A_968 = arith.constant 0 : i32
    %dma_wait3A_969 = arith.constant 0 : i32
    %dma_wait3A_970 = tpu.memref_slice %arg3[%dma_wait3A_968, %dma_wait3A_969] : memref<640x128xf32, #tpu.memory_space<hbm>> -> memref<128x128xf32, #tpu.memory_space<hbm>>
    tpu.wait_dma2 semaphore(%arg9 : memref<!tpu.dma_semaphore, #tpu.memory_space<semaphore_mem>>) src(%dma_wait3A_970 : memref<128x128xf32, #tpu.memory_space<hbm>>) dst(%arg7 : memref<128x128xf32, #tpu.memory_space<vmem>>)
    %dma_wait3A_971 = arith.constant 0 : i32
    %dma_wait3A_972 = arith.constant 0 : i32
    %dma_wait3A_973 = arith.constant 0 : i32
    %dma_wait3A_974 = arith.constant 0 : i32
    %dma_wait3A_975 = tpu.memref_slice %arg2[%add3A, %dma_wait3A_972, %dma_wait3A_973, %dma_wait3A_974] : memref<32x5x16x128xi32, #tpu.memory_space<hbm>> -> memref<1x5x16x128xi32, #tpu.memory_space<hbm>>
    %dma_wait3A_976 = tpu.memref_squeeze %dma_wait3A_975 : memref<1x5x16x128xi32, #tpu.memory_space<hbm>> -> memref<5x16x128xi32, #tpu.memory_space<hbm>>
    %dma_wait3A_977 = arith.constant 0 : i32
    %dma_wait3A_978 = arith.constant 0 : i32
    %dma_wait3A_979 = tpu.memref_slice %dma_wait3A_976[%dma_wait3A_971, %dma_wait3A_977, %dma_wait3A_978] : memref<5x16x128xi32, #tpu.memory_space<hbm>> -> memref<1x16x128xi32, #tpu.memory_space<hbm>>
    %dma_wait3A_980 = tpu.memref_squeeze %dma_wait3A_979 : memref<1x16x128xi32, #tpu.memory_space<hbm>> -> memref<16x128xi32, #tpu.memory_space<hbm>>
    %dma_wait3A_981 = arith.constant 0 : i32
    %dma_wait3A_982 = arith.constant 0 : i32
    %dma_wait3A_983 = arith.constant 0 : i32
    %dma_wait3A_984 = tpu.memref_slice %arg2[%add3A, %dma_wait3A_981, %dma_wait3A_982, %dma_wait3A_983] : memref<32x5x16x128xi32, #tpu.memory_space<hbm>> -> memref<1x5x16x128xi32, #tpu.memory_space<hbm>>
    %dma_wait3A_985 = tpu.memref_squeeze %dma_wait3A_984 : memref<1x5x16x128xi32, #tpu.memory_space<hbm>> -> memref<5x16x128xi32, #tpu.memory_space<hbm>>
    %dma_wait3A_986 = arith.constant 0 : i32
    %dma_wait3A_987 = arith.constant 0 : i32
    %dma_wait3A_988 = tpu.memref_slice %dma_wait3A_985[%dma_wait3A_971, %dma_wait3A_986, %dma_wait3A_987] : memref<5x16x128xi32, #tpu.memory_space<hbm>> -> memref<1x16x128xi32, #tpu.memory_space<hbm>>
    %dma_wait3A_989 = tpu.memref_squeeze %dma_wait3A_988 : memref<1x16x128xi32, #tpu.memory_space<hbm>> -> memref<16x128xi32, #tpu.memory_space<hbm>>
    tpu.wait_dma2 semaphore(%arg10 : memref<!tpu.dma_semaphore, #tpu.memory_space<semaphore_mem>>) src(%dma_wait3A_989 : memref<16x128xi32, #tpu.memory_space<hbm>>) dst(%arg5 : memref<16x128xi32, #tpu.memory_space<vmem>>)
    %dma_start3A_990 = arith.constant 0 : i32
    %dma_start3A_991 = arith.constant 0 : i32
    %dma_start3A_992 = tpu.memref_slice %arg5[%dma_start3A_990, %dma_start3A_991] : memref<16x128xi32, #tpu.memory_space<vmem>> -> memref<1x128xi32, #tpu.memory_space<vmem>>
    %dma_start3A_993 = tpu.memref_squeeze %dma_start3A_992 : memref<1x128xi32, #tpu.memory_space<vmem>> -> memref<128xi32, #tpu.memory_space<vmem>>
    %dma_start3A_994 = arith.constant 0 : i32
    %dma_start3A_995 = arith.constant 0 : i32
    %dma_start3A_996 = tpu.memref_slice %arg8[%dma_start3A_994, %dma_start3A_995] : memref<10240x128xf32, #tpu.memory_space<vmem_shared>> -> memref<10240x128xf32, #tpu.memory_space<vmem_shared>>
    tpu.enqueue_indirect_dma source(%arg7 : memref<128x128xf32, #tpu.memory_space<vmem>>) target(%dma_start3A_996 : memref<10240x128xf32, #tpu.memory_space<vmem_shared>>) offsets(%dma_start3A_993 : memref<128xi32, #tpu.memory_space<vmem>>) semaphore(%arg9 : memref<!tpu.dma_semaphore, #tpu.memory_space<semaphore_mem>>) {add = true}
    %dma_start3A_997 = arith.constant 1 : i32
    %dma_start3A_998 = arith.constant 0 : i32
    %dma_start3A_999 = tpu.memref_slice %arg5[%dma_start3A_997, %dma_start3A_998] : memref<16x128xi32, #tpu.memory_space<vmem>> -> memref<1x128xi32, #tpu.memory_space<vmem>>
    %dma_start3A_1000 = tpu.memref_squeeze %dma_start3A_999 : memref<1x128xi32, #tpu.memory_space<vmem>> -> memref<128xi32, #tpu.memory_space<vmem>>
    %dma_start3A_1001 = arith.constant 0 : i32
    %dma_start3A_1002 = arith.constant 0 : i32
    %dma_start3A_1003 = tpu.memref_slice %arg8[%dma_start3A_1001, %dma_start3A_1002] : memref<10240x128xf32, #tpu.memory_space<vmem_shared>> -> memref<10240x128xf32, #tpu.memory_space<vmem_shared>>
    tpu.enqueue_indirect_dma source(%arg7 : memref<128x128xf32, #tpu.memory_space<vmem>>) target(%dma_start3A_1003 : memref<10240x128xf32, #tpu.memory_space<vmem_shared>>) offsets(%dma_start3A_1000 : memref<128xi32, #tpu.memory_space<vmem>>) semaphore(%arg9 : memref<!tpu.dma_semaphore, #tpu.memory_space<semaphore_mem>>) {add = true}
    %dma_start3A_1004 = arith.constant 2 : i32
    %dma_start3A_1005 = arith.constant 0 : i32
    %dma_start3A_1006 = tpu.memref_slice %arg5[%dma_start3A_1004, %dma_start3A_1005] : memref<16x128xi32, #tpu.memory_space<vmem>> -> memref<1x128xi32, #tpu.memory_space<vmem>>
    %dma_start3A_1007 = tpu.memref_squeeze %dma_start3A_1006 : memref<1x128xi32, #tpu.memory_space<vmem>> -> memref<128xi32, #tpu.memory_space<vmem>>
    %dma_start3A_1008 = arith.constant 0 : i32
    %dma_start3A_1009 = arith.constant 0 : i32
    %dma_start3A_1010 = tpu.memref_slice %arg8[%dma_start3A_1008, %dma_start3A_1009] : memref<10240x128xf32, #tpu.memory_space<vmem_shared>> -> memref<10240x128xf32, #tpu.memory_space<vmem_shared>>
    tpu.enqueue_indirect_dma source(%arg7 : memref<128x128xf32, #tpu.memory_space<vmem>>) target(%dma_start3A_1010 : memref<10240x128xf32, #tpu.memory_space<vmem_shared>>) offsets(%dma_start3A_1007 : memref<128xi32, #tpu.memory_space<vmem>>) semaphore(%arg9 : memref<!tpu.dma_semaphore, #tpu.memory_space<semaphore_mem>>) {add = true}
    %dma_start3A_1011 = arith.constant 3 : i32
    %dma_start3A_1012 = arith.constant 0 : i32
    %dma_start3A_1013 = tpu.memref_slice %arg5[%dma_start3A_1011, %dma_start3A_1012] : memref<16x128xi32, #tpu.memory_space<vmem>> -> memref<1x128xi32, #tpu.memory_space<vmem>>
    %dma_start3A_1014 = tpu.memref_squeeze %dma_start3A_1013 : memref<1x128xi32, #tpu.memory_space<vmem>> -> memref<128xi32, #tpu.memory_space<vmem>>
    %dma_start3A_1015 = arith.constant 0 : i32
    %dma_start3A_1016 = arith.constant 0 : i32
    %dma_start3A_1017 = tpu.memref_slice %arg8[%dma_start3A_1015, %dma_start3A_1016] : memref<10240x128xf32, #tpu.memory_space<vmem_shared>> -> memref<10240x128xf32, #tpu.memory_space<vmem_shared>>
    tpu.enqueue_indirect_dma source(%arg7 : memref<128x128xf32, #tpu.memory_space<vmem>>) target(%dma_start3A_1017 : memref<10240x128xf32, #tpu.memory_space<vmem_shared>>) offsets(%dma_start3A_1014 : memref<128xi32, #tpu.memory_space<vmem>>) semaphore(%arg9 : memref<!tpu.dma_semaphore, #tpu.memory_space<semaphore_mem>>) {add = true}
    %dma_start3A_1018 = arith.constant 4 : i32
    %dma_start3A_1019 = arith.constant 0 : i32
    %dma_start3A_1020 = tpu.memref_slice %arg5[%dma_start3A_1018, %dma_start3A_1019] : memref<16x128xi32, #tpu.memory_space<vmem>> -> memref<1x128xi32, #tpu.memory_space<vmem>>
    %dma_start3A_1021 = tpu.memref_squeeze %dma_start3A_1020 : memref<1x128xi32, #tpu.memory_space<vmem>> -> memref<128xi32, #tpu.memory_space<vmem>>
    %dma_start3A_1022 = arith.constant 0 : i32
    %dma_start3A_1023 = arith.constant 0 : i32
    %dma_start3A_1024 = tpu.memref_slice %arg8[%dma_start3A_1022, %dma_start3A_1023] : memref<10240x128xf32, #tpu.memory_space<vmem_shared>> -> memref<10240x128xf32, #tpu.memory_space<vmem_shared>>
    tpu.enqueue_indirect_dma source(%arg7 : memref<128x128xf32, #tpu.memory_space<vmem>>) target(%dma_start3A_1024 : memref<10240x128xf32, #tpu.memory_space<vmem_shared>>) offsets(%dma_start3A_1021 : memref<128xi32, #tpu.memory_space<vmem>>) semaphore(%arg9 : memref<!tpu.dma_semaphore, #tpu.memory_space<semaphore_mem>>) {add = true}
    %dma_start3A_1025 = arith.constant 5 : i32
    %dma_start3A_1026 = arith.constant 0 : i32
    %dma_start3A_1027 = tpu.memref_slice %arg5[%dma_start3A_1025, %dma_start3A_1026] : memref<16x128xi32, #tpu.memory_space<vmem>> -> memref<1x128xi32, #tpu.memory_space<vmem>>
    %dma_start3A_1028 = tpu.memref_squeeze %dma_start3A_1027 : memref<1x128xi32, #tpu.memory_space<vmem>> -> memref<128xi32, #tpu.memory_space<vmem>>
    %dma_start3A_1029 = arith.constant 0 : i32
    %dma_start3A_1030 = arith.constant 0 : i32
    %dma_start3A_1031 = tpu.memref_slice %arg8[%dma_start3A_1029, %dma_start3A_1030] : memref<10240x128xf32, #tpu.memory_space<vmem_shared>> -> memref<10240x128xf32, #tpu.memory_space<vmem_shared>>
    tpu.enqueue_indirect_dma source(%arg7 : memref<128x128xf32, #tpu.memory_space<vmem>>) target(%dma_start3A_1031 : memref<10240x128xf32, #tpu.memory_space<vmem_shared>>) offsets(%dma_start3A_1028 : memref<128xi32, #tpu.memory_space<vmem>>) semaphore(%arg9 : memref<!tpu.dma_semaphore, #tpu.memory_space<semaphore_mem>>) {add = true}
    %dma_start3A_1032 = arith.constant 6 : i32
    %dma_start3A_1033 = arith.constant 0 : i32
    %dma_start3A_1034 = tpu.memref_slice %arg5[%dma_start3A_1032, %dma_start3A_1033] : memref<16x128xi32, #tpu.memory_space<vmem>> -> memref<1x128xi32, #tpu.memory_space<vmem>>
    %dma_start3A_1035 = tpu.memref_squeeze %dma_start3A_1034 : memref<1x128xi32, #tpu.memory_space<vmem>> -> memref<128xi32, #tpu.memory_space<vmem>>
    %dma_start3A_1036 = arith.constant 0 : i32
    %dma_start3A_1037 = arith.constant 0 : i32
    %dma_start3A_1038 = tpu.memref_slice %arg8[%dma_start3A_1036, %dma_start3A_1037] : memref<10240x128xf32, #tpu.memory_space<vmem_shared>> -> memref<10240x128xf32, #tpu.memory_space<vmem_shared>>
    tpu.enqueue_indirect_dma source(%arg7 : memref<128x128xf32, #tpu.memory_space<vmem>>) target(%dma_start3A_1038 : memref<10240x128xf32, #tpu.memory_space<vmem_shared>>) offsets(%dma_start3A_1035 : memref<128xi32, #tpu.memory_space<vmem>>) semaphore(%arg9 : memref<!tpu.dma_semaphore, #tpu.memory_space<semaphore_mem>>) {add = true}
    %dma_start3A_1039 = arith.constant 7 : i32
    %dma_start3A_1040 = arith.constant 0 : i32
    %dma_start3A_1041 = tpu.memref_slice %arg5[%dma_start3A_1039, %dma_start3A_1040] : memref<16x128xi32, #tpu.memory_space<vmem>> -> memref<1x128xi32, #tpu.memory_space<vmem>>
    %dma_start3A_1042 = tpu.memref_squeeze %dma_start3A_1041 : memref<1x128xi32, #tpu.memory_space<vmem>> -> memref<128xi32, #tpu.memory_space<vmem>>
    %dma_start3A_1043 = arith.constant 0 : i32
    %dma_start3A_1044 = arith.constant 0 : i32
    %dma_start3A_1045 = tpu.memref_slice %arg8[%dma_start3A_1043, %dma_start3A_1044] : memref<10240x128xf32, #tpu.memory_space<vmem_shared>> -> memref<10240x128xf32, #tpu.memory_space<vmem_shared>>
    tpu.enqueue_indirect_dma source(%arg7 : memref<128x128xf32, #tpu.memory_space<vmem>>) target(%dma_start3A_1045 : memref<10240x128xf32, #tpu.memory_space<vmem_shared>>) offsets(%dma_start3A_1042 : memref<128xi32, #tpu.memory_space<vmem>>) semaphore(%arg9 : memref<!tpu.dma_semaphore, #tpu.memory_space<semaphore_mem>>) {add = true}
    %dma_start3A_1046 = arith.constant 8 : i32
    %dma_start3A_1047 = arith.constant 0 : i32
    %dma_start3A_1048 = tpu.memref_slice %arg5[%dma_start3A_1046, %dma_start3A_1047] : memref<16x128xi32, #tpu.memory_space<vmem>> -> memref<1x128xi32, #tpu.memory_space<vmem>>
    %dma_start3A_1049 = tpu.memref_squeeze %dma_start3A_1048 : memref<1x128xi32, #tpu.memory_space<vmem>> -> memref<128xi32, #tpu.memory_space<vmem>>
    %dma_start3A_1050 = arith.constant 0 : i32
    %dma_start3A_1051 = arith.constant 0 : i32
    %dma_start3A_1052 = tpu.memref_slice %arg8[%dma_start3A_1050, %dma_start3A_1051] : memref<10240x128xf32, #tpu.memory_space<vmem_shared>> -> memref<10240x128xf32, #tpu.memory_space<vmem_shared>>
    tpu.enqueue_indirect_dma source(%arg7 : memref<128x128xf32, #tpu.memory_space<vmem>>) target(%dma_start3A_1052 : memref<10240x128xf32, #tpu.memory_space<vmem_shared>>) offsets(%dma_start3A_1049 : memref<128xi32, #tpu.memory_space<vmem>>) semaphore(%arg9 : memref<!tpu.dma_semaphore, #tpu.memory_space<semaphore_mem>>) {add = true}
    %dma_start3A_1053 = arith.constant 9 : i32
    %dma_start3A_1054 = arith.constant 0 : i32
    %dma_start3A_1055 = tpu.memref_slice %arg5[%dma_start3A_1053, %dma_start3A_1054] : memref<16x128xi32, #tpu.memory_space<vmem>> -> memref<1x128xi32, #tpu.memory_space<vmem>>
    %dma_start3A_1056 = tpu.memref_squeeze %dma_start3A_1055 : memref<1x128xi32, #tpu.memory_space<vmem>> -> memref<128xi32, #tpu.memory_space<vmem>>
    %dma_start3A_1057 = arith.constant 0 : i32
    %dma_start3A_1058 = arith.constant 0 : i32
    %dma_start3A_1059 = tpu.memref_slice %arg8[%dma_start3A_1057, %dma_start3A_1058] : memref<10240x128xf32, #tpu.memory_space<vmem_shared>> -> memref<10240x128xf32, #tpu.memory_space<vmem_shared>>
    tpu.enqueue_indirect_dma source(%arg7 : memref<128x128xf32, #tpu.memory_space<vmem>>) target(%dma_start3A_1059 : memref<10240x128xf32, #tpu.memory_space<vmem_shared>>) offsets(%dma_start3A_1056 : memref<128xi32, #tpu.memory_space<vmem>>) semaphore(%arg9 : memref<!tpu.dma_semaphore, #tpu.memory_space<semaphore_mem>>) {add = true}
    %dma_start3A_1060 = arith.constant 10 : i32
    %dma_start3A_1061 = arith.constant 0 : i32
    %dma_start3A_1062 = tpu.memref_slice %arg5[%dma_start3A_1060, %dma_start3A_1061] : memref<16x128xi32, #tpu.memory_space<vmem>> -> memref<1x128xi32, #tpu.memory_space<vmem>>
    %dma_start3A_1063 = tpu.memref_squeeze %dma_start3A_1062 : memref<1x128xi32, #tpu.memory_space<vmem>> -> memref<128xi32, #tpu.memory_space<vmem>>
    %dma_start3A_1064 = arith.constant 0 : i32
    %dma_start3A_1065 = arith.constant 0 : i32
    %dma_start3A_1066 = tpu.memref_slice %arg8[%dma_start3A_1064, %dma_start3A_1065] : memref<10240x128xf32, #tpu.memory_space<vmem_shared>> -> memref<10240x128xf32, #tpu.memory_space<vmem_shared>>
    tpu.enqueue_indirect_dma source(%arg7 : memref<128x128xf32, #tpu.memory_space<vmem>>) target(%dma_start3A_1066 : memref<10240x128xf32, #tpu.memory_space<vmem_shared>>) offsets(%dma_start3A_1063 : memref<128xi32, #tpu.memory_space<vmem>>) semaphore(%arg9 : memref<!tpu.dma_semaphore, #tpu.memory_space<semaphore_mem>>) {add = true}
    %dma_start3A_1067 = arith.constant 11 : i32
    %dma_start3A_1068 = arith.constant 0 : i32
    %dma_start3A_1069 = tpu.memref_slice %arg5[%dma_start3A_1067, %dma_start3A_1068] : memref<16x128xi32, #tpu.memory_space<vmem>> -> memref<1x128xi32, #tpu.memory_space<vmem>>
    %dma_start3A_1070 = tpu.memref_squeeze %dma_start3A_1069 : memref<1x128xi32, #tpu.memory_space<vmem>> -> memref<128xi32, #tpu.memory_space<vmem>>
    %dma_start3A_1071 = arith.constant 0 : i32
    %dma_start3A_1072 = arith.constant 0 : i32
    %dma_start3A_1073 = tpu.memref_slice %arg8[%dma_start3A_1071, %dma_start3A_1072] : memref<10240x128xf32, #tpu.memory_space<vmem_shared>> -> memref<10240x128xf32, #tpu.memory_space<vmem_shared>>
    tpu.enqueue_indirect_dma source(%arg7 : memref<128x128xf32, #tpu.memory_space<vmem>>) target(%dma_start3A_1073 : memref<10240x128xf32, #tpu.memory_space<vmem_shared>>) offsets(%dma_start3A_1070 : memref<128xi32, #tpu.memory_space<vmem>>) semaphore(%arg9 : memref<!tpu.dma_semaphore, #tpu.memory_space<semaphore_mem>>) {add = true}
    %dma_start3A_1074 = arith.constant 12 : i32
    %dma_start3A_1075 = arith.constant 0 : i32
    %dma_start3A_1076 = tpu.memref_slice %arg5[%dma_start3A_1074, %dma_start3A_1075] : memref<16x128xi32, #tpu.memory_space<vmem>> -> memref<1x128xi32, #tpu.memory_space<vmem>>
    %dma_start3A_1077 = tpu.memref_squeeze %dma_start3A_1076 : memref<1x128xi32, #tpu.memory_space<vmem>> -> memref<128xi32, #tpu.memory_space<vmem>>
    %dma_start3A_1078 = arith.constant 0 : i32
    %dma_start3A_1079 = arith.constant 0 : i32
    %dma_start3A_1080 = tpu.memref_slice %arg8[%dma_start3A_1078, %dma_start3A_1079] : memref<10240x128xf32, #tpu.memory_space<vmem_shared>> -> memref<10240x128xf32, #tpu.memory_space<vmem_shared>>
    tpu.enqueue_indirect_dma source(%arg7 : memref<128x128xf32, #tpu.memory_space<vmem>>) target(%dma_start3A_1080 : memref<10240x128xf32, #tpu.memory_space<vmem_shared>>) offsets(%dma_start3A_1077 : memref<128xi32, #tpu.memory_space<vmem>>) semaphore(%arg9 : memref<!tpu.dma_semaphore, #tpu.memory_space<semaphore_mem>>) {add = true}
    %dma_start3A_1081 = arith.constant 13 : i32
    %dma_start3A_1082 = arith.constant 0 : i32
    %dma_start3A_1083 = tpu.memref_slice %arg5[%dma_start3A_1081, %dma_start3A_1082] : memref<16x128xi32, #tpu.memory_space<vmem>> -> memref<1x128xi32, #tpu.memory_space<vmem>>
    %dma_start3A_1084 = tpu.memref_squeeze %dma_start3A_1083 : memref<1x128xi32, #tpu.memory_space<vmem>> -> memref<128xi32, #tpu.memory_space<vmem>>
    %dma_start3A_1085 = arith.constant 0 : i32
    %dma_start3A_1086 = arith.constant 0 : i32
    %dma_start3A_1087 = tpu.memref_slice %arg8[%dma_start3A_1085, %dma_start3A_1086] : memref<10240x128xf32, #tpu.memory_space<vmem_shared>> -> memref<10240x128xf32, #tpu.memory_space<vmem_shared>>
    tpu.enqueue_indirect_dma source(%arg7 : memref<128x128xf32, #tpu.memory_space<vmem>>) target(%dma_start3A_1087 : memref<10240x128xf32, #tpu.memory_space<vmem_shared>>) offsets(%dma_start3A_1084 : memref<128xi32, #tpu.memory_space<vmem>>) semaphore(%arg9 : memref<!tpu.dma_semaphore, #tpu.memory_space<semaphore_mem>>) {add = true}
    %dma_start3A_1088 = arith.constant 14 : i32
    %dma_start3A_1089 = arith.constant 0 : i32
    %dma_start3A_1090 = tpu.memref_slice %arg5[%dma_start3A_1088, %dma_start3A_1089] : memref<16x128xi32, #tpu.memory_space<vmem>> -> memref<1x128xi32, #tpu.memory_space<vmem>>
    %dma_start3A_1091 = tpu.memref_squeeze %dma_start3A_1090 : memref<1x128xi32, #tpu.memory_space<vmem>> -> memref<128xi32, #tpu.memory_space<vmem>>
    %dma_start3A_1092 = arith.constant 0 : i32
    %dma_start3A_1093 = arith.constant 0 : i32
    %dma_start3A_1094 = tpu.memref_slice %arg8[%dma_start3A_1092, %dma_start3A_1093] : memref<10240x128xf32, #tpu.memory_space<vmem_shared>> -> memref<10240x128xf32, #tpu.memory_space<vmem_shared>>
    tpu.enqueue_indirect_dma source(%arg7 : memref<128x128xf32, #tpu.memory_space<vmem>>) target(%dma_start3A_1094 : memref<10240x128xf32, #tpu.memory_space<vmem_shared>>) offsets(%dma_start3A_1091 : memref<128xi32, #tpu.memory_space<vmem>>) semaphore(%arg9 : memref<!tpu.dma_semaphore, #tpu.memory_space<semaphore_mem>>) {add = true}
    %dma_start3A_1095 = arith.constant 15 : i32
    %dma_start3A_1096 = arith.constant 0 : i32
    %dma_start3A_1097 = tpu.memref_slice %arg5[%dma_start3A_1095, %dma_start3A_1096] : memref<16x128xi32, #tpu.memory_space<vmem>> -> memref<1x128xi32, #tpu.memory_space<vmem>>
    %dma_start3A_1098 = tpu.memref_squeeze %dma_start3A_1097 : memref<1x128xi32, #tpu.memory_space<vmem>> -> memref<128xi32, #tpu.memory_space<vmem>>
    %dma_start3A_1099 = arith.constant 0 : i32
    %dma_start3A_1100 = arith.constant 0 : i32
    %dma_start3A_1101 = tpu.memref_slice %arg8[%dma_start3A_1099, %dma_start3A_1100] : memref<10240x128xf32, #tpu.memory_space<vmem_shared>> -> memref<10240x128xf32, #tpu.memory_space<vmem_shared>>
    tpu.enqueue_indirect_dma source(%arg7 : memref<128x128xf32, #tpu.memory_space<vmem>>) target(%dma_start3A_1101 : memref<10240x128xf32, #tpu.memory_space<vmem_shared>>) offsets(%dma_start3A_1098 : memref<128xi32, #tpu.memory_space<vmem>>) semaphore(%arg9 : memref<!tpu.dma_semaphore, #tpu.memory_space<semaphore_mem>>) {add = true}
    %dma_wait3A_1102 = arith.constant 0 : i32
    %dma_wait3A_1103 = arith.constant 0 : i32
    %dma_wait3A_1104 = tpu.memref_slice %arg3[%dma_wait3A_1102, %dma_wait3A_1103] : memref<640x128xf32, #tpu.memory_space<hbm>> -> memref<128x128xf32, #tpu.memory_space<hbm>>
    %dma_wait3A_1105 = arith.constant 0 : i32
    %dma_wait3A_1106 = arith.constant 0 : i32
    %dma_wait3A_1107 = tpu.memref_slice %arg3[%dma_wait3A_1105, %dma_wait3A_1106] : memref<640x128xf32, #tpu.memory_space<hbm>> -> memref<128x128xf32, #tpu.memory_space<hbm>>
    tpu.wait_dma2 semaphore(%arg9 : memref<!tpu.dma_semaphore, #tpu.memory_space<semaphore_mem>>) src(%dma_wait3A_1107 : memref<128x128xf32, #tpu.memory_space<hbm>>) dst(%arg7 : memref<128x128xf32, #tpu.memory_space<vmem>>)
    %dma_wait3A_1108 = arith.constant 0 : i32
    %dma_wait3A_1109 = arith.constant 0 : i32
    %dma_wait3A_1110 = tpu.memref_slice %arg3[%dma_wait3A_1108, %dma_wait3A_1109] : memref<640x128xf32, #tpu.memory_space<hbm>> -> memref<128x128xf32, #tpu.memory_space<hbm>>
    %dma_wait3A_1111 = arith.constant 0 : i32
    %dma_wait3A_1112 = arith.constant 0 : i32
    %dma_wait3A_1113 = tpu.memref_slice %arg3[%dma_wait3A_1111, %dma_wait3A_1112] : memref<640x128xf32, #tpu.memory_space<hbm>> -> memref<128x128xf32, #tpu.memory_space<hbm>>
    tpu.wait_dma2 semaphore(%arg9 : memref<!tpu.dma_semaphore, #tpu.memory_space<semaphore_mem>>) src(%dma_wait3A_1113 : memref<128x128xf32, #tpu.memory_space<hbm>>) dst(%arg7 : memref<128x128xf32, #tpu.memory_space<vmem>>)
    %dma_wait3A_1114 = arith.constant 0 : i32
    %dma_wait3A_1115 = arith.constant 0 : i32
    %dma_wait3A_1116 = tpu.memref_slice %arg3[%dma_wait3A_1114, %dma_wait3A_1115] : memref<640x128xf32, #tpu.memory_space<hbm>> -> memref<128x128xf32, #tpu.memory_space<hbm>>
    %dma_wait3A_1117 = arith.constant 0 : i32
    %dma_wait3A_1118 = arith.constant 0 : i32
    %dma_wait3A_1119 = tpu.memref_slice %arg3[%dma_wait3A_1117, %dma_wait3A_1118] : memref<640x128xf32, #tpu.memory_space<hbm>> -> memref<128x128xf32, #tpu.memory_space<hbm>>
    tpu.wait_dma2 semaphore(%arg9 : memref<!tpu.dma_semaphore, #tpu.memory_space<semaphore_mem>>) src(%dma_wait3A_1119 : memref<128x128xf32, #tpu.memory_space<hbm>>) dst(%arg7 : memref<128x128xf32, #tpu.memory_space<vmem>>)
    %dma_wait3A_1120 = arith.constant 0 : i32
    %dma_wait3A_1121 = arith.constant 0 : i32
    %dma_wait3A_1122 = tpu.memref_slice %arg3[%dma_wait3A_1120, %dma_wait3A_1121] : memref<640x128xf32, #tpu.memory_space<hbm>> -> memref<128x128xf32, #tpu.memory_space<hbm>>
    %dma_wait3A_1123 = arith.constant 0 : i32
    %dma_wait3A_1124 = arith.constant 0 : i32
    %dma_wait3A_1125 = tpu.memref_slice %arg3[%dma_wait3A_1123, %dma_wait3A_1124] : memref<640x128xf32, #tpu.memory_space<hbm>> -> memref<128x128xf32, #tpu.memory_space<hbm>>
    tpu.wait_dma2 semaphore(%arg9 : memref<!tpu.dma_semaphore, #tpu.memory_space<semaphore_mem>>) src(%dma_wait3A_1125 : memref<128x128xf32, #tpu.memory_space<hbm>>) dst(%arg7 : memref<128x128xf32, #tpu.memory_space<vmem>>)
    %dma_wait3A_1126 = arith.constant 0 : i32
    %dma_wait3A_1127 = arith.constant 0 : i32
    %dma_wait3A_1128 = tpu.memref_slice %arg3[%dma_wait3A_1126, %dma_wait3A_1127] : memref<640x128xf32, #tpu.memory_space<hbm>> -> memref<128x128xf32, #tpu.memory_space<hbm>>
    %dma_wait3A_1129 = arith.constant 0 : i32
    %dma_wait3A_1130 = arith.constant 0 : i32
    %dma_wait3A_1131 = tpu.memref_slice %arg3[%dma_wait3A_1129, %dma_wait3A_1130] : memref<640x128xf32, #tpu.memory_space<hbm>> -> memref<128x128xf32, #tpu.memory_space<hbm>>
    tpu.wait_dma2 semaphore(%arg9 : memref<!tpu.dma_semaphore, #tpu.memory_space<semaphore_mem>>) src(%dma_wait3A_1131 : memref<128x128xf32, #tpu.memory_space<hbm>>) dst(%arg7 : memref<128x128xf32, #tpu.memory_space<vmem>>)
    %dma_wait3A_1132 = arith.constant 0 : i32
    %dma_wait3A_1133 = arith.constant 0 : i32
    %dma_wait3A_1134 = tpu.memref_slice %arg3[%dma_wait3A_1132, %dma_wait3A_1133] : memref<640x128xf32, #tpu.memory_space<hbm>> -> memref<128x128xf32, #tpu.memory_space<hbm>>
    %dma_wait3A_1135 = arith.constant 0 : i32
    %dma_wait3A_1136 = arith.constant 0 : i32
    %dma_wait3A_1137 = tpu.memref_slice %arg3[%dma_wait3A_1135, %dma_wait3A_1136] : memref<640x128xf32, #tpu.memory_space<hbm>> -> memref<128x128xf32, #tpu.memory_space<hbm>>
    tpu.wait_dma2 semaphore(%arg9 : memref<!tpu.dma_semaphore, #tpu.memory_space<semaphore_mem>>) src(%dma_wait3A_1137 : memref<128x128xf32, #tpu.memory_space<hbm>>) dst(%arg7 : memref<128x128xf32, #tpu.memory_space<vmem>>)
    %dma_wait3A_1138 = arith.constant 0 : i32
    %dma_wait3A_1139 = arith.constant 0 : i32
    %dma_wait3A_1140 = tpu.memref_slice %arg3[%dma_wait3A_1138, %dma_wait3A_1139] : memref<640x128xf32, #tpu.memory_space<hbm>> -> memref<128x128xf32, #tpu.memory_space<hbm>>
    %dma_wait3A_1141 = arith.constant 0 : i32
    %dma_wait3A_1142 = arith.constant 0 : i32
    %dma_wait3A_1143 = tpu.memref_slice %arg3[%dma_wait3A_1141, %dma_wait3A_1142] : memref<640x128xf32, #tpu.memory_space<hbm>> -> memref<128x128xf32, #tpu.memory_space<hbm>>
    tpu.wait_dma2 semaphore(%arg9 : memref<!tpu.dma_semaphore, #tpu.memory_space<semaphore_mem>>) src(%dma_wait3A_1143 : memref<128x128xf32, #tpu.memory_space<hbm>>) dst(%arg7 : memref<128x128xf32, #tpu.memory_space<vmem>>)
    %dma_wait3A_1144 = arith.constant 0 : i32
    %dma_wait3A_1145 = arith.constant 0 : i32
    %dma_wait3A_1146 = tpu.memref_slice %arg3[%dma_wait3A_1144, %dma_wait3A_1145] : memref<640x128xf32, #tpu.memory_space<hbm>> -> memref<128x128xf32, #tpu.memory_space<hbm>>
    %dma_wait3A_1147 = arith.constant 0 : i32
    %dma_wait3A_1148 = arith.constant 0 : i32
    %dma_wait3A_1149 = tpu.memref_slice %arg3[%dma_wait3A_1147, %dma_wait3A_1148] : memref<640x128xf32, #tpu.memory_space<hbm>> -> memref<128x128xf32, #tpu.memory_space<hbm>>
    tpu.wait_dma2 semaphore(%arg9 : memref<!tpu.dma_semaphore, #tpu.memory_space<semaphore_mem>>) src(%dma_wait3A_1149 : memref<128x128xf32, #tpu.memory_space<hbm>>) dst(%arg7 : memref<128x128xf32, #tpu.memory_space<vmem>>)
    %dma_wait3A_1150 = arith.constant 0 : i32
    %dma_wait3A_1151 = arith.constant 0 : i32
    %dma_wait3A_1152 = tpu.memref_slice %arg3[%dma_wait3A_1150, %dma_wait3A_1151] : memref<640x128xf32, #tpu.memory_space<hbm>> -> memref<128x128xf32, #tpu.memory_space<hbm>>
    %dma_wait3A_1153 = arith.constant 0 : i32
    %dma_wait3A_1154 = arith.constant 0 : i32
    %dma_wait3A_1155 = tpu.memref_slice %arg3[%dma_wait3A_1153, %dma_wait3A_1154] : memref<640x128xf32, #tpu.memory_space<hbm>> -> memref<128x128xf32, #tpu.memory_space<hbm>>
    tpu.wait_dma2 semaphore(%arg9 : memref<!tpu.dma_semaphore, #tpu.memory_space<semaphore_mem>>) src(%dma_wait3A_1155 : memref<128x128xf32, #tpu.memory_space<hbm>>) dst(%arg7 : memref<128x128xf32, #tpu.memory_space<vmem>>)
    %dma_wait3A_1156 = arith.constant 0 : i32
    %dma_wait3A_1157 = arith.constant 0 : i32
    %dma_wait3A_1158 = tpu.memref_slice %arg3[%dma_wait3A_1156, %dma_wait3A_1157] : memref<640x128xf32, #tpu.memory_space<hbm>> -> memref<128x128xf32, #tpu.memory_space<hbm>>
    %dma_wait3A_1159 = arith.constant 0 : i32
    %dma_wait3A_1160 = arith.constant 0 : i32
    %dma_wait3A_1161 = tpu.memref_slice %arg3[%dma_wait3A_1159, %dma_wait3A_1160] : memref<640x128xf32, #tpu.memory_space<hbm>> -> memref<128x128xf32, #tpu.memory_space<hbm>>
    tpu.wait_dma2 semaphore(%arg9 : memref<!tpu.dma_semaphore, #tpu.memory_space<semaphore_mem>>) src(%dma_wait3A_1161 : memref<128x128xf32, #tpu.memory_space<hbm>>) dst(%arg7 : memref<128x128xf32, #tpu.memory_space<vmem>>)
    %dma_wait3A_1162 = arith.constant 0 : i32
    %dma_wait3A_1163 = arith.constant 0 : i32
    %dma_wait3A_1164 = tpu.memref_slice %arg3[%dma_wait3A_1162, %dma_wait3A_1163] : memref<640x128xf32, #tpu.memory_space<hbm>> -> memref<128x128xf32, #tpu.memory_space<hbm>>
    %dma_wait3A_1165 = arith.constant 0 : i32
    %dma_wait3A_1166 = arith.constant 0 : i32
    %dma_wait3A_1167 = tpu.memref_slice %arg3[%dma_wait3A_1165, %dma_wait3A_1166] : memref<640x128xf32, #tpu.memory_space<hbm>> -> memref<128x128xf32, #tpu.memory_space<hbm>>
    tpu.wait_dma2 semaphore(%arg9 : memref<!tpu.dma_semaphore, #tpu.memory_space<semaphore_mem>>) src(%dma_wait3A_1167 : memref<128x128xf32, #tpu.memory_space<hbm>>) dst(%arg7 : memref<128x128xf32, #tpu.memory_space<vmem>>)
    %dma_wait3A_1168 = arith.constant 0 : i32
    %dma_wait3A_1169 = arith.constant 0 : i32
    %dma_wait3A_1170 = tpu.memref_slice %arg3[%dma_wait3A_1168, %dma_wait3A_1169] : memref<640x128xf32, #tpu.memory_space<hbm>> -> memref<128x128xf32, #tpu.memory_space<hbm>>
    %dma_wait3A_1171 = arith.constant 0 : i32
    %dma_wait3A_1172 = arith.constant 0 : i32
    %dma_wait3A_1173 = tpu.memref_slice %arg3[%dma_wait3A_1171, %dma_wait3A_1172] : memref<640x128xf32, #tpu.memory_space<hbm>> -> memref<128x128xf32, #tpu.memory_space<hbm>>
    tpu.wait_dma2 semaphore(%arg9 : memref<!tpu.dma_semaphore, #tpu.memory_space<semaphore_mem>>) src(%dma_wait3A_1173 : memref<128x128xf32, #tpu.memory_space<hbm>>) dst(%arg7 : memref<128x128xf32, #tpu.memory_space<vmem>>)
    %dma_wait3A_1174 = arith.constant 0 : i32
    %dma_wait3A_1175 = arith.constant 0 : i32
    %dma_wait3A_1176 = tpu.memref_slice %arg3[%dma_wait3A_1174, %dma_wait3A_1175] : memref<640x128xf32, #tpu.memory_space<hbm>> -> memref<128x128xf32, #tpu.memory_space<hbm>>
    %dma_wait3A_1177 = arith.constant 0 : i32
    %dma_wait3A_1178 = arith.constant 0 : i32
    %dma_wait3A_1179 = tpu.memref_slice %arg3[%dma_wait3A_1177, %dma_wait3A_1178] : memref<640x128xf32, #tpu.memory_space<hbm>> -> memref<128x128xf32, #tpu.memory_space<hbm>>
    tpu.wait_dma2 semaphore(%arg9 : memref<!tpu.dma_semaphore, #tpu.memory_space<semaphore_mem>>) src(%dma_wait3A_1179 : memref<128x128xf32, #tpu.memory_space<hbm>>) dst(%arg7 : memref<128x128xf32, #tpu.memory_space<vmem>>)
    %dma_wait3A_1180 = arith.constant 0 : i32
    %dma_wait3A_1181 = arith.constant 0 : i32
    %dma_wait3A_1182 = tpu.memref_slice %arg3[%dma_wait3A_1180, %dma_wait3A_1181] : memref<640x128xf32, #tpu.memory_space<hbm>> -> memref<128x128xf32, #tpu.memory_space<hbm>>
    %dma_wait3A_1183 = arith.constant 0 : i32
    %dma_wait3A_1184 = arith.constant 0 : i32
    %dma_wait3A_1185 = tpu.memref_slice %arg3[%dma_wait3A_1183, %dma_wait3A_1184] : memref<640x128xf32, #tpu.memory_space<hbm>> -> memref<128x128xf32, #tpu.memory_space<hbm>>
    tpu.wait_dma2 semaphore(%arg9 : memref<!tpu.dma_semaphore, #tpu.memory_space<semaphore_mem>>) src(%dma_wait3A_1185 : memref<128x128xf32, #tpu.memory_space<hbm>>) dst(%arg7 : memref<128x128xf32, #tpu.memory_space<vmem>>)
    %dma_wait3A_1186 = arith.constant 0 : i32
    %dma_wait3A_1187 = arith.constant 0 : i32
    %dma_wait3A_1188 = tpu.memref_slice %arg3[%dma_wait3A_1186, %dma_wait3A_1187] : memref<640x128xf32, #tpu.memory_space<hbm>> -> memref<128x128xf32, #tpu.memory_space<hbm>>
    %dma_wait3A_1189 = arith.constant 0 : i32
    %dma_wait3A_1190 = arith.constant 0 : i32
    %dma_wait3A_1191 = tpu.memref_slice %arg3[%dma_wait3A_1189, %dma_wait3A_1190] : memref<640x128xf32, #tpu.memory_space<hbm>> -> memref<128x128xf32, #tpu.memory_space<hbm>>
    tpu.wait_dma2 semaphore(%arg9 : memref<!tpu.dma_semaphore, #tpu.memory_space<semaphore_mem>>) src(%dma_wait3A_1191 : memref<128x128xf32, #tpu.memory_space<hbm>>) dst(%arg7 : memref<128x128xf32, #tpu.memory_space<vmem>>)
    %dma_wait3A_1192 = arith.constant 0 : i32
    %dma_wait3A_1193 = arith.constant 0 : i32
    %dma_wait3A_1194 = tpu.memref_slice %arg3[%dma_wait3A_1192, %dma_wait3A_1193] : memref<640x128xf32, #tpu.memory_space<hbm>> -> memref<128x128xf32, #tpu.memory_space<hbm>>
    %dma_wait3A_1195 = arith.constant 0 : i32
    %dma_wait3A_1196 = arith.constant 0 : i32
    %dma_wait3A_1197 = tpu.memref_slice %arg3[%dma_wait3A_1195, %dma_wait3A_1196] : memref<640x128xf32, #tpu.memory_space<hbm>> -> memref<128x128xf32, #tpu.memory_space<hbm>>
    tpu.wait_dma2 semaphore(%arg9 : memref<!tpu.dma_semaphore, #tpu.memory_space<semaphore_mem>>) src(%dma_wait3A_1197 : memref<128x128xf32, #tpu.memory_space<hbm>>) dst(%arg7 : memref<128x128xf32, #tpu.memory_space<vmem>>)
    %barrier3A_1198 = arith.constant 0 : index
    tpu.barrier barrier_id(%barrier3A_1198)
    %mul3A_1199 = arith.constant 640 : i32
    %mul3A_1200 = arith.muli %arg1, %mul3A_1199 : i32
    "tpu.region"() ({
      %run_scoped3A_1201 = tpu.sem_alloc : memref<!tpu.dma_semaphore, #tpu.memory_space<semaphore_mem>>
      %dma_start3A_1202 = arith.constant 0 : i32
      %dma_start3A_1203 = tpu.memref_slice %arg4[%add3A_5, %dma_start3A_1202] : memref<20480x128xf32, #tpu.memory_space<hbm>> -> memref<640x128xf32, #tpu.memory_space<hbm>>
      %dma_start3A_1204 = arith.constant 0 : i32
      %dma_start3A_1205 = tpu.memref_slice %arg8[%mul3A_1200, %dma_start3A_1204] : memref<10240x128xf32, #tpu.memory_space<vmem_shared>> -> memref<640x128xf32, #tpu.memory_space<vmem_shared>>
      tpu.enqueue_dma source(%dma_start3A_1205 : memref<640x128xf32, #tpu.memory_space<vmem_shared>>) target(%dma_start3A_1203 : memref<640x128xf32, #tpu.memory_space<hbm>>) target_semaphore(%run_scoped3A_1201 : memref<!tpu.dma_semaphore, #tpu.memory_space<semaphore_mem>>)
      %dma_wait3A_1206 = arith.constant 0 : i32
      %dma_wait3A_1207 = tpu.memref_slice %arg4[%add3A_5, %dma_wait3A_1206] : memref<20480x128xf32, #tpu.memory_space<hbm>> -> memref<640x128xf32, #tpu.memory_space<hbm>>
      %dma_wait3A_1208 = arith.constant 0 : i32
      %dma_wait3A_1209 = tpu.memref_slice %arg8[%mul3A_1200, %dma_wait3A_1208] : memref<10240x128xf32, #tpu.memory_space<vmem_shared>> -> memref<640x128xf32, #tpu.memory_space<vmem_shared>>
      tpu.wait_dma2 semaphore(%run_scoped3A_1201 : memref<!tpu.dma_semaphore, #tpu.memory_space<semaphore_mem>>) src(%dma_wait3A_1209 : memref<640x128xf32, #tpu.memory_space<vmem_shared>>) dst(%dma_wait3A_1207 : memref<640x128xf32, #tpu.memory_space<hbm>>)
      tpu.yield
    }) : () -> ()
    return
  }
}

#map = affine_map<(d0, d1) -> (0, 0)>
#map1 = affine_map<(d0, d1) -> (0, 0, 0, 0)>
module attributes {stable_mosaic.version = 14 : i64} {
  func.func @_agg(%arg0: i32, %arg1: i32, %arg2: memref<20480x128xf32, #tpu.memory_space<hbm>>, %arg3: memref<32x160x2x128xi32, #tpu.memory_space<hbm>>, %arg4: memref<20480x128xf32, #tpu.memory_space<hbm>>, %arg5: memref<2x128xi32, #tpu.memory_space<vmem>>, %arg6: memref<2x128xi32, #tpu.memory_space<vmem>>, %arg7: memref<128x128xf32, #tpu.memory_space<vmem>>, %arg8: memref<128x128xf32, #tpu.memory_space<vmem>>, %arg9: memref<10240x128xf32, #tpu.memory_space<vmem_shared>>, %arg10: memref<!tpu.dma_semaphore, #tpu.memory_space<semaphore_mem>>, %arg11: memref<!tpu.dma_semaphore, #tpu.memory_space<semaphore_mem>>, %arg12: memref<!tpu.dma_semaphore, #tpu.memory_space<semaphore_mem>>, %arg13: memref<!tpu.dma_semaphore, #tpu.memory_space<semaphore_mem>>) attributes {dimension_semantics = [#tpu.dimension_semantics<core_parallel>, #tpu.dimension_semantics<subcore_parallel>], iteration_bounds = array<i64: 2, 16>, scalar_prefetch = 0 : i64, scratch_operands = 9 : i64, tpu.core_type = #tpu.core_type<sc_vector_subcore>, window_params = [{transform_indices = #map}, {transform_indices = #map1}, {transform_indices = #map}]} {
    %mul3A = arith.constant 16 : i32
    %mul3A_0 = arith.muli %arg0, %mul3A : i32
    %add3A = arith.addi %mul3A_0, %arg1 : i32
    %mul3A_1 = arith.constant 10240 : i32
    %mul3A_2 = arith.muli %arg0, %mul3A_1 : i32
    %mul3A_3 = arith.constant 640 : i32
    %mul3A_4 = arith.muli %arg1, %mul3A_3 : i32
    %add3A_5 = arith.addi %mul3A_2, %mul3A_4 : i32
    %mul3A_6 = arith.constant 640 : i32
    %mul3A_7 = arith.muli %arg1, %mul3A_6 : i32
    "tpu.region"() ({
      %run_scoped3A_41 = tpu.sem_alloc : memref<!tpu.dma_semaphore, #tpu.memory_space<semaphore_mem>>
      %dma_start3A_42 = arith.constant 0 : i32
      %dma_start3A_43 = tpu.memref_slice %arg9[%mul3A_7, %dma_start3A_42] : memref<10240x128xf32, #tpu.memory_space<vmem_shared>> -> memref<640x128xf32, #tpu.memory_space<vmem_shared>>
      %dma_start3A_44 = arith.constant 0 : i32
      %dma_start3A_45 = tpu.memref_slice %arg2[%add3A_5, %dma_start3A_44] : memref<20480x128xf32, #tpu.memory_space<hbm>> -> memref<640x128xf32, #tpu.memory_space<hbm>>
      tpu.enqueue_dma source(%dma_start3A_45 : memref<640x128xf32, #tpu.memory_space<hbm>>) target(%dma_start3A_43 : memref<640x128xf32, #tpu.memory_space<vmem_shared>>) target_semaphore(%run_scoped3A_41 : memref<!tpu.dma_semaphore, #tpu.memory_space<semaphore_mem>>)
      %dma_wait3A_46 = arith.constant 0 : i32
      %dma_wait3A_47 = tpu.memref_slice %arg9[%mul3A_7, %dma_wait3A_46] : memref<10240x128xf32, #tpu.memory_space<vmem_shared>> -> memref<640x128xf32, #tpu.memory_space<vmem_shared>>
      %dma_wait3A_48 = arith.constant 0 : i32
      %dma_wait3A_49 = tpu.memref_slice %arg2[%add3A_5, %dma_wait3A_48] : memref<20480x128xf32, #tpu.memory_space<hbm>> -> memref<640x128xf32, #tpu.memory_space<hbm>>
      tpu.wait_dma2 semaphore(%run_scoped3A_41 : memref<!tpu.dma_semaphore, #tpu.memory_space<semaphore_mem>>) src(%dma_wait3A_49 : memref<640x128xf32, #tpu.memory_space<hbm>>) dst(%dma_wait3A_47 : memref<640x128xf32, #tpu.memory_space<vmem_shared>>)
      tpu.yield
    }) : () -> ()
    %barrier3A = arith.constant 0 : index
    tpu.barrier barrier_id(%barrier3A)
    %run_scoped3A = arith.constant 0 : i32
    "tpu.region"() ({
      %run_scoped3A_41 = tpu.sem_alloc : memref<!tpu.dma_semaphore, #tpu.memory_space<semaphore_mem>>
      %dma_start3A_42 = arith.constant 0 : i32
      %dma_start3A_43 = arith.constant 0 : i32
      %dma_start3A_44 = arith.constant 0 : i32
      %dma_start3A_45 = tpu.memref_slice %arg3[%add3A, %dma_start3A_42, %dma_start3A_43, %dma_start3A_44] : memref<32x160x2x128xi32, #tpu.memory_space<hbm>> -> memref<1x160x2x128xi32, #tpu.memory_space<hbm>>
      %dma_start3A_46 = tpu.memref_squeeze %dma_start3A_45 : memref<1x160x2x128xi32, #tpu.memory_space<hbm>> -> memref<160x2x128xi32, #tpu.memory_space<hbm>>
      %dma_start3A_47 = arith.constant 0 : i32
      %dma_start3A_48 = arith.constant 0 : i32
      %dma_start3A_49 = tpu.memref_slice %dma_start3A_46[%run_scoped3A, %dma_start3A_47, %dma_start3A_48] : memref<160x2x128xi32, #tpu.memory_space<hbm>> -> memref<1x2x128xi32, #tpu.memory_space<hbm>>
      %dma_start3A_50 = tpu.memref_squeeze %dma_start3A_49 : memref<1x2x128xi32, #tpu.memory_space<hbm>> -> memref<2x128xi32, #tpu.memory_space<hbm>>
      %dma_start3A_51 = arith.constant 0 : i32
      %dma_start3A_52 = arith.constant 0 : i32
      %dma_start3A_53 = arith.constant 0 : i32
      %dma_start3A_54 = tpu.memref_slice %arg3[%add3A, %dma_start3A_51, %dma_start3A_52, %dma_start3A_53] : memref<32x160x2x128xi32, #tpu.memory_space<hbm>> -> memref<1x160x2x128xi32, #tpu.memory_space<hbm>>
      %dma_start3A_55 = tpu.memref_squeeze %dma_start3A_54 : memref<1x160x2x128xi32, #tpu.memory_space<hbm>> -> memref<160x2x128xi32, #tpu.memory_space<hbm>>
      %dma_start3A_56 = arith.constant 0 : i32
      %dma_start3A_57 = arith.constant 0 : i32
      %dma_start3A_58 = tpu.memref_slice %dma_start3A_55[%run_scoped3A, %dma_start3A_56, %dma_start3A_57] : memref<160x2x128xi32, #tpu.memory_space<hbm>> -> memref<1x2x128xi32, #tpu.memory_space<hbm>>
      %dma_start3A_59 = tpu.memref_squeeze %dma_start3A_58 : memref<1x2x128xi32, #tpu.memory_space<hbm>> -> memref<2x128xi32, #tpu.memory_space<hbm>>
      tpu.enqueue_dma source(%dma_start3A_59 : memref<2x128xi32, #tpu.memory_space<hbm>>) target(%arg5 : memref<2x128xi32, #tpu.memory_space<vmem>>) target_semaphore(%run_scoped3A_41 : memref<!tpu.dma_semaphore, #tpu.memory_space<semaphore_mem>>)
      %dma_wait3A_60 = arith.constant 0 : i32
      %dma_wait3A_61 = arith.constant 0 : i32
      %dma_wait3A_62 = arith.constant 0 : i32
      %dma_wait3A_63 = tpu.memref_slice %arg3[%add3A, %dma_wait3A_60, %dma_wait3A_61, %dma_wait3A_62] : memref<32x160x2x128xi32, #tpu.memory_space<hbm>> -> memref<1x160x2x128xi32, #tpu.memory_space<hbm>>
      %dma_wait3A_64 = tpu.memref_squeeze %dma_wait3A_63 : memref<1x160x2x128xi32, #tpu.memory_space<hbm>> -> memref<160x2x128xi32, #tpu.memory_space<hbm>>
      %dma_wait3A_65 = arith.constant 0 : i32
      %dma_wait3A_66 = arith.constant 0 : i32
      %dma_wait3A_67 = tpu.memref_slice %dma_wait3A_64[%run_scoped3A, %dma_wait3A_65, %dma_wait3A_66] : memref<160x2x128xi32, #tpu.memory_space<hbm>> -> memref<1x2x128xi32, #tpu.memory_space<hbm>>
      %dma_wait3A_68 = tpu.memref_squeeze %dma_wait3A_67 : memref<1x2x128xi32, #tpu.memory_space<hbm>> -> memref<2x128xi32, #tpu.memory_space<hbm>>
      %dma_wait3A_69 = arith.constant 0 : i32
      %dma_wait3A_70 = arith.constant 0 : i32
      %dma_wait3A_71 = arith.constant 0 : i32
      %dma_wait3A_72 = tpu.memref_slice %arg3[%add3A, %dma_wait3A_69, %dma_wait3A_70, %dma_wait3A_71] : memref<32x160x2x128xi32, #tpu.memory_space<hbm>> -> memref<1x160x2x128xi32, #tpu.memory_space<hbm>>
      %dma_wait3A_73 = tpu.memref_squeeze %dma_wait3A_72 : memref<1x160x2x128xi32, #tpu.memory_space<hbm>> -> memref<160x2x128xi32, #tpu.memory_space<hbm>>
      %dma_wait3A_74 = arith.constant 0 : i32
      %dma_wait3A_75 = arith.constant 0 : i32
      %dma_wait3A_76 = tpu.memref_slice %dma_wait3A_73[%run_scoped3A, %dma_wait3A_74, %dma_wait3A_75] : memref<160x2x128xi32, #tpu.memory_space<hbm>> -> memref<1x2x128xi32, #tpu.memory_space<hbm>>
      %dma_wait3A_77 = tpu.memref_squeeze %dma_wait3A_76 : memref<1x2x128xi32, #tpu.memory_space<hbm>> -> memref<2x128xi32, #tpu.memory_space<hbm>>
      tpu.wait_dma2 semaphore(%run_scoped3A_41 : memref<!tpu.dma_semaphore, #tpu.memory_space<semaphore_mem>>) src(%dma_wait3A_77 : memref<2x128xi32, #tpu.memory_space<hbm>>) dst(%arg5 : memref<2x128xi32, #tpu.memory_space<vmem>>)
      tpu.yield
    }) : () -> ()
    %dma_start3A = arith.constant 0 : i32
    %dma_start3A_8 = arith.constant 0 : i32
    %dma_start3A_9 = tpu.memref_slice %arg5[%dma_start3A, %dma_start3A_8] : memref<2x128xi32, #tpu.memory_space<vmem>> -> memref<1x128xi32, #tpu.memory_space<vmem>>
    %dma_start3A_10 = tpu.memref_squeeze %dma_start3A_9 : memref<1x128xi32, #tpu.memory_space<vmem>> -> memref<128xi32, #tpu.memory_space<vmem>>
    %dma_start3A_11 = arith.constant 0 : i32
    %dma_start3A_12 = arith.constant 0 : i32
    %dma_start3A_13 = tpu.memref_slice %arg2[%dma_start3A_11, %dma_start3A_12] : memref<20480x128xf32, #tpu.memory_space<hbm>> -> memref<20480x128xf32, #tpu.memory_space<hbm>>
    tpu.enqueue_indirect_dma source(%dma_start3A_13 : memref<20480x128xf32, #tpu.memory_space<hbm>>) target(%arg7 : memref<128x128xf32, #tpu.memory_space<vmem>>) offsets(%dma_start3A_10 : memref<128xi32, #tpu.memory_space<vmem>>) semaphore(%arg10 : memref<!tpu.dma_semaphore, #tpu.memory_space<semaphore_mem>>)
    %run_scoped3A_14 = arith.constant 1 : i32
    "tpu.region"() ({
      %run_scoped3A_41 = tpu.sem_alloc : memref<!tpu.dma_semaphore, #tpu.memory_space<semaphore_mem>>
      %dma_start3A_42 = arith.constant 0 : i32
      %dma_start3A_43 = arith.constant 0 : i32
      %dma_start3A_44 = arith.constant 0 : i32
      %dma_start3A_45 = tpu.memref_slice %arg3[%add3A, %dma_start3A_42, %dma_start3A_43, %dma_start3A_44] : memref<32x160x2x128xi32, #tpu.memory_space<hbm>> -> memref<1x160x2x128xi32, #tpu.memory_space<hbm>>
      %dma_start3A_46 = tpu.memref_squeeze %dma_start3A_45 : memref<1x160x2x128xi32, #tpu.memory_space<hbm>> -> memref<160x2x128xi32, #tpu.memory_space<hbm>>
      %dma_start3A_47 = arith.constant 0 : i32
      %dma_start3A_48 = arith.constant 0 : i32
      %dma_start3A_49 = tpu.memref_slice %dma_start3A_46[%run_scoped3A_14, %dma_start3A_47, %dma_start3A_48] : memref<160x2x128xi32, #tpu.memory_space<hbm>> -> memref<1x2x128xi32, #tpu.memory_space<hbm>>
      %dma_start3A_50 = tpu.memref_squeeze %dma_start3A_49 : memref<1x2x128xi32, #tpu.memory_space<hbm>> -> memref<2x128xi32, #tpu.memory_space<hbm>>
      %dma_start3A_51 = arith.constant 0 : i32
      %dma_start3A_52 = arith.constant 0 : i32
      %dma_start3A_53 = arith.constant 0 : i32
      %dma_start3A_54 = tpu.memref_slice %arg3[%add3A, %dma_start3A_51, %dma_start3A_52, %dma_start3A_53] : memref<32x160x2x128xi32, #tpu.memory_space<hbm>> -> memref<1x160x2x128xi32, #tpu.memory_space<hbm>>
      %dma_start3A_55 = tpu.memref_squeeze %dma_start3A_54 : memref<1x160x2x128xi32, #tpu.memory_space<hbm>> -> memref<160x2x128xi32, #tpu.memory_space<hbm>>
      %dma_start3A_56 = arith.constant 0 : i32
      %dma_start3A_57 = arith.constant 0 : i32
      %dma_start3A_58 = tpu.memref_slice %dma_start3A_55[%run_scoped3A_14, %dma_start3A_56, %dma_start3A_57] : memref<160x2x128xi32, #tpu.memory_space<hbm>> -> memref<1x2x128xi32, #tpu.memory_space<hbm>>
      %dma_start3A_59 = tpu.memref_squeeze %dma_start3A_58 : memref<1x2x128xi32, #tpu.memory_space<hbm>> -> memref<2x128xi32, #tpu.memory_space<hbm>>
      tpu.enqueue_dma source(%dma_start3A_59 : memref<2x128xi32, #tpu.memory_space<hbm>>) target(%arg6 : memref<2x128xi32, #tpu.memory_space<vmem>>) target_semaphore(%run_scoped3A_41 : memref<!tpu.dma_semaphore, #tpu.memory_space<semaphore_mem>>)
      %dma_wait3A_60 = arith.constant 0 : i32
      %dma_wait3A_61 = arith.constant 0 : i32
      %dma_wait3A_62 = arith.constant 0 : i32
      %dma_wait3A_63 = tpu.memref_slice %arg3[%add3A, %dma_wait3A_60, %dma_wait3A_61, %dma_wait3A_62] : memref<32x160x2x128xi32, #tpu.memory_space<hbm>> -> memref<1x160x2x128xi32, #tpu.memory_space<hbm>>
      %dma_wait3A_64 = tpu.memref_squeeze %dma_wait3A_63 : memref<1x160x2x128xi32, #tpu.memory_space<hbm>> -> memref<160x2x128xi32, #tpu.memory_space<hbm>>
      %dma_wait3A_65 = arith.constant 0 : i32
      %dma_wait3A_66 = arith.constant 0 : i32
      %dma_wait3A_67 = tpu.memref_slice %dma_wait3A_64[%run_scoped3A_14, %dma_wait3A_65, %dma_wait3A_66] : memref<160x2x128xi32, #tpu.memory_space<hbm>> -> memref<1x2x128xi32, #tpu.memory_space<hbm>>
      %dma_wait3A_68 = tpu.memref_squeeze %dma_wait3A_67 : memref<1x2x128xi32, #tpu.memory_space<hbm>> -> memref<2x128xi32, #tpu.memory_space<hbm>>
      %dma_wait3A_69 = arith.constant 0 : i32
      %dma_wait3A_70 = arith.constant 0 : i32
      %dma_wait3A_71 = arith.constant 0 : i32
      %dma_wait3A_72 = tpu.memref_slice %arg3[%add3A, %dma_wait3A_69, %dma_wait3A_70, %dma_wait3A_71] : memref<32x160x2x128xi32, #tpu.memory_space<hbm>> -> memref<1x160x2x128xi32, #tpu.memory_space<hbm>>
      %dma_wait3A_73 = tpu.memref_squeeze %dma_wait3A_72 : memref<1x160x2x128xi32, #tpu.memory_space<hbm>> -> memref<160x2x128xi32, #tpu.memory_space<hbm>>
      %dma_wait3A_74 = arith.constant 0 : i32
      %dma_wait3A_75 = arith.constant 0 : i32
      %dma_wait3A_76 = tpu.memref_slice %dma_wait3A_73[%run_scoped3A_14, %dma_wait3A_74, %dma_wait3A_75] : memref<160x2x128xi32, #tpu.memory_space<hbm>> -> memref<1x2x128xi32, #tpu.memory_space<hbm>>
      %dma_wait3A_77 = tpu.memref_squeeze %dma_wait3A_76 : memref<1x2x128xi32, #tpu.memory_space<hbm>> -> memref<2x128xi32, #tpu.memory_space<hbm>>
      tpu.wait_dma2 semaphore(%run_scoped3A_41 : memref<!tpu.dma_semaphore, #tpu.memory_space<semaphore_mem>>) src(%dma_wait3A_77 : memref<2x128xi32, #tpu.memory_space<hbm>>) dst(%arg6 : memref<2x128xi32, #tpu.memory_space<vmem>>)
      tpu.yield
    }) : () -> ()
    %dma_start3A_15 = arith.constant 0 : i32
    %dma_start3A_16 = arith.constant 0 : i32
    %dma_start3A_17 = tpu.memref_slice %arg6[%dma_start3A_15, %dma_start3A_16] : memref<2x128xi32, #tpu.memory_space<vmem>> -> memref<1x128xi32, #tpu.memory_space<vmem>>
    %dma_start3A_18 = tpu.memref_squeeze %dma_start3A_17 : memref<1x128xi32, #tpu.memory_space<vmem>> -> memref<128xi32, #tpu.memory_space<vmem>>
    %dma_start3A_19 = arith.constant 0 : i32
    %dma_start3A_20 = arith.constant 0 : i32
    %dma_start3A_21 = tpu.memref_slice %arg2[%dma_start3A_19, %dma_start3A_20] : memref<20480x128xf32, #tpu.memory_space<hbm>> -> memref<20480x128xf32, #tpu.memory_space<hbm>>
    tpu.enqueue_indirect_dma source(%dma_start3A_21 : memref<20480x128xf32, #tpu.memory_space<hbm>>) target(%arg8 : memref<128x128xf32, #tpu.memory_space<vmem>>) offsets(%dma_start3A_18 : memref<128xi32, #tpu.memory_space<vmem>>) semaphore(%arg11 : memref<!tpu.dma_semaphore, #tpu.memory_space<semaphore_mem>>)
    %scan3A = arith.constant 0 : i32
    %scan3A_22 = arith.constant 0 : i32
    %scan3A_23 = arith.constant 80 : i32
    %scan3A_24 = arith.addi %scan3A_22, %scan3A_23 : i32
    %scan3A_25 = arith.constant 1 : i32
    scf.for %scan3A_41 = %scan3A_22 to %scan3A_24 step %scan3A_25  : i32 {
      %mul3A_42 = arith.constant 2 : i32
      %mul3A_43 = arith.muli %mul3A_42, %scan3A_41 : i32
      %dma_wait3A_44 = arith.constant 0 : i32
      %dma_wait3A_45 = arith.constant 0 : i32
      %dma_wait3A_46 = tpu.memref_slice %arg2[%dma_wait3A_44, %dma_wait3A_45] : memref<20480x128xf32, #tpu.memory_space<hbm>> -> memref<128x128xf32, #tpu.memory_space<hbm>>
      %dma_wait3A_47 = arith.constant 0 : i32
      %dma_wait3A_48 = arith.constant 0 : i32
      %dma_wait3A_49 = tpu.memref_slice %arg2[%dma_wait3A_47, %dma_wait3A_48] : memref<20480x128xf32, #tpu.memory_space<hbm>> -> memref<128x128xf32, #tpu.memory_space<hbm>>
      tpu.wait_dma2 semaphore(%arg10 : memref<!tpu.dma_semaphore, #tpu.memory_space<semaphore_mem>>) src(%dma_wait3A_49 : memref<128x128xf32, #tpu.memory_space<hbm>>) dst(%arg7 : memref<128x128xf32, #tpu.memory_space<vmem>>)
      %dma_start3A_50 = arith.constant 1 : i32
      %dma_start3A_51 = arith.constant 0 : i32
      %dma_start3A_52 = tpu.memref_slice %arg5[%dma_start3A_50, %dma_start3A_51] : memref<2x128xi32, #tpu.memory_space<vmem>> -> memref<1x128xi32, #tpu.memory_space<vmem>>
      %dma_start3A_53 = tpu.memref_squeeze %dma_start3A_52 : memref<1x128xi32, #tpu.memory_space<vmem>> -> memref<128xi32, #tpu.memory_space<vmem>>
      %dma_start3A_54 = arith.constant 0 : i32
      %dma_start3A_55 = arith.constant 0 : i32
      %dma_start3A_56 = tpu.memref_slice %arg9[%dma_start3A_54, %dma_start3A_55] : memref<10240x128xf32, #tpu.memory_space<vmem_shared>> -> memref<10240x128xf32, #tpu.memory_space<vmem_shared>>
      tpu.enqueue_indirect_dma source(%arg7 : memref<128x128xf32, #tpu.memory_space<vmem>>) target(%dma_start3A_56 : memref<10240x128xf32, #tpu.memory_space<vmem_shared>>) offsets(%dma_start3A_53 : memref<128xi32, #tpu.memory_space<vmem>>) semaphore(%arg12 : memref<!tpu.dma_semaphore, #tpu.memory_space<semaphore_mem>>) {add = true}
      %dma_wait3A_57 = arith.constant 0 : i32
      %dma_wait3A_58 = arith.constant 0 : i32
      %dma_wait3A_59 = tpu.memref_slice %arg2[%dma_wait3A_57, %dma_wait3A_58] : memref<20480x128xf32, #tpu.memory_space<hbm>> -> memref<128x128xf32, #tpu.memory_space<hbm>>
      %dma_wait3A_60 = arith.constant 0 : i32
      %dma_wait3A_61 = arith.constant 0 : i32
      %dma_wait3A_62 = tpu.memref_slice %arg2[%dma_wait3A_60, %dma_wait3A_61] : memref<20480x128xf32, #tpu.memory_space<hbm>> -> memref<128x128xf32, #tpu.memory_space<hbm>>
      tpu.wait_dma2 semaphore(%arg11 : memref<!tpu.dma_semaphore, #tpu.memory_space<semaphore_mem>>) src(%dma_wait3A_62 : memref<128x128xf32, #tpu.memory_space<hbm>>) dst(%arg8 : memref<128x128xf32, #tpu.memory_space<vmem>>)
      %lt3A = arith.constant 79 : i32
      %lt3A_63 = arith.cmpi slt, %scan3A_41, %lt3A : i32
      %convert_element_type3A = arith.extui %lt3A_63 : i1 to i32
      %cond3A = arith.constant 0 : i32
      %cond3A_64 = arith.cmpi ne, %convert_element_type3A, %cond3A : i32
      scf.if %cond3A_64 {
        %dma_wait3A_77 = arith.constant 0 : i32
        %dma_wait3A_78 = arith.constant 0 : i32
        %dma_wait3A_79 = tpu.memref_slice %arg2[%dma_wait3A_77, %dma_wait3A_78] : memref<20480x128xf32, #tpu.memory_space<hbm>> -> memref<128x128xf32, #tpu.memory_space<hbm>>
        %dma_wait3A_80 = arith.constant 0 : i32
        %dma_wait3A_81 = arith.constant 0 : i32
        %dma_wait3A_82 = tpu.memref_slice %arg2[%dma_wait3A_80, %dma_wait3A_81] : memref<20480x128xf32, #tpu.memory_space<hbm>> -> memref<128x128xf32, #tpu.memory_space<hbm>>
        tpu.wait_dma2 semaphore(%arg12 : memref<!tpu.dma_semaphore, #tpu.memory_space<semaphore_mem>>) src(%dma_wait3A_82 : memref<128x128xf32, #tpu.memory_space<hbm>>) dst(%arg7 : memref<128x128xf32, #tpu.memory_space<vmem>>)
        %add3A_83 = arith.constant 2 : i32
        %add3A_84 = arith.addi %mul3A_43, %add3A_83 : i32
        "tpu.region"() ({
          %run_scoped3A_92 = tpu.sem_alloc : memref<!tpu.dma_semaphore, #tpu.memory_space<semaphore_mem>>
          %dma_start3A_93 = arith.constant 0 : i32
          %dma_start3A_94 = arith.constant 0 : i32
          %dma_start3A_95 = arith.constant 0 : i32
          %dma_start3A_96 = tpu.memref_slice %arg3[%add3A, %dma_start3A_93, %dma_start3A_94, %dma_start3A_95] : memref<32x160x2x128xi32, #tpu.memory_space<hbm>> -> memref<1x160x2x128xi32, #tpu.memory_space<hbm>>
          %dma_start3A_97 = tpu.memref_squeeze %dma_start3A_96 : memref<1x160x2x128xi32, #tpu.memory_space<hbm>> -> memref<160x2x128xi32, #tpu.memory_space<hbm>>
          %dma_start3A_98 = arith.constant 0 : i32
          %dma_start3A_99 = arith.constant 0 : i32
          %dma_start3A_100 = tpu.memref_slice %dma_start3A_97[%add3A_84, %dma_start3A_98, %dma_start3A_99] : memref<160x2x128xi32, #tpu.memory_space<hbm>> -> memref<1x2x128xi32, #tpu.memory_space<hbm>>
          %dma_start3A_101 = tpu.memref_squeeze %dma_start3A_100 : memref<1x2x128xi32, #tpu.memory_space<hbm>> -> memref<2x128xi32, #tpu.memory_space<hbm>>
          %dma_start3A_102 = arith.constant 0 : i32
          %dma_start3A_103 = arith.constant 0 : i32
          %dma_start3A_104 = arith.constant 0 : i32
          %dma_start3A_105 = tpu.memref_slice %arg3[%add3A, %dma_start3A_102, %dma_start3A_103, %dma_start3A_104] : memref<32x160x2x128xi32, #tpu.memory_space<hbm>> -> memref<1x160x2x128xi32, #tpu.memory_space<hbm>>
          %dma_start3A_106 = tpu.memref_squeeze %dma_start3A_105 : memref<1x160x2x128xi32, #tpu.memory_space<hbm>> -> memref<160x2x128xi32, #tpu.memory_space<hbm>>
          %dma_start3A_107 = arith.constant 0 : i32
          %dma_start3A_108 = arith.constant 0 : i32
          %dma_start3A_109 = tpu.memref_slice %dma_start3A_106[%add3A_84, %dma_start3A_107, %dma_start3A_108] : memref<160x2x128xi32, #tpu.memory_space<hbm>> -> memref<1x2x128xi32, #tpu.memory_space<hbm>>
          %dma_start3A_110 = tpu.memref_squeeze %dma_start3A_109 : memref<1x2x128xi32, #tpu.memory_space<hbm>> -> memref<2x128xi32, #tpu.memory_space<hbm>>
          tpu.enqueue_dma source(%dma_start3A_110 : memref<2x128xi32, #tpu.memory_space<hbm>>) target(%arg5 : memref<2x128xi32, #tpu.memory_space<vmem>>) target_semaphore(%run_scoped3A_92 : memref<!tpu.dma_semaphore, #tpu.memory_space<semaphore_mem>>)
          %dma_wait3A_111 = arith.constant 0 : i32
          %dma_wait3A_112 = arith.constant 0 : i32
          %dma_wait3A_113 = arith.constant 0 : i32
          %dma_wait3A_114 = tpu.memref_slice %arg3[%add3A, %dma_wait3A_111, %dma_wait3A_112, %dma_wait3A_113] : memref<32x160x2x128xi32, #tpu.memory_space<hbm>> -> memref<1x160x2x128xi32, #tpu.memory_space<hbm>>
          %dma_wait3A_115 = tpu.memref_squeeze %dma_wait3A_114 : memref<1x160x2x128xi32, #tpu.memory_space<hbm>> -> memref<160x2x128xi32, #tpu.memory_space<hbm>>
          %dma_wait3A_116 = arith.constant 0 : i32
          %dma_wait3A_117 = arith.constant 0 : i32
          %dma_wait3A_118 = tpu.memref_slice %dma_wait3A_115[%add3A_84, %dma_wait3A_116, %dma_wait3A_117] : memref<160x2x128xi32, #tpu.memory_space<hbm>> -> memref<1x2x128xi32, #tpu.memory_space<hbm>>
          %dma_wait3A_119 = tpu.memref_squeeze %dma_wait3A_118 : memref<1x2x128xi32, #tpu.memory_space<hbm>> -> memref<2x128xi32, #tpu.memory_space<hbm>>
          %dma_wait3A_120 = arith.constant 0 : i32
          %dma_wait3A_121 = arith.constant 0 : i32
          %dma_wait3A_122 = arith.constant 0 : i32
          %dma_wait3A_123 = tpu.memref_slice %arg3[%add3A, %dma_wait3A_120, %dma_wait3A_121, %dma_wait3A_122] : memref<32x160x2x128xi32, #tpu.memory_space<hbm>> -> memref<1x160x2x128xi32, #tpu.memory_space<hbm>>
          %dma_wait3A_124 = tpu.memref_squeeze %dma_wait3A_123 : memref<1x160x2x128xi32, #tpu.memory_space<hbm>> -> memref<160x2x128xi32, #tpu.memory_space<hbm>>
          %dma_wait3A_125 = arith.constant 0 : i32
          %dma_wait3A_126 = arith.constant 0 : i32
          %dma_wait3A_127 = tpu.memref_slice %dma_wait3A_124[%add3A_84, %dma_wait3A_125, %dma_wait3A_126] : memref<160x2x128xi32, #tpu.memory_space<hbm>> -> memref<1x2x128xi32, #tpu.memory_space<hbm>>
          %dma_wait3A_128 = tpu.memref_squeeze %dma_wait3A_127 : memref<1x2x128xi32, #tpu.memory_space<hbm>> -> memref<2x128xi32, #tpu.memory_space<hbm>>
          tpu.wait_dma2 semaphore(%run_scoped3A_92 : memref<!tpu.dma_semaphore, #tpu.memory_space<semaphore_mem>>) src(%dma_wait3A_128 : memref<2x128xi32, #tpu.memory_space<hbm>>) dst(%arg5 : memref<2x128xi32, #tpu.memory_space<vmem>>)
          tpu.yield
        }) : () -> ()
        %dma_start3A_85 = arith.constant 0 : i32
        %dma_start3A_86 = arith.constant 0 : i32
        %dma_start3A_87 = tpu.memref_slice %arg5[%dma_start3A_85, %dma_start3A_86] : memref<2x128xi32, #tpu.memory_space<vmem>> -> memref<1x128xi32, #tpu.memory_space<vmem>>
        %dma_start3A_88 = tpu.memref_squeeze %dma_start3A_87 : memref<1x128xi32, #tpu.memory_space<vmem>> -> memref<128xi32, #tpu.memory_space<vmem>>
        %dma_start3A_89 = arith.constant 0 : i32
        %dma_start3A_90 = arith.constant 0 : i32
        %dma_start3A_91 = tpu.memref_slice %arg2[%dma_start3A_89, %dma_start3A_90] : memref<20480x128xf32, #tpu.memory_space<hbm>> -> memref<20480x128xf32, #tpu.memory_space<hbm>>
        tpu.enqueue_indirect_dma source(%dma_start3A_91 : memref<20480x128xf32, #tpu.memory_space<hbm>>) target(%arg7 : memref<128x128xf32, #tpu.memory_space<vmem>>) offsets(%dma_start3A_88 : memref<128xi32, #tpu.memory_space<vmem>>) semaphore(%arg10 : memref<!tpu.dma_semaphore, #tpu.memory_space<semaphore_mem>>)
      } else {
      }
      %dma_start3A_65 = arith.constant 1 : i32
      %dma_start3A_66 = arith.constant 0 : i32
      %dma_start3A_67 = tpu.memref_slice %arg6[%dma_start3A_65, %dma_start3A_66] : memref<2x128xi32, #tpu.memory_space<vmem>> -> memref<1x128xi32, #tpu.memory_space<vmem>>
      %dma_start3A_68 = tpu.memref_squeeze %dma_start3A_67 : memref<1x128xi32, #tpu.memory_space<vmem>> -> memref<128xi32, #tpu.memory_space<vmem>>
      %dma_start3A_69 = arith.constant 0 : i32
      %dma_start3A_70 = arith.constant 0 : i32
      %dma_start3A_71 = tpu.memref_slice %arg9[%dma_start3A_69, %dma_start3A_70] : memref<10240x128xf32, #tpu.memory_space<vmem_shared>> -> memref<10240x128xf32, #tpu.memory_space<vmem_shared>>
      tpu.enqueue_indirect_dma source(%arg8 : memref<128x128xf32, #tpu.memory_space<vmem>>) target(%dma_start3A_71 : memref<10240x128xf32, #tpu.memory_space<vmem_shared>>) offsets(%dma_start3A_68 : memref<128xi32, #tpu.memory_space<vmem>>) semaphore(%arg13 : memref<!tpu.dma_semaphore, #tpu.memory_space<semaphore_mem>>) {add = true}
      %lt3A_72 = arith.constant 79 : i32
      %lt3A_73 = arith.cmpi slt, %scan3A_41, %lt3A_72 : i32
      %convert_element_type3A_74 = arith.extui %lt3A_73 : i1 to i32
      %cond3A_75 = arith.constant 0 : i32
      %cond3A_76 = arith.cmpi ne, %convert_element_type3A_74, %cond3A_75 : i32
      scf.if %cond3A_76 {
        %dma_wait3A_77 = arith.constant 0 : i32
        %dma_wait3A_78 = arith.constant 0 : i32
        %dma_wait3A_79 = tpu.memref_slice %arg2[%dma_wait3A_77, %dma_wait3A_78] : memref<20480x128xf32, #tpu.memory_space<hbm>> -> memref<128x128xf32, #tpu.memory_space<hbm>>
        %dma_wait3A_80 = arith.constant 0 : i32
        %dma_wait3A_81 = arith.constant 0 : i32
        %dma_wait3A_82 = tpu.memref_slice %arg2[%dma_wait3A_80, %dma_wait3A_81] : memref<20480x128xf32, #tpu.memory_space<hbm>> -> memref<128x128xf32, #tpu.memory_space<hbm>>
        tpu.wait_dma2 semaphore(%arg13 : memref<!tpu.dma_semaphore, #tpu.memory_space<semaphore_mem>>) src(%dma_wait3A_82 : memref<128x128xf32, #tpu.memory_space<hbm>>) dst(%arg8 : memref<128x128xf32, #tpu.memory_space<vmem>>)
        %add3A_83 = arith.constant 3 : i32
        %add3A_84 = arith.addi %mul3A_43, %add3A_83 : i32
        "tpu.region"() ({
          %run_scoped3A_92 = tpu.sem_alloc : memref<!tpu.dma_semaphore, #tpu.memory_space<semaphore_mem>>
          %dma_start3A_93 = arith.constant 0 : i32
          %dma_start3A_94 = arith.constant 0 : i32
          %dma_start3A_95 = arith.constant 0 : i32
          %dma_start3A_96 = tpu.memref_slice %arg3[%add3A, %dma_start3A_93, %dma_start3A_94, %dma_start3A_95] : memref<32x160x2x128xi32, #tpu.memory_space<hbm>> -> memref<1x160x2x128xi32, #tpu.memory_space<hbm>>
          %dma_start3A_97 = tpu.memref_squeeze %dma_start3A_96 : memref<1x160x2x128xi32, #tpu.memory_space<hbm>> -> memref<160x2x128xi32, #tpu.memory_space<hbm>>
          %dma_start3A_98 = arith.constant 0 : i32
          %dma_start3A_99 = arith.constant 0 : i32
          %dma_start3A_100 = tpu.memref_slice %dma_start3A_97[%add3A_84, %dma_start3A_98, %dma_start3A_99] : memref<160x2x128xi32, #tpu.memory_space<hbm>> -> memref<1x2x128xi32, #tpu.memory_space<hbm>>
          %dma_start3A_101 = tpu.memref_squeeze %dma_start3A_100 : memref<1x2x128xi32, #tpu.memory_space<hbm>> -> memref<2x128xi32, #tpu.memory_space<hbm>>
          %dma_start3A_102 = arith.constant 0 : i32
          %dma_start3A_103 = arith.constant 0 : i32
          %dma_start3A_104 = arith.constant 0 : i32
          %dma_start3A_105 = tpu.memref_slice %arg3[%add3A, %dma_start3A_102, %dma_start3A_103, %dma_start3A_104] : memref<32x160x2x128xi32, #tpu.memory_space<hbm>> -> memref<1x160x2x128xi32, #tpu.memory_space<hbm>>
          %dma_start3A_106 = tpu.memref_squeeze %dma_start3A_105 : memref<1x160x2x128xi32, #tpu.memory_space<hbm>> -> memref<160x2x128xi32, #tpu.memory_space<hbm>>
          %dma_start3A_107 = arith.constant 0 : i32
          %dma_start3A_108 = arith.constant 0 : i32
          %dma_start3A_109 = tpu.memref_slice %dma_start3A_106[%add3A_84, %dma_start3A_107, %dma_start3A_108] : memref<160x2x128xi32, #tpu.memory_space<hbm>> -> memref<1x2x128xi32, #tpu.memory_space<hbm>>
          %dma_start3A_110 = tpu.memref_squeeze %dma_start3A_109 : memref<1x2x128xi32, #tpu.memory_space<hbm>> -> memref<2x128xi32, #tpu.memory_space<hbm>>
          tpu.enqueue_dma source(%dma_start3A_110 : memref<2x128xi32, #tpu.memory_space<hbm>>) target(%arg6 : memref<2x128xi32, #tpu.memory_space<vmem>>) target_semaphore(%run_scoped3A_92 : memref<!tpu.dma_semaphore, #tpu.memory_space<semaphore_mem>>)
          %dma_wait3A_111 = arith.constant 0 : i32
          %dma_wait3A_112 = arith.constant 0 : i32
          %dma_wait3A_113 = arith.constant 0 : i32
          %dma_wait3A_114 = tpu.memref_slice %arg3[%add3A, %dma_wait3A_111, %dma_wait3A_112, %dma_wait3A_113] : memref<32x160x2x128xi32, #tpu.memory_space<hbm>> -> memref<1x160x2x128xi32, #tpu.memory_space<hbm>>
          %dma_wait3A_115 = tpu.memref_squeeze %dma_wait3A_114 : memref<1x160x2x128xi32, #tpu.memory_space<hbm>> -> memref<160x2x128xi32, #tpu.memory_space<hbm>>
          %dma_wait3A_116 = arith.constant 0 : i32
          %dma_wait3A_117 = arith.constant 0 : i32
          %dma_wait3A_118 = tpu.memref_slice %dma_wait3A_115[%add3A_84, %dma_wait3A_116, %dma_wait3A_117] : memref<160x2x128xi32, #tpu.memory_space<hbm>> -> memref<1x2x128xi32, #tpu.memory_space<hbm>>
          %dma_wait3A_119 = tpu.memref_squeeze %dma_wait3A_118 : memref<1x2x128xi32, #tpu.memory_space<hbm>> -> memref<2x128xi32, #tpu.memory_space<hbm>>
          %dma_wait3A_120 = arith.constant 0 : i32
          %dma_wait3A_121 = arith.constant 0 : i32
          %dma_wait3A_122 = arith.constant 0 : i32
          %dma_wait3A_123 = tpu.memref_slice %arg3[%add3A, %dma_wait3A_120, %dma_wait3A_121, %dma_wait3A_122] : memref<32x160x2x128xi32, #tpu.memory_space<hbm>> -> memref<1x160x2x128xi32, #tpu.memory_space<hbm>>
          %dma_wait3A_124 = tpu.memref_squeeze %dma_wait3A_123 : memref<1x160x2x128xi32, #tpu.memory_space<hbm>> -> memref<160x2x128xi32, #tpu.memory_space<hbm>>
          %dma_wait3A_125 = arith.constant 0 : i32
          %dma_wait3A_126 = arith.constant 0 : i32
          %dma_wait3A_127 = tpu.memref_slice %dma_wait3A_124[%add3A_84, %dma_wait3A_125, %dma_wait3A_126] : memref<160x2x128xi32, #tpu.memory_space<hbm>> -> memref<1x2x128xi32, #tpu.memory_space<hbm>>
          %dma_wait3A_128 = tpu.memref_squeeze %dma_wait3A_127 : memref<1x2x128xi32, #tpu.memory_space<hbm>> -> memref<2x128xi32, #tpu.memory_space<hbm>>
          tpu.wait_dma2 semaphore(%run_scoped3A_92 : memref<!tpu.dma_semaphore, #tpu.memory_space<semaphore_mem>>) src(%dma_wait3A_128 : memref<2x128xi32, #tpu.memory_space<hbm>>) dst(%arg6 : memref<2x128xi32, #tpu.memory_space<vmem>>)
          tpu.yield
        }) : () -> ()
        %dma_start3A_85 = arith.constant 0 : i32
        %dma_start3A_86 = arith.constant 0 : i32
        %dma_start3A_87 = tpu.memref_slice %arg6[%dma_start3A_85, %dma_start3A_86] : memref<2x128xi32, #tpu.memory_space<vmem>> -> memref<1x128xi32, #tpu.memory_space<vmem>>
        %dma_start3A_88 = tpu.memref_squeeze %dma_start3A_87 : memref<1x128xi32, #tpu.memory_space<vmem>> -> memref<128xi32, #tpu.memory_space<vmem>>
        %dma_start3A_89 = arith.constant 0 : i32
        %dma_start3A_90 = arith.constant 0 : i32
        %dma_start3A_91 = tpu.memref_slice %arg2[%dma_start3A_89, %dma_start3A_90] : memref<20480x128xf32, #tpu.memory_space<hbm>> -> memref<20480x128xf32, #tpu.memory_space<hbm>>
        tpu.enqueue_indirect_dma source(%dma_start3A_91 : memref<20480x128xf32, #tpu.memory_space<hbm>>) target(%arg8 : memref<128x128xf32, #tpu.memory_space<vmem>>) offsets(%dma_start3A_88 : memref<128xi32, #tpu.memory_space<vmem>>) semaphore(%arg11 : memref<!tpu.dma_semaphore, #tpu.memory_space<semaphore_mem>>)
      } else {
      }
    }
    %scan3A_26 = arith.constant 80 : i32
    %dma_wait3A = arith.constant 0 : i32
    %dma_wait3A_27 = arith.constant 0 : i32
    %dma_wait3A_28 = tpu.memref_slice %arg2[%dma_wait3A, %dma_wait3A_27] : memref<20480x128xf32, #tpu.memory_space<hbm>> -> memref<128x128xf32, #tpu.memory_space<hbm>>
    %dma_wait3A_29 = arith.constant 0 : i32
    %dma_wait3A_30 = arith.constant 0 : i32
    %dma_wait3A_31 = tpu.memref_slice %arg2[%dma_wait3A_29, %dma_wait3A_30] : memref<20480x128xf32, #tpu.memory_space<hbm>> -> memref<128x128xf32, #tpu.memory_space<hbm>>
    tpu.wait_dma2 semaphore(%arg12 : memref<!tpu.dma_semaphore, #tpu.memory_space<semaphore_mem>>) src(%dma_wait3A_31 : memref<128x128xf32, #tpu.memory_space<hbm>>) dst(%arg7 : memref<128x128xf32, #tpu.memory_space<vmem>>)
    %dma_wait3A_32 = arith.constant 0 : i32
    %dma_wait3A_33 = arith.constant 0 : i32
    %dma_wait3A_34 = tpu.memref_slice %arg2[%dma_wait3A_32, %dma_wait3A_33] : memref<20480x128xf32, #tpu.memory_space<hbm>> -> memref<128x128xf32, #tpu.memory_space<hbm>>
    %dma_wait3A_35 = arith.constant 0 : i32
    %dma_wait3A_36 = arith.constant 0 : i32
    %dma_wait3A_37 = tpu.memref_slice %arg2[%dma_wait3A_35, %dma_wait3A_36] : memref<20480x128xf32, #tpu.memory_space<hbm>> -> memref<128x128xf32, #tpu.memory_space<hbm>>
    tpu.wait_dma2 semaphore(%arg13 : memref<!tpu.dma_semaphore, #tpu.memory_space<semaphore_mem>>) src(%dma_wait3A_37 : memref<128x128xf32, #tpu.memory_space<hbm>>) dst(%arg8 : memref<128x128xf32, #tpu.memory_space<vmem>>)
    %barrier3A_38 = arith.constant 0 : index
    tpu.barrier barrier_id(%barrier3A_38)
    %mul3A_39 = arith.constant 640 : i32
    %mul3A_40 = arith.muli %arg1, %mul3A_39 : i32
    "tpu.region"() ({
      %run_scoped3A_41 = tpu.sem_alloc : memref<!tpu.dma_semaphore, #tpu.memory_space<semaphore_mem>>
      %dma_start3A_42 = arith.constant 0 : i32
      %dma_start3A_43 = tpu.memref_slice %arg4[%add3A_5, %dma_start3A_42] : memref<20480x128xf32, #tpu.memory_space<hbm>> -> memref<640x128xf32, #tpu.memory_space<hbm>>
      %dma_start3A_44 = arith.constant 0 : i32
      %dma_start3A_45 = tpu.memref_slice %arg9[%mul3A_40, %dma_start3A_44] : memref<10240x128xf32, #tpu.memory_space<vmem_shared>> -> memref<640x128xf32, #tpu.memory_space<vmem_shared>>
      tpu.enqueue_dma source(%dma_start3A_45 : memref<640x128xf32, #tpu.memory_space<vmem_shared>>) target(%dma_start3A_43 : memref<640x128xf32, #tpu.memory_space<hbm>>) target_semaphore(%run_scoped3A_41 : memref<!tpu.dma_semaphore, #tpu.memory_space<semaphore_mem>>)
      %dma_wait3A_46 = arith.constant 0 : i32
      %dma_wait3A_47 = tpu.memref_slice %arg4[%add3A_5, %dma_wait3A_46] : memref<20480x128xf32, #tpu.memory_space<hbm>> -> memref<640x128xf32, #tpu.memory_space<hbm>>
      %dma_wait3A_48 = arith.constant 0 : i32
      %dma_wait3A_49 = tpu.memref_slice %arg9[%mul3A_40, %dma_wait3A_48] : memref<10240x128xf32, #tpu.memory_space<vmem_shared>> -> memref<640x128xf32, #tpu.memory_space<vmem_shared>>
      tpu.wait_dma2 semaphore(%run_scoped3A_41 : memref<!tpu.dma_semaphore, #tpu.memory_space<semaphore_mem>>) src(%dma_wait3A_49 : memref<640x128xf32, #tpu.memory_space<vmem_shared>>) dst(%dma_wait3A_47 : memref<640x128xf32, #tpu.memory_space<hbm>>)
      tpu.yield
    }) : () -> ()
    return
  }
}

#map = affine_map<(d0, d1) -> (0, 0)>
#map1 = affine_map<(d0, d1) -> (0, 0, 0, 0)>
module attributes {stable_mosaic.version = 14 : i64} {
  func.func @_agg(%arg0: i32, %arg1: i32, %arg2: memref<20480x128xf32, #tpu.memory_space<hbm>>, %arg3: memref<32x160x2x128xi32, #tpu.memory_space<hbm>>, %arg4: memref<20480x128xf32, #tpu.memory_space<hbm>>, %arg5: memref<2x128xi32, #tpu.memory_space<vmem>>, %arg6: memref<2x128xi32, #tpu.memory_space<vmem>>, %arg7: memref<128x128xf32, #tpu.memory_space<vmem>>, %arg8: memref<128x128xf32, #tpu.memory_space<vmem>>, %arg9: memref<10240x128xf32, #tpu.memory_space<vmem_shared>>, %arg10: memref<!tpu.dma_semaphore, #tpu.memory_space<semaphore_mem>>, %arg11: memref<!tpu.dma_semaphore, #tpu.memory_space<semaphore_mem>>, %arg12: memref<!tpu.dma_semaphore, #tpu.memory_space<semaphore_mem>>, %arg13: memref<!tpu.dma_semaphore, #tpu.memory_space<semaphore_mem>>) attributes {dimension_semantics = [#tpu.dimension_semantics<core_parallel>, #tpu.dimension_semantics<subcore_parallel>], iteration_bounds = array<i64: 2, 16>, scalar_prefetch = 0 : i64, scratch_operands = 9 : i64, tpu.core_type = #tpu.core_type<sc_vector_subcore>, window_params = [{transform_indices = #map}, {transform_indices = #map1}, {transform_indices = #map}]} {
    %mul3A = arith.constant 16 : i32
    %mul3A_0 = arith.muli %arg0, %mul3A : i32
    %add3A = arith.addi %mul3A_0, %arg1 : i32
    %mul3A_1 = arith.constant 10240 : i32
    %mul3A_2 = arith.muli %arg0, %mul3A_1 : i32
    %mul3A_3 = arith.constant 640 : i32
    %mul3A_4 = arith.muli %arg1, %mul3A_3 : i32
    %add3A_5 = arith.addi %mul3A_2, %mul3A_4 : i32
    %mul3A_6 = arith.constant 640 : i32
    %mul3A_7 = arith.muli %arg1, %mul3A_6 : i32
    "tpu.region"() ({
      %run_scoped3A_41 = tpu.sem_alloc : memref<!tpu.dma_semaphore, #tpu.memory_space<semaphore_mem>>
      %dma_start3A_42 = arith.constant 0 : i32
      %dma_start3A_43 = tpu.memref_slice %arg9[%mul3A_7, %dma_start3A_42] : memref<10240x128xf32, #tpu.memory_space<vmem_shared>> -> memref<640x128xf32, #tpu.memory_space<vmem_shared>>
      %dma_start3A_44 = arith.constant 0 : i32
      %dma_start3A_45 = tpu.memref_slice %arg2[%add3A_5, %dma_start3A_44] : memref<20480x128xf32, #tpu.memory_space<hbm>> -> memref<640x128xf32, #tpu.memory_space<hbm>>
      tpu.enqueue_dma source(%dma_start3A_45 : memref<640x128xf32, #tpu.memory_space<hbm>>) target(%dma_start3A_43 : memref<640x128xf32, #tpu.memory_space<vmem_shared>>) target_semaphore(%run_scoped3A_41 : memref<!tpu.dma_semaphore, #tpu.memory_space<semaphore_mem>>)
      %dma_wait3A_46 = arith.constant 0 : i32
      %dma_wait3A_47 = tpu.memref_slice %arg9[%mul3A_7, %dma_wait3A_46] : memref<10240x128xf32, #tpu.memory_space<vmem_shared>> -> memref<640x128xf32, #tpu.memory_space<vmem_shared>>
      %dma_wait3A_48 = arith.constant 0 : i32
      %dma_wait3A_49 = tpu.memref_slice %arg2[%add3A_5, %dma_wait3A_48] : memref<20480x128xf32, #tpu.memory_space<hbm>> -> memref<640x128xf32, #tpu.memory_space<hbm>>
      tpu.wait_dma2 semaphore(%run_scoped3A_41 : memref<!tpu.dma_semaphore, #tpu.memory_space<semaphore_mem>>) src(%dma_wait3A_49 : memref<640x128xf32, #tpu.memory_space<hbm>>) dst(%dma_wait3A_47 : memref<640x128xf32, #tpu.memory_space<vmem_shared>>)
      tpu.yield
    }) : () -> ()
    %barrier3A = arith.constant 0 : index
    tpu.barrier barrier_id(%barrier3A)
    %run_scoped3A = arith.constant 0 : i32
    "tpu.region"() ({
      %run_scoped3A_41 = tpu.sem_alloc : memref<!tpu.dma_semaphore, #tpu.memory_space<semaphore_mem>>
      %dma_start3A_42 = arith.constant 0 : i32
      %dma_start3A_43 = arith.constant 0 : i32
      %dma_start3A_44 = arith.constant 0 : i32
      %dma_start3A_45 = tpu.memref_slice %arg3[%add3A, %dma_start3A_42, %dma_start3A_43, %dma_start3A_44] : memref<32x160x2x128xi32, #tpu.memory_space<hbm>> -> memref<1x160x2x128xi32, #tpu.memory_space<hbm>>
      %dma_start3A_46 = tpu.memref_squeeze %dma_start3A_45 : memref<1x160x2x128xi32, #tpu.memory_space<hbm>> -> memref<160x2x128xi32, #tpu.memory_space<hbm>>
      %dma_start3A_47 = arith.constant 0 : i32
      %dma_start3A_48 = arith.constant 0 : i32
      %dma_start3A_49 = tpu.memref_slice %dma_start3A_46[%run_scoped3A, %dma_start3A_47, %dma_start3A_48] : memref<160x2x128xi32, #tpu.memory_space<hbm>> -> memref<1x2x128xi32, #tpu.memory_space<hbm>>
      %dma_start3A_50 = tpu.memref_squeeze %dma_start3A_49 : memref<1x2x128xi32, #tpu.memory_space<hbm>> -> memref<2x128xi32, #tpu.memory_space<hbm>>
      %dma_start3A_51 = arith.constant 0 : i32
      %dma_start3A_52 = arith.constant 0 : i32
      %dma_start3A_53 = arith.constant 0 : i32
      %dma_start3A_54 = tpu.memref_slice %arg3[%add3A, %dma_start3A_51, %dma_start3A_52, %dma_start3A_53] : memref<32x160x2x128xi32, #tpu.memory_space<hbm>> -> memref<1x160x2x128xi32, #tpu.memory_space<hbm>>
      %dma_start3A_55 = tpu.memref_squeeze %dma_start3A_54 : memref<1x160x2x128xi32, #tpu.memory_space<hbm>> -> memref<160x2x128xi32, #tpu.memory_space<hbm>>
      %dma_start3A_56 = arith.constant 0 : i32
      %dma_start3A_57 = arith.constant 0 : i32
      %dma_start3A_58 = tpu.memref_slice %dma_start3A_55[%run_scoped3A, %dma_start3A_56, %dma_start3A_57] : memref<160x2x128xi32, #tpu.memory_space<hbm>> -> memref<1x2x128xi32, #tpu.memory_space<hbm>>
      %dma_start3A_59 = tpu.memref_squeeze %dma_start3A_58 : memref<1x2x128xi32, #tpu.memory_space<hbm>> -> memref<2x128xi32, #tpu.memory_space<hbm>>
      tpu.enqueue_dma source(%dma_start3A_59 : memref<2x128xi32, #tpu.memory_space<hbm>>) target(%arg5 : memref<2x128xi32, #tpu.memory_space<vmem>>) target_semaphore(%run_scoped3A_41 : memref<!tpu.dma_semaphore, #tpu.memory_space<semaphore_mem>>)
      %dma_wait3A_60 = arith.constant 0 : i32
      %dma_wait3A_61 = arith.constant 0 : i32
      %dma_wait3A_62 = arith.constant 0 : i32
      %dma_wait3A_63 = tpu.memref_slice %arg3[%add3A, %dma_wait3A_60, %dma_wait3A_61, %dma_wait3A_62] : memref<32x160x2x128xi32, #tpu.memory_space<hbm>> -> memref<1x160x2x128xi32, #tpu.memory_space<hbm>>
      %dma_wait3A_64 = tpu.memref_squeeze %dma_wait3A_63 : memref<1x160x2x128xi32, #tpu.memory_space<hbm>> -> memref<160x2x128xi32, #tpu.memory_space<hbm>>
      %dma_wait3A_65 = arith.constant 0 : i32
      %dma_wait3A_66 = arith.constant 0 : i32
      %dma_wait3A_67 = tpu.memref_slice %dma_wait3A_64[%run_scoped3A, %dma_wait3A_65, %dma_wait3A_66] : memref<160x2x128xi32, #tpu.memory_space<hbm>> -> memref<1x2x128xi32, #tpu.memory_space<hbm>>
      %dma_wait3A_68 = tpu.memref_squeeze %dma_wait3A_67 : memref<1x2x128xi32, #tpu.memory_space<hbm>> -> memref<2x128xi32, #tpu.memory_space<hbm>>
      %dma_wait3A_69 = arith.constant 0 : i32
      %dma_wait3A_70 = arith.constant 0 : i32
      %dma_wait3A_71 = arith.constant 0 : i32
      %dma_wait3A_72 = tpu.memref_slice %arg3[%add3A, %dma_wait3A_69, %dma_wait3A_70, %dma_wait3A_71] : memref<32x160x2x128xi32, #tpu.memory_space<hbm>> -> memref<1x160x2x128xi32, #tpu.memory_space<hbm>>
      %dma_wait3A_73 = tpu.memref_squeeze %dma_wait3A_72 : memref<1x160x2x128xi32, #tpu.memory_space<hbm>> -> memref<160x2x128xi32, #tpu.memory_space<hbm>>
      %dma_wait3A_74 = arith.constant 0 : i32
      %dma_wait3A_75 = arith.constant 0 : i32
      %dma_wait3A_76 = tpu.memref_slice %dma_wait3A_73[%run_scoped3A, %dma_wait3A_74, %dma_wait3A_75] : memref<160x2x128xi32, #tpu.memory_space<hbm>> -> memref<1x2x128xi32, #tpu.memory_space<hbm>>
      %dma_wait3A_77 = tpu.memref_squeeze %dma_wait3A_76 : memref<1x2x128xi32, #tpu.memory_space<hbm>> -> memref<2x128xi32, #tpu.memory_space<hbm>>
      tpu.wait_dma2 semaphore(%run_scoped3A_41 : memref<!tpu.dma_semaphore, #tpu.memory_space<semaphore_mem>>) src(%dma_wait3A_77 : memref<2x128xi32, #tpu.memory_space<hbm>>) dst(%arg5 : memref<2x128xi32, #tpu.memory_space<vmem>>)
      tpu.yield
    }) : () -> ()
    %dma_start3A = arith.constant 0 : i32
    %dma_start3A_8 = arith.constant 0 : i32
    %dma_start3A_9 = tpu.memref_slice %arg5[%dma_start3A, %dma_start3A_8] : memref<2x128xi32, #tpu.memory_space<vmem>> -> memref<1x128xi32, #tpu.memory_space<vmem>>
    %dma_start3A_10 = tpu.memref_squeeze %dma_start3A_9 : memref<1x128xi32, #tpu.memory_space<vmem>> -> memref<128xi32, #tpu.memory_space<vmem>>
    %dma_start3A_11 = arith.constant 0 : i32
    %dma_start3A_12 = arith.constant 0 : i32
    %dma_start3A_13 = tpu.memref_slice %arg2[%dma_start3A_11, %dma_start3A_12] : memref<20480x128xf32, #tpu.memory_space<hbm>> -> memref<20480x128xf32, #tpu.memory_space<hbm>>
    tpu.enqueue_indirect_dma source(%dma_start3A_13 : memref<20480x128xf32, #tpu.memory_space<hbm>>) target(%arg7 : memref<128x128xf32, #tpu.memory_space<vmem>>) offsets(%dma_start3A_10 : memref<128xi32, #tpu.memory_space<vmem>>) semaphore(%arg10 : memref<!tpu.dma_semaphore, #tpu.memory_space<semaphore_mem>>)
    %run_scoped3A_14 = arith.constant 1 : i32
    "tpu.region"() ({
      %run_scoped3A_41 = tpu.sem_alloc : memref<!tpu.dma_semaphore, #tpu.memory_space<semaphore_mem>>
      %dma_start3A_42 = arith.constant 0 : i32
      %dma_start3A_43 = arith.constant 0 : i32
      %dma_start3A_44 = arith.constant 0 : i32
      %dma_start3A_45 = tpu.memref_slice %arg3[%add3A, %dma_start3A_42, %dma_start3A_43, %dma_start3A_44] : memref<32x160x2x128xi32, #tpu.memory_space<hbm>> -> memref<1x160x2x128xi32, #tpu.memory_space<hbm>>
      %dma_start3A_46 = tpu.memref_squeeze %dma_start3A_45 : memref<1x160x2x128xi32, #tpu.memory_space<hbm>> -> memref<160x2x128xi32, #tpu.memory_space<hbm>>
      %dma_start3A_47 = arith.constant 0 : i32
      %dma_start3A_48 = arith.constant 0 : i32
      %dma_start3A_49 = tpu.memref_slice %dma_start3A_46[%run_scoped3A_14, %dma_start3A_47, %dma_start3A_48] : memref<160x2x128xi32, #tpu.memory_space<hbm>> -> memref<1x2x128xi32, #tpu.memory_space<hbm>>
      %dma_start3A_50 = tpu.memref_squeeze %dma_start3A_49 : memref<1x2x128xi32, #tpu.memory_space<hbm>> -> memref<2x128xi32, #tpu.memory_space<hbm>>
      %dma_start3A_51 = arith.constant 0 : i32
      %dma_start3A_52 = arith.constant 0 : i32
      %dma_start3A_53 = arith.constant 0 : i32
      %dma_start3A_54 = tpu.memref_slice %arg3[%add3A, %dma_start3A_51, %dma_start3A_52, %dma_start3A_53] : memref<32x160x2x128xi32, #tpu.memory_space<hbm>> -> memref<1x160x2x128xi32, #tpu.memory_space<hbm>>
      %dma_start3A_55 = tpu.memref_squeeze %dma_start3A_54 : memref<1x160x2x128xi32, #tpu.memory_space<hbm>> -> memref<160x2x128xi32, #tpu.memory_space<hbm>>
      %dma_start3A_56 = arith.constant 0 : i32
      %dma_start3A_57 = arith.constant 0 : i32
      %dma_start3A_58 = tpu.memref_slice %dma_start3A_55[%run_scoped3A_14, %dma_start3A_56, %dma_start3A_57] : memref<160x2x128xi32, #tpu.memory_space<hbm>> -> memref<1x2x128xi32, #tpu.memory_space<hbm>>
      %dma_start3A_59 = tpu.memref_squeeze %dma_start3A_58 : memref<1x2x128xi32, #tpu.memory_space<hbm>> -> memref<2x128xi32, #tpu.memory_space<hbm>>
      tpu.enqueue_dma source(%dma_start3A_59 : memref<2x128xi32, #tpu.memory_space<hbm>>) target(%arg6 : memref<2x128xi32, #tpu.memory_space<vmem>>) target_semaphore(%run_scoped3A_41 : memref<!tpu.dma_semaphore, #tpu.memory_space<semaphore_mem>>)
      %dma_wait3A_60 = arith.constant 0 : i32
      %dma_wait3A_61 = arith.constant 0 : i32
      %dma_wait3A_62 = arith.constant 0 : i32
      %dma_wait3A_63 = tpu.memref_slice %arg3[%add3A, %dma_wait3A_60, %dma_wait3A_61, %dma_wait3A_62] : memref<32x160x2x128xi32, #tpu.memory_space<hbm>> -> memref<1x160x2x128xi32, #tpu.memory_space<hbm>>
      %dma_wait3A_64 = tpu.memref_squeeze %dma_wait3A_63 : memref<1x160x2x128xi32, #tpu.memory_space<hbm>> -> memref<160x2x128xi32, #tpu.memory_space<hbm>>
      %dma_wait3A_65 = arith.constant 0 : i32
      %dma_wait3A_66 = arith.constant 0 : i32
      %dma_wait3A_67 = tpu.memref_slice %dma_wait3A_64[%run_scoped3A_14, %dma_wait3A_65, %dma_wait3A_66] : memref<160x2x128xi32, #tpu.memory_space<hbm>> -> memref<1x2x128xi32, #tpu.memory_space<hbm>>
      %dma_wait3A_68 = tpu.memref_squeeze %dma_wait3A_67 : memref<1x2x128xi32, #tpu.memory_space<hbm>> -> memref<2x128xi32, #tpu.memory_space<hbm>>
      %dma_wait3A_69 = arith.constant 0 : i32
      %dma_wait3A_70 = arith.constant 0 : i32
      %dma_wait3A_71 = arith.constant 0 : i32
      %dma_wait3A_72 = tpu.memref_slice %arg3[%add3A, %dma_wait3A_69, %dma_wait3A_70, %dma_wait3A_71] : memref<32x160x2x128xi32, #tpu.memory_space<hbm>> -> memref<1x160x2x128xi32, #tpu.memory_space<hbm>>
      %dma_wait3A_73 = tpu.memref_squeeze %dma_wait3A_72 : memref<1x160x2x128xi32, #tpu.memory_space<hbm>> -> memref<160x2x128xi32, #tpu.memory_space<hbm>>
      %dma_wait3A_74 = arith.constant 0 : i32
      %dma_wait3A_75 = arith.constant 0 : i32
      %dma_wait3A_76 = tpu.memref_slice %dma_wait3A_73[%run_scoped3A_14, %dma_wait3A_74, %dma_wait3A_75] : memref<160x2x128xi32, #tpu.memory_space<hbm>> -> memref<1x2x128xi32, #tpu.memory_space<hbm>>
      %dma_wait3A_77 = tpu.memref_squeeze %dma_wait3A_76 : memref<1x2x128xi32, #tpu.memory_space<hbm>> -> memref<2x128xi32, #tpu.memory_space<hbm>>
      tpu.wait_dma2 semaphore(%run_scoped3A_41 : memref<!tpu.dma_semaphore, #tpu.memory_space<semaphore_mem>>) src(%dma_wait3A_77 : memref<2x128xi32, #tpu.memory_space<hbm>>) dst(%arg6 : memref<2x128xi32, #tpu.memory_space<vmem>>)
      tpu.yield
    }) : () -> ()
    %dma_start3A_15 = arith.constant 0 : i32
    %dma_start3A_16 = arith.constant 0 : i32
    %dma_start3A_17 = tpu.memref_slice %arg6[%dma_start3A_15, %dma_start3A_16] : memref<2x128xi32, #tpu.memory_space<vmem>> -> memref<1x128xi32, #tpu.memory_space<vmem>>
    %dma_start3A_18 = tpu.memref_squeeze %dma_start3A_17 : memref<1x128xi32, #tpu.memory_space<vmem>> -> memref<128xi32, #tpu.memory_space<vmem>>
    %dma_start3A_19 = arith.constant 0 : i32
    %dma_start3A_20 = arith.constant 0 : i32
    %dma_start3A_21 = tpu.memref_slice %arg2[%dma_start3A_19, %dma_start3A_20] : memref<20480x128xf32, #tpu.memory_space<hbm>> -> memref<20480x128xf32, #tpu.memory_space<hbm>>
    tpu.enqueue_indirect_dma source(%dma_start3A_21 : memref<20480x128xf32, #tpu.memory_space<hbm>>) target(%arg8 : memref<128x128xf32, #tpu.memory_space<vmem>>) offsets(%dma_start3A_18 : memref<128xi32, #tpu.memory_space<vmem>>) semaphore(%arg11 : memref<!tpu.dma_semaphore, #tpu.memory_space<semaphore_mem>>)
    %scan3A = arith.constant 0 : i32
    %scan3A_22 = arith.constant 0 : i32
    %scan3A_23 = arith.constant 80 : i32
    %scan3A_24 = arith.addi %scan3A_22, %scan3A_23 : i32
    %scan3A_25 = arith.constant 1 : i32
    scf.for %scan3A_41 = %scan3A_22 to %scan3A_24 step %scan3A_25  : i32 {
      %mul3A_42 = arith.constant 2 : i32
      %mul3A_43 = arith.muli %mul3A_42, %scan3A_41 : i32
      %dma_wait3A_44 = arith.constant 0 : i32
      %dma_wait3A_45 = arith.constant 0 : i32
      %dma_wait3A_46 = tpu.memref_slice %arg2[%dma_wait3A_44, %dma_wait3A_45] : memref<20480x128xf32, #tpu.memory_space<hbm>> -> memref<128x128xf32, #tpu.memory_space<hbm>>
      %dma_wait3A_47 = arith.constant 0 : i32
      %dma_wait3A_48 = arith.constant 0 : i32
      %dma_wait3A_49 = tpu.memref_slice %arg2[%dma_wait3A_47, %dma_wait3A_48] : memref<20480x128xf32, #tpu.memory_space<hbm>> -> memref<128x128xf32, #tpu.memory_space<hbm>>
      tpu.wait_dma2 semaphore(%arg10 : memref<!tpu.dma_semaphore, #tpu.memory_space<semaphore_mem>>) src(%dma_wait3A_49 : memref<128x128xf32, #tpu.memory_space<hbm>>) dst(%arg7 : memref<128x128xf32, #tpu.memory_space<vmem>>)
      %dma_start3A_50 = arith.constant 1 : i32
      %dma_start3A_51 = arith.constant 0 : i32
      %dma_start3A_52 = tpu.memref_slice %arg5[%dma_start3A_50, %dma_start3A_51] : memref<2x128xi32, #tpu.memory_space<vmem>> -> memref<1x128xi32, #tpu.memory_space<vmem>>
      %dma_start3A_53 = tpu.memref_squeeze %dma_start3A_52 : memref<1x128xi32, #tpu.memory_space<vmem>> -> memref<128xi32, #tpu.memory_space<vmem>>
      %dma_start3A_54 = arith.constant 0 : i32
      %dma_start3A_55 = arith.constant 0 : i32
      %dma_start3A_56 = tpu.memref_slice %arg9[%dma_start3A_54, %dma_start3A_55] : memref<10240x128xf32, #tpu.memory_space<vmem_shared>> -> memref<10240x128xf32, #tpu.memory_space<vmem_shared>>
      tpu.enqueue_indirect_dma source(%arg7 : memref<128x128xf32, #tpu.memory_space<vmem>>) target(%dma_start3A_56 : memref<10240x128xf32, #tpu.memory_space<vmem_shared>>) offsets(%dma_start3A_53 : memref<128xi32, #tpu.memory_space<vmem>>) semaphore(%arg12 : memref<!tpu.dma_semaphore, #tpu.memory_space<semaphore_mem>>) {add = true}
      %dma_wait3A_57 = arith.constant 0 : i32
      %dma_wait3A_58 = arith.constant 0 : i32
      %dma_wait3A_59 = tpu.memref_slice %arg2[%dma_wait3A_57, %dma_wait3A_58] : memref<20480x128xf32, #tpu.memory_space<hbm>> -> memref<128x128xf32, #tpu.memory_space<hbm>>
      %dma_wait3A_60 = arith.constant 0 : i32
      %dma_wait3A_61 = arith.constant 0 : i32
      %dma_wait3A_62 = tpu.memref_slice %arg2[%dma_wait3A_60, %dma_wait3A_61] : memref<20480x128xf32, #tpu.memory_space<hbm>> -> memref<128x128xf32, #tpu.memory_space<hbm>>
      tpu.wait_dma2 semaphore(%arg11 : memref<!tpu.dma_semaphore, #tpu.memory_space<semaphore_mem>>) src(%dma_wait3A_62 : memref<128x128xf32, #tpu.memory_space<hbm>>) dst(%arg8 : memref<128x128xf32, #tpu.memory_space<vmem>>)
      %lt3A = arith.constant 79 : i32
      %lt3A_63 = arith.cmpi slt, %scan3A_41, %lt3A : i32
      %convert_element_type3A = arith.extui %lt3A_63 : i1 to i32
      %cond3A = arith.constant 0 : i32
      %cond3A_64 = arith.cmpi ne, %convert_element_type3A, %cond3A : i32
      scf.if %cond3A_64 {
        %dma_wait3A_77 = arith.constant 0 : i32
        %dma_wait3A_78 = arith.constant 0 : i32
        %dma_wait3A_79 = tpu.memref_slice %arg2[%dma_wait3A_77, %dma_wait3A_78] : memref<20480x128xf32, #tpu.memory_space<hbm>> -> memref<128x128xf32, #tpu.memory_space<hbm>>
        %dma_wait3A_80 = arith.constant 0 : i32
        %dma_wait3A_81 = arith.constant 0 : i32
        %dma_wait3A_82 = tpu.memref_slice %arg2[%dma_wait3A_80, %dma_wait3A_81] : memref<20480x128xf32, #tpu.memory_space<hbm>> -> memref<128x128xf32, #tpu.memory_space<hbm>>
        tpu.wait_dma2 semaphore(%arg12 : memref<!tpu.dma_semaphore, #tpu.memory_space<semaphore_mem>>) src(%dma_wait3A_82 : memref<128x128xf32, #tpu.memory_space<hbm>>) dst(%arg7 : memref<128x128xf32, #tpu.memory_space<vmem>>)
        %add3A_83 = arith.constant 2 : i32
        %add3A_84 = arith.addi %mul3A_43, %add3A_83 : i32
        "tpu.region"() ({
          %run_scoped3A_92 = tpu.sem_alloc : memref<!tpu.dma_semaphore, #tpu.memory_space<semaphore_mem>>
          %dma_start3A_93 = arith.constant 0 : i32
          %dma_start3A_94 = arith.constant 0 : i32
          %dma_start3A_95 = arith.constant 0 : i32
          %dma_start3A_96 = tpu.memref_slice %arg3[%add3A, %dma_start3A_93, %dma_start3A_94, %dma_start3A_95] : memref<32x160x2x128xi32, #tpu.memory_space<hbm>> -> memref<1x160x2x128xi32, #tpu.memory_space<hbm>>
          %dma_start3A_97 = tpu.memref_squeeze %dma_start3A_96 : memref<1x160x2x128xi32, #tpu.memory_space<hbm>> -> memref<160x2x128xi32, #tpu.memory_space<hbm>>
          %dma_start3A_98 = arith.constant 0 : i32
          %dma_start3A_99 = arith.constant 0 : i32
          %dma_start3A_100 = tpu.memref_slice %dma_start3A_97[%add3A_84, %dma_start3A_98, %dma_start3A_99] : memref<160x2x128xi32, #tpu.memory_space<hbm>> -> memref<1x2x128xi32, #tpu.memory_space<hbm>>
          %dma_start3A_101 = tpu.memref_squeeze %dma_start3A_100 : memref<1x2x128xi32, #tpu.memory_space<hbm>> -> memref<2x128xi32, #tpu.memory_space<hbm>>
          %dma_start3A_102 = arith.constant 0 : i32
          %dma_start3A_103 = arith.constant 0 : i32
          %dma_start3A_104 = arith.constant 0 : i32
          %dma_start3A_105 = tpu.memref_slice %arg3[%add3A, %dma_start3A_102, %dma_start3A_103, %dma_start3A_104] : memref<32x160x2x128xi32, #tpu.memory_space<hbm>> -> memref<1x160x2x128xi32, #tpu.memory_space<hbm>>
          %dma_start3A_106 = tpu.memref_squeeze %dma_start3A_105 : memref<1x160x2x128xi32, #tpu.memory_space<hbm>> -> memref<160x2x128xi32, #tpu.memory_space<hbm>>
          %dma_start3A_107 = arith.constant 0 : i32
          %dma_start3A_108 = arith.constant 0 : i32
          %dma_start3A_109 = tpu.memref_slice %dma_start3A_106[%add3A_84, %dma_start3A_107, %dma_start3A_108] : memref<160x2x128xi32, #tpu.memory_space<hbm>> -> memref<1x2x128xi32, #tpu.memory_space<hbm>>
          %dma_start3A_110 = tpu.memref_squeeze %dma_start3A_109 : memref<1x2x128xi32, #tpu.memory_space<hbm>> -> memref<2x128xi32, #tpu.memory_space<hbm>>
          tpu.enqueue_dma source(%dma_start3A_110 : memref<2x128xi32, #tpu.memory_space<hbm>>) target(%arg5 : memref<2x128xi32, #tpu.memory_space<vmem>>) target_semaphore(%run_scoped3A_92 : memref<!tpu.dma_semaphore, #tpu.memory_space<semaphore_mem>>)
          %dma_wait3A_111 = arith.constant 0 : i32
          %dma_wait3A_112 = arith.constant 0 : i32
          %dma_wait3A_113 = arith.constant 0 : i32
          %dma_wait3A_114 = tpu.memref_slice %arg3[%add3A, %dma_wait3A_111, %dma_wait3A_112, %dma_wait3A_113] : memref<32x160x2x128xi32, #tpu.memory_space<hbm>> -> memref<1x160x2x128xi32, #tpu.memory_space<hbm>>
          %dma_wait3A_115 = tpu.memref_squeeze %dma_wait3A_114 : memref<1x160x2x128xi32, #tpu.memory_space<hbm>> -> memref<160x2x128xi32, #tpu.memory_space<hbm>>
          %dma_wait3A_116 = arith.constant 0 : i32
          %dma_wait3A_117 = arith.constant 0 : i32
          %dma_wait3A_118 = tpu.memref_slice %dma_wait3A_115[%add3A_84, %dma_wait3A_116, %dma_wait3A_117] : memref<160x2x128xi32, #tpu.memory_space<hbm>> -> memref<1x2x128xi32, #tpu.memory_space<hbm>>
          %dma_wait3A_119 = tpu.memref_squeeze %dma_wait3A_118 : memref<1x2x128xi32, #tpu.memory_space<hbm>> -> memref<2x128xi32, #tpu.memory_space<hbm>>
          %dma_wait3A_120 = arith.constant 0 : i32
          %dma_wait3A_121 = arith.constant 0 : i32
          %dma_wait3A_122 = arith.constant 0 : i32
          %dma_wait3A_123 = tpu.memref_slice %arg3[%add3A, %dma_wait3A_120, %dma_wait3A_121, %dma_wait3A_122] : memref<32x160x2x128xi32, #tpu.memory_space<hbm>> -> memref<1x160x2x128xi32, #tpu.memory_space<hbm>>
          %dma_wait3A_124 = tpu.memref_squeeze %dma_wait3A_123 : memref<1x160x2x128xi32, #tpu.memory_space<hbm>> -> memref<160x2x128xi32, #tpu.memory_space<hbm>>
          %dma_wait3A_125 = arith.constant 0 : i32
          %dma_wait3A_126 = arith.constant 0 : i32
          %dma_wait3A_127 = tpu.memref_slice %dma_wait3A_124[%add3A_84, %dma_wait3A_125, %dma_wait3A_126] : memref<160x2x128xi32, #tpu.memory_space<hbm>> -> memref<1x2x128xi32, #tpu.memory_space<hbm>>
          %dma_wait3A_128 = tpu.memref_squeeze %dma_wait3A_127 : memref<1x2x128xi32, #tpu.memory_space<hbm>> -> memref<2x128xi32, #tpu.memory_space<hbm>>
          tpu.wait_dma2 semaphore(%run_scoped3A_92 : memref<!tpu.dma_semaphore, #tpu.memory_space<semaphore_mem>>) src(%dma_wait3A_128 : memref<2x128xi32, #tpu.memory_space<hbm>>) dst(%arg5 : memref<2x128xi32, #tpu.memory_space<vmem>>)
          tpu.yield
        }) : () -> ()
        %dma_start3A_85 = arith.constant 0 : i32
        %dma_start3A_86 = arith.constant 0 : i32
        %dma_start3A_87 = tpu.memref_slice %arg5[%dma_start3A_85, %dma_start3A_86] : memref<2x128xi32, #tpu.memory_space<vmem>> -> memref<1x128xi32, #tpu.memory_space<vmem>>
        %dma_start3A_88 = tpu.memref_squeeze %dma_start3A_87 : memref<1x128xi32, #tpu.memory_space<vmem>> -> memref<128xi32, #tpu.memory_space<vmem>>
        %dma_start3A_89 = arith.constant 0 : i32
        %dma_start3A_90 = arith.constant 0 : i32
        %dma_start3A_91 = tpu.memref_slice %arg2[%dma_start3A_89, %dma_start3A_90] : memref<20480x128xf32, #tpu.memory_space<hbm>> -> memref<20480x128xf32, #tpu.memory_space<hbm>>
        tpu.enqueue_indirect_dma source(%dma_start3A_91 : memref<20480x128xf32, #tpu.memory_space<hbm>>) target(%arg7 : memref<128x128xf32, #tpu.memory_space<vmem>>) offsets(%dma_start3A_88 : memref<128xi32, #tpu.memory_space<vmem>>) semaphore(%arg10 : memref<!tpu.dma_semaphore, #tpu.memory_space<semaphore_mem>>)
      } else {
      }
      %dma_start3A_65 = arith.constant 1 : i32
      %dma_start3A_66 = arith.constant 0 : i32
      %dma_start3A_67 = tpu.memref_slice %arg6[%dma_start3A_65, %dma_start3A_66] : memref<2x128xi32, #tpu.memory_space<vmem>> -> memref<1x128xi32, #tpu.memory_space<vmem>>
      %dma_start3A_68 = tpu.memref_squeeze %dma_start3A_67 : memref<1x128xi32, #tpu.memory_space<vmem>> -> memref<128xi32, #tpu.memory_space<vmem>>
      %dma_start3A_69 = arith.constant 0 : i32
      %dma_start3A_70 = arith.constant 0 : i32
      %dma_start3A_71 = tpu.memref_slice %arg9[%dma_start3A_69, %dma_start3A_70] : memref<10240x128xf32, #tpu.memory_space<vmem_shared>> -> memref<10240x128xf32, #tpu.memory_space<vmem_shared>>
      tpu.enqueue_indirect_dma source(%arg8 : memref<128x128xf32, #tpu.memory_space<vmem>>) target(%dma_start3A_71 : memref<10240x128xf32, #tpu.memory_space<vmem_shared>>) offsets(%dma_start3A_68 : memref<128xi32, #tpu.memory_space<vmem>>) semaphore(%arg13 : memref<!tpu.dma_semaphore, #tpu.memory_space<semaphore_mem>>) {add = true}
      %lt3A_72 = arith.constant 79 : i32
      %lt3A_73 = arith.cmpi slt, %scan3A_41, %lt3A_72 : i32
      %convert_element_type3A_74 = arith.extui %lt3A_73 : i1 to i32
      %cond3A_75 = arith.constant 0 : i32
      %cond3A_76 = arith.cmpi ne, %convert_element_type3A_74, %cond3A_75 : i32
      scf.if %cond3A_76 {
        %dma_wait3A_77 = arith.constant 0 : i32
        %dma_wait3A_78 = arith.constant 0 : i32
        %dma_wait3A_79 = tpu.memref_slice %arg2[%dma_wait3A_77, %dma_wait3A_78] : memref<20480x128xf32, #tpu.memory_space<hbm>> -> memref<128x128xf32, #tpu.memory_space<hbm>>
        %dma_wait3A_80 = arith.constant 0 : i32
        %dma_wait3A_81 = arith.constant 0 : i32
        %dma_wait3A_82 = tpu.memref_slice %arg2[%dma_wait3A_80, %dma_wait3A_81] : memref<20480x128xf32, #tpu.memory_space<hbm>> -> memref<128x128xf32, #tpu.memory_space<hbm>>
        tpu.wait_dma2 semaphore(%arg13 : memref<!tpu.dma_semaphore, #tpu.memory_space<semaphore_mem>>) src(%dma_wait3A_82 : memref<128x128xf32, #tpu.memory_space<hbm>>) dst(%arg8 : memref<128x128xf32, #tpu.memory_space<vmem>>)
        %add3A_83 = arith.constant 3 : i32
        %add3A_84 = arith.addi %mul3A_43, %add3A_83 : i32
        "tpu.region"() ({
          %run_scoped3A_92 = tpu.sem_alloc : memref<!tpu.dma_semaphore, #tpu.memory_space<semaphore_mem>>
          %dma_start3A_93 = arith.constant 0 : i32
          %dma_start3A_94 = arith.constant 0 : i32
          %dma_start3A_95 = arith.constant 0 : i32
          %dma_start3A_96 = tpu.memref_slice %arg3[%add3A, %dma_start3A_93, %dma_start3A_94, %dma_start3A_95] : memref<32x160x2x128xi32, #tpu.memory_space<hbm>> -> memref<1x160x2x128xi32, #tpu.memory_space<hbm>>
          %dma_start3A_97 = tpu.memref_squeeze %dma_start3A_96 : memref<1x160x2x128xi32, #tpu.memory_space<hbm>> -> memref<160x2x128xi32, #tpu.memory_space<hbm>>
          %dma_start3A_98 = arith.constant 0 : i32
          %dma_start3A_99 = arith.constant 0 : i32
          %dma_start3A_100 = tpu.memref_slice %dma_start3A_97[%add3A_84, %dma_start3A_98, %dma_start3A_99] : memref<160x2x128xi32, #tpu.memory_space<hbm>> -> memref<1x2x128xi32, #tpu.memory_space<hbm>>
          %dma_start3A_101 = tpu.memref_squeeze %dma_start3A_100 : memref<1x2x128xi32, #tpu.memory_space<hbm>> -> memref<2x128xi32, #tpu.memory_space<hbm>>
          %dma_start3A_102 = arith.constant 0 : i32
          %dma_start3A_103 = arith.constant 0 : i32
          %dma_start3A_104 = arith.constant 0 : i32
          %dma_start3A_105 = tpu.memref_slice %arg3[%add3A, %dma_start3A_102, %dma_start3A_103, %dma_start3A_104] : memref<32x160x2x128xi32, #tpu.memory_space<hbm>> -> memref<1x160x2x128xi32, #tpu.memory_space<hbm>>
          %dma_start3A_106 = tpu.memref_squeeze %dma_start3A_105 : memref<1x160x2x128xi32, #tpu.memory_space<hbm>> -> memref<160x2x128xi32, #tpu.memory_space<hbm>>
          %dma_start3A_107 = arith.constant 0 : i32
          %dma_start3A_108 = arith.constant 0 : i32
          %dma_start3A_109 = tpu.memref_slice %dma_start3A_106[%add3A_84, %dma_start3A_107, %dma_start3A_108] : memref<160x2x128xi32, #tpu.memory_space<hbm>> -> memref<1x2x128xi32, #tpu.memory_space<hbm>>
          %dma_start3A_110 = tpu.memref_squeeze %dma_start3A_109 : memref<1x2x128xi32, #tpu.memory_space<hbm>> -> memref<2x128xi32, #tpu.memory_space<hbm>>
          tpu.enqueue_dma source(%dma_start3A_110 : memref<2x128xi32, #tpu.memory_space<hbm>>) target(%arg6 : memref<2x128xi32, #tpu.memory_space<vmem>>) target_semaphore(%run_scoped3A_92 : memref<!tpu.dma_semaphore, #tpu.memory_space<semaphore_mem>>)
          %dma_wait3A_111 = arith.constant 0 : i32
          %dma_wait3A_112 = arith.constant 0 : i32
          %dma_wait3A_113 = arith.constant 0 : i32
          %dma_wait3A_114 = tpu.memref_slice %arg3[%add3A, %dma_wait3A_111, %dma_wait3A_112, %dma_wait3A_113] : memref<32x160x2x128xi32, #tpu.memory_space<hbm>> -> memref<1x160x2x128xi32, #tpu.memory_space<hbm>>
          %dma_wait3A_115 = tpu.memref_squeeze %dma_wait3A_114 : memref<1x160x2x128xi32, #tpu.memory_space<hbm>> -> memref<160x2x128xi32, #tpu.memory_space<hbm>>
          %dma_wait3A_116 = arith.constant 0 : i32
          %dma_wait3A_117 = arith.constant 0 : i32
          %dma_wait3A_118 = tpu.memref_slice %dma_wait3A_115[%add3A_84, %dma_wait3A_116, %dma_wait3A_117] : memref<160x2x128xi32, #tpu.memory_space<hbm>> -> memref<1x2x128xi32, #tpu.memory_space<hbm>>
          %dma_wait3A_119 = tpu.memref_squeeze %dma_wait3A_118 : memref<1x2x128xi32, #tpu.memory_space<hbm>> -> memref<2x128xi32, #tpu.memory_space<hbm>>
          %dma_wait3A_120 = arith.constant 0 : i32
          %dma_wait3A_121 = arith.constant 0 : i32
          %dma_wait3A_122 = arith.constant 0 : i32
          %dma_wait3A_123 = tpu.memref_slice %arg3[%add3A, %dma_wait3A_120, %dma_wait3A_121, %dma_wait3A_122] : memref<32x160x2x128xi32, #tpu.memory_space<hbm>> -> memref<1x160x2x128xi32, #tpu.memory_space<hbm>>
          %dma_wait3A_124 = tpu.memref_squeeze %dma_wait3A_123 : memref<1x160x2x128xi32, #tpu.memory_space<hbm>> -> memref<160x2x128xi32, #tpu.memory_space<hbm>>
          %dma_wait3A_125 = arith.constant 0 : i32
          %dma_wait3A_126 = arith.constant 0 : i32
          %dma_wait3A_127 = tpu.memref_slice %dma_wait3A_124[%add3A_84, %dma_wait3A_125, %dma_wait3A_126] : memref<160x2x128xi32, #tpu.memory_space<hbm>> -> memref<1x2x128xi32, #tpu.memory_space<hbm>>
          %dma_wait3A_128 = tpu.memref_squeeze %dma_wait3A_127 : memref<1x2x128xi32, #tpu.memory_space<hbm>> -> memref<2x128xi32, #tpu.memory_space<hbm>>
          tpu.wait_dma2 semaphore(%run_scoped3A_92 : memref<!tpu.dma_semaphore, #tpu.memory_space<semaphore_mem>>) src(%dma_wait3A_128 : memref<2x128xi32, #tpu.memory_space<hbm>>) dst(%arg6 : memref<2x128xi32, #tpu.memory_space<vmem>>)
          tpu.yield
        }) : () -> ()
        %dma_start3A_85 = arith.constant 0 : i32
        %dma_start3A_86 = arith.constant 0 : i32
        %dma_start3A_87 = tpu.memref_slice %arg6[%dma_start3A_85, %dma_start3A_86] : memref<2x128xi32, #tpu.memory_space<vmem>> -> memref<1x128xi32, #tpu.memory_space<vmem>>
        %dma_start3A_88 = tpu.memref_squeeze %dma_start3A_87 : memref<1x128xi32, #tpu.memory_space<vmem>> -> memref<128xi32, #tpu.memory_space<vmem>>
        %dma_start3A_89 = arith.constant 0 : i32
        %dma_start3A_90 = arith.constant 0 : i32
        %dma_start3A_91 = tpu.memref_slice %arg2[%dma_start3A_89, %dma_start3A_90] : memref<20480x128xf32, #tpu.memory_space<hbm>> -> memref<20480x128xf32, #tpu.memory_space<hbm>>
        tpu.enqueue_indirect_dma source(%dma_start3A_91 : memref<20480x128xf32, #tpu.memory_space<hbm>>) target(%arg8 : memref<128x128xf32, #tpu.memory_space<vmem>>) offsets(%dma_start3A_88 : memref<128xi32, #tpu.memory_space<vmem>>) semaphore(%arg11 : memref<!tpu.dma_semaphore, #tpu.memory_space<semaphore_mem>>)
      } else {
      }
    }
    %scan3A_26 = arith.constant 80 : i32
    %dma_wait3A = arith.constant 0 : i32
    %dma_wait3A_27 = arith.constant 0 : i32
    %dma_wait3A_28 = tpu.memref_slice %arg2[%dma_wait3A, %dma_wait3A_27] : memref<20480x128xf32, #tpu.memory_space<hbm>> -> memref<128x128xf32, #tpu.memory_space<hbm>>
    %dma_wait3A_29 = arith.constant 0 : i32
    %dma_wait3A_30 = arith.constant 0 : i32
    %dma_wait3A_31 = tpu.memref_slice %arg2[%dma_wait3A_29, %dma_wait3A_30] : memref<20480x128xf32, #tpu.memory_space<hbm>> -> memref<128x128xf32, #tpu.memory_space<hbm>>
    tpu.wait_dma2 semaphore(%arg12 : memref<!tpu.dma_semaphore, #tpu.memory_space<semaphore_mem>>) src(%dma_wait3A_31 : memref<128x128xf32, #tpu.memory_space<hbm>>) dst(%arg7 : memref<128x128xf32, #tpu.memory_space<vmem>>)
    %dma_wait3A_32 = arith.constant 0 : i32
    %dma_wait3A_33 = arith.constant 0 : i32
    %dma_wait3A_34 = tpu.memref_slice %arg2[%dma_wait3A_32, %dma_wait3A_33] : memref<20480x128xf32, #tpu.memory_space<hbm>> -> memref<128x128xf32, #tpu.memory_space<hbm>>
    %dma_wait3A_35 = arith.constant 0 : i32
    %dma_wait3A_36 = arith.constant 0 : i32
    %dma_wait3A_37 = tpu.memref_slice %arg2[%dma_wait3A_35, %dma_wait3A_36] : memref<20480x128xf32, #tpu.memory_space<hbm>> -> memref<128x128xf32, #tpu.memory_space<hbm>>
    tpu.wait_dma2 semaphore(%arg13 : memref<!tpu.dma_semaphore, #tpu.memory_space<semaphore_mem>>) src(%dma_wait3A_37 : memref<128x128xf32, #tpu.memory_space<hbm>>) dst(%arg8 : memref<128x128xf32, #tpu.memory_space<vmem>>)
    %barrier3A_38 = arith.constant 0 : index
    tpu.barrier barrier_id(%barrier3A_38)
    %mul3A_39 = arith.constant 640 : i32
    %mul3A_40 = arith.muli %arg1, %mul3A_39 : i32
    "tpu.region"() ({
      %run_scoped3A_41 = tpu.sem_alloc : memref<!tpu.dma_semaphore, #tpu.memory_space<semaphore_mem>>
      %dma_start3A_42 = arith.constant 0 : i32
      %dma_start3A_43 = tpu.memref_slice %arg4[%add3A_5, %dma_start3A_42] : memref<20480x128xf32, #tpu.memory_space<hbm>> -> memref<640x128xf32, #tpu.memory_space<hbm>>
      %dma_start3A_44 = arith.constant 0 : i32
      %dma_start3A_45 = tpu.memref_slice %arg9[%mul3A_40, %dma_start3A_44] : memref<10240x128xf32, #tpu.memory_space<vmem_shared>> -> memref<640x128xf32, #tpu.memory_space<vmem_shared>>
      tpu.enqueue_dma source(%dma_start3A_45 : memref<640x128xf32, #tpu.memory_space<vmem_shared>>) target(%dma_start3A_43 : memref<640x128xf32, #tpu.memory_space<hbm>>) target_semaphore(%run_scoped3A_41 : memref<!tpu.dma_semaphore, #tpu.memory_space<semaphore_mem>>)
      %dma_wait3A_46 = arith.constant 0 : i32
      %dma_wait3A_47 = tpu.memref_slice %arg4[%add3A_5, %dma_wait3A_46] : memref<20480x128xf32, #tpu.memory_space<hbm>> -> memref<640x128xf32, #tpu.memory_space<hbm>>
      %dma_wait3A_48 = arith.constant 0 : i32
      %dma_wait3A_49 = tpu.memref_slice %arg9[%mul3A_40, %dma_wait3A_48] : memref<10240x128xf32, #tpu.memory_space<vmem_shared>> -> memref<640x128xf32, #tpu.memory_space<vmem_shared>>
      tpu.wait_dma2 semaphore(%run_scoped3A_41 : memref<!tpu.dma_semaphore, #tpu.memory_space<semaphore_mem>>) src(%dma_wait3A_49 : memref<640x128xf32, #tpu.memory_space<vmem_shared>>) dst(%dma_wait3A_47 : memref<640x128xf32, #tpu.memory_space<hbm>>)
      tpu.yield
    }) : () -> ()
    return
  }
}

module attributes {stable_mosaic.version = 14 : i64} {
  func.func @_l1_body(%arg0: i32, %arg1: i32, %arg2: memref<1000x128xf32, #tpu.memory_space<vmem>>, %arg3: memref<128x128xf32, #tpu.memory_space<vmem>>, %arg4: memref<2x1000x128xf32, #tpu.memory_space<vmem>>, %arg5: memref<1x1000x128xf32, #tpu.memory_space<vmem>>, %arg6: memref<1000x1xf32, #tpu.memory_space<vmem>>) attributes {dimension_semantics = [#tpu.dimension_semantics<arbitrary>, #tpu.dimension_semantics<arbitrary>], iteration_bounds = array<i64: 10, 2>, scalar_prefetch = 0 : i64, scratch_operands = 0 : i64, tpu.core_type = #tpu.core_type<tc>, window_params = [{transform_indices = @transform_0, window_bounds = array<i64: 1000, 128>}, {transform_indices = @transform_1, window_bounds = array<i64: 128, 128>}, {transform_indices = @transform_2, window_bounds = array<i64: 2, 1000, 128>}, {transform_indices = @transform_3, window_bounds = array<i64: 1, 1000, 128>}, {transform_indices = @transform_4, window_bounds = array<i64: 1000, 1>}]} {
    %get3A = arith.constant 0 : index
    %get3A_0 = arith.constant 0 : index
    %get3A_1 = arith.constant 0 : index
    %get3A_2 = vector.load %arg4[%get3A, %get3A_0, %get3A_1] : memref<2x1000x128xf32, #tpu.memory_space<vmem>>, vector<2x1000x128xf32>
    %slice3A = vector.extract_strided_slice %get3A_2 {offsets = [0, 0, 0], sizes = [1, 1000, 1], strides = [1, 1, 1]} : vector<2x1000x128xf32> to vector<1x1000x1xf32>
    %squeeze3A = vector.shape_cast %slice3A : vector<1x1000x1xf32> to vector<1000x1xf32>
    %slice3A_3 = vector.extract_strided_slice %get3A_2 {offsets = [1, 0, 0], sizes = [1, 1000, 1], strides = [1, 1, 1]} : vector<2x1000x128xf32> to vector<1x1000x1xf32>
    %squeeze3A_4 = vector.shape_cast %slice3A_3 : vector<1x1000x1xf32> to vector<1000x1xf32>
    %add3A = arith.addf %squeeze3A, %squeeze3A_4 : vector<1000x1xf32>
    %sub3A = arith.constant 1.000000e+00 : f32
    %sub3A_5 = vector.broadcast %sub3A : f32 to vector<1000x1xf32>
    %sub3A_6 = arith.subf %add3A, %sub3A_5 : vector<1000x1xf32>
    %rsqrt3A = math.rsqrt %sub3A_6 : vector<1000x1xf32>
    %get3A_7 = arith.constant 0 : index
    %get3A_8 = arith.constant 0 : index
    %get3A_9 = vector.load %arg2[%get3A_7, %get3A_8] : memref<1000x128xf32, #tpu.memory_space<vmem>>, vector<1000x128xf32>
    %get3A_10 = arith.constant 0 : index
    %get3A_11 = arith.constant 0 : index
    %get3A_12 = vector.load %arg3[%get3A_10, %get3A_11] : memref<128x128xf32, #tpu.memory_space<vmem>>, vector<128x128xf32>
    %dot_general3A = arith.constant dense<0.000000e+00> : vector<1000x128xf32>
    %dot_general3A_13 = tpu.matmul %get3A_9, %get3A_12, %dot_general3A {dimension_numbers = #tpu.dot_dimension_numbers<[1], [0], [0], [1], [0, 0, 1, 1], [], []>, transpose_lhs_hint = false} : vector<1000x128xf32>, vector<128x128xf32>, vector<1000x128xf32> -> vector<1000x128xf32>
    %mul3A = vector.broadcast %rsqrt3A : vector<1000x1xf32> to vector<1000x128xf32>
    %mul3A_14 = arith.mulf %dot_general3A_13, %mul3A : vector<1000x128xf32>
    %swap3A = arith.constant 0 : index
    %swap3A_15 = arith.constant 0 : index
    %swap3A_16 = arith.constant 0 : index
    %swap3A_17 = vector.load %arg5[%swap3A, %swap3A_15, %swap3A_16] : memref<1x1000x128xf32, #tpu.memory_space<vmem>>, vector<1x1000x128xf32>
    %swap3A_18 = vector.shape_cast %swap3A_17 : vector<1x1000x128xf32> to vector<1000x128xf32>
    %swap3A_19 = vector.shape_cast %mul3A_14 : vector<1000x128xf32> to vector<1x1000x128xf32>
    tpu.vector_store %arg5[%swap3A, %swap3A_15, %swap3A_16], %swap3A_19 {strides = array<i32>} : memref<1x1000x128xf32, #tpu.memory_space<vmem>>, vector<1x1000x128xf32>,
    %swap3A_20 = arith.constant 0 : index
    %swap3A_21 = arith.constant 0 : index
    %swap3A_22 = vector.load %arg6[%swap3A_20, %swap3A_21] : memref<1000x1xf32, #tpu.memory_space<vmem>>, vector<1000x1xf32>
    tpu.vector_store %arg6[%swap3A_20, %swap3A_21], %rsqrt3A {strides = array<i32>} : memref<1000x1xf32, #tpu.memory_space<vmem>>, vector<1000x1xf32>,
    return
  }
  func.func @transform_0(%arg0: i32, %arg1: i32) -> (i32, i32) {
    %c0_i32 = arith.constant 0 : i32
    %c0_i32_0 = arith.constant 0 : i32
    return %arg0, %c0_i32 : i32, i32
  }
  func.func @transform_1(%arg0: i32, %arg1: i32) -> (i32, i32) {
    %c0_i32 = arith.constant 0 : i32
    %c0_i32_0 = arith.constant 0 : i32
    return %c0_i32, %arg1 : i32, i32
  }
  func.func @transform_2(%arg0: i32, %arg1: i32) -> (i32, i32, i32) {
    %c0_i32 = arith.constant 0 : i32
    %c0_i32_0 = arith.constant 0 : i32
    %c0_i32_1 = arith.constant 0 : i32
    return %c0_i32, %arg0, %c0_i32_0 : i32, i32, i32
  }
  func.func @transform_3(%arg0: i32, %arg1: i32) -> (i32, i32, i32) {
    %c0_i32 = arith.constant 0 : i32
    %c0_i32_0 = arith.constant 0 : i32
    return %arg1, %arg0, %c0_i32 : i32, i32, i32
  }
  func.func @transform_4(%arg0: i32, %arg1: i32) -> (i32, i32) {
    %c0_i32 = arith.constant 0 : i32
    %c0_i32_0 = arith.constant 0 : i32
    return %arg0, %c0_i32 : i32, i32
  }
}

module attributes {stable_mosaic.version = 14 : i64} {
  func.func @_mid_body(%arg0: i32, %arg1: i32, %arg2: memref<2x1000x128xf32, #tpu.memory_space<vmem>>, %arg3: memref<1000x1xf32, #tpu.memory_space<vmem>>, %arg4: memref<1x256xf32, #tpu.memory_space<vmem>>, %arg5: memref<256x128xf32, #tpu.memory_space<vmem>>, %arg6: memref<1x1000x128xf32, #tpu.memory_space<vmem>>) attributes {dimension_semantics = [#tpu.dimension_semantics<arbitrary>, #tpu.dimension_semantics<arbitrary>], iteration_bounds = array<i64: 10, 2>, scalar_prefetch = 0 : i64, scratch_operands = 0 : i64, tpu.core_type = #tpu.core_type<tc>, window_params = [{transform_indices = @transform_0, window_bounds = array<i64: 2, 1000, 128>}, {transform_indices = @transform_1, window_bounds = array<i64: 1000, 1>}, {pipeline_mode = #tpu.pipeline_mode<synchronous>, transform_indices = @transform_2, window_bounds = array<i64: 1, 256>}, {transform_indices = @transform_3, window_bounds = array<i64: 256, 128>}, {transform_indices = @transform_4, window_bounds = array<i64: 1, 1000, 128>}]} {
    %get3A = arith.constant 0 : index
    %get3A_0 = arith.constant 0 : index
    %get3A_1 = arith.constant 0 : index
    %get3A_2 = vector.load %arg2[%get3A, %get3A_0, %get3A_1] : memref<2x1000x128xf32, #tpu.memory_space<vmem>>, vector<2x1000x128xf32>
    %get3A_3 = arith.constant 0 : index
    %get3A_4 = arith.constant 0 : index
    %get3A_5 = vector.load %arg3[%get3A_3, %get3A_4] : memref<1000x1xf32, #tpu.memory_space<vmem>>, vector<1000x1xf32>
    %get3A_6 = arith.constant 0 : index
    %get3A_7 = arith.constant 0 : index
    %get3A_8 = vector.load %arg4[%get3A_6, %get3A_7] : memref<1x256xf32, #tpu.memory_space<vmem>>, vector<1x256xf32>
    %slice3A = vector.extract_strided_slice %get3A_2 {offsets = [0, 0, 0], sizes = [1, 1000, 128], strides = [1, 1, 1]} : vector<2x1000x128xf32> to vector<1x1000x128xf32>
    %squeeze3A = vector.shape_cast %slice3A : vector<1x1000x128xf32> to vector<1000x128xf32>
    %mul3A = vector.broadcast %get3A_5 : vector<1000x1xf32> to vector<1000x128xf32>
    %mul3A_9 = arith.mulf %squeeze3A, %mul3A : vector<1000x128xf32>
    %slice3A_10 = vector.extract_strided_slice %get3A_8 {offsets = [0, 0], sizes = [1, 128], strides = [1, 1]} : vector<1x256xf32> to vector<1x128xf32>
    %add3A = vector.broadcast %slice3A_10 : vector<1x128xf32> to vector<1000x128xf32>
    %add3A_11 = arith.addf %mul3A_9, %add3A : vector<1000x128xf32>
    %max3A = arith.constant 0.000000e+00 : f32
    %max3A_12 = vector.broadcast %max3A : f32 to vector<1000x128xf32>
    %max3A_13 = arith.maximumf %add3A_11, %max3A_12 : vector<1000x128xf32>
    %slice3A_14 = vector.extract_strided_slice %get3A_2 {offsets = [1, 0, 0], sizes = [1, 1000, 128], strides = [1, 1, 1]} : vector<2x1000x128xf32> to vector<1x1000x128xf32>
    %squeeze3A_15 = vector.shape_cast %slice3A_14 : vector<1x1000x128xf32> to vector<1000x128xf32>
    %mul3A_16 = vector.broadcast %get3A_5 : vector<1000x1xf32> to vector<1000x128xf32>
    %mul3A_17 = arith.mulf %squeeze3A_15, %mul3A_16 : vector<1000x128xf32>
    %slice3A_18 = vector.extract_strided_slice %get3A_8 {offsets = [0, 128], sizes = [1, 128], strides = [1, 1]} : vector<1x256xf32> to vector<1x128xf32>
    %add3A_19 = vector.broadcast %slice3A_18 : vector<1x128xf32> to vector<1000x128xf32>
    %add3A_20 = arith.addf %mul3A_17, %add3A_19 : vector<1000x128xf32>
    %max3A_21 = arith.constant 0.000000e+00 : f32
    %max3A_22 = vector.broadcast %max3A_21 : f32 to vector<1000x128xf32>
    %max3A_23 = arith.maximumf %add3A_20, %max3A_22 : vector<1000x128xf32>
    %get3A_24 = arith.constant 0 : index
    %get3A_25 = arith.constant 0 : index
    %get3A_26 = vector.load %arg5[%get3A_24, %get3A_25] : memref<256x128xf32, #tpu.memory_space<vmem>>, vector<128x128xf32>
    %dot_general3A = arith.constant dense<0.000000e+00> : vector<1000x128xf32>
    %dot_general3A_27 = tpu.matmul %max3A_13, %get3A_26, %dot_general3A {dimension_numbers = #tpu.dot_dimension_numbers<[1], [0], [0], [1], [0, 0, 1, 1], [], []>, transpose_lhs_hint = false} : vector<1000x128xf32>, vector<128x128xf32>, vector<1000x128xf32> -> vector<1000x128xf32>
    %get3A_28 = arith.constant 128 : index
    %get3A_29 = arith.constant 0 : index
    %get3A_30 = vector.load %arg5[%get3A_28, %get3A_29] : memref<256x128xf32, #tpu.memory_space<vmem>>, vector<128x128xf32>
    %dot_general3A_31 = arith.constant dense<0.000000e+00> : vector<1000x128xf32>
    %dot_general3A_32 = tpu.matmul %max3A_23, %get3A_30, %dot_general3A_31 {dimension_numbers = #tpu.dot_dimension_numbers<[1], [0], [0], [1], [0, 0, 1, 1], [], []>, transpose_lhs_hint = false} : vector<1000x128xf32>, vector<128x128xf32>, vector<1000x128xf32> -> vector<1000x128xf32>
    %add3A_33 = arith.addf %dot_general3A_27, %dot_general3A_32 : vector<1000x128xf32>
    %mul3A_34 = vector.broadcast %get3A_5 : vector<1000x1xf32> to vector<1000x128xf32>
    %mul3A_35 = arith.mulf %add3A_33, %mul3A_34 : vector<1000x128xf32>
    %swap3A = arith.constant 0 : index
    %swap3A_36 = arith.constant 0 : index
    %swap3A_37 = arith.constant 0 : index
    %swap3A_38 = vector.load %arg6[%swap3A, %swap3A_36, %swap3A_37] : memref<1x1000x128xf32, #tpu.memory_space<vmem>>, vector<1x1000x128xf32>
    %swap3A_39 = vector.shape_cast %swap3A_38 : vector<1x1000x128xf32> to vector<1000x128xf32>
    %swap3A_40 = vector.shape_cast %mul3A_35 : vector<1000x128xf32> to vector<1x1000x128xf32>
    tpu.vector_store %arg6[%swap3A, %swap3A_36, %swap3A_37], %swap3A_40 {strides = array<i32>} : memref<1x1000x128xf32, #tpu.memory_space<vmem>>, vector<1x1000x128xf32>,
    return
  }
  func.func @transform_0(%arg0: i32, %arg1: i32) -> (i32, i32, i32) {
    %c0_i32 = arith.constant 0 : i32
    %c0_i32_0 = arith.constant 0 : i32
    %c0_i32_1 = arith.constant 0 : i32
    return %c0_i32, %arg0, %c0_i32_0 : i32, i32, i32
  }
  func.func @transform_1(%arg0: i32, %arg1: i32) -> (i32, i32) {
    %c0_i32 = arith.constant 0 : i32
    %c0_i32_0 = arith.constant 0 : i32
    return %arg0, %c0_i32 : i32, i32
  }
  func.func @transform_2(%arg0: i32, %arg1: i32) -> (i32, i32) {
    %c0_i32 = arith.constant 0 : i32
    %c0_i32_0 = arith.constant 0 : i32
    %c0_i32_1 = arith.constant 0 : i32
    return %c0_i32, %c0_i32_0 : i32, i32
  }
  func.func @transform_3(%arg0: i32, %arg1: i32) -> (i32, i32) {
    %c0_i32 = arith.constant 0 : i32
    %c0_i32_0 = arith.constant 0 : i32
    return %c0_i32, %arg1 : i32, i32
  }
  func.func @transform_4(%arg0: i32, %arg1: i32) -> (i32, i32, i32) {
    %c0_i32 = arith.constant 0 : i32
    %c0_i32_0 = arith.constant 0 : i32
    return %arg1, %arg0, %c0_i32 : i32, i32, i32
  }
}

module attributes {stable_mosaic.version = 14 : i64} {
  func.func @_fin_body(%arg0: i32, %arg1: memref<2x1000x128xf32, #tpu.memory_space<vmem>>, %arg2: memref<1000x1xf32, #tpu.memory_space<vmem>>, %arg3: memref<1x256xf32, #tpu.memory_space<vmem>>, %arg4: memref<256x256xf32, #tpu.memory_space<vmem>>, %arg5: memref<1x256xf32, #tpu.memory_space<vmem>>, %arg6: memref<256x128xf32, #tpu.memory_space<vmem>>, %arg7: memref<1x128xf32, #tpu.memory_space<vmem>>, %arg8: memref<1000x128xf32, #tpu.memory_space<vmem>>) attributes {dimension_semantics = [#tpu.dimension_semantics<arbitrary>], iteration_bounds = array<i64: 10>, scalar_prefetch = 0 : i64, scratch_operands = 0 : i64, tpu.core_type = #tpu.core_type<tc>, window_params = [{transform_indices = @transform_0, window_bounds = array<i64: 2, 1000, 128>}, {transform_indices = @transform_1, window_bounds = array<i64: 1000, 1>}, {pipeline_mode = #tpu.pipeline_mode<synchronous>, transform_indices = @transform_2, window_bounds = array<i64: 1, 256>}, {pipeline_mode = #tpu.pipeline_mode<synchronous>, transform_indices = @transform_3, window_bounds = array<i64: 256, 256>}, {pipeline_mode = #tpu.pipeline_mode<synchronous>, transform_indices = @transform_4, window_bounds = array<i64: 1, 256>}, {pipeline_mode = #tpu.pipeline_mode<synchronous>, transform_indices = @transform_5, window_bounds = array<i64: 256, 128>}, {pipeline_mode = #tpu.pipeline_mode<synchronous>, transform_indices = @transform_6, window_bounds = array<i64: 1, 128>}, {transform_indices = @transform_7, window_bounds = array<i64: 1000, 128>}]} {
    %get3A = arith.constant 0 : index
    %get3A_0 = arith.constant 0 : index
    %get3A_1 = arith.constant 0 : index
    %get3A_2 = vector.load %arg1[%get3A, %get3A_0, %get3A_1] : memref<2x1000x128xf32, #tpu.memory_space<vmem>>, vector<2x1000x128xf32>
    %get3A_3 = arith.constant 0 : index
    %get3A_4 = arith.constant 0 : index
    %get3A_5 = vector.load %arg2[%get3A_3, %get3A_4] : memref<1000x1xf32, #tpu.memory_space<vmem>>, vector<1000x1xf32>
    %get3A_6 = arith.constant 0 : index
    %get3A_7 = arith.constant 0 : index
    %get3A_8 = vector.load %arg3[%get3A_6, %get3A_7] : memref<1x256xf32, #tpu.memory_space<vmem>>, vector<1x256xf32>
    %slice3A = vector.extract_strided_slice %get3A_2 {offsets = [0, 0, 0], sizes = [1, 1000, 128], strides = [1, 1, 1]} : vector<2x1000x128xf32> to vector<1x1000x128xf32>
    %squeeze3A = vector.shape_cast %slice3A : vector<1x1000x128xf32> to vector<1000x128xf32>
    %mul3A = vector.broadcast %get3A_5 : vector<1000x1xf32> to vector<1000x128xf32>
    %mul3A_9 = arith.mulf %squeeze3A, %mul3A : vector<1000x128xf32>
    %slice3A_10 = vector.extract_strided_slice %get3A_8 {offsets = [0, 0], sizes = [1, 128], strides = [1, 1]} : vector<1x256xf32> to vector<1x128xf32>
    %add3A = vector.broadcast %slice3A_10 : vector<1x128xf32> to vector<1000x128xf32>
    %add3A_11 = arith.addf %mul3A_9, %add3A : vector<1000x128xf32>
    %max3A = arith.constant 0.000000e+00 : f32
    %max3A_12 = vector.broadcast %max3A : f32 to vector<1000x128xf32>
    %max3A_13 = arith.maximumf %add3A_11, %max3A_12 : vector<1000x128xf32>
    %slice3A_14 = vector.extract_strided_slice %get3A_2 {offsets = [1, 0, 0], sizes = [1, 1000, 128], strides = [1, 1, 1]} : vector<2x1000x128xf32> to vector<1x1000x128xf32>
    %squeeze3A_15 = vector.shape_cast %slice3A_14 : vector<1x1000x128xf32> to vector<1000x128xf32>
    %mul3A_16 = vector.broadcast %get3A_5 : vector<1000x1xf32> to vector<1000x128xf32>
    %mul3A_17 = arith.mulf %squeeze3A_15, %mul3A_16 : vector<1000x128xf32>
    %slice3A_18 = vector.extract_strided_slice %get3A_8 {offsets = [0, 128], sizes = [1, 128], strides = [1, 1]} : vector<1x256xf32> to vector<1x128xf32>
    %add3A_19 = vector.broadcast %slice3A_18 : vector<1x128xf32> to vector<1000x128xf32>
    %add3A_20 = arith.addf %mul3A_17, %add3A_19 : vector<1000x128xf32>
    %max3A_21 = arith.constant 0.000000e+00 : f32
    %max3A_22 = vector.broadcast %max3A_21 : f32 to vector<1000x128xf32>
    %max3A_23 = arith.maximumf %add3A_20, %max3A_22 : vector<1000x128xf32>
    %get3A_24 = arith.constant 0 : index
    %get3A_25 = arith.constant 0 : index
    %get3A_26 = vector.load %arg4[%get3A_24, %get3A_25] : memref<256x256xf32, #tpu.memory_space<vmem>>, vector<128x256xf32>
    %dot_general3A = arith.constant dense<0.000000e+00> : vector<1000x256xf32>
    %dot_general3A_27 = tpu.matmul %max3A_13, %get3A_26, %dot_general3A {dimension_numbers = #tpu.dot_dimension_numbers<[1], [0], [0], [1], [0, 0, 1, 1], [], []>, transpose_lhs_hint = false} : vector<1000x128xf32>, vector<128x256xf32>, vector<1000x256xf32> -> vector<1000x256xf32>
    %get3A_28 = arith.constant 128 : index
    %get3A_29 = arith.constant 0 : index
    %get3A_30 = vector.load %arg4[%get3A_28, %get3A_29] : memref<256x256xf32, #tpu.memory_space<vmem>>, vector<128x256xf32>
    %dot_general3A_31 = arith.constant dense<0.000000e+00> : vector<1000x256xf32>
    %dot_general3A_32 = tpu.matmul %max3A_23, %get3A_30, %dot_general3A_31 {dimension_numbers = #tpu.dot_dimension_numbers<[1], [0], [0], [1], [0, 0, 1, 1], [], []>, transpose_lhs_hint = false} : vector<1000x128xf32>, vector<128x256xf32>, vector<1000x256xf32> -> vector<1000x256xf32>
    %add3A_33 = arith.addf %dot_general3A_27, %dot_general3A_32 : vector<1000x256xf32>
    %get3A_34 = arith.constant 0 : index
    %get3A_35 = arith.constant 0 : index
    %get3A_36 = vector.load %arg5[%get3A_34, %get3A_35] : memref<1x256xf32, #tpu.memory_space<vmem>>, vector<1x256xf32>
    %add3A_37 = vector.broadcast %get3A_36 : vector<1x256xf32> to vector<1000x256xf32>
    %add3A_38 = arith.addf %add3A_33, %add3A_37 : vector<1000x256xf32>
    %get3A_39 = arith.constant 0 : index
    %get3A_40 = arith.constant 0 : index
    %get3A_41 = vector.load %arg6[%get3A_39, %get3A_40] : memref<256x128xf32, #tpu.memory_space<vmem>>, vector<256x128xf32>
    %dot_general3A_42 = arith.constant dense<0.000000e+00> : vector<1000x128xf32>
    %dot_general3A_43 = tpu.matmul %add3A_38, %get3A_41, %dot_general3A_42 {dimension_numbers = #tpu.dot_dimension_numbers<[1], [0], [0], [1], [0, 0, 1, 1], [], []>, transpose_lhs_hint = false} : vector<1000x256xf32>, vector<256x128xf32>, vector<1000x128xf32> -> vector<1000x128xf32>
    %get3A_44 = arith.constant 0 : index
    %get3A_45 = arith.constant 0 : index
    %get3A_46 = vector.load %arg7[%get3A_44, %get3A_45] : memref<1x128xf32, #tpu.memory_space<vmem>>, vector<1x128xf32>
    %add3A_47 = vector.broadcast %get3A_46 : vector<1x128xf32> to vector<1000x128xf32>
    %add3A_48 = arith.addf %dot_general3A_43, %add3A_47 : vector<1000x128xf32>
    %swap3A = arith.constant 0 : index
    %swap3A_49 = arith.constant 0 : index
    %swap3A_50 = vector.load %arg8[%swap3A, %swap3A_49] : memref<1000x128xf32, #tpu.memory_space<vmem>>, vector<1000x128xf32>
    tpu.vector_store %arg8[%swap3A, %swap3A_49], %add3A_48 {strides = array<i32>} : memref<1000x128xf32, #tpu.memory_space<vmem>>, vector<1000x128xf32>,
    return
  }
  func.func @transform_0(%arg0: i32) -> (i32, i32, i32) {
    %c0_i32 = arith.constant 0 : i32
    %c0_i32_0 = arith.constant 0 : i32
    %c0_i32_1 = arith.constant 0 : i32
    return %c0_i32, %arg0, %c0_i32_0 : i32, i32, i32
  }
  func.func @transform_1(%arg0: i32) -> (i32, i32) {
    %c0_i32 = arith.constant 0 : i32
    %c0_i32_0 = arith.constant 0 : i32
    return %arg0, %c0_i32 : i32, i32
  }
  func.func @transform_2(%arg0: i32) -> (i32, i32) {
    %c0_i32 = arith.constant 0 : i32
    %c0_i32_0 = arith.constant 0 : i32
    %c0_i32_1 = arith.constant 0 : i32
    return %c0_i32, %c0_i32_0 : i32, i32
  }
  func.func @transform_3(%arg0: i32) -> (i32, i32) {
    %c0_i32 = arith.constant 0 : i32
    %c0_i32_0 = arith.constant 0 : i32
    %c0_i32_1 = arith.constant 0 : i32
    return %c0_i32, %c0_i32_0 : i32, i32
  }
  func.func @transform_4(%arg0: i32) -> (i32, i32) {
    %c0_i32 = arith.constant 0 : i32
    %c0_i32_0 = arith.constant 0 : i32
    %c0_i32_1 = arith.constant 0 : i32
    return %c0_i32, %c0_i32_0 : i32, i32
  }
  func.func @transform_5(%arg0: i32) -> (i32, i32) {
    %c0_i32 = arith.constant 0 : i32
    %c0_i32_0 = arith.constant 0 : i32
    %c0_i32_1 = arith.constant 0 : i32
    return %c0_i32, %c0_i32_0 : i32, i32
  }
  func.func @transform_6(%arg0: i32) -> (i32, i32) {
    %c0_i32 = arith.constant 0 : i32
    %c0_i32_0 = arith.constant 0 : i32
    %c0_i32_1 = arith.constant 0 : i32
    return %c0_i32, %c0_i32_0 : i32, i32
  }
  func.func @transform_7(%arg0: i32) -> (i32, i32) {
    %c0_i32 = arith.constant 0 : i32
    %c0_i32_0 = arith.constant 0 : i32
    return %arg0, %c0_i32 : i32, i32
  }
}

</mosaic_0001>

<sc_bundles>
// kernel: _run.10.cloned.1.call-start
scs
__scs_entry_jumppad:
0x0: {  	(pc) =	sbr.rel $0x88, $3  }
0x1: {  	(tag) =	ssettag $0x0;
	lr =	simm.s32 $0x1  }
0x2: {  	[smem:$0x3F94] =	sst lr;
	_ =	strace $0xD0000000  }
0x3: {  	_ = 	snop  }
0x4: {  	_ = 	snop  }
0x5: {  	_ = 	snop  }
0x6: {  	_ = 	snop  }
0x7: {  	_ = 	snop  }
__scs_overlays_trampoline_lowered:
0x8: {  	[smem:$0x3FA3] =	sst s0  }
0x9: {  	[smem:$0x3FA4] =	sst s1  }
0xa: {  	[smem:$0x3FA5] =	sst s2  }
0xb: {  	[smem:$0x3FA6] =	sst s3  }
0xc: {  	[smem:$0x3FA7] =	sst s4  }
0xd: {  	[smem:$0x3FA8] =	sst s5  }
0xe: {  	[smem:$0x3FA9] =	sst s6  }
0xf: {  	[smem:$0x3FAA] =	sst s7  }
0x10: {  	[smem:$0x3FAB] =	sst s8  }
0x11: {  	[smem:$0x3FAC] =	sst s9;
	s0 =	simm.s32 @!p0 $0x0  }
0x12: {  	s1 =	sld [smem:$0x3F92];
	s0 =	simm.s32 @p0 $0x1  }
0x13: {  	[smem:$0x3FAD] =	sst s0;
	s0 =	simm.s32 @!p1 $0x0  }
0x14: {  	s2 =	sld [smem:$0x3F91];
	s0 =	simm.s32 @p1 $0x1  }
0x15: {  	[smem:$0x3FAE] =	sst s0;
	s0 =	simm.s32 @!p2 $0x0  }
0x16: {  	s3 =	sld [smem:$0x3FDB];
	s0 =	simm.s32 @p2 $0x1  }
0x17: {  	s4 =	simm.s32 $0x1BF5;
	[smem:$0x3FB0] =	sst s0  }
0x18: {  	s0 =	sld [smem:$0x3F93];
	_ =	swait.ge [sflag:s4], $0x0  }
0x19: {  	s7 =	sld [smem:$0x3F94]  }
0x1a: {  	s8 =	sadd.s32 $0xFFFFE003, lr  }
0x1b: {  	s9 =	sadd.s32 $0xFFFFFEF7, lr;
	s5 =	simm.s32 $0xFFFFFFFF;
	p2 =	slt.u32 s8, $0xFFFFF086  }
0x1c: {  	p1 =	slt.u32 s9, $0xF7A;
	s5 =	simm.s32 @!p2 $0x0  }
0x1d: {  	s5 =	simm.s32 @p1 $0x1;
	p0 =	seq.s32 s7, s2  }
0x1e: {  	s7 =	smul.u32 @!p0 $0xF7A, s2;
	p2 =	seq.s32 @!p0 s5, $0x0  }
0x1f: {  	s9 =	smul.u32 $0xF7A, s1;
	s8 =	simm.s32 @!p0 $0x1BF5;
	p2 =	por !p2, p0  }
0x20: {  	[sflag:s8] =	ssyncset.s32 @!p0 $0xFFFFF086;
	s6 =	sadd.s32 @!p0 s3, s7;
	s7 =	simm.s32 @!p0 $0x108  }
0x21: {  	s3 =	sadd.s32 s3, s9;
	s6 =	sadd.s32 @!p0 $0x88, s6;
	s7 =	simm.s32 @p2 $0x1082  }
0x22: {  	[simem:s7], [sflag:s8] =	dma.local @!p0 [hbm:s6], $0xF7A  }
0x23: {  	s9 =	sor.u32 $0xD0000000, s2;
	s6 =	simm.s32 $0x108;
	_ =	swait.ge @!p0 [sflag:s8], $0x0  }
0x24: {  	s3 =	sadd.s32 $0x88, s3;
	s6 =	simm.s32 @!p1 $0x1082;
	[sflag:s4] =	ssyncset.s32 $0xFFFFF086  }
0x25: {  	[simem:s6], [sflag:s4] =	dma.local [hbm:s3], $0xF7A  }
0x26: {  	[smem:$0x3F94] =	sst s1;
	(tag) =	ssettag s2;
	_ =	strace s9  }
0x27: {  	s1 =	sld [smem:$0x3FA4]  }
0x28: {  	s2 =	sld [smem:$0x3FA5]  }
0x29: {  	s4 =	sld [smem:$0x3FA7]  }
0x2a: {  	p0 =	seq.s32 s5, $0x0;
	s5 =	sld [smem:$0x3FA8]  }
0x2b: {  	s6 =	sld [smem:$0x3FA9]  }
0x2c: {  	s7 =	sld [smem:$0x3FAA]  }
0x2d: {  	s3 =	simm.s32 $0x108;
	s8 =	sld [smem:$0x3FAB]  }
0x2e: {  	s3 =	simm.s32 @!p0 $0x1082;
	s9 =	sld [smem:$0x3FAC]  }
0x2f: {  	lr =	sadd.s32 s0, s3;
	s0 =	sld [smem:$0x3FA3]  }
0x30: {  	s3 =	sld [smem:$0x3FA6]  }
0x31: {  	[smem:$0x3FAF] =	sst s10  }
0x32: {  	s10 =	sld [smem:$0x3FAD];
	_ =	sdelay $0x3  }
0x33: {  	p0 =	seq.s32 s10, $0x1;
	s10 =	sld [smem:$0x3FAF];
	_ =	sdelay $0x3  }
0x34: {  	[smem:$0x3FAF] =	sst s10  }
0x35: {  	s10 =	sld [smem:$0x3FAE];
	_ =	sdelay $0x3  }
0x36: {  	p1 =	seq.s32 s10, $0x1;
	s10 =	sld [smem:$0x3FAF];
	_ =	sdelay $0x3  }
0x37: {  	[smem:$0x3FAF] =	sst s10  }
0x38: {  	s10 =	sld [smem:$0x3FB0]  }
0x39: {  	_ = 	snop;
	(pc) =	sbr.ind lr, $3  }
0x3a: {  	_ = 	snop  }
0x3b: {  	_ = 	snop  }
0x3c: {  	p2 =	seq.s32 s10, $0x1;
	s10 =	sld [smem:$0x3FAF]  }
0x3d: {  	_ =	shalt  }
0x3e: {  	_ =	shalt  }
0x3f: {  	_ =	shalt  }
0x40: {  	_ =	shalt  }
0x41: {  	_ =	shalt  }
0x42: {  	_ =	shalt  }
0x43: {  	_ =	shalt  }
0x44: {  	_ =	shalt  }
0x45: {  	_ =	shalt  }
0x46: {  	_ =	shalt  }
0x47: {  	_ =	shalt  }
0x48: {  	_ =	shalt  }
0x49: {  	_ =	shalt  }
0x4a: {  	_ =	shalt  }
0x4b: {  	_ =	shalt  }
0x4c: {  	_ =	shalt  }
0x4d: {  	_ =	shalt  }
0x4e: {  	_ =	shalt  }
0x4f: {  	_ =	shalt  }
0x50: {  	_ =	shalt  }
0x51: {  	_ =	shalt  }
0x52: {  	_ =	shalt  }
0x53: {  	_ =	shalt  }
0x54: {  	_ =	shalt  }
0x55: {  	_ =	shalt  }
0x56: {  	_ =	shalt  }
0x57: {  	_ =	shalt  }
0x58: {  	_ =	shalt  }
0x59: {  	_ =	shalt  }
0x5a: {  	_ =	shalt  }
0x5b: {  	_ =	shalt  }
0x5c: {  	_ =	shalt  }
0x5d: {  	_ =	shalt  }
0x5e: {  	_ =	shalt  }
0x5f: {  	_ =	shalt  }
0x60: {  	_ =	shalt  }
0x61: {  	_ =	shalt  }
0x62: {  	_ =	shalt  }
0x63: {  	_ =	shalt  }
0x64: {  	_ =	shalt  }
0x65: {  	_ =	shalt  }
0x66: {  	_ =	shalt  }
0x67: {  	_ =	shalt  }
0x68: {  	_ =	shalt  }
0x69: {  	_ =	shalt  }
0x6a: {  	_ =	shalt  }
0x6b: {  	_ =	shalt  }
0x6c: {  	_ =	shalt  }
0x6d: {  	_ =	shalt  }
0x6e: {  	_ =	shalt  }
0x6f: {  	_ =	shalt  }
0x70: {  	_ =	shalt  }
0x71: {  	_ =	shalt  }
0x72: {  	_ =	shalt  }
0x73: {  	_ =	shalt  }
0x74: {  	_ =	shalt  }
0x75: {  	_ =	shalt  }
0x76: {  	_ =	shalt  }
0x77: {  	_ =	shalt  }
0x78: {  	_ =	shalt  }
0x79: {  	_ =	shalt  }
0x7a: {  	_ =	shalt  }
0x7b: {  	_ =	shalt  }
0x7c: {  	_ =	shalt  }
0x7d: {  	_ =	shalt  }
0x7e: {  	_ =	shalt  }
0x7f: {  	_ =	shalt  }
0x80: {  	_ =	shalt  }
0x81: {  	_ =	shalt  }
0x82: {  	_ =	shalt  }
0x83: {  	_ =	shalt  }
0x84: {  	_ =	shalt  }
0x85: {  	_ =	shalt  }
0x86: {  	_ =	shalt  }
0x87: {  	_ =	shalt  }
.Lfunc_end0:
.L_simem_size_0:
called_computation_lowered:
.L_overlay_start_0:
0x88: {  	s2 =	sld [smem:$0x3FD9]  }
0x89: {  	s3 =	sld [smem:$0x3FFE];
	_ =	sdelay $0x1  }
0x8a: {  	s1 =	srdreg.scid  }
0x8b: {  	s0 =	sand.u32 $0x1, s1  }
0x8c: {  	s17 =	sshll.u32 s0, $0xA;
	s2 =	sadd.s32 s3, s2  }
0x8d: {  	s2 =	sadd.s32 s2, s17  }
0x8e: {  	[smem:$0x3FBB] =	sst s2  }
0x8f: {  	_ = 	snop  }
0x90: {  	s2 =	sld [smem:$0x3FD0];
	(tm) =	ssettm $0x1  }
0x91: {  	s18 =	sld [smem:$0x3FFB];
	_ =	sdelay $0x3  }
0x92: {  	_ =	strace s18  }
0x93: {  	s3 =	sld [smem:$0x3FFC];
	_ =	sdelay $0x3  }
0x94: {  	_ =	strace s3  }
0x95: {  	s3 =	sld [smem:$0x3FFD];
	_ =	sdelay $0x3  }
0x96: {  	_ =	strace s3  }
0x97: {  	_ =	strace $0x8FFFFFFF  }
0x98: {  	s19 =	sld [smem:$0x3FDB];
	_ =	sdelay $0x1  }
0x99: {  	s4 =	simm.s32 $_scs_section_size  }
0x9a: {  	s5 =	simm.s32 $_size__tile_overlayer_lowered;
	s6 =	simm.s32 $_tile_overlayer_lowered  }
0x9b: {  	s22 =	simm.s32 $0x1BFF;
	s21 =	sshll.u32 s6, $0x1;
	s3 =	sadd.s32 s4, s19  }
0x9c: {  	s7 =	simm.s32 $0x0;
	s20 =	sshll.u32 s5, $0x1;
	s5 =	sadd.s32 s21, s3  }
0x9d: {  	[timem:s7], [sflag:s22] =	dma.local [hbm:s5], s20  }
0x9e: {  	_ =	swait.ge [sflag:s22], s20  }
0x9f: {  	s4 =	ssub.s32 $0x0, s20;
	[sflag:s22] =	ssyncset.done $0x0  }
0xa0: {  	[sflag:s22] =	ssyncadd.s32 s4;
	_ =	sdelay $0x1  }
0xa1: {  	s23 =	simm.s32 $0x1B8B  }
0xa2: {  	_ =	swait.ge [sflag:s23], $0x1  }
0xa3: {  	[sflag:s23] =	ssyncset.done $0x0  }
0xa4: {  	s25 =	simm.s32 $0x1B8E;
	s24 =	sld [smem:$0x3FFE];
	[sflag:s23] =	ssyncadd.s32 $0xFFFFFFFF  }
0xa5: {  	s26 =	simm.s32 $execute0_lowered;
	[smem:$0x3FD2] =	sst s25  }
0xa6: {  	s5 =	sshll.u32 s26, $0x1;
	_ =	strace $0x80000046;
	[dreg:$0x1] =	wrdreg $0xFFFFFFFF  }
0xa7: {  	s28 =	simm.s32 $_size_execute0_lowered;
	s3 =	sadd.s32 s3, s5;
	[dreg:$0x0] =	wrdreg $0x0  }
0xa8: {  	s5 =	sshll.u32 s28, $0x1;
	[dreg:$0x2] =	wrdreg s3  }
0xa9: {  	[dreg:$0x3] =	wrdreg s5  }
0xaa: {  	[dreg:$0x4] =	wrdreg $0xC0  }
0xab: {  	_ =	task [dreg:s7], $0x5FFFF  }
0xac: {  	[dreg:$0x1] =	wrdreg $0xFFFFFFFF  }
0xad: {  	[dreg:$0x0] =	wrdreg $0x60  }
0xae: {  	[dreg:$0x2] =	wrdreg s2  }
0xaf: {  	[dreg:$0x3] =	wrdreg s24  }
0xb0: {  	[dreg:$0x4] =	wrdreg $0x50000  }
0xb1: {  	[dreg:$0x5] =	wrdreg $0x9  }
0xb2: {  	_ =	task.clear_ibuf [dreg:s7], $0x6FFFF;
	_ =	strace $0x90000046  }
0xb3: {  	s29 =	simm.s32 $0x9;
	_ =	strace $0x80000048  }
0xb4: {  	_ =	swait.ge [sflag:s29], $0x1  }
0xb5: {  	[sflag:s29] =	ssyncadd.s32 $0xFFFFFFFF  }
0xb6: {  	_ =	strace $0x90000048  }
0xb7: {  	_ =	sfence  }
0xb8: {  	s30 =	sld [smem:$0x0];
	_ =	sdelay $0x2  }
0xb9: {  	s31 =	sshll.u32 s1, $0xD;
	s1 =	sshrl.u32 s1, $0x2  }
0xba: {  	s3 =	sand.u32 $0x4000, s31;
	s1 =	sadd.s32 s1, s30  }
0xbb: {  	s0 =	sor.u32 s3, s0;
	s1 =	sshll.u32 s1, $0x11  }
0xbc: {  	s0 =	sor.u32 s1, s0  }
0xbd: {  	s0 =	sadd.s32 $0x8F2B, s0  }
0xbe: {  	[sflag:s0] =	ssyncadd.remote.s32 $0x1  }
0xbf: {  	_ =	sfence.sel $0xFFFF  }
0xc0: {  	[dreg:$0x0] =	wrdreg $0xFFFFFFFF;
	(pc) =	sbr.abs _section_cstart, $3  }
0xc1: {  	[dreg:$0x1] =	wrdreg $0xFFFFFFFF  }
0xc2: {  	_ =	task.clear_ibuf [dreg:s7], $0x2FFFF;
	_ =	strace $0x9FFFFFFF  }
0xc3: {  	(tm) =	ssettm $0x7FFFFFFF  }
tec
execute0_lowered:
.L_overlay_start_1:
0x0: {  	(tag) =	ssettag $0x1  }
0x1: {  	s0 =	rddreg [dreg:$0x0]  }
0x2: {  	s1 =	rddreg [dreg:$0x1];
	s3 =	srdreg.scid  }
0x3: {  	s2 =	rddreg [dreg:$0x2];
	s8 =	stileid.u32  }
0x4: {  	s20 =	simm.s32 $0x0;
	s30 =	sand.u32 $0x1, s3;
	s5 =	smul.u32 $0x2800, s8  }
0x5: {  	[smem:$0x7FF] =	sst s20;
	s3 =	smul.u32 $0x28000, s30;
	s7 =	sshll.u32 s30, $0x4  }
0x6: {  	s6 =	smul.u32 $0x50000, s8;
	s16 =	sadd.s32 $0x3C00, s1;
	s7 =	sor.u32 s8, s7  }
0x7: {  	s18 =	sshll.u32 s8, $0x6;
	s5 =	sadd.s32 s5, s3;
	s7 =	smul.u32 $0x500, s7  }
0x8: {  	_ =	strace $0x80000047;
	s6 =	sshrl.u32 s6, $0x2;
	s1 =	sadd.s32 s5, s1  }
0x9: {  	s8 =	sor.u32 $0x1C04, s18;
	s28 =	sadd.s32 s0, s7;
	s19 =	sadd.s32 $0x6400, s1  }
0xa: {  	s17 =	sadd.s32 s6, s2;
	[dreg:$0x4] =	wrdreg s19;
	s21 =	sadd.s32 $0x100, s28  }
0xb: {  	s10 =	sshrl.u32 s17, $0x3;
	s7 =	simm.s32 $0x4;
	[dreg:$0x5] =	wrdreg s21  }
0xc: {  	[spmem:s10], [sflag:s8] =	dma.local [hbm:s16], $0x2800  }
0xd: {  	_ =	swait.ge [sflag:s7], $0x2800  }
0xe: {  	[sflag:s7] =	ssyncset.done $0x0  }
0xf: {  	s9 =	simm.s32 $0x1000;
	[dreg:$0x8] =	wrdreg s16;
	[sflag:s7] =	ssyncadd.s32 $0xFFFFD800  }
0x10: {  	[tilespmem:s9], [sflag:$0x4] =	stream.linear.gather [hbm4b:s16+s20], $0x4000, $0x38;
	[tilespmem:$0x19000] =	vst v63  }
0x11: {  	_ =	swait.ge [sflag:s7], $0x4000  }
0x12: {  	[sflag:s7] =	ssyncset.done $0x0  }
0x13: {  	[sflag:s7] =	ssyncadd.s32 $0xFFFFC000  }
0x14: {  	[bflag:$0x0] =	sbarrier.arrive $0xFFFF  }
0x15: {  	[tilespmem:s20], [sflag:$0x4] =	stream.linear.gather [hbm4b:s28+s20], $0x800, $0x38;
	[tilespmem:$0x19000] =	vst v63  }
0x16: {  	_ =	swait.ge [sflag:s7], $0x800  }
0x17: {  	[sflag:s7] =	ssyncset.done $0x0  }
0x18: {  	s29 =	simm.s32 $0x800;
	s22 =	rddreg [dreg:$0x5];
	[sflag:s7] =	ssyncadd.s32 $0xFFFFF800  }
0x19: {  	[tilespmem:s29], [sflag:$0x3] =	stream.linear.gather [hbm4b:s22+s20], $0x800, $0x38;
	[tilespmem:$0x19000] =	vst v63  }
0x1a: {  	s11 =	simm.s32 $0x80  }
0x1b: {  	[spmem:s2] =	stream.indirect.scatter.add.f32 [tilespmem:s9], [sflag:$0x1], $0x80, s20, s11, $0xb8;
	[tilespmem:$0x19000] =	vst v63  }
0x1c: {  	_ = 	snop  }
0x1d: {  	[spmem:s2] =	stream.indirect.scatter.add.f32 [tilespmem:s9], [sflag:$0x1], $0x80, s11, s11, $0xb8;
	[tilespmem:$0x19000] =	vst v63  }
0x1e: {  	s23 =	simm.s32 $0x100  }
0x1f: {  	[spmem:s2] =	stream.indirect.scatter.add.f32 [tilespmem:s9], [sflag:$0x1], $0x80, s23, s11, $0xb8;
	[tilespmem:$0x19000] =	vst v63  }
0x20: {  	s24 =	simm.s32 $0x180  }
0x21: {  	[spmem:s2] =	stream.indirect.scatter.add.f32 [tilespmem:s9], [sflag:$0x1], $0x80, s24, s11, $0xb8;
	[tilespmem:$0x19000] =	vst v63  }
0x22: {  	s25 =	simm.s32 $0x200  }
0x23: {  	[spmem:s2] =	stream.indirect.scatter.add.f32 [tilespmem:s9], [sflag:$0x1], $0x80, s25, s11, $0xb8;
	[tilespmem:$0x19000] =	vst v63  }
0x24: {  	s26 =	simm.s32 $0x280  }
0x25: {  	[spmem:s2] =	stream.indirect.scatter.add.f32 [tilespmem:s9], [sflag:$0x1], $0x80, s26, s11, $0xb8;
	[tilespmem:$0x19000] =	vst v63  }
0x26: {  	s31 =	simm.s32 $0x300  }
0x27: {  	[spmem:s2] =	stream.indirect.scatter.add.f32 [tilespmem:s9], [sflag:$0x1], $0x80, s31, s11, $0xb8;
	[tilespmem:$0x19000] =	vst v63  }
0x28: {  	s1 =	simm.s32 $0x380  }
0x29: {  	[spmem:s2] =	stream.indirect.scatter.add.f32 [tilespmem:s9], [sflag:$0x1], $0x80, s1, s11, $0xb8;
	[tilespmem:$0x19000] =	vst v63  }
0x2a: {  	s3 =	simm.s32 $0x400  }
0x2b: {  	[spmem:s2] =	stream.indirect.scatter.add.f32 [tilespmem:s9], [sflag:$0x1], $0x80, s3, s11, $0xb8;
	[tilespmem:$0x19000] =	vst v63  }
0x2c: {  	s4 =	simm.s32 $0x480  }
0x2d: {  	[spmem:s2] =	stream.indirect.scatter.add.f32 [tilespmem:s9], [sflag:$0x1], $0x80, s4, s11, $0xb8;
	[tilespmem:$0x19000] =	vst v63  }
0x2e: {  	s5 =	simm.s32 $0x500  }
0x2f: {  	[spmem:s2] =	stream.indirect.scatter.add.f32 [tilespmem:s9], [sflag:$0x1], $0x80, s5, s11, $0xb8;
	[tilespmem:$0x19000] =	vst v63  }
0x30: {  	s6 =	simm.s32 $0x580  }
0x31: {  	[spmem:s2] =	stream.indirect.scatter.add.f32 [tilespmem:s9], [sflag:$0x1], $0x80, s6, s11, $0xb8;
	[tilespmem:$0x19000] =	vst v63  }
0x32: {  	s12 =	simm.s32 $0x600  }
0x33: {  	[spmem:s2] =	stream.indirect.scatter.add.f32 [tilespmem:s9], [sflag:$0x1], $0x80, s12, s11, $0xb8;
	[tilespmem:$0x19000] =	vst v63  }
0x34: {  	s13 =	simm.s32 $0x680  }
0x35: {  	[spmem:s2] =	stream.indirect.scatter.add.f32 [tilespmem:s9], [sflag:$0x1], $0x80, s13, s11, $0xb8;
	[tilespmem:$0x19000] =	vst v63  }
0x36: {  	s14 =	simm.s32 $0x700  }
0x37: {  	[spmem:s2] =	stream.indirect.scatter.add.f32 [tilespmem:s9], [sflag:$0x1], $0x80, s14, s11, $0xb8;
	[tilespmem:$0x19000] =	vst v63  }
0x38: {  	s15 =	simm.s32 $0x780;
	s26 =	simm.s32 $0x1  }
0x39: {  	[spmem:s2] =	stream.indirect.scatter.add.f32 [tilespmem:s9], [sflag:$0x1], $0x80, s15, s11, $0xb8;
	[tilespmem:$0x19000] =	vst v63  }
0x3a: {  	_ =	swait.ge [sflag:s26], $0x4000  }
0x3b: {  	[sflag:s26] =	ssyncset.done $0x0  }
0x3c: {  	[sflag:s26] =	ssyncadd.s32 $0xFFFFC000  }
0x3d: {  	_ =	swait.ge [sflag:s26], $0x4000  }
0x3e: {  	[sflag:s26] =	ssyncset.done $0x0  }
0x3f: {  	[sflag:s26] =	ssyncadd.s32 $0xFFFFC000  }
0x40: {  	_ =	swait.ge [sflag:s26], $0x4000  }
0x41: {  	[sflag:s26] =	ssyncset.done $0x0  }
0x42: {  	[sflag:s26] =	ssyncadd.s32 $0xFFFFC000  }
0x43: {  	_ =	swait.ge [sflag:s26], $0x4000  }
0x44: {  	[sflag:s26] =	ssyncset.done $0x0  }
0x45: {  	[sflag:s26] =	ssyncadd.s32 $0xFFFFC000  }
0x46: {  	_ =	swait.ge [sflag:s26], $0x4000  }
0x47: {  	[sflag:s26] =	ssyncset.done $0x0  }
0x48: {  	[sflag:s26] =	ssyncadd.s32 $0xFFFFC000  }
0x49: {  	_ =	swait.ge [sflag:s26], $0x4000  }
0x4a: {  	[sflag:s26] =	ssyncset.done $0x0  }
0x4b: {  	[sflag:s26] =	ssyncadd.s32 $0xFFFFC000  }
0x4c: {  	_ =	swait.ge [sflag:s26], $0x4000  }
0x4d: {  	[sflag:s26] =	ssyncset.done $0x0  }
0x4e: {  	[sflag:s26] =	ssyncadd.s32 $0xFFFFC000  }
0x4f: {  	_ =	swait.ge [sflag:s26], $0x4000  }
0x50: {  	[sflag:s26] =	ssyncset.done $0x0  }
0x51: {  	[sflag:s26] =	ssyncadd.s32 $0xFFFFC000  }
0x52: {  	_ =	swait.ge [sflag:s26], $0x4000  }
0x53: {  	[sflag:s26] =	ssyncset.done $0x0  }
0x54: {  	[sflag:s26] =	ssyncadd.s32 $0xFFFFC000  }
0x55: {  	_ =	swait.ge [sflag:s26], $0x4000  }
0x56: {  	[sflag:s26] =	ssyncset.done $0x0  }
0x57: {  	[sflag:s26] =	ssyncadd.s32 $0xFFFFC000  }
0x58: {  	_ =	swait.ge [sflag:s26], $0x4000  }
0x59: {  	[sflag:s26] =	ssyncset.done $0x0  }
0x5a: {  	[sflag:s26] =	ssyncadd.s32 $0xFFFFC000  }
0x5b: {  	_ =	swait.ge [sflag:s26], $0x4000  }
0x5c: {  	[sflag:s26] =	ssyncset.done $0x0  }
0x5d: {  	[sflag:s26] =	ssyncadd.s32 $0xFFFFC000  }
0x5e: {  	_ =	swait.ge [sflag:s26], $0x4000  }
0x5f: {  	[sflag:s26] =	ssyncset.done $0x0  }
0x60: {  	[sflag:s26] =	ssyncadd.s32 $0xFFFFC000  }
0x61: {  	_ =	swait.ge [sflag:s26], $0x4000  }
0x62: {  	[sflag:s26] =	ssyncset.done $0x0  }
0x63: {  	[sflag:s26] =	ssyncadd.s32 $0xFFFFC000  }
0x64: {  	_ =	swait.ge [sflag:s26], $0x4000  }
0x65: {  	[sflag:s26] =	ssyncset.done $0x0  }
0x66: {  	[sflag:s26] =	ssyncadd.s32 $0xFFFFC000  }
0x67: {  	_ =	swait.ge [sflag:s26], $0x4000  }
0x68: {  	s16 =	sadd.s32 $0x200, s28;
	[sflag:s26] =	ssyncset.done $0x0  }
0x69: {  	s5 =	simm.s32 $0x3;
	[dreg:$0x6] =	wrdreg s16;
	[sflag:s26] =	ssyncadd.s32 $0xFFFFC000  }
0x6a: {  	[tilespmem:s20], [sflag:$0x2] =	stream.linear.gather [hbm4b:s16+s20], $0x800, $0x38;
	[tilespmem:$0x19000] =	vst v63  }
0x6b: {  	_ =	swait.ge [sflag:s5], $0x800  }
0x6c: {  	[sflag:s5] =	ssyncset.done $0x0  }
0x6d: {  	[sflag:s5] =	ssyncadd.s32 $0xFFFFF800  }
0x6e: {  	[spmem:s2] =	stream.indirect.scatter.add.f32 [tilespmem:s9], [sflag:$0x1], $0x80, s29, s11, $0xb8;
	[tilespmem:$0x19000] =	vst v63  }
0x6f: {  	s17 =	simm.s32 $0x880  }
0x70: {  	[spmem:s2] =	stream.indirect.scatter.add.f32 [tilespmem:s9], [sflag:$0x1], $0x80, s17, s11, $0xb8;
	[tilespmem:$0x19000] =	vst v63  }
0x71: {  	s18 =	simm.s32 $0x900  }
0x72: {  	[spmem:s2] =	stream.indirect.scatter.add.f32 [tilespmem:s9], [sflag:$0x1], $0x80, s18, s11, $0xb8;
	[tilespmem:$0x19000] =	vst v63  }
0x73: {  	s19 =	simm.s32 $0x980  }
0x74: {  	[spmem:s2] =	stream.indirect.scatter.add.f32 [tilespmem:s9], [sflag:$0x1], $0x80, s19, s11, $0xb8;
	[tilespmem:$0x19000] =	vst v63  }
0x75: {  	s21 =	simm.s32 $0xA00  }
0x76: {  	[spmem:s2] =	stream.indirect.scatter.add.f32 [tilespmem:s9], [sflag:$0x1], $0x80, s21, s11, $0xb8;
	[tilespmem:$0x19000] =	vst v63  }
0x77: {  	s22 =	simm.s32 $0xA80  }
0x78: {  	[spmem:s2] =	stream.indirect.scatter.add.f32 [tilespmem:s9], [sflag:$0x1], $0x80, s22, s11, $0xb8;
	[tilespmem:$0x19000] =	vst v63  }
0x79: {  	s23 =	simm.s32 $0xB00  }
0x7a: {  	[spmem:s2] =	stream.indirect.scatter.add.f32 [tilespmem:s9], [sflag:$0x1], $0x80, s23, s11, $0xb8;
	[tilespmem:$0x19000] =	vst v63  }
0x7b: {  	s24 =	simm.s32 $0xB80  }
0x7c: {  	[spmem:s2] =	stream.indirect.scatter.add.f32 [tilespmem:s9], [sflag:$0x1], $0x80, s24, s11, $0xb8;
	[tilespmem:$0x19000] =	vst v63  }
0x7d: {  	s31 =	simm.s32 $0xC00  }
0x7e: {  	[spmem:s2] =	stream.indirect.scatter.add.f32 [tilespmem:s9], [sflag:$0x1], $0x80, s31, s11, $0xb8;
	[tilespmem:$0x19000] =	vst v63  }
0x7f: {  	s21 =	simm.s32 $0xC80  }
0x80: {  	[spmem:s2] =	stream.indirect.scatter.add.f32 [tilespmem:s9], [sflag:$0x1], $0x80, s21, s11, $0xb8;
	[tilespmem:$0x19000] =	vst v63  }
0x81: {  	s19 =	simm.s32 $0xD00  }
0x82: {  	[spmem:s2] =	stream.indirect.scatter.add.f32 [tilespmem:s9], [sflag:$0x1], $0x80, s19, s11, $0xb8;
	[tilespmem:$0x19000] =	vst v63  }
0x83: {  	s18 =	simm.s32 $0xD80  }
0x84: {  	[spmem:s2] =	stream.indirect.scatter.add.f32 [tilespmem:s9], [sflag:$0x1], $0x80, s18, s11, $0xb8;
	[tilespmem:$0x19000] =	vst v63  }
0x85: {  	s17 =	simm.s32 $0xE00  }
0x86: {  	[spmem:s2] =	stream.indirect.scatter.add.f32 [tilespmem:s9], [sflag:$0x1], $0x80, s17, s11, $0xb8;
	[tilespmem:$0x19000] =	vst v63  }
0x87: {  	s16 =	simm.s32 $0xE80  }
0x88: {  	[spmem:s2] =	stream.indirect.scatter.add.f32 [tilespmem:s9], [sflag:$0x1], $0x80, s16, s11, $0xb8;
	[tilespmem:$0x19000] =	vst v63  }
0x89: {  	s15 =	simm.s32 $0xF00  }
0x8a: {  	[spmem:s2] =	stream.indirect.scatter.add.f32 [tilespmem:s9], [sflag:$0x1], $0x80, s15, s11, $0xb8;
	[tilespmem:$0x19000] =	vst v63  }
0x8b: {  	s14 =	simm.s32 $0xF80  }
0x8c: {  	[spmem:s2] =	stream.indirect.scatter.add.f32 [tilespmem:s9], [sflag:$0x1], $0x80, s14, s11, $0xb8;
	[tilespmem:$0x19000] =	vst v63  }
0x8d: {  	_ =	swait.ge [sflag:s26], $0x4000  }
0x8e: {  	[sflag:s26] =	ssyncset.done $0x0  }
0x8f: {  	[sflag:s26] =	ssyncadd.s32 $0xFFFFC000  }
0x90: {  	_ =	swait.ge [sflag:s26], $0x4000  }
0x91: {  	[sflag:s26] =	ssyncset.done $0x0  }
0x92: {  	[sflag:s26] =	ssyncadd.s32 $0xFFFFC000  }
0x93: {  	_ =	swait.ge [sflag:s26], $0x4000  }
0x94: {  	[sflag:s26] =	ssyncset.done $0x0  }
0x95: {  	[sflag:s26] =	ssyncadd.s32 $0xFFFFC000  }
0x96: {  	_ =	swait.ge [sflag:s26], $0x4000  }
0x97: {  	[sflag:s26] =	ssyncset.done $0x0  }
0x98: {  	[sflag:s26] =	ssyncadd.s32 $0xFFFFC000  }
0x99: {  	_ =	swait.ge [sflag:s26], $0x4000  }
0x9a: {  	[sflag:s26] =	ssyncset.done $0x0  }
0x9b: {  	[sflag:s26] =	ssyncadd.s32 $0xFFFFC000  }
0x9c: {  	_ =	swait.ge [sflag:s26], $0x4000  }
0x9d: {  	[sflag:s26] =	ssyncset.done $0x0  }
0x9e: {  	[sflag:s26] =	ssyncadd.s32 $0xFFFFC000  }
0x9f: {  	_ =	swait.ge [sflag:s26], $0x4000  }
0xa0: {  	[sflag:s26] =	ssyncset.done $0x0  }
0xa1: {  	[sflag:s26] =	ssyncadd.s32 $0xFFFFC000  }
0xa2: {  	_ =	swait.ge [sflag:s26], $0x4000  }
0xa3: {  	[sflag:s26] =	ssyncset.done $0x0  }
0xa4: {  	[sflag:s26] =	ssyncadd.s32 $0xFFFFC000  }
0xa5: {  	_ =	swait.ge [sflag:s26], $0x4000  }
0xa6: {  	[sflag:s26] =	ssyncset.done $0x0  }
0xa7: {  	[sflag:s26] =	ssyncadd.s32 $0xFFFFC000  }
0xa8: {  	_ =	swait.ge [sflag:s26], $0x4000  }
0xa9: {  	[sflag:s26] =	ssyncset.done $0x0  }
0xaa: {  	[sflag:s26] =	ssyncadd.s32 $0xFFFFC000  }
0xab: {  	_ =	swait.ge [sflag:s26], $0x4000  }
0xac: {  	[sflag:s26] =	ssyncset.done $0x0  }
0xad: {  	[sflag:s26] =	ssyncadd.s32 $0xFFFFC000  }
0xae: {  	_ =	swait.ge [sflag:s26], $0x4000  }
0xaf: {  	[sflag:s26] =	ssyncset.done $0x0  }
0xb0: {  	[sflag:s26] =	ssyncadd.s32 $0xFFFFC000  }
0xb1: {  	_ =	swait.ge [sflag:s26], $0x4000  }
0xb2: {  	[sflag:s26] =	ssyncset.done $0x0  }
0xb3: {  	[sflag:s26] =	ssyncadd.s32 $0xFFFFC000  }
0xb4: {  	_ =	swait.ge [sflag:s26], $0x4000  }
0xb5: {  	[sflag:s26] =	ssyncset.done $0x0  }
0xb6: {  	[sflag:s26] =	ssyncadd.s32 $0xFFFFC000  }
0xb7: {  	_ =	swait.ge [sflag:s26], $0x4000  }
0xb8: {  	[sflag:s26] =	ssyncset.done $0x0  }
0xb9: {  	[sflag:s26] =	ssyncadd.s32 $0xFFFFC000  }
0xba: {  	_ =	swait.ge [sflag:s26], $0x4000  }
0xbb: {  	s25 =	sadd.s32 $0x300, s28;
	[sflag:s26] =	ssyncset.done $0x0  }
0xbc: {  	s0 =	simm.s32 $0x2;
	[dreg:$0xb] =	wrdreg s25;
	[sflag:s26] =	ssyncadd.s32 $0xFFFFC000  }
0xbd: {  	[tilespmem:s29], [sflag:$0x3] =	stream.linear.gather [hbm4b:s25+s20], $0x800, $0x38;
	[tilespmem:$0x19000] =	vst v63  }
0xbe: {  	_ =	swait.ge [sflag:s0], $0x800  }
0xbf: {  	[sflag:s0] =	ssyncset.done $0x0  }
0xc0: {  	[sflag:s0] =	ssyncadd.s32 $0xFFFFF800  }
0xc1: {  	[spmem:s2] =	stream.indirect.scatter.add.f32 [tilespmem:s9], [sflag:$0x1], $0x80, s20, s11, $0xb8;
	[tilespmem:$0x19000] =	vst v63  }
0xc2: {  	_ = 	snop  }
0xc3: {  	[spmem:s2] =	stream.indirect.scatter.add.f32 [tilespmem:s9], [sflag:$0x1], $0x80, s11, s11, $0xb8;
	[tilespmem:$0x19000] =	vst v63  }
0xc4: {  	s23 =	simm.s32 $0x100  }
0xc5: {  	[spmem:s2] =	stream.indirect.scatter.add.f32 [tilespmem:s9], [sflag:$0x1], $0x80, s23, s11, $0xb8;
	[tilespmem:$0x19000] =	vst v63  }
0xc6: {  	s23 =	simm.s32 $0x180  }
0xc7: {  	[spmem:s2] =	stream.indirect.scatter.add.f32 [tilespmem:s9], [sflag:$0x1], $0x80, s23, s11, $0xb8;
	[tilespmem:$0x19000] =	vst v63  }
0xc8: {  	s24 =	simm.s32 $0x200  }
0xc9: {  	[spmem:s2] =	stream.indirect.scatter.add.f32 [tilespmem:s9], [sflag:$0x1], $0x80, s24, s11, $0xb8;
	[tilespmem:$0x19000] =	vst v63  }
0xca: {  	s24 =	simm.s32 $0x280  }
0xcb: {  	[spmem:s2] =	stream.indirect.scatter.add.f32 [tilespmem:s9], [sflag:$0x1], $0x80, s24, s11, $0xb8;
	[tilespmem:$0x19000] =	vst v63  }
0xcc: {  	s25 =	simm.s32 $0x300  }
0xcd: {  	[spmem:s2] =	stream.indirect.scatter.add.f32 [tilespmem:s9], [sflag:$0x1], $0x80, s25, s11, $0xb8;
	[tilespmem:$0x19000] =	vst v63  }
0xce: {  	s25 =	simm.s32 $0x380  }
0xcf: {  	[spmem:s2] =	stream.indirect.scatter.add.f32 [tilespmem:s9], [sflag:$0x1], $0x80, s25, s11, $0xb8;
	[tilespmem:$0x19000] =	vst v63  }
0xd0: {  	s22 =	simm.s32 $0x400  }
0xd1: {  	[spmem:s2] =	stream.indirect.scatter.add.f32 [tilespmem:s9], [sflag:$0x1], $0x80, s22, s11, $0xb8;
	[tilespmem:$0x19000] =	vst v63  }
0xd2: {  	s22 =	simm.s32 $0x480  }
0xd3: {  	[spmem:s2] =	stream.indirect.scatter.add.f32 [tilespmem:s9], [sflag:$0x1], $0x80, s22, s11, $0xb8;
	[tilespmem:$0x19000] =	vst v63  }
0xd4: {  	s1 =	simm.s32 $0x500  }
0xd5: {  	[spmem:s2] =	stream.indirect.scatter.add.f32 [tilespmem:s9], [sflag:$0x1], $0x80, s1, s11, $0xb8;
	[tilespmem:$0x19000] =	vst v63  }
0xd6: {  	s3 =	simm.s32 $0x580  }
0xd7: {  	[spmem:s2] =	stream.indirect.scatter.add.f32 [tilespmem:s9], [sflag:$0x1], $0x80, s3, s11, $0xb8;
	[tilespmem:$0x19000] =	vst v63  }
0xd8: {  	s4 =	simm.s32 $0x600  }
0xd9: {  	[spmem:s2] =	stream.indirect.scatter.add.f32 [tilespmem:s9], [sflag:$0x1], $0x80, s4, s11, $0xb8;
	[tilespmem:$0x19000] =	vst v63  }
0xda: {  	s6 =	simm.s32 $0x680  }
0xdb: {  	[spmem:s2] =	stream.indirect.scatter.add.f32 [tilespmem:s9], [sflag:$0x1], $0x80, s6, s11, $0xb8;
	[tilespmem:$0x19000] =	vst v63  }
0xdc: {  	s12 =	simm.s32 $0x700  }
0xdd: {  	[spmem:s2] =	stream.indirect.scatter.add.f32 [tilespmem:s9], [sflag:$0x1], $0x80, s12, s11, $0xb8;
	[tilespmem:$0x19000] =	vst v63  }
0xde: {  	s13 =	simm.s32 $0x780  }
0xdf: {  	[spmem:s2] =	stream.indirect.scatter.add.f32 [tilespmem:s9], [sflag:$0x1], $0x80, s13, s11, $0xb8;
	[tilespmem:$0x19000] =	vst v63  }
0xe0: {  	_ =	swait.ge [sflag:s26], $0x4000  }
0xe1: {  	[sflag:s26] =	ssyncset.done $0x0  }
0xe2: {  	[sflag:s26] =	ssyncadd.s32 $0xFFFFC000  }
0xe3: {  	_ =	swait.ge [sflag:s26], $0x4000  }
0xe4: {  	[sflag:s26] =	ssyncset.done $0x0  }
0xe5: {  	[sflag:s26] =	ssyncadd.s32 $0xFFFFC000  }
0xe6: {  	_ =	swait.ge [sflag:s26], $0x4000  }
0xe7: {  	[sflag:s26] =	ssyncset.done $0x0  }
0xe8: {  	[sflag:s26] =	ssyncadd.s32 $0xFFFFC000  }
0xe9: {  	_ =	swait.ge [sflag:s26], $0x4000  }
0xea: {  	[sflag:s26] =	ssyncset.done $0x0  }
0xeb: {  	[sflag:s26] =	ssyncadd.s32 $0xFFFFC000  }
0xec: {  	_ =	swait.ge [sflag:s26], $0x4000  }
0xed: {  	[sflag:s26] =	ssyncset.done $0x0  }
0xee: {  	[sflag:s26] =	ssyncadd.s32 $0xFFFFC000  }
0xef: {  	_ =	swait.ge [sflag:s26], $0x4000  }
0xf0: {  	[sflag:s26] =	ssyncset.done $0x0  }
0xf1: {  	[sflag:s26] =	ssyncadd.s32 $0xFFFFC000  }
0xf2: {  	_ =	swait.ge [sflag:s26], $0x4000  }
0xf3: {  	[sflag:s26] =	ssyncset.done $0x0  }
0xf4: {  	[sflag:s26] =	ssyncadd.s32 $0xFFFFC000  }
0xf5: {  	_ =	swait.ge [sflag:s26], $0x4000  }
0xf6: {  	[sflag:s26] =	ssyncset.done $0x0  }
0xf7: {  	[sflag:s26] =	ssyncadd.s32 $0xFFFFC000  }
0xf8: {  	_ =	swait.ge [sflag:s26], $0x4000  }
0xf9: {  	[sflag:s26] =	ssyncset.done $0x0  }
0xfa: {  	[sflag:s26] =	ssyncadd.s32 $0xFFFFC000  }
0xfb: {  	_ =	swait.ge [sflag:s26], $0x4000  }
0xfc: {  	[sflag:s26] =	ssyncset.done $0x0  }
0xfd: {  	[sflag:s26] =	ssyncadd.s32 $0xFFFFC000  }
0xfe: {  	_ =	swait.ge [sflag:s26], $0x4000  }
0xff: {  	[sflag:s26] =	ssyncset.done $0x0  }
0x100: {  	[sflag:s26] =	ssyncadd.s32 $0xFFFFC000  }
0x101: {  	_ =	swait.ge [sflag:s26], $0x4000  }
0x102: {  	[sflag:s26] =	ssyncset.done $0x0  }
0x103: {  	[sflag:s26] =	ssyncadd.s32 $0xFFFFC000  }
0x104: {  	_ =	swait.ge [sflag:s26], $0x4000  }
0x105: {  	[sflag:s26] =	ssyncset.done $0x0  }
0x106: {  	[sflag:s26] =	ssyncadd.s32 $0xFFFFC000  }
0x107: {  	_ =	swait.ge [sflag:s26], $0x4000  }
0x108: {  	[sflag:s26] =	ssyncset.done $0x0  }
0x109: {  	[sflag:s26] =	ssyncadd.s32 $0xFFFFC000  }
0x10a: {  	_ =	swait.ge [sflag:s26], $0x4000  }
0x10b: {  	[sflag:s26] =	ssyncset.done $0x0  }
0x10c: {  	[sflag:s26] =	ssyncadd.s32 $0xFFFFC000  }
0x10d: {  	_ =	swait.ge [sflag:s26], $0x4000  }
0x10e: {  	[dreg:$0x7] =	wrdreg s28;
	s28 =	sadd.s32 $0x400, s28;
	[sflag:s26] =	ssyncset.done $0x0  }
0x10f: {  	[dreg:$0xc] =	wrdreg s28;
	[sflag:s26] =	ssyncadd.s32 $0xFFFFC000  }
0x110: {  	[tilespmem:s20], [sflag:$0x2] =	stream.linear.gather [hbm4b:s28+s20], $0x800, $0x38;
	[tilespmem:$0x19000] =	vst v63  }
0x111: {  	_ =	swait.ge [sflag:s5], $0x800  }
0x112: {  	[sflag:s5] =	ssyncset.done $0x0  }
0x113: {  	[sflag:s5] =	ssyncadd.s32 $0xFFFFF800  }
0x114: {  	[spmem:s2] =	stream.indirect.scatter.add.f32 [tilespmem:s9], [sflag:$0x1], $0x80, s29, s11, $0xb8;
	[tilespmem:$0x19000] =	vst v63  }
0x115: {  	s29 =	simm.s32 $0x880  }
0x116: {  	[spmem:s2] =	stream.indirect.scatter.add.f32 [tilespmem:s9], [sflag:$0x1], $0x80, s29, s11, $0xb8;
	[tilespmem:$0x19000] =	vst v63  }
0x117: {  	s28 =	simm.s32 $0x900  }
0x118: {  	[spmem:s2] =	stream.indirect.scatter.add.f32 [tilespmem:s9], [sflag:$0x1], $0x80, s28, s11, $0xb8;
	[tilespmem:$0x19000] =	vst v63  }
0x119: {  	s29 =	simm.s32 $0x980  }
0x11a: {  	[spmem:s2] =	stream.indirect.scatter.add.f32 [tilespmem:s9], [sflag:$0x1], $0x80, s29, s11, $0xb8;
	[tilespmem:$0x19000] =	vst v63  }
0x11b: {  	s28 =	simm.s32 $0xA00  }
0x11c: {  	[spmem:s2] =	stream.indirect.scatter.add.f32 [tilespmem:s9], [sflag:$0x1], $0x80, s28, s11, $0xb8;
	[tilespmem:$0x19000] =	vst v63  }
0x11d: {  	s29 =	simm.s32 $0xA80  }
0x11e: {  	[spmem:s2] =	stream.indirect.scatter.add.f32 [tilespmem:s9], [sflag:$0x1], $0x80, s29, s11, $0xb8;
	[tilespmem:$0x19000] =	vst v63  }
0x11f: {  	s28 =	simm.s32 $0xB00  }
0x120: {  	[spmem:s2] =	stream.indirect.scatter.add.f32 [tilespmem:s9], [sflag:$0x1], $0x80, s28, s11, $0xb8;
	[tilespmem:$0x19000] =	vst v63  }
0x121: {  	s29 =	simm.s32 $0xB80  }
0x122: {  	[spmem:s2] =	stream.indirect.scatter.add.f32 [tilespmem:s9], [sflag:$0x1], $0x80, s29, s11, $0xb8;
	[tilespmem:$0x19000] =	vst v63  }
0x123: {  	_ = 	snop  }
0x124: {  	[spmem:s2] =	stream.indirect.scatter.add.f32 [tilespmem:s9], [sflag:$0x1], $0x80, s31, s11, $0xb8;
	[tilespmem:$0x19000] =	vst v63  }
0x125: {  	_ = 	snop  }
0x126: {  	[spmem:s2] =	stream.indirect.scatter.add.f32 [tilespmem:s9], [sflag:$0x1], $0x80, s21, s11, $0xb8;
	[tilespmem:$0x19000] =	vst v63  }
0x127: {  	_ = 	snop  }
0x128: {  	[spmem:s2] =	stream.indirect.scatter.add.f32 [tilespmem:s9], [sflag:$0x1], $0x80, s19, s11, $0xb8;
	[tilespmem:$0x19000] =	vst v63  }
0x129: {  	_ = 	snop  }
0x12a: {  	[spmem:s2] =	stream.indirect.scatter.add.f32 [tilespmem:s9], [sflag:$0x1], $0x80, s18, s11, $0xb8;
	[tilespmem:$0x19000] =	vst v63  }
0x12b: {  	_ = 	snop  }
0x12c: {  	[spmem:s2] =	stream.indirect.scatter.add.f32 [tilespmem:s9], [sflag:$0x1], $0x80, s17, s11, $0xb8;
	[tilespmem:$0x19000] =	vst v63  }
0x12d: {  	_ = 	snop  }
0x12e: {  	[spmem:s2] =	stream.indirect.scatter.add.f32 [tilespmem:s9], [sflag:$0x1], $0x80, s16, s11, $0xb8;
	[tilespmem:$0x19000] =	vst v63  }
0x12f: {  	_ = 	snop  }
0x130: {  	[spmem:s2] =	stream.indirect.scatter.add.f32 [tilespmem:s9], [sflag:$0x1], $0x80, s15, s11, $0xb8;
	[tilespmem:$0x19000] =	vst v63  }
0x131: {  	_ = 	snop  }
0x132: {  	[spmem:s2] =	stream.indirect.scatter.add.f32 [tilespmem:s9], [sflag:$0x1], $0x80, s14, s11, $0xb8;
	[tilespmem:$0x19000] =	vst v63  }
0x133: {  	_ =	swait.ge [sflag:s26], $0x4000  }
0x134: {  	[sflag:s26] =	ssyncset.done $0x0  }
0x135: {  	[sflag:s26] =	ssyncadd.s32 $0xFFFFC000  }
0x136: {  	_ =	swait.ge [sflag:s26], $0x4000  }
0x137: {  	[sflag:s26] =	ssyncset.done $0x0  }
0x138: {  	[sflag:s26] =	ssyncadd.s32 $0xFFFFC000  }
0x139: {  	_ =	swait.ge [sflag:s26], $0x4000  }
0x13a: {  	[sflag:s26] =	ssyncset.done $0x0  }
0x13b: {  	[sflag:s26] =	ssyncadd.s32 $0xFFFFC000  }
0x13c: {  	_ =	swait.ge [sflag:s26], $0x4000  }
0x13d: {  	[sflag:s26] =	ssyncset.done $0x0  }
0x13e: {  	[sflag:s26] =	ssyncadd.s32 $0xFFFFC000  }
0x13f: {  	_ =	swait.ge [sflag:s26], $0x4000  }
0x140: {  	[sflag:s26] =	ssyncset.done $0x0  }
0x141: {  	[sflag:s26] =	ssyncadd.s32 $0xFFFFC000  }
0x142: {  	_ =	swait.ge [sflag:s26], $0x4000  }
0x143: {  	[sflag:s26] =	ssyncset.done $0x0  }
0x144: {  	[sflag:s26] =	ssyncadd.s32 $0xFFFFC000  }
0x145: {  	_ =	swait.ge [sflag:s26], $0x4000  }
0x146: {  	[sflag:s26] =	ssyncset.done $0x0  }
0x147: {  	[sflag:s26] =	ssyncadd.s32 $0xFFFFC000  }
0x148: {  	_ =	swait.ge [sflag:s26], $0x4000  }
0x149: {  	[sflag:s26] =	ssyncset.done $0x0  }
0x14a: {  	[sflag:s26] =	ssyncadd.s32 $0xFFFFC000  }
0x14b: {  	_ =	swait.ge [sflag:s26], $0x4000  }
0x14c: {  	[sflag:s26] =	ssyncset.done $0x0  }
0x14d: {  	[sflag:s26] =	ssyncadd.s32 $0xFFFFC000  }
0x14e: {  	_ =	swait.ge [sflag:s26], $0x4000  }
0x14f: {  	[sflag:s26] =	ssyncset.done $0x0  }
0x150: {  	[sflag:s26] =	ssyncadd.s32 $0xFFFFC000  }
0x151: {  	_ =	swait.ge [sflag:s26], $0x4000  }
0x152: {  	[sflag:s26] =	ssyncset.done $0x0  }
0x153: {  	[sflag:s26] =	ssyncadd.s32 $0xFFFFC000  }
0x154: {  	_ =	swait.ge [sflag:s26], $0x4000  }
0x155: {  	[sflag:s26] =	ssyncset.done $0x0  }
0x156: {  	[sflag:s26] =	ssyncadd.s32 $0xFFFFC000  }
0x157: {  	_ =	swait.ge [sflag:s26], $0x4000  }
0x158: {  	[sflag:s26] =	ssyncset.done $0x0  }
0x159: {  	[sflag:s26] =	ssyncadd.s32 $0xFFFFC000  }
0x15a: {  	_ =	swait.ge [sflag:s26], $0x4000  }
0x15b: {  	[sflag:s26] =	ssyncset.done $0x0  }
0x15c: {  	[sflag:s26] =	ssyncadd.s32 $0xFFFFC000  }
0x15d: {  	_ =	swait.ge [sflag:s26], $0x4000  }
0x15e: {  	[sflag:s26] =	ssyncset.done $0x0  }
0x15f: {  	[sflag:s26] =	ssyncadd.s32 $0xFFFFC000  }
0x160: {  	_ =	swait.ge [sflag:s26], $0x4000  }
0x161: {  	[sflag:s26] =	ssyncset.done $0x0  }
0x162: {  	[sflag:s26] =	ssyncadd.s32 $0xFFFFC000  }
0x163: {  	_ =	swait.ge [sflag:s0], $0x800  }
0x164: {  	[sflag:s0] =	ssyncset.done $0x0  }
0x165: {  	[sflag:s0] =	ssyncadd.s32 $0xFFFFF800  }
0x166: {  	[spmem:s2] =	stream.indirect.scatter.add.f32 [tilespmem:s9], [sflag:$0x1], $0x80, s20, s11, $0xb8;
	[tilespmem:$0x19000] =	vst v63  }
0x167: {  	_ = 	snop  }
0x168: {  	[spmem:s2] =	stream.indirect.scatter.add.f32 [tilespmem:s9], [sflag:$0x1], $0x80, s11, s11, $0xb8;
	[tilespmem:$0x19000] =	vst v63  }
0x169: {  	s21 =	simm.s32 $0x100  }
0x16a: {  	[spmem:s2] =	stream.indirect.scatter.add.f32 [tilespmem:s9], [sflag:$0x1], $0x80, s21, s11, $0xb8;
	[tilespmem:$0x19000] =	vst v63  }
0x16b: {  	_ = 	snop  }
0x16c: {  	[spmem:s2] =	stream.indirect.scatter.add.f32 [tilespmem:s9], [sflag:$0x1], $0x80, s23, s11, $0xb8;
	[tilespmem:$0x19000] =	vst v63  }
0x16d: {  	s23 =	simm.s32 $0x200  }
0x16e: {  	[spmem:s2] =	stream.indirect.scatter.add.f32 [tilespmem:s9], [sflag:$0x1], $0x80, s23, s11, $0xb8;
	[tilespmem:$0x19000] =	vst v63  }
0x16f: {  	_ = 	snop  }
0x170: {  	[spmem:s2] =	stream.indirect.scatter.add.f32 [tilespmem:s9], [sflag:$0x1], $0x80, s24, s11, $0xb8;
	[tilespmem:$0x19000] =	vst v63  }
0x171: {  	s24 =	simm.s32 $0x300  }
0x172: {  	[spmem:s2] =	stream.indirect.scatter.add.f32 [tilespmem:s9], [sflag:$0x1], $0x80, s24, s11, $0xb8;
	[tilespmem:$0x19000] =	vst v63  }
0x173: {  	_ = 	snop  }
0x174: {  	[spmem:s2] =	stream.indirect.scatter.add.f32 [tilespmem:s9], [sflag:$0x1], $0x80, s25, s11, $0xb8;
	[tilespmem:$0x19000] =	vst v63  }
0x175: {  	s28 =	simm.s32 $0x400  }
0x176: {  	[spmem:s2] =	stream.indirect.scatter.add.f32 [tilespmem:s9], [sflag:$0x1], $0x80, s28, s11, $0xb8;
	[tilespmem:$0x19000] =	vst v63  }
0x177: {  	_ = 	snop  }
0x178: {  	[spmem:s2] =	stream.indirect.scatter.add.f32 [tilespmem:s9], [sflag:$0x1], $0x80, s22, s11, $0xb8;
	[tilespmem:$0x19000] =	vst v63  }
0x179: {  	_ = 	snop  }
0x17a: {  	[spmem:s2] =	stream.indirect.scatter.add.f32 [tilespmem:s9], [sflag:$0x1], $0x80, s1, s11, $0xb8;
	[tilespmem:$0x19000] =	vst v63  }
0x17b: {  	_ = 	snop  }
0x17c: {  	[spmem:s2] =	stream.indirect.scatter.add.f32 [tilespmem:s9], [sflag:$0x1], $0x80, s3, s11, $0xb8;
	[tilespmem:$0x19000] =	vst v63  }
0x17d: {  	_ = 	snop  }
0x17e: {  	[spmem:s2] =	stream.indirect.scatter.add.f32 [tilespmem:s9], [sflag:$0x1], $0x80, s4, s11, $0xb8;
	[tilespmem:$0x19000] =	vst v63  }
0x17f: {  	_ = 	snop  }
0x180: {  	[spmem:s2] =	stream.indirect.scatter.add.f32 [tilespmem:s9], [sflag:$0x1], $0x80, s6, s11, $0xb8;
	[tilespmem:$0x19000] =	vst v63  }
0x181: {  	_ = 	snop  }
0x182: {  	[spmem:s2] =	stream.indirect.scatter.add.f32 [tilespmem:s9], [sflag:$0x1], $0x80, s12, s11, $0xb8;
	[tilespmem:$0x19000] =	vst v63  }
0x183: {  	_ = 	snop  }
0x184: {  	[spmem:s2] =	stream.indirect.scatter.add.f32 [tilespmem:s9], [sflag:$0x1], $0x80, s13, s11, $0xb8;
	[tilespmem:$0x19000] =	vst v63  }
0x185: {  	_ =	swait.ge [sflag:s26], $0x4000  }
0x186: {  	[sflag:s26] =	ssyncset.done $0x0  }
0x187: {  	[sflag:s26] =	ssyncadd.s32 $0xFFFFC000  }
0x188: {  	_ =	swait.ge [sflag:s26], $0x4000  }
0x189: {  	[sflag:s26] =	ssyncset.done $0x0  }
0x18a: {  	[sflag:s26] =	ssyncadd.s32 $0xFFFFC000  }
0x18b: {  	_ =	swait.ge [sflag:s26], $0x4000  }
0x18c: {  	[sflag:s26] =	ssyncset.done $0x0  }
0x18d: {  	[sflag:s26] =	ssyncadd.s32 $0xFFFFC000  }
0x18e: {  	_ =	swait.ge [sflag:s26], $0x4000  }
0x18f: {  	[sflag:s26] =	ssyncset.done $0x0  }
0x190: {  	[sflag:s26] =	ssyncadd.s32 $0xFFFFC000  }
0x191: {  	_ =	swait.ge [sflag:s26], $0x4000  }
0x192: {  	[sflag:s26] =	ssyncset.done $0x0  }
0x193: {  	[sflag:s26] =	ssyncadd.s32 $0xFFFFC000  }
0x194: {  	_ =	swait.ge [sflag:s26], $0x4000  }
0x195: {  	[sflag:s26] =	ssyncset.done $0x0  }
0x196: {  	[sflag:s26] =	ssyncadd.s32 $0xFFFFC000  }
0x197: {  	_ =	swait.ge [sflag:s26], $0x4000  }
0x198: {  	[sflag:s26] =	ssyncset.done $0x0  }
0x199: {  	[sflag:s26] =	ssyncadd.s32 $0xFFFFC000  }
0x19a: {  	_ =	swait.ge [sflag:s26], $0x4000  }
0x19b: {  	[sflag:s26] =	ssyncset.done $0x0  }
0x19c: {  	[sflag:s26] =	ssyncadd.s32 $0xFFFFC000  }
0x19d: {  	_ =	swait.ge [sflag:s26], $0x4000  }
0x19e: {  	[sflag:s26] =	ssyncset.done $0x0  }
0x19f: {  	[sflag:s26] =	ssyncadd.s32 $0xFFFFC000  }
0x1a0: {  	_ =	swait.ge [sflag:s26], $0x4000  }
0x1a1: {  	[sflag:s26] =	ssyncset.done $0x0  }
0x1a2: {  	[sflag:s26] =	ssyncadd.s32 $0xFFFFC000  }
0x1a3: {  	_ =	swait.ge [sflag:s26], $0x4000  }
0x1a4: {  	[sflag:s26] =	ssyncset.done $0x0  }
0x1a5: {  	[sflag:s26] =	ssyncadd.s32 $0xFFFFC000  }
0x1a6: {  	_ =	swait.ge [sflag:s26], $0x4000  }
0x1a7: {  	[sflag:s26] =	ssyncset.done $0x0  }
0x1a8: {  	[sflag:s26] =	ssyncadd.s32 $0xFFFFC000  }
0x1a9: {  	_ =	swait.ge [sflag:s26], $0x4000  }
0x1aa: {  	[sflag:s26] =	ssyncset.done $0x0  }
0x1ab: {  	[sflag:s26] =	ssyncadd.s32 $0xFFFFC000  }
0x1ac: {  	_ =	swait.ge [sflag:s26], $0x4000  }
0x1ad: {  	[sflag:s26] =	ssyncset.done $0x0  }
0x1ae: {  	[sflag:s26] =	ssyncadd.s32 $0xFFFFC000  }
0x1af: {  	_ =	swait.ge [sflag:s26], $0x4000  }
0x1b0: {  	[sflag:s26] =	ssyncset.done $0x0  }
0x1b1: {  	[sflag:s26] =	ssyncadd.s32 $0xFFFFC000  }
0x1b2: {  	s29 =	ssub.s32 $0x2, s30;
	_ =	swait.ge [sflag:s26], $0x4000  }
0x1b3: {  	s30 =	sshrl.u32 s29, $0x1;
	[sflag:s26] =	ssyncset.done $0x0  }
0x1b4: {  	s30 =	ssub.s32 s29, s30;
	[sflag:s26] =	ssyncadd.s32 $0xFFFFC000  }
0x1b5: {  	s30 =	smax.u32 s30, $0x1;
	[bflag:$0x0] =	sbarrier.arrive $0xFFFF  }
0x1b6: {  	p0 =	sne.s32 s30, $0x1;
	s31 =	rddreg [dreg:$0x4]  }
.Ltmp0:
0x1b7: {  	[dreg:$0x9] =	wrdreg s8;
	(pc) =	sbr.rel @!p0 .LBB2_3-.Ltmp0, $4  }
0x1b8: {  	[dreg:$0xa] =	wrdreg s10  }
0x1b9: {  	[hbm:s31], [sflag:s8] =	dma.local [spmem:s10], $0x2800  }
0x1ba: {  	_ =	swait.ge [sflag:s7], $0x2800  }
0x1bb: {  	s30 =	sadd.s32 $0xFFFFFFFF, s30;
	[sflag:s7] =	ssyncset.done $0x0  }
0x1bc: {  	s29 =	simm.s32 $0x800;
	s23 =	simm.s32 $0x600;
	s24 =	simm.s32 $0x680  }
0x1bd: {  	s25 =	simm.s32 $0x700;
	s5 =	simm.s32 $0x3;
	s1 =	simm.s32 $0x900  }
0x1be: {  	s28 =	simm.s32 $0x980;
	s12 =	simm.s32 $0xA80;
	s6 =	simm.s32 $0xB00  }
0x1bf: {  	s3 =	simm.s32 $0xB80;
	s4 =	simm.s32 $0xC00;
	s13 =	simm.s32 $0xC80  }
0x1c0: {  	s14 =	simm.s32 $0xD00;
	s15 =	simm.s32 $0xD80;
	s16 =	simm.s32 $0xE00  }
0x1c1: {  	s17 =	simm.s32 $0xE80;
	s18 =	simm.s32 $0xF00;
	s19 =	simm.s32 $0xF80  }
.LBB2_2:
0x1c2: {  	s0 =	rddreg [dreg:$0x8]  }
0x1c3: {  	s8 =	rddreg [dreg:$0x9]  }
0x1c4: {  	[sflag:s7] =	ssyncadd.s32 $0xFFFFD800;
	s10 =	rddreg [dreg:$0xa]  }
0x1c5: {  	[spmem:s10], [sflag:s8] =	dma.local [hbm:s0], $0x2800  }
0x1c6: {  	_ =	swait.ge [sflag:s7], $0x2800  }
0x1c7: {  	[sflag:s7] =	ssyncset.done $0x0  }
0x1c8: {  	[sflag:s7] =	ssyncadd.s32 $0xFFFFD800  }
0x1c9: {  	[tilespmem:s9], [sflag:$0x4] =	stream.linear.gather [hbm4b:s0+s20], $0x4000, $0x38;
	[tilespmem:$0x19000] =	vst v63  }
0x1ca: {  	_ =	swait.ge [sflag:s7], $0x4000  }
0x1cb: {  	[sflag:s7] =	ssyncset.done $0x0  }
0x1cc: {  	[sflag:s7] =	ssyncadd.s32 $0xFFFFC000  }
0x1cd: {  	[bflag:$0x0] =	sbarrier.arrive $0xFFFF  }
0x1ce: {  	s22 =	rddreg [dreg:$0x7]  }
0x1cf: {  	[tilespmem:s20], [sflag:$0x4] =	stream.linear.gather [hbm4b:s22+s20], $0x800, $0x38;
	[tilespmem:$0x19000] =	vst v63  }
0x1d0: {  	_ =	swait.ge [sflag:s7], $0x800  }
0x1d1: {  	[sflag:s7] =	ssyncset.done $0x0  }
0x1d2: {  	s31 =	rddreg [dreg:$0x5];
	[sflag:s7] =	ssyncadd.s32 $0xFFFFF800  }
0x1d3: {  	[tilespmem:s29], [sflag:$0x3] =	stream.linear.gather [hbm4b:s31+s20], $0x800, $0x38;
	[tilespmem:$0x19000] =	vst v63  }
0x1d4: {  	_ = 	snop  }
0x1d5: {  	[spmem:s2] =	stream.indirect.scatter.add.f32 [tilespmem:s9], [sflag:$0x1], $0x80, s20, s11, $0xb8;
	[tilespmem:$0x19000] =	vst v63  }
0x1d6: {  	_ = 	snop  }
0x1d7: {  	[spmem:s2] =	stream.indirect.scatter.add.f32 [tilespmem:s9], [sflag:$0x1], $0x80, s11, s11, $0xb8;
	[tilespmem:$0x19000] =	vst v63  }
0x1d8: {  	s31 =	simm.s32 $0x100  }
0x1d9: {  	[spmem:s2] =	stream.indirect.scatter.add.f32 [tilespmem:s9], [sflag:$0x1], $0x80, s31, s11, $0xb8;
	[tilespmem:$0x19000] =	vst v63  }
0x1da: {  	s21 =	simm.s32 $0x180  }
0x1db: {  	[spmem:s2] =	stream.indirect.scatter.add.f32 [tilespmem:s9], [sflag:$0x1], $0x80, s21, s11, $0xb8;
	[tilespmem:$0x19000] =	vst v63  }
0x1dc: {  	s31 =	simm.s32 $0x200  }
0x1dd: {  	[spmem:s2] =	stream.indirect.scatter.add.f32 [tilespmem:s9], [sflag:$0x1], $0x80, s31, s11, $0xb8;
	[tilespmem:$0x19000] =	vst v63  }
0x1de: {  	s21 =	simm.s32 $0x280  }
0x1df: {  	[spmem:s2] =	stream.indirect.scatter.add.f32 [tilespmem:s9], [sflag:$0x1], $0x80, s21, s11, $0xb8;
	[tilespmem:$0x19000] =	vst v63  }
0x1e0: {  	s31 =	simm.s32 $0x300  }
0x1e1: {  	[spmem:s2] =	stream.indirect.scatter.add.f32 [tilespmem:s9], [sflag:$0x1], $0x80, s31, s11, $0xb8;
	[tilespmem:$0x19000] =	vst v63  }
0x1e2: {  	s21 =	simm.s32 $0x380  }
0x1e3: {  	[spmem:s2] =	stream.indirect.scatter.add.f32 [tilespmem:s9], [sflag:$0x1], $0x80, s21, s11, $0xb8;
	[tilespmem:$0x19000] =	vst v63  }
0x1e4: {  	s31 =	simm.s32 $0x400  }
0x1e5: {  	[spmem:s2] =	stream.indirect.scatter.add.f32 [tilespmem:s9], [sflag:$0x1], $0x80, s31, s11, $0xb8;
	[tilespmem:$0x19000] =	vst v63  }
0x1e6: {  	s21 =	simm.s32 $0x480  }
0x1e7: {  	[spmem:s2] =	stream.indirect.scatter.add.f32 [tilespmem:s9], [sflag:$0x1], $0x80, s21, s11, $0xb8;
	[tilespmem:$0x19000] =	vst v63  }
0x1e8: {  	s31 =	simm.s32 $0x500  }
0x1e9: {  	[spmem:s2] =	stream.indirect.scatter.add.f32 [tilespmem:s9], [sflag:$0x1], $0x80, s31, s11, $0xb8;
	[tilespmem:$0x19000] =	vst v63  }
0x1ea: {  	s21 =	simm.s32 $0x580  }
0x1eb: {  	[spmem:s2] =	stream.indirect.scatter.add.f32 [tilespmem:s9], [sflag:$0x1], $0x80, s21, s11, $0xb8;
	[tilespmem:$0x19000] =	vst v63  }
0x1ec: {  	_ = 	snop  }
0x1ed: {  	[spmem:s2] =	stream.indirect.scatter.add.f32 [tilespmem:s9], [sflag:$0x1], $0x80, s23, s11, $0xb8;
	[tilespmem:$0x19000] =	vst v63  }
0x1ee: {  	_ = 	snop  }
0x1ef: {  	[spmem:s2] =	stream.indirect.scatter.add.f32 [tilespmem:s9], [sflag:$0x1], $0x80, s24, s11, $0xb8;
	[tilespmem:$0x19000] =	vst v63  }
0x1f0: {  	_ = 	snop  }
0x1f1: {  	[spmem:s2] =	stream.indirect.scatter.add.f32 [tilespmem:s9], [sflag:$0x1], $0x80, s25, s11, $0xb8;
	[tilespmem:$0x19000] =	vst v63  }
0x1f2: {  	s31 =	simm.s32 $0x780  }
0x1f3: {  	[spmem:s2] =	stream.indirect.scatter.add.f32 [tilespmem:s9], [sflag:$0x1], $0x80, s31, s11, $0xb8;
	[tilespmem:$0x19000] =	vst v63  }
0x1f4: {  	_ =	swait.ge [sflag:s26], $0x4000  }
0x1f5: {  	[sflag:s26] =	ssyncset.done $0x0  }
0x1f6: {  	[sflag:s26] =	ssyncadd.s32 $0xFFFFC000  }
0x1f7: {  	_ =	swait.ge [sflag:s26], $0x4000  }
0x1f8: {  	[sflag:s26] =	ssyncset.done $0x0  }
0x1f9: {  	[sflag:s26] =	ssyncadd.s32 $0xFFFFC000  }
0x1fa: {  	_ =	swait.ge [sflag:s26], $0x4000  }
0x1fb: {  	[sflag:s26] =	ssyncset.done $0x0  }
0x1fc: {  	[sflag:s26] =	ssyncadd.s32 $0xFFFFC000  }
0x1fd: {  	_ =	swait.ge [sflag:s26], $0x4000  }
0x1fe: {  	[sflag:s26] =	ssyncset.done $0x0  }
0x1ff: {  	[sflag:s26] =	ssyncadd.s32 $0xFFFFC000  }
0x200: {  	_ =	swait.ge [sflag:s26], $0x4000  }
0x201: {  	[sflag:s26] =	ssyncset.done $0x0  }
0x202: {  	[sflag:s26] =	ssyncadd.s32 $0xFFFFC000  }
0x203: {  	_ =	swait.ge [sflag:s26], $0x4000  }
0x204: {  	[sflag:s26] =	ssyncset.done $0x0  }
0x205: {  	[sflag:s26] =	ssyncadd.s32 $0xFFFFC000  }
0x206: {  	_ =	swait.ge [sflag:s26], $0x4000  }
0x207: {  	[sflag:s26] =	ssyncset.done $0x0  }
0x208: {  	[sflag:s26] =	ssyncadd.s32 $0xFFFFC000  }
0x209: {  	_ =	swait.ge [sflag:s26], $0x4000  }
0x20a: {  	[sflag:s26] =	ssyncset.done $0x0  }
0x20b: {  	[sflag:s26] =	ssyncadd.s32 $0xFFFFC000  }
0x20c: {  	_ =	swait.ge [sflag:s26], $0x4000  }
0x20d: {  	[sflag:s26] =	ssyncset.done $0x0  }
0x20e: {  	[sflag:s26] =	ssyncadd.s32 $0xFFFFC000  }
0x20f: {  	_ =	swait.ge [sflag:s26], $0x4000  }
0x210: {  	[sflag:s26] =	ssyncset.done $0x0  }
0x211: {  	[sflag:s26] =	ssyncadd.s32 $0xFFFFC000  }
0x212: {  	_ =	swait.ge [sflag:s26], $0x4000  }
0x213: {  	[sflag:s26] =	ssyncset.done $0x0  }
0x214: {  	[sflag:s26] =	ssyncadd.s32 $0xFFFFC000  }
0x215: {  	_ =	swait.ge [sflag:s26], $0x4000  }
0x216: {  	[sflag:s26] =	ssyncset.done $0x0  }
0x217: {  	[sflag:s26] =	ssyncadd.s32 $0xFFFFC000  }
0x218: {  	_ =	swait.ge [sflag:s26], $0x4000  }
0x219: {  	[sflag:s26] =	ssyncset.done $0x0  }
0x21a: {  	[sflag:s26] =	ssyncadd.s32 $0xFFFFC000  }
0x21b: {  	_ =	swait.ge [sflag:s26], $0x4000  }
0x21c: {  	[sflag:s26] =	ssyncset.done $0x0  }
0x21d: {  	[sflag:s26] =	ssyncadd.s32 $0xFFFFC000  }
0x21e: {  	_ =	swait.ge [sflag:s26], $0x4000  }
0x21f: {  	[sflag:s26] =	ssyncset.done $0x0  }
0x220: {  	[sflag:s26] =	ssyncadd.s32 $0xFFFFC000  }
0x221: {  	_ =	swait.ge [sflag:s26], $0x4000  }
0x222: {  	[sflag:s26] =	ssyncset.done $0x0  }
0x223: {  	s21 =	rddreg [dreg:$0x6];
	[sflag:s26] =	ssyncadd.s32 $0xFFFFC000  }
0x224: {  	[tilespmem:s20], [sflag:$0x2] =	stream.linear.gather [hbm4b:s21+s20], $0x800, $0x38;
	[tilespmem:$0x19000] =	vst v63  }
0x225: {  	_ =	swait.ge [sflag:s5], $0x800  }
0x226: {  	[sflag:s5] =	ssyncset.done $0x0  }
0x227: {  	[sflag:s5] =	ssyncadd.s32 $0xFFFFF800  }
0x228: {  	[spmem:s2] =	stream.indirect.scatter.add.f32 [tilespmem:s9], [sflag:$0x1], $0x80, s29, s11, $0xb8;
	[tilespmem:$0x19000] =	vst v63  }
0x229: {  	s31 =	simm.s32 $0x880  }
0x22a: {  	[spmem:s2] =	stream.indirect.scatter.add.f32 [tilespmem:s9], [sflag:$0x1], $0x80, s31, s11, $0xb8;
	[tilespmem:$0x19000] =	vst v63  }
0x22b: {  	_ = 	snop  }
0x22c: {  	[spmem:s2] =	stream.indirect.scatter.add.f32 [tilespmem:s9], [sflag:$0x1], $0x80, s1, s11, $0xb8;
	[tilespmem:$0x19000] =	vst v63  }
0x22d: {  	_ = 	snop  }
0x22e: {  	[spmem:s2] =	stream.indirect.scatter.add.f32 [tilespmem:s9], [sflag:$0x1], $0x80, s28, s11, $0xb8;
	[tilespmem:$0x19000] =	vst v63  }
0x22f: {  	s0 =	simm.s32 $0xA00  }
0x230: {  	[spmem:s2] =	stream.indirect.scatter.add.f32 [tilespmem:s9], [sflag:$0x1], $0x80, s0, s11, $0xb8;
	[tilespmem:$0x19000] =	vst v63  }
0x231: {  	_ = 	snop  }
0x232: {  	[spmem:s2] =	stream.indirect.scatter.add.f32 [tilespmem:s9], [sflag:$0x1], $0x80, s12, s11, $0xb8;
	[tilespmem:$0x19000] =	vst v63  }
0x233: {  	_ = 	snop  }
0x234: {  	[spmem:s2] =	stream.indirect.scatter.add.f32 [tilespmem:s9], [sflag:$0x1], $0x80, s6, s11, $0xb8;
	[tilespmem:$0x19000] =	vst v63  }
0x235: {  	_ = 	snop  }
0x236: {  	[spmem:s2] =	stream.indirect.scatter.add.f32 [tilespmem:s9], [sflag:$0x1], $0x80, s3, s11, $0xb8;
	[tilespmem:$0x19000] =	vst v63  }
0x237: {  	_ = 	snop  }
0x238: {  	[spmem:s2] =	stream.indirect.scatter.add.f32 [tilespmem:s9], [sflag:$0x1], $0x80, s4, s11, $0xb8;
	[tilespmem:$0x19000] =	vst v63  }
0x239: {  	_ = 	snop  }
0x23a: {  	[spmem:s2] =	stream.indirect.scatter.add.f32 [tilespmem:s9], [sflag:$0x1], $0x80, s13, s11, $0xb8;
	[tilespmem:$0x19000] =	vst v63  }
0x23b: {  	_ = 	snop  }
0x23c: {  	[spmem:s2] =	stream.indirect.scatter.add.f32 [tilespmem:s9], [sflag:$0x1], $0x80, s14, s11, $0xb8;
	[tilespmem:$0x19000] =	vst v63  }
0x23d: {  	_ = 	snop  }
0x23e: {  	[spmem:s2] =	stream.indirect.scatter.add.f32 [tilespmem:s9], [sflag:$0x1], $0x80, s15, s11, $0xb8;
	[tilespmem:$0x19000] =	vst v63  }
0x23f: {  	_ = 	snop  }
0x240: {  	[spmem:s2] =	stream.indirect.scatter.add.f32 [tilespmem:s9], [sflag:$0x1], $0x80, s16, s11, $0xb8;
	[tilespmem:$0x19000] =	vst v63  }
0x241: {  	_ = 	snop  }
0x242: {  	[spmem:s2] =	stream.indirect.scatter.add.f32 [tilespmem:s9], [sflag:$0x1], $0x80, s17, s11, $0xb8;
	[tilespmem:$0x19000] =	vst v63  }
0x243: {  	_ = 	snop  }
0x244: {  	[spmem:s2] =	stream.indirect.scatter.add.f32 [tilespmem:s9], [sflag:$0x1], $0x80, s18, s11, $0xb8;
	[tilespmem:$0x19000] =	vst v63  }
0x245: {  	_ = 	snop  }
0x246: {  	[spmem:s2] =	stream.indirect.scatter.add.f32 [tilespmem:s9], [sflag:$0x1], $0x80, s19, s11, $0xb8;
	[tilespmem:$0x19000] =	vst v63  }
0x247: {  	_ =	swait.ge [sflag:s26], $0x4000  }
0x248: {  	[sflag:s26] =	ssyncset.done $0x0  }
0x249: {  	[sflag:s26] =	ssyncadd.s32 $0xFFFFC000  }
0x24a: {  	_ =	swait.ge [sflag:s26], $0x4000  }
0x24b: {  	[sflag:s26] =	ssyncset.done $0x0  }
0x24c: {  	[sflag:s26] =	ssyncadd.s32 $0xFFFFC000  }
0x24d: {  	_ =	swait.ge [sflag:s26], $0x4000  }
0x24e: {  	[sflag:s26] =	ssyncset.done $0x0  }
0x24f: {  	[sflag:s26] =	ssyncadd.s32 $0xFFFFC000  }
0x250: {  	_ =	swait.ge [sflag:s26], $0x4000  }
0x251: {  	[sflag:s26] =	ssyncset.done $0x0  }
0x252: {  	[sflag:s26] =	ssyncadd.s32 $0xFFFFC000  }
0x253: {  	_ =	swait.ge [sflag:s26], $0x4000  }
0x254: {  	[sflag:s26] =	ssyncset.done $0x0  }
0x255: {  	[sflag:s26] =	ssyncadd.s32 $0xFFFFC000  }
0x256: {  	_ =	swait.ge [sflag:s26], $0x4000  }
0x257: {  	[sflag:s26] =	ssyncset.done $0x0  }
0x258: {  	[sflag:s26] =	ssyncadd.s32 $0xFFFFC000  }
0x259: {  	_ =	swait.ge [sflag:s26], $0x4000  }
0x25a: {  	[sflag:s26] =	ssyncset.done $0x0  }
0x25b: {  	[sflag:s26] =	ssyncadd.s32 $0xFFFFC000  }
0x25c: {  	_ =	swait.ge [sflag:s26], $0x4000  }
0x25d: {  	[sflag:s26] =	ssyncset.done $0x0  }
0x25e: {  	[sflag:s26] =	ssyncadd.s32 $0xFFFFC000  }
0x25f: {  	_ =	swait.ge [sflag:s26], $0x4000  }
0x260: {  	[sflag:s26] =	ssyncset.done $0x0  }
0x261: {  	[sflag:s26] =	ssyncadd.s32 $0xFFFFC000  }
0x262: {  	_ =	swait.ge [sflag:s26], $0x4000  }
0x263: {  	[sflag:s26] =	ssyncset.done $0x0  }
0x264: {  	[sflag:s26] =	ssyncadd.s32 $0xFFFFC000  }
0x265: {  	_ =	swait.ge [sflag:s26], $0x4000  }
0x266: {  	[sflag:s26] =	ssyncset.done $0x0  }
0x267: {  	[sflag:s26] =	ssyncadd.s32 $0xFFFFC000  }
0x268: {  	_ =	swait.ge [sflag:s26], $0x4000  }
0x269: {  	[sflag:s26] =	ssyncset.done $0x0  }
0x26a: {  	[sflag:s26] =	ssyncadd.s32 $0xFFFFC000  }
0x26b: {  	_ =	swait.ge [sflag:s26], $0x4000  }
0x26c: {  	[sflag:s26] =	ssyncset.done $0x0  }
0x26d: {  	[sflag:s26] =	ssyncadd.s32 $0xFFFFC000  }
0x26e: {  	_ =	swait.ge [sflag:s26], $0x4000  }
0x26f: {  	[sflag:s26] =	ssyncset.done $0x0  }
0x270: {  	[sflag:s26] =	ssyncadd.s32 $0xFFFFC000  }
0x271: {  	_ =	swait.ge [sflag:s26], $0x4000  }
0x272: {  	[sflag:s26] =	ssyncset.done $0x0  }
0x273: {  	[sflag:s26] =	ssyncadd.s32 $0xFFFFC000  }
0x274: {  	_ =	swait.ge [sflag:s26], $0x4000  }
0x275: {  	[sflag:s26] =	ssyncset.done $0x0  }
0x276: {  	s21 =	rddreg [dreg:$0xb];
	[sflag:s26] =	ssyncadd.s32 $0xFFFFC000  }
0x277: {  	[tilespmem:s29], [sflag:$0x3] =	stream.linear.gather [hbm4b:s21+s20], $0x800, $0x38;
	[tilespmem:$0x19000] =	vst v63  }
0x278: {  	s21 =	simm.s32 $0x2  }
0x279: {  	_ =	swait.ge [sflag:s21], $0x800  }
0x27a: {  	[sflag:s21] =	ssyncset.done $0x0  }
0x27b: {  	[sflag:s21] =	ssyncadd.s32 $0xFFFFF800  }
0x27c: {  	[spmem:s2] =	stream.indirect.scatter.add.f32 [tilespmem:s9], [sflag:$0x1], $0x80, s20, s11, $0xb8;
	[tilespmem:$0x19000] =	vst v63  }
0x27d: {  	_ = 	snop  }
0x27e: {  	[spmem:s2] =	stream.indirect.scatter.add.f32 [tilespmem:s9], [sflag:$0x1], $0x80, s11, s11, $0xb8;
	[tilespmem:$0x19000] =	vst v63  }
0x27f: {  	s22 =	simm.s32 $0x100  }
0x280: {  	[spmem:s2] =	stream.indirect.scatter.add.f32 [tilespmem:s9], [sflag:$0x1], $0x80, s22, s11, $0xb8;
	[tilespmem:$0x19000] =	vst v63  }
0x281: {  	s22 =	simm.s32 $0x180  }
0x282: {  	[spmem:s2] =	stream.indirect.scatter.add.f32 [tilespmem:s9], [sflag:$0x1], $0x80, s22, s11, $0xb8;
	[tilespmem:$0x19000] =	vst v63  }
0x283: {  	s22 =	simm.s32 $0x200  }
0x284: {  	[spmem:s2] =	stream.indirect.scatter.add.f32 [tilespmem:s9], [sflag:$0x1], $0x80, s22, s11, $0xb8;
	[tilespmem:$0x19000] =	vst v63  }
0x285: {  	s22 =	simm.s32 $0x280  }
0x286: {  	[spmem:s2] =	stream.indirect.scatter.add.f32 [tilespmem:s9], [sflag:$0x1], $0x80, s22, s11, $0xb8;
	[tilespmem:$0x19000] =	vst v63  }
0x287: {  	s22 =	simm.s32 $0x300  }
0x288: {  	[spmem:s2] =	stream.indirect.scatter.add.f32 [tilespmem:s9], [sflag:$0x1], $0x80, s22, s11, $0xb8;
	[tilespmem:$0x19000] =	vst v63  }
0x289: {  	s22 =	simm.s32 $0x380  }
0x28a: {  	[spmem:s2] =	stream.indirect.scatter.add.f32 [tilespmem:s9], [sflag:$0x1], $0x80, s22, s11, $0xb8;
	[tilespmem:$0x19000] =	vst v63  }
0x28b: {  	s22 =	simm.s32 $0x400  }
0x28c: {  	[spmem:s2] =	stream.indirect.scatter.add.f32 [tilespmem:s9], [sflag:$0x1], $0x80, s22, s11, $0xb8;
	[tilespmem:$0x19000] =	vst v63  }
0x28d: {  	s22 =	simm.s32 $0x480  }
0x28e: {  	[spmem:s2] =	stream.indirect.scatter.add.f32 [tilespmem:s9], [sflag:$0x1], $0x80, s22, s11, $0xb8;
	[tilespmem:$0x19000] =	vst v63  }
0x28f: {  	s22 =	simm.s32 $0x500  }
0x290: {  	[spmem:s2] =	stream.indirect.scatter.add.f32 [tilespmem:s9], [sflag:$0x1], $0x80, s22, s11, $0xb8;
	[tilespmem:$0x19000] =	vst v63  }
0x291: {  	s22 =	simm.s32 $0x580  }
0x292: {  	[spmem:s2] =	stream.indirect.scatter.add.f32 [tilespmem:s9], [sflag:$0x1], $0x80, s22, s11, $0xb8;
	[tilespmem:$0x19000] =	vst v63  }
0x293: {  	_ = 	snop  }
0x294: {  	[spmem:s2] =	stream.indirect.scatter.add.f32 [tilespmem:s9], [sflag:$0x1], $0x80, s23, s11, $0xb8;
	[tilespmem:$0x19000] =	vst v63  }
0x295: {  	_ = 	snop  }
0x296: {  	[spmem:s2] =	stream.indirect.scatter.add.f32 [tilespmem:s9], [sflag:$0x1], $0x80, s24, s11, $0xb8;
	[tilespmem:$0x19000] =	vst v63  }
0x297: {  	_ = 	snop  }
0x298: {  	[spmem:s2] =	stream.indirect.scatter.add.f32 [tilespmem:s9], [sflag:$0x1], $0x80, s25, s11, $0xb8;
	[tilespmem:$0x19000] =	vst v63  }
0x299: {  	s22 =	simm.s32 $0x780  }
0x29a: {  	[spmem:s2] =	stream.indirect.scatter.add.f32 [tilespmem:s9], [sflag:$0x1], $0x80, s22, s11, $0xb8;
	[tilespmem:$0x19000] =	vst v63  }
0x29b: {  	_ =	swait.ge [sflag:s26], $0x4000  }
0x29c: {  	[sflag:s26] =	ssyncset.done $0x0  }
0x29d: {  	[sflag:s26] =	ssyncadd.s32 $0xFFFFC000  }
0x29e: {  	_ =	swait.ge [sflag:s26], $0x4000  }
0x29f: {  	[sflag:s26] =	ssyncset.done $0x0  }
0x2a0: {  	[sflag:s26] =	ssyncadd.s32 $0xFFFFC000  }
0x2a1: {  	_ =	swait.ge [sflag:s26], $0x4000  }
0x2a2: {  	[sflag:s26] =	ssyncset.done $0x0  }
0x2a3: {  	[sflag:s26] =	ssyncadd.s32 $0xFFFFC000  }
0x2a4: {  	_ =	swait.ge [sflag:s26], $0x4000  }
0x2a5: {  	[sflag:s26] =	ssyncset.done $0x0  }
0x2a6: {  	[sflag:s26] =	ssyncadd.s32 $0xFFFFC000  }
0x2a7: {  	_ =	swait.ge [sflag:s26], $0x4000  }
0x2a8: {  	[sflag:s26] =	ssyncset.done $0x0  }
0x2a9: {  	[sflag:s26] =	ssyncadd.s32 $0xFFFFC000  }
0x2aa: {  	_ =	swait.ge [sflag:s26], $0x4000  }
0x2ab: {  	[sflag:s26] =	ssyncset.done $0x0  }
0x2ac: {  	[sflag:s26] =	ssyncadd.s32 $0xFFFFC000  }
0x2ad: {  	_ =	swait.ge [sflag:s26], $0x4000  }
0x2ae: {  	[sflag:s26] =	ssyncset.done $0x0  }
0x2af: {  	[sflag:s26] =	ssyncadd.s32 $0xFFFFC000  }
0x2b0: {  	_ =	swait.ge [sflag:s26], $0x4000  }
0x2b1: {  	[sflag:s26] =	ssyncset.done $0x0  }
0x2b2: {  	[sflag:s26] =	ssyncadd.s32 $0xFFFFC000  }
0x2b3: {  	_ =	swait.ge [sflag:s26], $0x4000  }
0x2b4: {  	[sflag:s26] =	ssyncset.done $0x0  }
0x2b5: {  	[sflag:s26] =	ssyncadd.s32 $0xFFFFC000  }
0x2b6: {  	_ =	swait.ge [sflag:s26], $0x4000  }
0x2b7: {  	[sflag:s26] =	ssyncset.done $0x0  }
0x2b8: {  	[sflag:s26] =	ssyncadd.s32 $0xFFFFC000  }
0x2b9: {  	_ =	swait.ge [sflag:s26], $0x4000  }
0x2ba: {  	[sflag:s26] =	ssyncset.done $0x0  }
0x2bb: {  	[sflag:s26] =	ssyncadd.s32 $0xFFFFC000  }
0x2bc: {  	_ =	swait.ge [sflag:s26], $0x4000  }
0x2bd: {  	[sflag:s26] =	ssyncset.done $0x0  }
0x2be: {  	[sflag:s26] =	ssyncadd.s32 $0xFFFFC000  }
0x2bf: {  	_ =	swait.ge [sflag:s26], $0x4000  }
0x2c0: {  	[sflag:s26] =	ssyncset.done $0x0  }
0x2c1: {  	[sflag:s26] =	ssyncadd.s32 $0xFFFFC000  }
0x2c2: {  	_ =	swait.ge [sflag:s26], $0x4000  }
0x2c3: {  	[sflag:s26] =	ssyncset.done $0x0  }
0x2c4: {  	[sflag:s26] =	ssyncadd.s32 $0xFFFFC000  }
0x2c5: {  	_ =	swait.ge [sflag:s26], $0x4000  }
0x2c6: {  	[sflag:s26] =	ssyncset.done $0x0  }
0x2c7: {  	[sflag:s26] =	ssyncadd.s32 $0xFFFFC000  }
0x2c8: {  	_ =	swait.ge [sflag:s26], $0x4000  }
0x2c9: {  	[sflag:s26] =	ssyncset.done $0x0  }
0x2ca: {  	s22 =	rddreg [dreg:$0xc];
	[sflag:s26] =	ssyncadd.s32 $0xFFFFC000  }
0x2cb: {  	[tilespmem:s20], [sflag:$0x2] =	stream.linear.gather [hbm4b:s22+s20], $0x800, $0x38;
	[tilespmem:$0x19000] =	vst v63  }
0x2cc: {  	_ =	swait.ge [sflag:s5], $0x800  }
0x2cd: {  	[sflag:s5] =	ssyncset.done $0x0  }
0x2ce: {  	[sflag:s5] =	ssyncadd.s32 $0xFFFFF800  }
0x2cf: {  	[spmem:s2] =	stream.indirect.scatter.add.f32 [tilespmem:s9], [sflag:$0x1], $0x80, s29, s11, $0xb8;
	[tilespmem:$0x19000] =	vst v63  }
0x2d0: {  	_ = 	snop  }
0x2d1: {  	[spmem:s2] =	stream.indirect.scatter.add.f32 [tilespmem:s9], [sflag:$0x1], $0x80, s31, s11, $0xb8;
	[tilespmem:$0x19000] =	vst v63  }
0x2d2: {  	_ = 	snop  }
0x2d3: {  	[spmem:s2] =	stream.indirect.scatter.add.f32 [tilespmem:s9], [sflag:$0x1], $0x80, s1, s11, $0xb8;
	[tilespmem:$0x19000] =	vst v63  }
0x2d4: {  	_ = 	snop  }
0x2d5: {  	[spmem:s2] =	stream.indirect.scatter.add.f32 [tilespmem:s9], [sflag:$0x1], $0x80, s28, s11, $0xb8;
	[tilespmem:$0x19000] =	vst v63  }
0x2d6: {  	_ = 	snop  }
0x2d7: {  	[spmem:s2] =	stream.indirect.scatter.add.f32 [tilespmem:s9], [sflag:$0x1], $0x80, s0, s11, $0xb8;
	[tilespmem:$0x19000] =	vst v63  }
0x2d8: {  	_ = 	snop  }
0x2d9: {  	[spmem:s2] =	stream.indirect.scatter.add.f32 [tilespmem:s9], [sflag:$0x1], $0x80, s12, s11, $0xb8;
	[tilespmem:$0x19000] =	vst v63  }
0x2da: {  	_ = 	snop  }
0x2db: {  	[spmem:s2] =	stream.indirect.scatter.add.f32 [tilespmem:s9], [sflag:$0x1], $0x80, s6, s11, $0xb8;
	[tilespmem:$0x19000] =	vst v63  }
0x2dc: {  	_ = 	snop  }
0x2dd: {  	[spmem:s2] =	stream.indirect.scatter.add.f32 [tilespmem:s9], [sflag:$0x1], $0x80, s3, s11, $0xb8;
	[tilespmem:$0x19000] =	vst v63  }
0x2de: {  	_ = 	snop  }
0x2df: {  	[spmem:s2] =	stream.indirect.scatter.add.f32 [tilespmem:s9], [sflag:$0x1], $0x80, s4, s11, $0xb8;
	[tilespmem:$0x19000] =	vst v63  }
0x2e0: {  	_ = 	snop  }
0x2e1: {  	[spmem:s2] =	stream.indirect.scatter.add.f32 [tilespmem:s9], [sflag:$0x1], $0x80, s13, s11, $0xb8;
	[tilespmem:$0x19000] =	vst v63  }
0x2e2: {  	_ = 	snop  }
0x2e3: {  	[spmem:s2] =	stream.indirect.scatter.add.f32 [tilespmem:s9], [sflag:$0x1], $0x80, s14, s11, $0xb8;
	[tilespmem:$0x19000] =	vst v63  }
0x2e4: {  	_ = 	snop  }
0x2e5: {  	[spmem:s2] =	stream.indirect.scatter.add.f32 [tilespmem:s9], [sflag:$0x1], $0x80, s15, s11, $0xb8;
	[tilespmem:$0x19000] =	vst v63  }
0x2e6: {  	_ = 	snop  }
0x2e7: {  	[spmem:s2] =	stream.indirect.scatter.add.f32 [tilespmem:s9], [sflag:$0x1], $0x80, s16, s11, $0xb8;
	[tilespmem:$0x19000] =	vst v63  }
0x2e8: {  	_ = 	snop  }
0x2e9: {  	[spmem:s2] =	stream.indirect.scatter.add.f32 [tilespmem:s9], [sflag:$0x1], $0x80, s17, s11, $0xb8;
	[tilespmem:$0x19000] =	vst v63  }
0x2ea: {  	_ = 	snop  }
0x2eb: {  	[spmem:s2] =	stream.indirect.scatter.add.f32 [tilespmem:s9], [sflag:$0x1], $0x80, s18, s11, $0xb8;
	[tilespmem:$0x19000] =	vst v63  }
0x2ec: {  	_ = 	snop  }
0x2ed: {  	[spmem:s2] =	stream.indirect.scatter.add.f32 [tilespmem:s9], [sflag:$0x1], $0x80, s19, s11, $0xb8;
	[tilespmem:$0x19000] =	vst v63  }
0x2ee: {  	_ =	swait.ge [sflag:s26], $0x4000  }
0x2ef: {  	[sflag:s26] =	ssyncset.done $0x0  }
0x2f0: {  	[sflag:s26] =	ssyncadd.s32 $0xFFFFC000  }
0x2f1: {  	_ =	swait.ge [sflag:s26], $0x4000  }
0x2f2: {  	[sflag:s26] =	ssyncset.done $0x0  }
0x2f3: {  	[sflag:s26] =	ssyncadd.s32 $0xFFFFC000  }
0x2f4: {  	_ =	swait.ge [sflag:s26], $0x4000  }
0x2f5: {  	[sflag:s26] =	ssyncset.done $0x0  }
0x2f6: {  	[sflag:s26] =	ssyncadd.s32 $0xFFFFC000  }
0x2f7: {  	_ =	swait.ge [sflag:s26], $0x4000  }
0x2f8: {  	[sflag:s26] =	ssyncset.done $0x0  }
0x2f9: {  	[sflag:s26] =	ssyncadd.s32 $0xFFFFC000  }
0x2fa: {  	_ =	swait.ge [sflag:s26], $0x4000  }
0x2fb: {  	[sflag:s26] =	ssyncset.done $0x0  }
0x2fc: {  	[sflag:s26] =	ssyncadd.s32 $0xFFFFC000  }
0x2fd: {  	_ =	swait.ge [sflag:s26], $0x4000  }
0x2fe: {  	[sflag:s26] =	ssyncset.done $0x0  }
0x2ff: {  	[sflag:s26] =	ssyncadd.s32 $0xFFFFC000  }
0x300: {  	_ =	swait.ge [sflag:s26], $0x4000  }
0x301: {  	[sflag:s26] =	ssyncset.done $0x0  }
0x302: {  	[sflag:s26] =	ssyncadd.s32 $0xFFFFC000  }
0x303: {  	_ =	swait.ge [sflag:s26], $0x4000  }
0x304: {  	[sflag:s26] =	ssyncset.done $0x0  }
0x305: {  	[sflag:s26] =	ssyncadd.s32 $0xFFFFC000  }
0x306: {  	_ =	swait.ge [sflag:s26], $0x4000  }
0x307: {  	[sflag:s26] =	ssyncset.done $0x0  }
0x308: {  	[sflag:s26] =	ssyncadd.s32 $0xFFFFC000  }
0x309: {  	_ =	swait.ge [sflag:s26], $0x4000  }
0x30a: {  	[sflag:s26] =	ssyncset.done $0x0  }
0x30b: {  	[sflag:s26] =	ssyncadd.s32 $0xFFFFC000  }
0x30c: {  	_ =	swait.ge [sflag:s26], $0x4000  }
0x30d: {  	[sflag:s26] =	ssyncset.done $0x0  }
0x30e: {  	[sflag:s26] =	ssyncadd.s32 $0xFFFFC000  }
0x30f: {  	_ =	swait.ge [sflag:s26], $0x4000  }
0x310: {  	[sflag:s26] =	ssyncset.done $0x0  }
0x311: {  	[sflag:s26] =	ssyncadd.s32 $0xFFFFC000  }
0x312: {  	_ =	swait.ge [sflag:s26], $0x4000  }
0x313: {  	[sflag:s26] =	ssyncset.done $0x0  }
0x314: {  	[sflag:s26] =	ssyncadd.s32 $0xFFFFC000  }
0x315: {  	_ =	swait.ge [sflag:s26], $0x4000  }
0x316: {  	[sflag:s26] =	ssyncset.done $0x0  }
0x317: {  	[sflag:s26] =	ssyncadd.s32 $0xFFFFC000  }
0x318: {  	_ =	swait.ge [sflag:s26], $0x4000  }
0x319: {  	[sflag:s26] =	ssyncset.done $0x0  }
0x31a: {  	[sflag:s26] =	ssyncadd.s32 $0xFFFFC000  }
0x31b: {  	_ =	swait.ge [sflag:s26], $0x4000  }
0x31c: {  	[sflag:s26] =	ssyncset.done $0x0  }
0x31d: {  	[sflag:s26] =	ssyncadd.s32 $0xFFFFC000  }
0x31e: {  	_ =	swait.ge [sflag:s21], $0x800  }
0x31f: {  	[sflag:s21] =	ssyncset.done $0x0  }
0x320: {  	[sflag:s21] =	ssyncadd.s32 $0xFFFFF800  }
0x321: {  	[spmem:s2] =	stream.indirect.scatter.add.f32 [tilespmem:s9], [sflag:$0x1], $0x80, s20, s11, $0xb8;
	[tilespmem:$0x19000] =	vst v63  }
0x322: {  	_ = 	snop  }
0x323: {  	[spmem:s2] =	stream.indirect.scatter.add.f32 [tilespmem:s9], [sflag:$0x1], $0x80, s11, s11, $0xb8;
	[tilespmem:$0x19000] =	vst v63  }
0x324: {  	s31 =	simm.s32 $0x100  }
0x325: {  	[spmem:s2] =	stream.indirect.scatter.add.f32 [tilespmem:s9], [sflag:$0x1], $0x80, s31, s11, $0xb8;
	[tilespmem:$0x19000] =	vst v63  }
0x326: {  	s21 =	simm.s32 $0x180  }
0x327: {  	[spmem:s2] =	stream.indirect.scatter.add.f32 [tilespmem:s9], [sflag:$0x1], $0x80, s21, s11, $0xb8;
	[tilespmem:$0x19000] =	vst v63  }
0x328: {  	s22 =	simm.s32 $0x200  }
0x329: {  	[spmem:s2] =	stream.indirect.scatter.add.f32 [tilespmem:s9], [sflag:$0x1], $0x80, s22, s11, $0xb8;
	[tilespmem:$0x19000] =	vst v63  }
0x32a: {  	s31 =	simm.s32 $0x280  }
0x32b: {  	[spmem:s2] =	stream.indirect.scatter.add.f32 [tilespmem:s9], [sflag:$0x1], $0x80, s31, s11, $0xb8;
	[tilespmem:$0x19000] =	vst v63  }
0x32c: {  	s21 =	simm.s32 $0x300  }
0x32d: {  	[spmem:s2] =	stream.indirect.scatter.add.f32 [tilespmem:s9], [sflag:$0x1], $0x80, s21, s11, $0xb8;
	[tilespmem:$0x19000] =	vst v63  }
0x32e: {  	s22 =	simm.s32 $0x380  }
0x32f: {  	[spmem:s2] =	stream.indirect.scatter.add.f32 [tilespmem:s9], [sflag:$0x1], $0x80, s22, s11, $0xb8;
	[tilespmem:$0x19000] =	vst v63  }
0x330: {  	s31 =	simm.s32 $0x400  }
0x331: {  	[spmem:s2] =	stream.indirect.scatter.add.f32 [tilespmem:s9], [sflag:$0x1], $0x80, s31, s11, $0xb8;
	[tilespmem:$0x19000] =	vst v63  }
0x332: {  	s21 =	simm.s32 $0x480  }
0x333: {  	[spmem:s2] =	stream.indirect.scatter.add.f32 [tilespmem:s9], [sflag:$0x1], $0x80, s21, s11, $0xb8;
	[tilespmem:$0x19000] =	vst v63  }
0x334: {  	s22 =	simm.s32 $0x500  }
0x335: {  	[spmem:s2] =	stream.indirect.scatter.add.f32 [tilespmem:s9], [sflag:$0x1], $0x80, s22, s11, $0xb8;
	[tilespmem:$0x19000] =	vst v63  }
0x336: {  	s31 =	simm.s32 $0x580  }
0x337: {  	[spmem:s2] =	stream.indirect.scatter.add.f32 [tilespmem:s9], [sflag:$0x1], $0x80, s31, s11, $0xb8;
	[tilespmem:$0x19000] =	vst v63  }
0x338: {  	_ = 	snop  }
0x339: {  	[spmem:s2] =	stream.indirect.scatter.add.f32 [tilespmem:s9], [sflag:$0x1], $0x80, s23, s11, $0xb8;
	[tilespmem:$0x19000] =	vst v63  }
0x33a: {  	_ = 	snop  }
0x33b: {  	[spmem:s2] =	stream.indirect.scatter.add.f32 [tilespmem:s9], [sflag:$0x1], $0x80, s24, s11, $0xb8;
	[tilespmem:$0x19000] =	vst v63  }
0x33c: {  	_ = 	snop  }
0x33d: {  	[spmem:s2] =	stream.indirect.scatter.add.f32 [tilespmem:s9], [sflag:$0x1], $0x80, s25, s11, $0xb8;
	[tilespmem:$0x19000] =	vst v63  }
0x33e: {  	s21 =	simm.s32 $0x780  }
0x33f: {  	[spmem:s2] =	stream.indirect.scatter.add.f32 [tilespmem:s9], [sflag:$0x1], $0x80, s21, s11, $0xb8;
	[tilespmem:$0x19000] =	vst v63  }
0x340: {  	_ =	swait.ge [sflag:s26], $0x4000  }
0x341: {  	[sflag:s26] =	ssyncset.done $0x0  }
0x342: {  	[sflag:s26] =	ssyncadd.s32 $0xFFFFC000  }
0x343: {  	_ =	swait.ge [sflag:s26], $0x4000  }
0x344: {  	[sflag:s26] =	ssyncset.done $0x0  }
0x345: {  	[sflag:s26] =	ssyncadd.s32 $0xFFFFC000  }
0x346: {  	_ =	swait.ge [sflag:s26], $0x4000  }
0x347: {  	[sflag:s26] =	ssyncset.done $0x0  }
0x348: {  	[sflag:s26] =	ssyncadd.s32 $0xFFFFC000  }
0x349: {  	_ =	swait.ge [sflag:s26], $0x4000  }
0x34a: {  	[sflag:s26] =	ssyncset.done $0x0  }
0x34b: {  	[sflag:s26] =	ssyncadd.s32 $0xFFFFC000  }
0x34c: {  	_ =	swait.ge [sflag:s26], $0x4000  }
0x34d: {  	[sflag:s26] =	ssyncset.done $0x0  }
0x34e: {  	[sflag:s26] =	ssyncadd.s32 $0xFFFFC000  }
0x34f: {  	_ =	swait.ge [sflag:s26], $0x4000  }
0x350: {  	[sflag:s26] =	ssyncset.done $0x0  }
0x351: {  	[sflag:s26] =	ssyncadd.s32 $0xFFFFC000  }
0x352: {  	_ =	swait.ge [sflag:s26], $0x4000  }
0x353: {  	[sflag:s26] =	ssyncset.done $0x0  }
0x354: {  	[sflag:s26] =	ssyncadd.s32 $0xFFFFC000  }
0x355: {  	_ =	swait.ge [sflag:s26], $0x4000  }
0x356: {  	[sflag:s26] =	ssyncset.done $0x0  }
0x357: {  	[sflag:s26] =	ssyncadd.s32 $0xFFFFC000  }
0x358: {  	_ =	swait.ge [sflag:s26], $0x4000  }
0x359: {  	[sflag:s26] =	ssyncset.done $0x0  }
0x35a: {  	[sflag:s26] =	ssyncadd.s32 $0xFFFFC000  }
0x35b: {  	_ =	swait.ge [sflag:s26], $0x4000  }
0x35c: {  	[sflag:s26] =	ssyncset.done $0x0  }
0x35d: {  	[sflag:s26] =	ssyncadd.s32 $0xFFFFC000  }
0x35e: {  	_ =	swait.ge [sflag:s26], $0x4000  }
0x35f: {  	[sflag:s26] =	ssyncset.done $0x0  }
0x360: {  	[sflag:s26] =	ssyncadd.s32 $0xFFFFC000  }
0x361: {  	_ =	swait.ge [sflag:s26], $0x4000  }
0x362: {  	[sflag:s26] =	ssyncset.done $0x0  }
0x363: {  	[sflag:s26] =	ssyncadd.s32 $0xFFFFC000  }
0x364: {  	_ =	swait.ge [sflag:s26], $0x4000  }
0x365: {  	[sflag:s26] =	ssyncset.done $0x0  }
0x366: {  	[sflag:s26] =	ssyncadd.s32 $0xFFFFC000  }
0x367: {  	_ =	swait.ge [sflag:s26], $0x4000  }
0x368: {  	[sflag:s26] =	ssyncset.done $0x0  }
0x369: {  	[sflag:s26] =	ssyncadd.s32 $0xFFFFC000  }
0x36a: {  	_ =	swait.ge [sflag:s26], $0x4000  }
0x36b: {  	[sflag:s26] =	ssyncset.done $0x0  }
0x36c: {  	[sflag:s26] =	ssyncadd.s32 $0xFFFFC000  }
0x36d: {  	_ =	swait.ge [sflag:s26], $0x4000  }
0x36e: {  	[sflag:s26] =	ssyncset.done $0x0  }
0x36f: {  	p0 =	sne.s32 s30, $0x1;
	[sflag:s26] =	ssyncadd.s32 $0xFFFFC000  }
.Ltmp1:
0x370: {  	[bflag:$0x0] =	sbarrier.arrive $0xFFFF;
	(pc) =	sbr.rel @p0 .LBB2_2-.Ltmp1, $4  }
0x371: {  	s22 =	rddreg [dreg:$0x4]  }
0x372: {  	[hbm:s22], [sflag:s8] =	dma.local [spmem:s10], $0x2800  }
0x373: {  	_ =	swait.ge [sflag:s7], $0x2800  }
0x374: {  	s30 =	sadd.s32 $0xFFFFFFFF, s30;
	[sflag:s7] =	ssyncset.done $0x0  }
.LBB2_3:
0x375: {  	[sflag:s7] =	ssyncadd.s32 $0xFFFFD800  }
0x376: {  	_ =	sfence.sel $0x180000  }
0x377: {  	[bflag:$0x0] =	sbarrier.arrive $0xFFFF  }
0x378: {  	_ =	strace $0x90000047  }
0x379: {  	s0 =	stileid.u32;
	[bflag:$0x2] =	sbarrier.arrive $0xFFFF  }
0x37a: {  	p0 =	sne.s32 s0, $0x0;
	s0 =	rddreg [dreg:$0x3]  }
0x37b: {  	s0 =	sadd.s32 @!p0 $0x100000, s0  }
0x37c: {  	[sflag:s0] =	ssyncadd.tile.s32 @!p0 $0x1;
	_ =	shalt  }
.Lfunc_end2:
_tile_overlayer_lowered:
.L_overlay_start_2:
0x37d: {  	(tag) =	ssettag $0x2  }
0x37e: {  	s0 =	rddreg [dreg:$0x0];
	s2 =	stileid.u32  }
0x37f: {  	s1 =	rddreg [dreg:$0x1];
	p0 =	sne.s32 s2, $0x0  }
0x380: {  	s3 =	rddreg [dreg:$0x2];
	[bflag:$0x3] =	sbarrier.arrive $0xFFFF;
	s2 =	simm.s32 @!p0 $0x1C04  }
0x381: {  	[timem:s3], [sflag:s2] =	dma.local @!p0 [hbm:s0], s1  }
0x382: {  	s0 =	simm.s32 @!p0 $0x4  }
0x383: {  	_ =	swait.ge @!p0 [sflag:s0], s1  }
0x384: {  	s1 =	ssub.s32 @!p0 $0x0, s1;
	[sflag:s0] =	ssyncset.done @!p0 $0x0  }
0x385: {  	[sflag:s0] =	ssyncadd.s32 @!p0 s1  }
0x386: {  	[bflag:$0x3] =	sbarrier.arrive $0xFFFF  }
0x387: {  	_ =	shalt  }

// kernel: _run.13.cloned.1.call-start
scs
__scs_entry_jumppad:
0x0: {  	(pc) =	sbr.rel $0x88, $3  }
0x1: {  	(tag) =	ssettag $0x0;
	lr =	simm.s32 $0x1  }
0x2: {  	[smem:$0x3F94] =	sst lr;
	_ =	strace $0xD0000000  }
0x3: {  	_ = 	snop  }
0x4: {  	_ = 	snop  }
0x5: {  	_ = 	snop  }
0x6: {  	_ = 	snop  }
0x7: {  	_ = 	snop  }
__scs_overlays_trampoline_lowered:
0x8: {  	[smem:$0x3FA3] =	sst s0  }
0x9: {  	[smem:$0x3FA4] =	sst s1  }
0xa: {  	[smem:$0x3FA5] =	sst s2  }
0xb: {  	[smem:$0x3FA6] =	sst s3  }
0xc: {  	[smem:$0x3FA7] =	sst s4  }
0xd: {  	[smem:$0x3FA8] =	sst s5  }
0xe: {  	[smem:$0x3FA9] =	sst s6  }
0xf: {  	[smem:$0x3FAA] =	sst s7  }
0x10: {  	[smem:$0x3FAB] =	sst s8  }
0x11: {  	[smem:$0x3FAC] =	sst s9;
	s0 =	simm.s32 @!p0 $0x0  }
0x12: {  	s1 =	sld [smem:$0x3F92];
	s0 =	simm.s32 @p0 $0x1  }
0x13: {  	[smem:$0x3FAD] =	sst s0;
	s0 =	simm.s32 @!p1 $0x0  }
0x14: {  	s2 =	sld [smem:$0x3F91];
	s0 =	simm.s32 @p1 $0x1  }
0x15: {  	[smem:$0x3FAE] =	sst s0;
	s0 =	simm.s32 @!p2 $0x0  }
0x16: {  	s3 =	sld [smem:$0x3FDB];
	s0 =	simm.s32 @p2 $0x1  }
0x17: {  	s4 =	simm.s32 $0x1BF5;
	[smem:$0x3FB0] =	sst s0  }
0x18: {  	s0 =	sld [smem:$0x3F93];
	_ =	swait.ge [sflag:s4], $0x0  }
0x19: {  	s7 =	sld [smem:$0x3F94]  }
0x1a: {  	s8 =	sadd.s32 $0xFFFFE003, lr  }
0x1b: {  	s9 =	sadd.s32 $0xFFFFFEF7, lr;
	s5 =	simm.s32 $0xFFFFFFFF;
	p2 =	slt.u32 s8, $0xFFFFF086  }
0x1c: {  	p1 =	slt.u32 s9, $0xF7A;
	s5 =	simm.s32 @!p2 $0x0  }
0x1d: {  	s5 =	simm.s32 @p1 $0x1;
	p0 =	seq.s32 s7, s2  }
0x1e: {  	s7 =	smul.u32 @!p0 $0xF7A, s2;
	p2 =	seq.s32 @!p0 s5, $0x0  }
0x1f: {  	s9 =	smul.u32 $0xF7A, s1;
	s8 =	simm.s32 @!p0 $0x1BF5;
	p2 =	por !p2, p0  }
0x20: {  	[sflag:s8] =	ssyncset.s32 @!p0 $0xFFFFF086;
	s6 =	sadd.s32 @!p0 s3, s7;
	s7 =	simm.s32 @!p0 $0x108  }
0x21: {  	s3 =	sadd.s32 s3, s9;
	s6 =	sadd.s32 @!p0 $0x88, s6;
	s7 =	simm.s32 @p2 $0x1082  }
0x22: {  	[simem:s7], [sflag:s8] =	dma.local @!p0 [hbm:s6], $0xF7A  }
0x23: {  	s9 =	sor.u32 $0xD0000000, s2;
	s6 =	simm.s32 $0x108;
	_ =	swait.ge @!p0 [sflag:s8], $0x0  }
0x24: {  	s3 =	sadd.s32 $0x88, s3;
	s6 =	simm.s32 @!p1 $0x1082;
	[sflag:s4] =	ssyncset.s32 $0xFFFFF086  }
0x25: {  	[simem:s6], [sflag:s4] =	dma.local [hbm:s3], $0xF7A  }
0x26: {  	[smem:$0x3F94] =	sst s1;
	(tag) =	ssettag s2;
	_ =	strace s9  }
0x27: {  	s1 =	sld [smem:$0x3FA4]  }
0x28: {  	s2 =	sld [smem:$0x3FA5]  }
0x29: {  	s4 =	sld [smem:$0x3FA7]  }
0x2a: {  	p0 =	seq.s32 s5, $0x0;
	s5 =	sld [smem:$0x3FA8]  }
0x2b: {  	s6 =	sld [smem:$0x3FA9]  }
0x2c: {  	s7 =	sld [smem:$0x3FAA]  }
0x2d: {  	s3 =	simm.s32 $0x108;
	s8 =	sld [smem:$0x3FAB]  }
0x2e: {  	s3 =	simm.s32 @!p0 $0x1082;
	s9 =	sld [smem:$0x3FAC]  }
0x2f: {  	lr =	sadd.s32 s0, s3;
	s0 =	sld [smem:$0x3FA3]  }
0x30: {  	s3 =	sld [smem:$0x3FA6]  }
0x31: {  	[smem:$0x3FAF] =	sst s10  }
0x32: {  	s10 =	sld [smem:$0x3FAD];
	_ =	sdelay $0x3  }
0x33: {  	p0 =	seq.s32 s10, $0x1;
	s10 =	sld [smem:$0x3FAF];
	_ =	sdelay $0x3  }
0x34: {  	[smem:$0x3FAF] =	sst s10  }
0x35: {  	s10 =	sld [smem:$0x3FAE];
	_ =	sdelay $0x3  }
0x36: {  	p1 =	seq.s32 s10, $0x1;
	s10 =	sld [smem:$0x3FAF];
	_ =	sdelay $0x3  }
0x37: {  	[smem:$0x3FAF] =	sst s10  }
0x38: {  	s10 =	sld [smem:$0x3FB0]  }
0x39: {  	_ = 	snop;
	(pc) =	sbr.ind lr, $3  }
0x3a: {  	_ = 	snop  }
0x3b: {  	_ = 	snop  }
0x3c: {  	p2 =	seq.s32 s10, $0x1;
	s10 =	sld [smem:$0x3FAF]  }
0x3d: {  	_ =	shalt  }
0x3e: {  	_ =	shalt  }
0x3f: {  	_ =	shalt  }
0x40: {  	_ =	shalt  }
0x41: {  	_ =	shalt  }
0x42: {  	_ =	shalt  }
0x43: {  	_ =	shalt  }
0x44: {  	_ =	shalt  }
0x45: {  	_ =	shalt  }
0x46: {  	_ =	shalt  }
0x47: {  	_ =	shalt  }
0x48: {  	_ =	shalt  }
0x49: {  	_ =	shalt  }
0x4a: {  	_ =	shalt  }
0x4b: {  	_ =	shalt  }
0x4c: {  	_ =	shalt  }
0x4d: {  	_ =	shalt  }
0x4e: {  	_ =	shalt  }
0x4f: {  	_ =	shalt  }
0x50: {  	_ =	shalt  }
0x51: {  	_ =	shalt  }
0x52: {  	_ =	shalt  }
0x53: {  	_ =	shalt  }
0x54: {  	_ =	shalt  }
0x55: {  	_ =	shalt  }
0x56: {  	_ =	shalt  }
0x57: {  	_ =	shalt  }
0x58: {  	_ =	shalt  }
0x59: {  	_ =	shalt  }
0x5a: {  	_ =	shalt  }
0x5b: {  	_ =	shalt  }
0x5c: {  	_ =	shalt  }
0x5d: {  	_ =	shalt  }
0x5e: {  	_ =	shalt  }
0x5f: {  	_ =	shalt  }
0x60: {  	_ =	shalt  }
0x61: {  	_ =	shalt  }
0x62: {  	_ =	shalt  }
0x63: {  	_ =	shalt  }
0x64: {  	_ =	shalt  }
0x65: {  	_ =	shalt  }
0x66: {  	_ =	shalt  }
0x67: {  	_ =	shalt  }
0x68: {  	_ =	shalt  }
0x69: {  	_ =	shalt  }
0x6a: {  	_ =	shalt  }
0x6b: {  	_ =	shalt  }
0x6c: {  	_ =	shalt  }
0x6d: {  	_ =	shalt  }
0x6e: {  	_ =	shalt  }
0x6f: {  	_ =	shalt  }
0x70: {  	_ =	shalt  }
0x71: {  	_ =	shalt  }
0x72: {  	_ =	shalt  }
0x73: {  	_ =	shalt  }
0x74: {  	_ =	shalt  }
0x75: {  	_ =	shalt  }
0x76: {  	_ =	shalt  }
0x77: {  	_ =	shalt  }
0x78: {  	_ =	shalt  }
0x79: {  	_ =	shalt  }
0x7a: {  	_ =	shalt  }
0x7b: {  	_ =	shalt  }
0x7c: {  	_ =	shalt  }
0x7d: {  	_ =	shalt  }
0x7e: {  	_ =	shalt  }
0x7f: {  	_ =	shalt  }
0x80: {  	_ =	shalt  }
0x81: {  	_ =	shalt  }
0x82: {  	_ =	shalt  }
0x83: {  	_ =	shalt  }
0x84: {  	_ =	shalt  }
0x85: {  	_ =	shalt  }
0x86: {  	_ =	shalt  }
0x87: {  	_ =	shalt  }
.Lfunc_end0:
.L_simem_size_0:
called_computation.1_lowered:
.L_overlay_start_0:
0x88: {  	s2 =	sld [smem:$0x3FD9]  }
0x89: {  	s3 =	sld [smem:$0x3FFE];
	_ =	sdelay $0x1  }
0x8a: {  	s1 =	srdreg.scid  }
0x8b: {  	s0 =	sand.u32 $0x1, s1  }
0x8c: {  	s16 =	sshll.u32 s0, $0xA;
	s2 =	sadd.s32 s3, s2  }
0x8d: {  	s2 =	sadd.s32 s2, s16  }
0x8e: {  	[smem:$0x3FBB] =	sst s2  }
0x8f: {  	_ = 	snop  }
0x90: {  	(tm) =	ssettm $0x1  }
0x91: {  	s17 =	sld [smem:$0x3FFB];
	_ =	sdelay $0x3  }
0x92: {  	_ =	strace s17  }
0x93: {  	s2 =	sld [smem:$0x3FFC];
	_ =	sdelay $0x3  }
0x94: {  	_ =	strace s2  }
0x95: {  	s2 =	sld [smem:$0x3FFD];
	_ =	sdelay $0x3  }
0x96: {  	_ =	strace s2  }
0x97: {  	_ =	strace $0x8FFFFFFF  }
0x98: {  	s18 =	sld [smem:$0x3FDB];
	_ =	sdelay $0x1  }
0x99: {  	s19 =	simm.s32 $_scs_section_size  }
0x9a: {  	s4 =	simm.s32 $_size__tile_overlayer_lowered;
	s5 =	simm.s32 $_tile_overlayer_lowered  }
0x9b: {  	s22 =	simm.s32 $0x1BFF;
	s21 =	sshll.u32 s5, $0x1;
	s2 =	sadd.s32 s19, s18  }
0x9c: {  	s6 =	simm.s32 $0x0;
	s20 =	sshll.u32 s4, $0x1;
	s4 =	sadd.s32 s21, s2  }
0x9d: {  	[timem:s6], [sflag:s22] =	dma.local [hbm:s4], s20  }
0x9e: {  	_ =	swait.ge [sflag:s22], s20  }
0x9f: {  	s3 =	ssub.s32 $0x0, s20;
	[sflag:s22] =	ssyncset.done $0x0  }
0xa0: {  	[sflag:s22] =	ssyncadd.s32 s3;
	_ =	sdelay $0x1  }
0xa1: {  	s23 =	simm.s32 $0x1B8B  }
0xa2: {  	_ =	swait.ge [sflag:s23], $0x1  }
0xa3: {  	[sflag:s23] =	ssyncset.done $0x0  }
0xa4: {  	s25 =	simm.s32 $0x1B8E;
	s24 =	sld [smem:$0x3FFE];
	[sflag:s23] =	ssyncadd.s32 $0xFFFFFFFF  }
0xa5: {  	s26 =	simm.s32 $execute0_lowered;
	[smem:$0x3FD2] =	sst s25  }
0xa6: {  	s4 =	sshll.u32 s26, $0x1;
	_ =	strace $0x80000049;
	[dreg:$0x1] =	wrdreg $0xFFFFFFFF  }
0xa7: {  	s28 =	simm.s32 $_size_execute0_lowered;
	s2 =	sadd.s32 s2, s4;
	[dreg:$0x0] =	wrdreg $0x0  }
0xa8: {  	s4 =	sshll.u32 s28, $0x1;
	[dreg:$0x2] =	wrdreg s2  }
0xa9: {  	[dreg:$0x3] =	wrdreg s4  }
0xaa: {  	[dreg:$0x4] =	wrdreg $0xC0  }
0xab: {  	_ =	task [dreg:s6], $0x5FFFF  }
0xac: {  	[dreg:$0x1] =	wrdreg $0xFFFFFFFF  }
0xad: {  	[dreg:$0x0] =	wrdreg $0x60  }
0xae: {  	[dreg:$0x2] =	wrdreg s24  }
0xaf: {  	[dreg:$0x3] =	wrdreg $0x82000  }
0xb0: {  	[dreg:$0x4] =	wrdreg $0x9  }
0xb1: {  	_ =	task.clear_ibuf [dreg:s6], $0x5FFFF;
	_ =	strace $0x90000049  }
0xb2: {  	s29 =	simm.s32 $0x9;
	_ =	strace $0x8000004B  }
0xb3: {  	_ =	swait.ge [sflag:s29], $0x1  }
0xb4: {  	[sflag:s29] =	ssyncadd.s32 $0xFFFFFFFF  }
0xb5: {  	_ =	strace $0x9000004B  }
0xb6: {  	_ =	sfence  }
0xb7: {  	s30 =	sld [smem:$0x0];
	_ =	sdelay $0x2  }
0xb8: {  	s31 =	sshll.u32 s1, $0xD;
	s1 =	sshrl.u32 s1, $0x2  }
0xb9: {  	s3 =	sand.u32 $0x4000, s31;
	s1 =	sadd.s32 s1, s30  }
0xba: {  	s0 =	sor.u32 s3, s0;
	s1 =	sshll.u32 s1, $0x11  }
0xbb: {  	s0 =	sor.u32 s1, s0  }
0xbc: {  	s0 =	sadd.s32 $0x8F2B, s0  }
0xbd: {  	[sflag:s0] =	ssyncadd.remote.s32 $0x1  }
0xbe: {  	_ =	sfence.sel $0xFFFF  }
0xbf: {  	[dreg:$0x0] =	wrdreg $0xFFFFFFFF;
	(pc) =	sbr.abs _section_cstart, $3  }
0xc0: {  	[dreg:$0x1] =	wrdreg $0xFFFFFFFF  }
0xc1: {  	_ =	task.clear_ibuf [dreg:s6], $0x2FFFF;
	_ =	strace $0x9FFFFFFF  }
0xc2: {  	(tm) =	ssettm $0x7FFFFFFF  }
0xc3: {  	_ =	shalt  }
tec
execute0_lowered:
.L_overlay_start_1:
0x0: {  	(tag) =	ssettag $0x1  }
0x1: {  	s5 =	rddreg [dreg:$0x0]  }
0x2: {  	s1 =	rddreg [dreg:$0x1]  }
0x3: {  	s2 =	srdreg.scid;
	s0 =	rddreg [dreg:$0x2];
	s3 =	simm.s32 $0x0  }
0x4: {  	s13 =	simm.s32 $0x200;
	s15 =	simm.s32 $0x100;
	s16 =	simm.s32 $0x4200  }
0x5: {  	s17 =	simm.s32 $0x1;
	s18 =	simm.s32 $0x2;
	s19 =	simm.s32 $0x3  }
0x6: {  	s20 =	simm.s32 $0x180;
	s21 =	simm.s32 $0x4;
	s6 =	sand.u32 $0x1, s2  }
0x7: {  	s22 =	simm.s32 $0x0;
	s2 =	stileid.u32;
	s7 =	smul.u32 $0x2800, s6  }
0x8: {  	[smem:$0x7FF] =	sst s3;
	s4 =	sshll.u32 s6, $0x4;
	s8 =	smul.u32 $0x280, s2  }
0x9: {  	_ =	strace $0x8000004A;
	s29 =	smul.u32 $0x50000, s2;
	s6 =	ssub.s32 $0x2, s6  }
0xa: {  	s31 =	sshll.u32 s2, $0x6;
	s4 =	sor.u32 s2, s4;
	s30 =	sshrl.u32 s6, $0x1  }
0xb: {  	s9 =	smul.u32 $0x1400, s4;
	s4 =	sadd.s32 $0x3C00, s5;
	s7 =	sadd.s32 s8, s7  }
0xc: {  	s8 =	sshrl.u32 s29, $0x2;
	s11 =	ssub.s32 s6, s30;
	s6 =	sor.u32 $0x1C05, s31  }
0xd: {  	s7 =	sshll.u32 s7, $0x4;
	s12 =	sadd.s32 s8, s1;
	s9 =	sadd.s32 s9, s5  }
0xe: {  	s10 =	sadd.s32 s7, s5;
	s5 =	sadd.s32 s4, s7;
	s7 =	sadd.s32 $0x56400, s9  }
0xf: {  	s8 =	sadd.s32 $0x7E400, s10;
	s9 =	smax.u32 s11, $0x1;
	s10 =	sshrl.u32 s12, $0x3  }
0x10: {  	s11 =	simm.s32 $0x5;
	s12 =	simm.s32 $0x80;
	s14 =	sadd.s32 $0x20, s7  }
.LBB2_1:
0x11: {  	[spmem:s10], [sflag:s6] =	dma.local [hbm:s5], $0x2800  }
0x12: {  	_ =	swait.ge [sflag:s11], $0x2800  }
0x13: {  	[sflag:s11] =	ssyncset.done $0x0  }
0x14: {  	[sflag:s11] =	ssyncadd.s32 $0xFFFFD800  }
0x15: {  	[bflag:$0x0] =	sbarrier.arrive $0xFFFF  }
0x16: {  	[tilespmem:s3], [sflag:$0x5] =	stream.linear.gather [hbm4b:s7+s3], $0x100, $0x38;
	[tilespmem:$0x1C200] =	vst v63  }
0x17: {  	_ =	swait.ge [sflag:s11], $0x100  }
0x18: {  	[sflag:s11] =	ssyncset.done $0x0  }
0x19: {  	[sflag:s11] =	ssyncadd.s32 $0xFFFFFF00  }
0x1a: {  	[tilespmem:s13], [sflag:$0x1] =	stream.indirect.gather [hbm4b:s4+s12], $0x80, s3, s12, $0xb8;
	[tilespmem:$0x1C200] =	vst v63  }
0x1b: {  	_ = 	snop  }
0x1c: {  	[tilespmem:s15], [sflag:$0x5] =	stream.linear.gather [hbm4b:s14+s3], $0x100, $0x38;
	[tilespmem:$0x1C200] =	vst v63  }
0x1d: {  	_ =	swait.ge [sflag:s11], $0x100  }
0x1e: {  	[sflag:s11] =	ssyncset.done $0x0  }
0x1f: {  	[sflag:s11] =	ssyncadd.s32 $0xFFFFFF00  }
0x20: {  	[tilespmem:s16], [sflag:$0x2] =	stream.indirect.gather [hbm4b:s4+s12], $0x80, s15, s12, $0xb8;
	[tilespmem:$0x1C200] =	vst v63  }
0x21: {  	_ =	swait.ge [sflag:s17], $0x4000  }
0x22: {  	[sflag:s17] =	ssyncset.done $0x0  }
0x23: {  	[sflag:s17] =	ssyncadd.s32 $0xFFFFC000  }
0x24: {  	[spmem:s1] =	stream.indirect.scatter.add.f32 [tilespmem:s13], [sflag:$0x3], $0x80, s12, s12, $0xb8;
	[tilespmem:$0x1C200] =	vst v63  }
0x25: {  	_ =	swait.ge [sflag:s18], $0x4000  }
0x26: {  	[sflag:s18] =	ssyncset.done $0x0  }
0x27: {  	[sflag:s18] =	ssyncadd.s32 $0xFFFFC000  }
0x28: {  	_ =	swait.ge [sflag:s19], $0x4000  }
0x29: {  	s23 =	sadd.s32 $0xFFFFEC40, s7;
	[sflag:s19] =	ssyncset.done $0x0  }
0x2a: {  	s24 =	sadd.s32 $0x1400, s23;
	[sflag:s19] =	ssyncadd.s32 $0xFFFFC000  }
0x2b: {  	[tilespmem:s3], [sflag:$0x5] =	stream.linear.gather [hbm4b:s24+s3], $0x100, $0x38;
	[tilespmem:$0x1C200] =	vst v63  }
0x2c: {  	_ =	swait.ge [sflag:s11], $0x100  }
0x2d: {  	[sflag:s11] =	ssyncset.done $0x0  }
0x2e: {  	[sflag:s11] =	ssyncadd.s32 $0xFFFFFF00  }
0x2f: {  	[tilespmem:s13], [sflag:$0x1] =	stream.indirect.gather [hbm4b:s4+s12], $0x80, s3, s12, $0xb8;
	[tilespmem:$0x1C200] =	vst v63  }
0x30: {  	_ = 	snop  }
0x31: {  	[spmem:s1] =	stream.indirect.scatter.add.f32 [tilespmem:s16], [sflag:$0x4], $0x80, s20, s12, $0xb8;
	[tilespmem:$0x1C200] =	vst v63  }
0x32: {  	_ =	swait.ge [sflag:s21], $0x4000  }
0x33: {  	[sflag:s21] =	ssyncset.done $0x0  }
0x34: {  	s23 =	sadd.s32 $0x1420, s23;
	[sflag:s21] =	ssyncadd.s32 $0xFFFFC000  }
0x35: {  	[tilespmem:s15], [sflag:$0x5] =	stream.linear.gather [hbm4b:s23+s3], $0x100, $0x38;
	[tilespmem:$0x1C200] =	vst v63  }
0x36: {  	_ =	swait.ge [sflag:s11], $0x100  }
0x37: {  	[sflag:s11] =	ssyncset.done $0x0  }
0x38: {  	s23 =	simm.s32 $0xFFFFEC80;
	[sflag:s11] =	ssyncadd.s32 $0xFFFFFF00  }
.LBB2_2:
0x39: {  	[tilespmem:s16], [sflag:$0x2] =	stream.indirect.gather [hbm4b:s4+s12], $0x80, s15, s12, $0xb8;
	[tilespmem:$0x1C200] =	vst v63  }
0x3a: {  	s24 =	smov.u32 s23  }
0x3b: {  	p0 =	sne.s32 s23, $0xFFFFFFC0;
	s23 =	sadd.s32 $0x40, s23;
	_ =	swait.ge [sflag:s17], $0x4000  }
0x3c: {  	[sflag:s17] =	ssyncset.done $0x0  }
0x3d: {  	[sflag:s17] =	ssyncadd.s32 $0xFFFFC000  }
0x3e: {  	[spmem:s1] =	stream.indirect.scatter.add.f32 [tilespmem:s13], [sflag:$0x3], $0x80, s12, s12, $0xb8;
	[tilespmem:$0x1C200] =	vst v63  }
0x3f: {  	_ =	swait.ge [sflag:s18], $0x4000  }
0x40: {  	[sflag:s18] =	ssyncset.done $0x0  }
0x41: {  	[sflag:s18] =	ssyncadd.s32 $0xFFFFC000  }
0x42: {  	_ =	swait.ge [sflag:s19], $0x4000  }
0x43: {  	s24 =	sadd.s32 s24, s7;
	[sflag:s19] =	ssyncset.done $0x0  }
0x44: {  	s25 =	sadd.s32 $0x1400, s24;
	[sflag:s19] =	ssyncadd.s32 $0xFFFFC000  }
0x45: {  	[tilespmem:s3], [sflag:$0x5] =	stream.linear.gather [hbm4b:s25+s3], $0x100, $0x38;
	[tilespmem:$0x1C200] =	vst v63  }
0x46: {  	_ =	swait.ge [sflag:s11], $0x100  }
0x47: {  	[sflag:s11] =	ssyncset.done $0x0  }
0x48: {  	[sflag:s11] =	ssyncadd.s32 $0xFFFFFF00  }
0x49: {  	[tilespmem:s13], [sflag:$0x1] =	stream.indirect.gather [hbm4b:s4+s12], $0x80, s3, s12, $0xb8;
	[tilespmem:$0x1C200] =	vst v63  }
0x4a: {  	_ = 	snop  }
0x4b: {  	[spmem:s1] =	stream.indirect.scatter.add.f32 [tilespmem:s16], [sflag:$0x4], $0x80, s20, s12, $0xb8;
	[tilespmem:$0x1C200] =	vst v63  }
0x4c: {  	_ =	swait.ge [sflag:s21], $0x4000  }
0x4d: {  	[sflag:s21] =	ssyncset.done $0x0  }
.Ltmp0:
0x4e: {  	s24 =	sadd.s32 $0x1420, s24;
	[sflag:s21] =	ssyncadd.s32 $0xFFFFC000;
	(pc) =	sbr.rel @p0 .LBB2_2-.Ltmp0, $4  }
0x4f: {  	[tilespmem:s15], [sflag:$0x5] =	stream.linear.gather [hbm4b:s24+s3], $0x100, $0x38;
	[tilespmem:$0x1C200] =	vst v63  }
0x50: {  	_ =	swait.ge [sflag:s11], $0x100  }
0x51: {  	[sflag:s11] =	ssyncset.done $0x0  }
0x52: {  	[sflag:s11] =	ssyncadd.s32 $0xFFFFFF00  }
0x53: {  	[tilespmem:s16], [sflag:$0x2] =	stream.indirect.gather [hbm4b:s4+s12], $0x80, s15, s12, $0xb8;
	[tilespmem:$0x1C200] =	vst v63  }
0x54: {  	_ =	swait.ge [sflag:s17], $0x4000  }
0x55: {  	[sflag:s17] =	ssyncset.done $0x0  }
0x56: {  	[sflag:s17] =	ssyncadd.s32 $0xFFFFC000  }
0x57: {  	[spmem:s1] =	stream.indirect.scatter.add.f32 [tilespmem:s13], [sflag:$0x3], $0x80, s12, s12, $0xb8;
	[tilespmem:$0x1C200] =	vst v63  }
0x58: {  	_ =	swait.ge [sflag:s18], $0x4000  }
0x59: {  	[sflag:s18] =	ssyncset.done $0x0  }
0x5a: {  	[sflag:s18] =	ssyncadd.s32 $0xFFFFC000  }
0x5b: {  	[spmem:s1] =	stream.indirect.scatter.add.f32 [tilespmem:s16], [sflag:$0x4], $0x80, s20, s12, $0xb8;
	[tilespmem:$0x1C200] =	vst v63  }
0x5c: {  	_ =	swait.ge [sflag:s19], $0x4000  }
0x5d: {  	[sflag:s19] =	ssyncset.done $0x0  }
0x5e: {  	[sflag:s19] =	ssyncadd.s32 $0xFFFFC000  }
0x5f: {  	_ =	swait.ge [sflag:s21], $0x4000  }
0x60: {  	s22 =	sadd.s32 $0x1, s22;
	[sflag:s21] =	ssyncset.done $0x0  }
0x61: {  	p0 =	sne.s32 s22, s9;
	[sflag:s21] =	ssyncadd.s32 $0xFFFFC000  }
.Ltmp1:
0x62: {  	[bflag:$0x0] =	sbarrier.arrive $0xFFFF;
	(pc) =	sbr.rel @p0 .LBB2_1-.Ltmp1, $4  }
0x63: {  	[hbm:s8], [sflag:s6] =	dma.local [spmem:s10], $0x2800  }
0x64: {  	_ =	swait.ge [sflag:s11], $0x2800  }
0x65: {  	[sflag:s11] =	ssyncset.done $0x0  }
0x66: {  	[sflag:s11] =	ssyncadd.s32 $0xFFFFD800  }
0x67: {  	_ =	sfence.sel $0x180000  }
0x68: {  	[bflag:$0x0] =	sbarrier.arrive $0xFFFF  }
0x69: {  	p0 =	sne.s32 s2, $0x0;
	_ =	strace $0x9000004A  }
0x6a: {  	s0 =	sadd.s32 @!p0 $0x100000, s0;
	[bflag:$0x2] =	sbarrier.arrive $0xFFFF  }
0x6b: {  	[sflag:s0] =	ssyncadd.tile.s32 @!p0 $0x1;
	_ =	shalt  }
.Lfunc_end2:
_tile_overlayer_lowered:
.L_overlay_start_2:
0x6c: {  	(tag) =	ssettag $0x2  }
0x6d: {  	s0 =	rddreg [dreg:$0x0];
	s2 =	stileid.u32  }
0x6e: {  	s1 =	rddreg [dreg:$0x1];
	p0 =	sne.s32 s2, $0x0  }
0x6f: {  	s3 =	rddreg [dreg:$0x2];
	[bflag:$0x3] =	sbarrier.arrive $0xFFFF;
	s2 =	simm.s32 @!p0 $0x1C05  }
0x70: {  	[timem:s3], [sflag:s2] =	dma.local @!p0 [hbm:s0], s1  }
0x71: {  	s0 =	simm.s32 @!p0 $0x5  }
0x72: {  	_ =	swait.ge @!p0 [sflag:s0], s1  }
0x73: {  	s1 =	ssub.s32 @!p0 $0x0, s1;
	[sflag:s0] =	ssyncset.done @!p0 $0x0  }
0x74: {  	[sflag:s0] =	ssyncadd.s32 @!p0 s1  }
0x75: {  	[bflag:$0x3] =	sbarrier.arrive $0xFFFF  }
0x76: {  	_ =	shalt  }

// kernel: _run.16.cloned.1.call-start
scs
__scs_entry_jumppad:
0x0: {  	(pc) =	sbr.rel $0x88, $3  }
0x1: {  	(tag) =	ssettag $0x0;
	lr =	simm.s32 $0x1  }
0x2: {  	[smem:$0x3F94] =	sst lr;
	_ =	strace $0xD0000000  }
0x3: {  	_ = 	snop  }
0x4: {  	_ = 	snop  }
0x5: {  	_ = 	snop  }
0x6: {  	_ = 	snop  }
0x7: {  	_ = 	snop  }
__scs_overlays_trampoline_lowered:
0x8: {  	[smem:$0x3FA3] =	sst s0  }
0x9: {  	[smem:$0x3FA4] =	sst s1  }
0xa: {  	[smem:$0x3FA5] =	sst s2  }
0xb: {  	[smem:$0x3FA6] =	sst s3  }
0xc: {  	[smem:$0x3FA7] =	sst s4  }
0xd: {  	[smem:$0x3FA8] =	sst s5  }
0xe: {  	[smem:$0x3FA9] =	sst s6  }
0xf: {  	[smem:$0x3FAA] =	sst s7  }
0x10: {  	[smem:$0x3FAB] =	sst s8  }
0x11: {  	[smem:$0x3FAC] =	sst s9;
	s0 =	simm.s32 @!p0 $0x0  }
0x12: {  	s1 =	sld [smem:$0x3F92];
	s0 =	simm.s32 @p0 $0x1  }
0x13: {  	[smem:$0x3FAD] =	sst s0;
	s0 =	simm.s32 @!p1 $0x0  }
0x14: {  	s2 =	sld [smem:$0x3F91];
	s0 =	simm.s32 @p1 $0x1  }
0x15: {  	[smem:$0x3FAE] =	sst s0;
	s0 =	simm.s32 @!p2 $0x0  }
0x16: {  	s3 =	sld [smem:$0x3FDB];
	s0 =	simm.s32 @p2 $0x1  }
0x17: {  	s4 =	simm.s32 $0x1BF5;
	[smem:$0x3FB0] =	sst s0  }
0x18: {  	s0 =	sld [smem:$0x3F93];
	_ =	swait.ge [sflag:s4], $0x0  }
0x19: {  	s7 =	sld [smem:$0x3F94]  }
0x1a: {  	s8 =	sadd.s32 $0xFFFFE003, lr  }
0x1b: {  	s9 =	sadd.s32 $0xFFFFFEF7, lr;
	s5 =	simm.s32 $0xFFFFFFFF;
	p2 =	slt.u32 s8, $0xFFFFF086  }
0x1c: {  	p1 =	slt.u32 s9, $0xF7A;
	s5 =	simm.s32 @!p2 $0x0  }
0x1d: {  	s5 =	simm.s32 @p1 $0x1;
	p0 =	seq.s32 s7, s2  }
0x1e: {  	s7 =	smul.u32 @!p0 $0xF7A, s2;
	p2 =	seq.s32 @!p0 s5, $0x0  }
0x1f: {  	s9 =	smul.u32 $0xF7A, s1;
	s8 =	simm.s32 @!p0 $0x1BF5;
	p2 =	por !p2, p0  }
0x20: {  	[sflag:s8] =	ssyncset.s32 @!p0 $0xFFFFF086;
	s6 =	sadd.s32 @!p0 s3, s7;
	s7 =	simm.s32 @!p0 $0x108  }
0x21: {  	s3 =	sadd.s32 s3, s9;
	s6 =	sadd.s32 @!p0 $0x88, s6;
	s7 =	simm.s32 @p2 $0x1082  }
0x22: {  	[simem:s7], [sflag:s8] =	dma.local @!p0 [hbm:s6], $0xF7A  }
0x23: {  	s9 =	sor.u32 $0xD0000000, s2;
	s6 =	simm.s32 $0x108;
	_ =	swait.ge @!p0 [sflag:s8], $0x0  }
0x24: {  	s3 =	sadd.s32 $0x88, s3;
	s6 =	simm.s32 @!p1 $0x1082;
	[sflag:s4] =	ssyncset.s32 $0xFFFFF086  }
0x25: {  	[simem:s6], [sflag:s4] =	dma.local [hbm:s3], $0xF7A  }
0x26: {  	[smem:$0x3F94] =	sst s1;
	(tag) =	ssettag s2;
	_ =	strace s9  }
0x27: {  	s1 =	sld [smem:$0x3FA4]  }
0x28: {  	s2 =	sld [smem:$0x3FA5]  }
0x29: {  	s4 =	sld [smem:$0x3FA7]  }
0x2a: {  	p0 =	seq.s32 s5, $0x0;
	s5 =	sld [smem:$0x3FA8]  }
0x2b: {  	s6 =	sld [smem:$0x3FA9]  }
0x2c: {  	s7 =	sld [smem:$0x3FAA]  }
0x2d: {  	s3 =	simm.s32 $0x108;
	s8 =	sld [smem:$0x3FAB]  }
0x2e: {  	s3 =	simm.s32 @!p0 $0x1082;
	s9 =	sld [smem:$0x3FAC]  }
0x2f: {  	lr =	sadd.s32 s0, s3;
	s0 =	sld [smem:$0x3FA3]  }
0x30: {  	s3 =	sld [smem:$0x3FA6]  }
0x31: {  	[smem:$0x3FAF] =	sst s10  }
0x32: {  	s10 =	sld [smem:$0x3FAD];
	_ =	sdelay $0x3  }
0x33: {  	p0 =	seq.s32 s10, $0x1;
	s10 =	sld [smem:$0x3FAF];
	_ =	sdelay $0x3  }
0x34: {  	[smem:$0x3FAF] =	sst s10  }
0x35: {  	s10 =	sld [smem:$0x3FAE];
	_ =	sdelay $0x3  }
0x36: {  	p1 =	seq.s32 s10, $0x1;
	s10 =	sld [smem:$0x3FAF];
	_ =	sdelay $0x3  }
0x37: {  	[smem:$0x3FAF] =	sst s10  }
0x38: {  	s10 =	sld [smem:$0x3FB0]  }
0x39: {  	_ = 	snop;
	(pc) =	sbr.ind lr, $3  }
0x3a: {  	_ = 	snop  }
0x3b: {  	_ = 	snop  }
0x3c: {  	p2 =	seq.s32 s10, $0x1;
	s10 =	sld [smem:$0x3FAF]  }
0x3d: {  	_ =	shalt  }
0x3e: {  	_ =	shalt  }
0x3f: {  	_ =	shalt  }
0x40: {  	_ =	shalt  }
0x41: {  	_ =	shalt  }
0x42: {  	_ =	shalt  }
0x43: {  	_ =	shalt  }
0x44: {  	_ =	shalt  }
0x45: {  	_ =	shalt  }
0x46: {  	_ =	shalt  }
0x47: {  	_ =	shalt  }
0x48: {  	_ =	shalt  }
0x49: {  	_ =	shalt  }
0x4a: {  	_ =	shalt  }
0x4b: {  	_ =	shalt  }
0x4c: {  	_ =	shalt  }
0x4d: {  	_ =	shalt  }
0x4e: {  	_ =	shalt  }
0x4f: {  	_ =	shalt  }
0x50: {  	_ =	shalt  }
0x51: {  	_ =	shalt  }
0x52: {  	_ =	shalt  }
0x53: {  	_ =	shalt  }
0x54: {  	_ =	shalt  }
0x55: {  	_ =	shalt  }
0x56: {  	_ =	shalt  }
0x57: {  	_ =	shalt  }
0x58: {  	_ =	shalt  }
0x59: {  	_ =	shalt  }
0x5a: {  	_ =	shalt  }
0x5b: {  	_ =	shalt  }
0x5c: {  	_ =	shalt  }
0x5d: {  	_ =	shalt  }
0x5e: {  	_ =	shalt  }
0x5f: {  	_ =	shalt  }
0x60: {  	_ =	shalt  }
0x61: {  	_ =	shalt  }
0x62: {  	_ =	shalt  }
0x63: {  	_ =	shalt  }
0x64: {  	_ =	shalt  }
0x65: {  	_ =	shalt  }
0x66: {  	_ =	shalt  }
0x67: {  	_ =	shalt  }
0x68: {  	_ =	shalt  }
0x69: {  	_ =	shalt  }
0x6a: {  	_ =	shalt  }
0x6b: {  	_ =	shalt  }
0x6c: {  	_ =	shalt  }
0x6d: {  	_ =	shalt  }
0x6e: {  	_ =	shalt  }
0x6f: {  	_ =	shalt  }
0x70: {  	_ =	shalt  }
0x71: {  	_ =	shalt  }
0x72: {  	_ =	shalt  }
0x73: {  	_ =	shalt  }
0x74: {  	_ =	shalt  }
0x75: {  	_ =	shalt  }
0x76: {  	_ =	shalt  }
0x77: {  	_ =	shalt  }
0x78: {  	_ =	shalt  }
0x79: {  	_ =	shalt  }
0x7a: {  	_ =	shalt  }
0x7b: {  	_ =	shalt  }
0x7c: {  	_ =	shalt  }
0x7d: {  	_ =	shalt  }
0x7e: {  	_ =	shalt  }
0x7f: {  	_ =	shalt  }
0x80: {  	_ =	shalt  }
0x81: {  	_ =	shalt  }
0x82: {  	_ =	shalt  }
0x83: {  	_ =	shalt  }
0x84: {  	_ =	shalt  }
0x85: {  	_ =	shalt  }
0x86: {  	_ =	shalt  }
0x87: {  	_ =	shalt  }
.Lfunc_end0:
.L_simem_size_0:
called_computation.2_lowered:
.L_overlay_start_0:
0x88: {  	s2 =	sld [smem:$0x3FD9]  }
0x89: {  	s3 =	sld [smem:$0x3FFE];
	_ =	sdelay $0x1  }
0x8a: {  	s1 =	srdreg.scid  }
0x8b: {  	s0 =	sand.u32 $0x1, s1  }
0x8c: {  	s16 =	sshll.u32 s0, $0xA;
	s2 =	sadd.s32 s3, s2  }
0x8d: {  	s2 =	sadd.s32 s2, s16  }
0x8e: {  	[smem:$0x3FBB] =	sst s2  }
0x8f: {  	_ = 	snop  }
0x90: {  	(tm) =	ssettm $0x1  }
0x91: {  	s17 =	sld [smem:$0x3FFB];
	_ =	sdelay $0x3  }
0x92: {  	_ =	strace s17  }
0x93: {  	s2 =	sld [smem:$0x3FFC];
	_ =	sdelay $0x3  }
0x94: {  	_ =	strace s2  }
0x95: {  	s2 =	sld [smem:$0x3FFD];
	_ =	sdelay $0x3  }
0x96: {  	_ =	strace s2  }
0x97: {  	_ =	strace $0x8FFFFFFF  }
0x98: {  	s18 =	sld [smem:$0x3FDB];
	_ =	sdelay $0x1  }
0x99: {  	s19 =	simm.s32 $_scs_section_size  }
0x9a: {  	s4 =	simm.s32 $_size__tile_overlayer_lowered;
	s5 =	simm.s32 $_tile_overlayer_lowered  }
0x9b: {  	s22 =	simm.s32 $0x1BFF;
	s21 =	sshll.u32 s5, $0x1;
	s2 =	sadd.s32 s19, s18  }
0x9c: {  	s6 =	simm.s32 $0x0;
	s20 =	sshll.u32 s4, $0x1;
	s4 =	sadd.s32 s21, s2  }
0x9d: {  	[timem:s6], [sflag:s22] =	dma.local [hbm:s4], s20  }
0x9e: {  	_ =	swait.ge [sflag:s22], s20  }
0x9f: {  	s3 =	ssub.s32 $0x0, s20;
	[sflag:s22] =	ssyncset.done $0x0  }
0xa0: {  	[sflag:s22] =	ssyncadd.s32 s3;
	_ =	sdelay $0x1  }
0xa1: {  	s23 =	simm.s32 $0x1B8B  }
0xa2: {  	_ =	swait.ge [sflag:s23], $0x1  }
0xa3: {  	[sflag:s23] =	ssyncset.done $0x0  }
0xa4: {  	s25 =	simm.s32 $0x1B8E;
	s24 =	sld [smem:$0x3FFE];
	[sflag:s23] =	ssyncadd.s32 $0xFFFFFFFF  }
0xa5: {  	s26 =	simm.s32 $execute0_lowered;
	[smem:$0x3FD2] =	sst s25  }
0xa6: {  	s4 =	sshll.u32 s26, $0x1;
	_ =	strace $0x8000004C;
	[dreg:$0x1] =	wrdreg $0xFFFFFFFF  }
0xa7: {  	s28 =	simm.s32 $_size_execute0_lowered;
	s2 =	sadd.s32 s2, s4;
	[dreg:$0x0] =	wrdreg $0x0  }
0xa8: {  	s4 =	sshll.u32 s28, $0x1;
	[dreg:$0x2] =	wrdreg s2  }
0xa9: {  	[dreg:$0x3] =	wrdreg s4  }
0xaa: {  	[dreg:$0x4] =	wrdreg $0xC0  }
0xab: {  	_ =	task [dreg:s6], $0x5FFFF  }
0xac: {  	[dreg:$0x1] =	wrdreg $0xFFFFFFFF  }
0xad: {  	[dreg:$0x0] =	wrdreg $0x60  }
0xae: {  	[dreg:$0x2] =	wrdreg s24  }
0xaf: {  	[dreg:$0x3] =	wrdreg $0x82000  }
0xb0: {  	[dreg:$0x4] =	wrdreg $0x9  }
0xb1: {  	_ =	task.clear_ibuf [dreg:s6], $0x5FFFF;
	_ =	strace $0x9000004C  }
0xb2: {  	s29 =	simm.s32 $0x9;
	_ =	strace $0x8000004E  }
0xb3: {  	_ =	swait.ge [sflag:s29], $0x1  }
0xb4: {  	[sflag:s29] =	ssyncadd.s32 $0xFFFFFFFF  }
0xb5: {  	_ =	strace $0x9000004E  }
0xb6: {  	_ =	sfence  }
0xb7: {  	s30 =	sld [smem:$0x0];
	_ =	sdelay $0x2  }
0xb8: {  	s31 =	sshll.u32 s1, $0xD;
	s1 =	sshrl.u32 s1, $0x2  }
0xb9: {  	s3 =	sand.u32 $0x4000, s31;
	s1 =	sadd.s32 s1, s30  }
0xba: {  	s0 =	sor.u32 s3, s0;
	s1 =	sshll.u32 s1, $0x11  }
0xbb: {  	s0 =	sor.u32 s1, s0  }
0xbc: {  	s0 =	sadd.s32 $0x8F2B, s0  }
0xbd: {  	[sflag:s0] =	ssyncadd.remote.s32 $0x1  }
0xbe: {  	_ =	sfence.sel $0xFFFF  }
0xbf: {  	[dreg:$0x0] =	wrdreg $0xFFFFFFFF;
	(pc) =	sbr.abs _section_cstart, $3  }
0xc0: {  	[dreg:$0x1] =	wrdreg $0xFFFFFFFF  }
0xc1: {  	_ =	task.clear_ibuf [dreg:s6], $0x2FFFF;
	_ =	strace $0x9FFFFFFF  }
0xc2: {  	(tm) =	ssettm $0x7FFFFFFF  }
0xc3: {  	_ =	shalt  }
tec
execute0_lowered:
.L_overlay_start_1:
0x0: {  	(tag) =	ssettag $0x1  }
0x1: {  	s5 =	rddreg [dreg:$0x0]  }
0x2: {  	s1 =	rddreg [dreg:$0x1]  }
0x3: {  	s2 =	srdreg.scid;
	s0 =	rddreg [dreg:$0x2];
	s3 =	simm.s32 $0x0  }
0x4: {  	s13 =	simm.s32 $0x200;
	s15 =	simm.s32 $0x100;
	s16 =	simm.s32 $0x4200  }
0x5: {  	s17 =	simm.s32 $0x1;
	s18 =	simm.s32 $0x2;
	s19 =	simm.s32 $0x3  }
0x6: {  	s20 =	simm.s32 $0x180;
	s21 =	simm.s32 $0x4;
	s6 =	sand.u32 $0x1, s2  }
0x7: {  	s22 =	simm.s32 $0x0;
	s2 =	stileid.u32;
	s7 =	smul.u32 $0x2800, s6  }
0x8: {  	[smem:$0x7FF] =	sst s3;
	s4 =	sshll.u32 s6, $0x4;
	s8 =	smul.u32 $0x280, s2  }
0x9: {  	_ =	strace $0x8000004D;
	s29 =	smul.u32 $0x50000, s2;
	s6 =	ssub.s32 $0x2, s6  }
0xa: {  	s31 =	sshll.u32 s2, $0x6;
	s4 =	sor.u32 s2, s4;
	s30 =	sshrl.u32 s6, $0x1  }
0xb: {  	s9 =	smul.u32 $0x1400, s4;
	s4 =	sadd.s32 $0x3C00, s5;
	s7 =	sadd.s32 s8, s7  }
0xc: {  	s8 =	sshrl.u32 s29, $0x2;
	s11 =	ssub.s32 s6, s30;
	s6 =	sor.u32 $0x1C05, s31  }
0xd: {  	s7 =	sshll.u32 s7, $0x4;
	s12 =	sadd.s32 s8, s1;
	s9 =	sadd.s32 s9, s5  }
0xe: {  	s10 =	sadd.s32 s7, s5;
	s5 =	sadd.s32 s4, s7;
	s7 =	sadd.s32 $0x56400, s9  }
0xf: {  	s8 =	sadd.s32 $0x7E400, s10;
	s9 =	smax.u32 s11, $0x1;
	s10 =	sshrl.u32 s12, $0x3  }
0x10: {  	s11 =	simm.s32 $0x5;
	s12 =	simm.s32 $0x80;
	s14 =	sadd.s32 $0x20, s7  }
.LBB2_1:
0x11: {  	[spmem:s10], [sflag:s6] =	dma.local [hbm:s5], $0x2800  }
0x12: {  	_ =	swait.ge [sflag:s11], $0x2800  }
0x13: {  	[sflag:s11] =	ssyncset.done $0x0  }
0x14: {  	[sflag:s11] =	ssyncadd.s32 $0xFFFFD800  }
0x15: {  	[bflag:$0x0] =	sbarrier.arrive $0xFFFF  }
0x16: {  	[tilespmem:s3], [sflag:$0x5] =	stream.linear.gather [hbm4b:s7+s3], $0x100, $0x38;
	[tilespmem:$0x1C200] =	vst v63  }
0x17: {  	_ =	swait.ge [sflag:s11], $0x100  }
0x18: {  	[sflag:s11] =	ssyncset.done $0x0  }
0x19: {  	[sflag:s11] =	ssyncadd.s32 $0xFFFFFF00  }
0x1a: {  	[tilespmem:s13], [sflag:$0x1] =	stream.indirect.gather [hbm4b:s4+s12], $0x80, s3, s12, $0xb8;
	[tilespmem:$0x1C200] =	vst v63  }
0x1b: {  	_ = 	snop  }
0x1c: {  	[tilespmem:s15], [sflag:$0x5] =	stream.linear.gather [hbm4b:s14+s3], $0x100, $0x38;
	[tilespmem:$0x1C200] =	vst v63  }
0x1d: {  	_ =	swait.ge [sflag:s11], $0x100  }
0x1e: {  	[sflag:s11] =	ssyncset.done $0x0  }
0x1f: {  	[sflag:s11] =	ssyncadd.s32 $0xFFFFFF00  }
0x20: {  	[tilespmem:s16], [sflag:$0x2] =	stream.indirect.gather [hbm4b:s4+s12], $0x80, s15, s12, $0xb8;
	[tilespmem:$0x1C200] =	vst v63  }
0x21: {  	_ =	swait.ge [sflag:s17], $0x4000  }
0x22: {  	[sflag:s17] =	ssyncset.done $0x0  }
0x23: {  	[sflag:s17] =	ssyncadd.s32 $0xFFFFC000  }
0x24: {  	[spmem:s1] =	stream.indirect.scatter.add.f32 [tilespmem:s13], [sflag:$0x3], $0x80, s12, s12, $0xb8;
	[tilespmem:$0x1C200] =	vst v63  }
0x25: {  	_ =	swait.ge [sflag:s18], $0x4000  }
0x26: {  	[sflag:s18] =	ssyncset.done $0x0  }
0x27: {  	[sflag:s18] =	ssyncadd.s32 $0xFFFFC000  }
0x28: {  	_ =	swait.ge [sflag:s19], $0x4000  }
0x29: {  	s23 =	sadd.s32 $0xFFFFEC40, s7;
	[sflag:s19] =	ssyncset.done $0x0  }
0x2a: {  	s24 =	sadd.s32 $0x1400, s23;
	[sflag:s19] =	ssyncadd.s32 $0xFFFFC000  }
0x2b: {  	[tilespmem:s3], [sflag:$0x5] =	stream.linear.gather [hbm4b:s24+s3], $0x100, $0x38;
	[tilespmem:$0x1C200] =	vst v63  }
0x2c: {  	_ =	swait.ge [sflag:s11], $0x100  }
0x2d: {  	[sflag:s11] =	ssyncset.done $0x0  }
0x2e: {  	[sflag:s11] =	ssyncadd.s32 $0xFFFFFF00  }
0x2f: {  	[tilespmem:s13], [sflag:$0x1] =	stream.indirect.gather [hbm4b:s4+s12], $0x80, s3, s12, $0xb8;
	[tilespmem:$0x1C200] =	vst v63  }
0x30: {  	_ = 	snop  }
0x31: {  	[spmem:s1] =	stream.indirect.scatter.add.f32 [tilespmem:s16], [sflag:$0x4], $0x80, s20, s12, $0xb8;
	[tilespmem:$0x1C200] =	vst v63  }
0x32: {  	_ =	swait.ge [sflag:s21], $0x4000  }
0x33: {  	[sflag:s21] =	ssyncset.done $0x0  }
0x34: {  	s23 =	sadd.s32 $0x1420, s23;
	[sflag:s21] =	ssyncadd.s32 $0xFFFFC000  }
0x35: {  	[tilespmem:s15], [sflag:$0x5] =	stream.linear.gather [hbm4b:s23+s3], $0x100, $0x38;
	[tilespmem:$0x1C200] =	vst v63  }
0x36: {  	_ =	swait.ge [sflag:s11], $0x100  }
0x37: {  	[sflag:s11] =	ssyncset.done $0x0  }
0x38: {  	s23 =	simm.s32 $0xFFFFEC80;
	[sflag:s11] =	ssyncadd.s32 $0xFFFFFF00  }
.LBB2_2:
0x39: {  	[tilespmem:s16], [sflag:$0x2] =	stream.indirect.gather [hbm4b:s4+s12], $0x80, s15, s12, $0xb8;
	[tilespmem:$0x1C200] =	vst v63  }
0x3a: {  	s24 =	smov.u32 s23  }
0x3b: {  	p0 =	sne.s32 s23, $0xFFFFFFC0;
	s23 =	sadd.s32 $0x40, s23;
	_ =	swait.ge [sflag:s17], $0x4000  }
0x3c: {  	[sflag:s17] =	ssyncset.done $0x0  }
0x3d: {  	[sflag:s17] =	ssyncadd.s32 $0xFFFFC000  }
0x3e: {  	[spmem:s1] =	stream.indirect.scatter.add.f32 [tilespmem:s13], [sflag:$0x3], $0x80, s12, s12, $0xb8;
	[tilespmem:$0x1C200] =	vst v63  }
0x3f: {  	_ =	swait.ge [sflag:s18], $0x4000  }
0x40: {  	[sflag:s18] =	ssyncset.done $0x0  }
0x41: {  	[sflag:s18] =	ssyncadd.s32 $0xFFFFC000  }
0x42: {  	_ =	swait.ge [sflag:s19], $0x4000  }
0x43: {  	s24 =	sadd.s32 s24, s7;
	[sflag:s19] =	ssyncset.done $0x0  }
0x44: {  	s25 =	sadd.s32 $0x1400, s24;
	[sflag:s19] =	ssyncadd.s32 $0xFFFFC000  }
0x45: {  	[tilespmem:s3], [sflag:$0x5] =	stream.linear.gather [hbm4b:s25+s3], $0x100, $0x38;
	[tilespmem:$0x1C200] =	vst v63  }
0x46: {  	_ =	swait.ge [sflag:s11], $0x100  }
0x47: {  	[sflag:s11] =	ssyncset.done $0x0  }
0x48: {  	[sflag:s11] =	ssyncadd.s32 $0xFFFFFF00  }
0x49: {  	[tilespmem:s13], [sflag:$0x1] =	stream.indirect.gather [hbm4b:s4+s12], $0x80, s3, s12, $0xb8;
	[tilespmem:$0x1C200] =	vst v63  }
0x4a: {  	_ = 	snop  }
0x4b: {  	[spmem:s1] =	stream.indirect.scatter.add.f32 [tilespmem:s16], [sflag:$0x4], $0x80, s20, s12, $0xb8;
	[tilespmem:$0x1C200] =	vst v63  }
0x4c: {  	_ =	swait.ge [sflag:s21], $0x4000  }
0x4d: {  	[sflag:s21] =	ssyncset.done $0x0  }
.Ltmp0:
0x4e: {  	s24 =	sadd.s32 $0x1420, s24;
	[sflag:s21] =	ssyncadd.s32 $0xFFFFC000;
	(pc) =	sbr.rel @p0 .LBB2_2-.Ltmp0, $4  }
0x4f: {  	[tilespmem:s15], [sflag:$0x5] =	stream.linear.gather [hbm4b:s24+s3], $0x100, $0x38;
	[tilespmem:$0x1C200] =	vst v63  }
0x50: {  	_ =	swait.ge [sflag:s11], $0x100  }
0x51: {  	[sflag:s11] =	ssyncset.done $0x0  }
0x52: {  	[sflag:s11] =	ssyncadd.s32 $0xFFFFFF00  }
0x53: {  	[tilespmem:s16], [sflag:$0x2] =	stream.indirect.gather [hbm4b:s4+s12], $0x80, s15, s12, $0xb8;
	[tilespmem:$0x1C200] =	vst v63  }
0x54: {  	_ =	swait.ge [sflag:s17], $0x4000  }
0x55: {  	[sflag:s17] =	ssyncset.done $0x0  }
0x56: {  	[sflag:s17] =	ssyncadd.s32 $0xFFFFC000  }
0x57: {  	[spmem:s1] =	stream.indirect.scatter.add.f32 [tilespmem:s13], [sflag:$0x3], $0x80, s12, s12, $0xb8;
	[tilespmem:$0x1C200] =	vst v63  }
0x58: {  	_ =	swait.ge [sflag:s18], $0x4000  }
0x59: {  	[sflag:s18] =	ssyncset.done $0x0  }
0x5a: {  	[sflag:s18] =	ssyncadd.s32 $0xFFFFC000  }
0x5b: {  	[spmem:s1] =	stream.indirect.scatter.add.f32 [tilespmem:s16], [sflag:$0x4], $0x80, s20, s12, $0xb8;
	[tilespmem:$0x1C200] =	vst v63  }
0x5c: {  	_ =	swait.ge [sflag:s19], $0x4000  }
0x5d: {  	[sflag:s19] =	ssyncset.done $0x0  }
0x5e: {  	[sflag:s19] =	ssyncadd.s32 $0xFFFFC000  }
0x5f: {  	_ =	swait.ge [sflag:s21], $0x4000  }
0x60: {  	s22 =	sadd.s32 $0x1, s22;
	[sflag:s21] =	ssyncset.done $0x0  }
0x61: {  	p0 =	sne.s32 s22, s9;
	[sflag:s21] =	ssyncadd.s32 $0xFFFFC000  }
.Ltmp1:
0x62: {  	[bflag:$0x0] =	sbarrier.arrive $0xFFFF;
	(pc) =	sbr.rel @p0 .LBB2_1-.Ltmp1, $4  }
0x63: {  	[hbm:s8], [sflag:s6] =	dma.local [spmem:s10], $0x2800  }
0x64: {  	_ =	swait.ge [sflag:s11], $0x2800  }
0x65: {  	[sflag:s11] =	ssyncset.done $0x0  }
0x66: {  	[sflag:s11] =	ssyncadd.s32 $0xFFFFD800  }
0x67: {  	_ =	sfence.sel $0x180000  }
0x68: {  	[bflag:$0x0] =	sbarrier.arrive $0xFFFF  }
0x69: {  	p0 =	sne.s32 s2, $0x0;
	_ =	strace $0x9000004D  }
0x6a: {  	s0 =	sadd.s32 @!p0 $0x100000, s0;
	[bflag:$0x2] =	sbarrier.arrive $0xFFFF  }
0x6b: {  	[sflag:s0] =	ssyncadd.tile.s32 @!p0 $0x1;
	_ =	shalt  }
.Lfunc_end2:
_tile_overlayer_lowered:
.L_overlay_start_2:
0x6c: {  	(tag) =	ssettag $0x2  }
0x6d: {  	s0 =	rddreg [dreg:$0x0];
	s2 =	stileid.u32  }
0x6e: {  	s1 =	rddreg [dreg:$0x1];
	p0 =	sne.s32 s2, $0x0  }
0x6f: {  	s3 =	rddreg [dreg:$0x2];
	[bflag:$0x3] =	sbarrier.arrive $0xFFFF;
	s2 =	simm.s32 @!p0 $0x1C05  }
0x70: {  	[timem:s3], [sflag:s2] =	dma.local @!p0 [hbm:s0], s1  }
0x71: {  	s0 =	simm.s32 @!p0 $0x5  }
0x72: {  	_ =	swait.ge @!p0 [sflag:s0], s1  }
0x73: {  	s1 =	ssub.s32 @!p0 $0x0, s1;
	[sflag:s0] =	ssyncset.done @!p0 $0x0  }
0x74: {  	[sflag:s0] =	ssyncadd.s32 @!p0 s1  }
0x75: {  	[bflag:$0x3] =	sbarrier.arrive $0xFFFF  }
0x76: {  	_ =	shalt  }

// kernel: _run.19.cloned.1.call-start
scs
__scs_entry_jumppad:
0x0: {  	(pc) =	sbr.rel $0x88, $3  }
0x1: {  	(tag) =	ssettag $0x0;
	lr =	simm.s32 $0x1  }
0x2: {  	[smem:$0x3F94] =	sst lr;
	_ =	strace $0xD0000000  }
0x3: {  	_ = 	snop  }
0x4: {  	_ = 	snop  }
0x5: {  	_ = 	snop  }
0x6: {  	_ = 	snop  }
0x7: {  	_ = 	snop  }
__scs_overlays_trampoline_lowered:
0x8: {  	[smem:$0x3FA3] =	sst s0  }
0x9: {  	[smem:$0x3FA4] =	sst s1  }
0xa: {  	[smem:$0x3FA5] =	sst s2  }
0xb: {  	[smem:$0x3FA6] =	sst s3  }
0xc: {  	[smem:$0x3FA7] =	sst s4  }
0xd: {  	[smem:$0x3FA8] =	sst s5  }
0xe: {  	[smem:$0x3FA9] =	sst s6  }
0xf: {  	[smem:$0x3FAA] =	sst s7  }
0x10: {  	[smem:$0x3FAB] =	sst s8  }
0x11: {  	[smem:$0x3FAC] =	sst s9;
	s0 =	simm.s32 @!p0 $0x0  }
0x12: {  	s1 =	sld [smem:$0x3F92];
	s0 =	simm.s32 @p0 $0x1  }
0x13: {  	[smem:$0x3FAD] =	sst s0;
	s0 =	simm.s32 @!p1 $0x0  }
0x14: {  	s2 =	sld [smem:$0x3F91];
	s0 =	simm.s32 @p1 $0x1  }
0x15: {  	[smem:$0x3FAE] =	sst s0;
	s0 =	simm.s32 @!p2 $0x0  }
0x16: {  	s3 =	sld [smem:$0x3FDB];
	s0 =	simm.s32 @p2 $0x1  }
0x17: {  	s4 =	simm.s32 $0x1BF5;
	[smem:$0x3FB0] =	sst s0  }
0x18: {  	s0 =	sld [smem:$0x3F93];
	_ =	swait.ge [sflag:s4], $0x0  }
0x19: {  	s7 =	sld [smem:$0x3F94]  }
0x1a: {  	s8 =	sadd.s32 $0xFFFFE003, lr  }
0x1b: {  	s9 =	sadd.s32 $0xFFFFFEF7, lr;
	s5 =	simm.s32 $0xFFFFFFFF;
	p2 =	slt.u32 s8, $0xFFFFF086  }
0x1c: {  	p1 =	slt.u32 s9, $0xF7A;
	s5 =	simm.s32 @!p2 $0x0  }
0x1d: {  	s5 =	simm.s32 @p1 $0x1;
	p0 =	seq.s32 s7, s2  }
0x1e: {  	s7 =	smul.u32 @!p0 $0xF7A, s2;
	p2 =	seq.s32 @!p0 s5, $0x0  }
0x1f: {  	s9 =	smul.u32 $0xF7A, s1;
	s8 =	simm.s32 @!p0 $0x1BF5;
	p2 =	por !p2, p0  }
0x20: {  	[sflag:s8] =	ssyncset.s32 @!p0 $0xFFFFF086;
	s6 =	sadd.s32 @!p0 s3, s7;
	s7 =	simm.s32 @!p0 $0x108  }
0x21: {  	s3 =	sadd.s32 s3, s9;
	s6 =	sadd.s32 @!p0 $0x88, s6;
	s7 =	simm.s32 @p2 $0x1082  }
0x22: {  	[simem:s7], [sflag:s8] =	dma.local @!p0 [hbm:s6], $0xF7A  }
0x23: {  	s9 =	sor.u32 $0xD0000000, s2;
	s6 =	simm.s32 $0x108;
	_ =	swait.ge @!p0 [sflag:s8], $0x0  }
0x24: {  	s3 =	sadd.s32 $0x88, s3;
	s6 =	simm.s32 @!p1 $0x1082;
	[sflag:s4] =	ssyncset.s32 $0xFFFFF086  }
0x25: {  	[simem:s6], [sflag:s4] =	dma.local [hbm:s3], $0xF7A  }
0x26: {  	[smem:$0x3F94] =	sst s1;
	(tag) =	ssettag s2;
	_ =	strace s9  }
0x27: {  	s1 =	sld [smem:$0x3FA4]  }
0x28: {  	s2 =	sld [smem:$0x3FA5]  }
0x29: {  	s4 =	sld [smem:$0x3FA7]  }
0x2a: {  	p0 =	seq.s32 s5, $0x0;
	s5 =	sld [smem:$0x3FA8]  }
0x2b: {  	s6 =	sld [smem:$0x3FA9]  }
0x2c: {  	s7 =	sld [smem:$0x3FAA]  }
0x2d: {  	s3 =	simm.s32 $0x108;
	s8 =	sld [smem:$0x3FAB]  }
0x2e: {  	s3 =	simm.s32 @!p0 $0x1082;
	s9 =	sld [smem:$0x3FAC]  }
0x2f: {  	lr =	sadd.s32 s0, s3;
	s0 =	sld [smem:$0x3FA3]  }
0x30: {  	s3 =	sld [smem:$0x3FA6]  }
0x31: {  	[smem:$0x3FAF] =	sst s10  }
0x32: {  	s10 =	sld [smem:$0x3FAD];
	_ =	sdelay $0x3  }
0x33: {  	p0 =	seq.s32 s10, $0x1;
	s10 =	sld [smem:$0x3FAF];
	_ =	sdelay $0x3  }
0x34: {  	[smem:$0x3FAF] =	sst s10  }
0x35: {  	s10 =	sld [smem:$0x3FAE];
	_ =	sdelay $0x3  }
0x36: {  	p1 =	seq.s32 s10, $0x1;
	s10 =	sld [smem:$0x3FAF];
	_ =	sdelay $0x3  }
0x37: {  	[smem:$0x3FAF] =	sst s10  }
0x38: {  	s10 =	sld [smem:$0x3FB0]  }
0x39: {  	_ = 	snop;
	(pc) =	sbr.ind lr, $3  }
0x3a: {  	_ = 	snop  }
0x3b: {  	_ = 	snop  }
0x3c: {  	p2 =	seq.s32 s10, $0x1;
	s10 =	sld [smem:$0x3FAF]  }
0x3d: {  	_ =	shalt  }
0x3e: {  	_ =	shalt  }
0x3f: {  	_ =	shalt  }
0x40: {  	_ =	shalt  }
0x41: {  	_ =	shalt  }
0x42: {  	_ =	shalt  }
0x43: {  	_ =	shalt  }
0x44: {  	_ =	shalt  }
0x45: {  	_ =	shalt  }
0x46: {  	_ =	shalt  }
0x47: {  	_ =	shalt  }
0x48: {  	_ =	shalt  }
0x49: {  	_ =	shalt  }
0x4a: {  	_ =	shalt  }
0x4b: {  	_ =	shalt  }
0x4c: {  	_ =	shalt  }
0x4d: {  	_ =	shalt  }
0x4e: {  	_ =	shalt  }
0x4f: {  	_ =	shalt  }
0x50: {  	_ =	shalt  }
0x51: {  	_ =	shalt  }
0x52: {  	_ =	shalt  }
0x53: {  	_ =	shalt  }
0x54: {  	_ =	shalt  }
0x55: {  	_ =	shalt  }
0x56: {  	_ =	shalt  }
0x57: {  	_ =	shalt  }
0x58: {  	_ =	shalt  }
0x59: {  	_ =	shalt  }
0x5a: {  	_ =	shalt  }
0x5b: {  	_ =	shalt  }
0x5c: {  	_ =	shalt  }
0x5d: {  	_ =	shalt  }
0x5e: {  	_ =	shalt  }
0x5f: {  	_ =	shalt  }
0x60: {  	_ =	shalt  }
0x61: {  	_ =	shalt  }
0x62: {  	_ =	shalt  }
0x63: {  	_ =	shalt  }
0x64: {  	_ =	shalt  }
0x65: {  	_ =	shalt  }
0x66: {  	_ =	shalt  }
0x67: {  	_ =	shalt  }
0x68: {  	_ =	shalt  }
0x69: {  	_ =	shalt  }
0x6a: {  	_ =	shalt  }
0x6b: {  	_ =	shalt  }
0x6c: {  	_ =	shalt  }
0x6d: {  	_ =	shalt  }
0x6e: {  	_ =	shalt  }
0x6f: {  	_ =	shalt  }
0x70: {  	_ =	shalt  }
0x71: {  	_ =	shalt  }
0x72: {  	_ =	shalt  }
0x73: {  	_ =	shalt  }
0x74: {  	_ =	shalt  }
0x75: {  	_ =	shalt  }
0x76: {  	_ =	shalt  }
0x77: {  	_ =	shalt  }
0x78: {  	_ =	shalt  }
0x79: {  	_ =	shalt  }
0x7a: {  	_ =	shalt  }
0x7b: {  	_ =	shalt  }
0x7c: {  	_ =	shalt  }
0x7d: {  	_ =	shalt  }
0x7e: {  	_ =	shalt  }
0x7f: {  	_ =	shalt  }
0x80: {  	_ =	shalt  }
0x81: {  	_ =	shalt  }
0x82: {  	_ =	shalt  }
0x83: {  	_ =	shalt  }
0x84: {  	_ =	shalt  }
0x85: {  	_ =	shalt  }
0x86: {  	_ =	shalt  }
0x87: {  	_ =	shalt  }
.Lfunc_end0:
.L_simem_size_0:
called_computation.3_lowered:
.L_overlay_start_0:
0x88: {  	s2 =	sld [smem:$0x3FD9]  }
0x89: {  	s3 =	sld [smem:$0x3FFE];
	_ =	sdelay $0x1  }
0x8a: {  	s1 =	srdreg.scid  }
0x8b: {  	s0 =	sand.u32 $0x1, s1  }
0x8c: {  	s16 =	sshll.u32 s0, $0xA;
	s2 =	sadd.s32 s3, s2  }
0x8d: {  	s2 =	sadd.s32 s2, s16  }
0x8e: {  	[smem:$0x3FBB] =	sst s2  }
0x8f: {  	_ = 	snop  }
0x90: {  	(tm) =	ssettm $0x1  }
0x91: {  	s17 =	sld [smem:$0x3FFB];
	_ =	sdelay $0x3  }
0x92: {  	_ =	strace s17  }
0x93: {  	s2 =	sld [smem:$0x3FFC];
	_ =	sdelay $0x3  }
0x94: {  	_ =	strace s2  }
0x95: {  	s2 =	sld [smem:$0x3FFD];
	_ =	sdelay $0x3  }
0x96: {  	_ =	strace s2  }
0x97: {  	_ =	strace $0x8FFFFFFF  }
0x98: {  	s18 =	sld [smem:$0x3FDB];
	_ =	sdelay $0x1  }
0x99: {  	s19 =	simm.s32 $_scs_section_size  }
0x9a: {  	s4 =	simm.s32 $_size__tile_overlayer_lowered;
	s5 =	simm.s32 $_tile_overlayer_lowered  }
0x9b: {  	s22 =	simm.s32 $0x1BFF;
	s21 =	sshll.u32 s5, $0x1;
	s2 =	sadd.s32 s19, s18  }
0x9c: {  	s6 =	simm.s32 $0x0;
	s20 =	sshll.u32 s4, $0x1;
	s4 =	sadd.s32 s21, s2  }
0x9d: {  	[timem:s6], [sflag:s22] =	dma.local [hbm:s4], s20  }
0x9e: {  	_ =	swait.ge [sflag:s22], s20  }
0x9f: {  	s3 =	ssub.s32 $0x0, s20;
	[sflag:s22] =	ssyncset.done $0x0  }
0xa0: {  	[sflag:s22] =	ssyncadd.s32 s3;
	_ =	sdelay $0x1  }
0xa1: {  	s23 =	simm.s32 $0x1B8B  }
0xa2: {  	_ =	swait.ge [sflag:s23], $0x1  }
0xa3: {  	[sflag:s23] =	ssyncset.done $0x0  }
0xa4: {  	s25 =	simm.s32 $0x1B8E;
	s24 =	sld [smem:$0x3FFE];
	[sflag:s23] =	ssyncadd.s32 $0xFFFFFFFF  }
0xa5: {  	s26 =	simm.s32 $execute0_lowered;
	[smem:$0x3FD2] =	sst s25  }
0xa6: {  	s4 =	sshll.u32 s26, $0x1;
	_ =	strace $0x8000004F;
	[dreg:$0x1] =	wrdreg $0xFFFFFFFF  }
0xa7: {  	s28 =	simm.s32 $_size_execute0_lowered;
	s2 =	sadd.s32 s2, s4;
	[dreg:$0x0] =	wrdreg $0x0  }
0xa8: {  	s4 =	sshll.u32 s28, $0x1;
	[dreg:$0x2] =	wrdreg s2  }
0xa9: {  	[dreg:$0x3] =	wrdreg s4  }
0xaa: {  	[dreg:$0x4] =	wrdreg $0xC0  }
0xab: {  	_ =	task [dreg:s6], $0x5FFFF  }
0xac: {  	[dreg:$0x1] =	wrdreg $0xFFFFFFFF  }
0xad: {  	[dreg:$0x0] =	wrdreg $0x60  }
0xae: {  	[dreg:$0x2] =	wrdreg s24  }
0xaf: {  	[dreg:$0x3] =	wrdreg $0x82000  }
0xb0: {  	[dreg:$0x4] =	wrdreg $0x9  }
0xb1: {  	_ =	task.clear_ibuf [dreg:s6], $0x5FFFF;
	_ =	strace $0x9000004F  }
0xb2: {  	s29 =	simm.s32 $0x9;
	_ =	strace $0x80000051  }
0xb3: {  	_ =	swait.ge [sflag:s29], $0x1  }
0xb4: {  	[sflag:s29] =	ssyncadd.s32 $0xFFFFFFFF  }
0xb5: {  	_ =	strace $0x90000051  }
0xb6: {  	_ =	sfence  }
0xb7: {  	s30 =	sld [smem:$0x0];
	_ =	sdelay $0x2  }
0xb8: {  	s31 =	sshll.u32 s1, $0xD;
	s1 =	sshrl.u32 s1, $0x2  }
0xb9: {  	s3 =	sand.u32 $0x4000, s31;
	s1 =	sadd.s32 s1, s30  }
0xba: {  	s0 =	sor.u32 s3, s0;
	s1 =	sshll.u32 s1, $0x11  }
0xbb: {  	s0 =	sor.u32 s1, s0  }
0xbc: {  	s0 =	sadd.s32 $0x8F2B, s0  }
0xbd: {  	[sflag:s0] =	ssyncadd.remote.s32 $0x1  }
0xbe: {  	_ =	sfence.sel $0xFFFF  }
0xbf: {  	[dreg:$0x0] =	wrdreg $0xFFFFFFFF;
	(pc) =	sbr.abs _section_cstart, $3  }
0xc0: {  	[dreg:$0x1] =	wrdreg $0xFFFFFFFF  }
0xc1: {  	_ =	task.clear_ibuf [dreg:s6], $0x2FFFF;
	_ =	strace $0x9FFFFFFF  }
0xc2: {  	(tm) =	ssettm $0x7FFFFFFF  }
0xc3: {  	_ =	shalt  }
tec
execute0_lowered:
.L_overlay_start_1:
0x0: {  	(tag) =	ssettag $0x1  }
0x1: {  	s5 =	rddreg [dreg:$0x0]  }
0x2: {  	s1 =	rddreg [dreg:$0x1]  }
0x3: {  	s2 =	srdreg.scid;
	s0 =	rddreg [dreg:$0x2];
	s3 =	simm.s32 $0x0  }
0x4: {  	s13 =	simm.s32 $0x200;
	s15 =	simm.s32 $0x100;
	s16 =	simm.s32 $0x4200  }
0x5: {  	s17 =	simm.s32 $0x1;
	s18 =	simm.s32 $0x2;
	s19 =	simm.s32 $0x3  }
0x6: {  	s20 =	simm.s32 $0x180;
	s21 =	simm.s32 $0x4;
	s6 =	sand.u32 $0x1, s2  }
0x7: {  	s22 =	simm.s32 $0x0;
	s2 =	stileid.u32;
	s7 =	smul.u32 $0x2800, s6  }
0x8: {  	[smem:$0x7FF] =	sst s3;
	s4 =	sshll.u32 s6, $0x4;
	s8 =	smul.u32 $0x280, s2  }
0x9: {  	_ =	strace $0x80000050;
	s29 =	smul.u32 $0x50000, s2;
	s6 =	ssub.s32 $0x2, s6  }
0xa: {  	s31 =	sshll.u32 s2, $0x6;
	s4 =	sor.u32 s2, s4;
	s30 =	sshrl.u32 s6, $0x1  }
0xb: {  	s9 =	smul.u32 $0x1400, s4;
	s4 =	sadd.s32 $0x3C00, s5;
	s7 =	sadd.s32 s8, s7  }
0xc: {  	s8 =	sshrl.u32 s29, $0x2;
	s11 =	ssub.s32 s6, s30;
	s6 =	sor.u32 $0x1C05, s31  }
0xd: {  	s7 =	sshll.u32 s7, $0x4;
	s12 =	sadd.s32 s8, s1;
	s9 =	sadd.s32 s9, s5  }
0xe: {  	s10 =	sadd.s32 s7, s5;
	s5 =	sadd.s32 s4, s7;
	s7 =	sadd.s32 $0x56400, s9  }
0xf: {  	s8 =	sadd.s32 $0x7E400, s10;
	s9 =	smax.u32 s11, $0x1;
	s10 =	sshrl.u32 s12, $0x3  }
0x10: {  	s11 =	simm.s32 $0x5;
	s12 =	simm.s32 $0x80;
	s14 =	sadd.s32 $0x20, s7  }
.LBB2_1:
0x11: {  	[spmem:s10], [sflag:s6] =	dma.local [hbm:s5], $0x2800  }
0x12: {  	_ =	swait.ge [sflag:s11], $0x2800  }
0x13: {  	[sflag:s11] =	ssyncset.done $0x0  }
0x14: {  	[sflag:s11] =	ssyncadd.s32 $0xFFFFD800  }
0x15: {  	[bflag:$0x0] =	sbarrier.arrive $0xFFFF  }
0x16: {  	[tilespmem:s3], [sflag:$0x5] =	stream.linear.gather [hbm4b:s7+s3], $0x100, $0x38;
	[tilespmem:$0x1C200] =	vst v63  }
0x17: {  	_ =	swait.ge [sflag:s11], $0x100  }
0x18: {  	[sflag:s11] =	ssyncset.done $0x0  }
0x19: {  	[sflag:s11] =	ssyncadd.s32 $0xFFFFFF00  }
0x1a: {  	[tilespmem:s13], [sflag:$0x1] =	stream.indirect.gather [hbm4b:s4+s12], $0x80, s3, s12, $0xb8;
	[tilespmem:$0x1C200] =	vst v63  }
0x1b: {  	_ = 	snop  }
0x1c: {  	[tilespmem:s15], [sflag:$0x5] =	stream.linear.gather [hbm4b:s14+s3], $0x100, $0x38;
	[tilespmem:$0x1C200] =	vst v63  }
0x1d: {  	_ =	swait.ge [sflag:s11], $0x100  }
0x1e: {  	[sflag:s11] =	ssyncset.done $0x0  }
0x1f: {  	[sflag:s11] =	ssyncadd.s32 $0xFFFFFF00  }
0x20: {  	[tilespmem:s16], [sflag:$0x2] =	stream.indirect.gather [hbm4b:s4+s12], $0x80, s15, s12, $0xb8;
	[tilespmem:$0x1C200] =	vst v63  }
0x21: {  	_ =	swait.ge [sflag:s17], $0x4000  }
0x22: {  	[sflag:s17] =	ssyncset.done $0x0  }
0x23: {  	[sflag:s17] =	ssyncadd.s32 $0xFFFFC000  }
0x24: {  	[spmem:s1] =	stream.indirect.scatter.add.f32 [tilespmem:s13], [sflag:$0x3], $0x80, s12, s12, $0xb8;
	[tilespmem:$0x1C200] =	vst v63  }
0x25: {  	_ =	swait.ge [sflag:s18], $0x4000  }
0x26: {  	[sflag:s18] =	ssyncset.done $0x0  }
0x27: {  	[sflag:s18] =	ssyncadd.s32 $0xFFFFC000  }
0x28: {  	_ =	swait.ge [sflag:s19], $0x4000  }
0x29: {  	s23 =	sadd.s32 $0xFFFFEC40, s7;
	[sflag:s19] =	ssyncset.done $0x0  }
0x2a: {  	s24 =	sadd.s32 $0x1400, s23;
	[sflag:s19] =	ssyncadd.s32 $0xFFFFC000  }
0x2b: {  	[tilespmem:s3], [sflag:$0x5] =	stream.linear.gather [hbm4b:s24+s3], $0x100, $0x38;
	[tilespmem:$0x1C200] =	vst v63  }
0x2c: {  	_ =	swait.ge [sflag:s11], $0x100  }
0x2d: {  	[sflag:s11] =	ssyncset.done $0x0  }
0x2e: {  	[sflag:s11] =	ssyncadd.s32 $0xFFFFFF00  }
0x2f: {  	[tilespmem:s13], [sflag:$0x1] =	stream.indirect.gather [hbm4b:s4+s12], $0x80, s3, s12, $0xb8;
	[tilespmem:$0x1C200] =	vst v63  }
0x30: {  	_ = 	snop  }
0x31: {  	[spmem:s1] =	stream.indirect.scatter.add.f32 [tilespmem:s16], [sflag:$0x4], $0x80, s20, s12, $0xb8;
	[tilespmem:$0x1C200] =	vst v63  }
0x32: {  	_ =	swait.ge [sflag:s21], $0x4000  }
0x33: {  	[sflag:s21] =	ssyncset.done $0x0  }
0x34: {  	s23 =	sadd.s32 $0x1420, s23;
	[sflag:s21] =	ssyncadd.s32 $0xFFFFC000  }
0x35: {  	[tilespmem:s15], [sflag:$0x5] =	stream.linear.gather [hbm4b:s23+s3], $0x100, $0x38;
	[tilespmem:$0x1C200] =	vst v63  }
0x36: {  	_ =	swait.ge [sflag:s11], $0x100  }
0x37: {  	[sflag:s11] =	ssyncset.done $0x0  }
0x38: {  	s23 =	simm.s32 $0xFFFFEC80;
	[sflag:s11] =	ssyncadd.s32 $0xFFFFFF00  }
.LBB2_2:
0x39: {  	[tilespmem:s16], [sflag:$0x2] =	stream.indirect.gather [hbm4b:s4+s12], $0x80, s15, s12, $0xb8;
	[tilespmem:$0x1C200] =	vst v63  }
0x3a: {  	s24 =	smov.u32 s23  }
0x3b: {  	p0 =	sne.s32 s23, $0xFFFFFFC0;
	s23 =	sadd.s32 $0x40, s23;
	_ =	swait.ge [sflag:s17], $0x4000  }
0x3c: {  	[sflag:s17] =	ssyncset.done $0x0  }
0x3d: {  	[sflag:s17] =	ssyncadd.s32 $0xFFFFC000  }
0x3e: {  	[spmem:s1] =	stream.indirect.scatter.add.f32 [tilespmem:s13], [sflag:$0x3], $0x80, s12, s12, $0xb8;
	[tilespmem:$0x1C200] =	vst v63  }
0x3f: {  	_ =	swait.ge [sflag:s18], $0x4000  }
0x40: {  	[sflag:s18] =	ssyncset.done $0x0  }
0x41: {  	[sflag:s18] =	ssyncadd.s32 $0xFFFFC000  }
0x42: {  	_ =	swait.ge [sflag:s19], $0x4000  }
0x43: {  	s24 =	sadd.s32 s24, s7;
	[sflag:s19] =	ssyncset.done $0x0  }
0x44: {  	s25 =	sadd.s32 $0x1400, s24;
	[sflag:s19] =	ssyncadd.s32 $0xFFFFC000  }
0x45: {  	[tilespmem:s3], [sflag:$0x5] =	stream.linear.gather [hbm4b:s25+s3], $0x100, $0x38;
	[tilespmem:$0x1C200] =	vst v63  }
0x46: {  	_ =	swait.ge [sflag:s11], $0x100  }
0x47: {  	[sflag:s11] =	ssyncset.done $0x0  }
0x48: {  	[sflag:s11] =	ssyncadd.s32 $0xFFFFFF00  }
0x49: {  	[tilespmem:s13], [sflag:$0x1] =	stream.indirect.gather [hbm4b:s4+s12], $0x80, s3, s12, $0xb8;
	[tilespmem:$0x1C200] =	vst v63  }
0x4a: {  	_ = 	snop  }
0x4b: {  	[spmem:s1] =	stream.indirect.scatter.add.f32 [tilespmem:s16], [sflag:$0x4], $0x80, s20, s12, $0xb8;
	[tilespmem:$0x1C200] =	vst v63  }
0x4c: {  	_ =	swait.ge [sflag:s21], $0x4000  }
0x4d: {  	[sflag:s21] =	ssyncset.done $0x0  }
.Ltmp0:
0x4e: {  	s24 =	sadd.s32 $0x1420, s24;
	[sflag:s21] =	ssyncadd.s32 $0xFFFFC000;
	(pc) =	sbr.rel @p0 .LBB2_2-.Ltmp0, $4  }
0x4f: {  	[tilespmem:s15], [sflag:$0x5] =	stream.linear.gather [hbm4b:s24+s3], $0x100, $0x38;
	[tilespmem:$0x1C200] =	vst v63  }
0x50: {  	_ =	swait.ge [sflag:s11], $0x100  }
0x51: {  	[sflag:s11] =	ssyncset.done $0x0  }
0x52: {  	[sflag:s11] =	ssyncadd.s32 $0xFFFFFF00  }
0x53: {  	[tilespmem:s16], [sflag:$0x2] =	stream.indirect.gather [hbm4b:s4+s12], $0x80, s15, s12, $0xb8;
	[tilespmem:$0x1C200] =	vst v63  }
0x54: {  	_ =	swait.ge [sflag:s17], $0x4000  }
0x55: {  	[sflag:s17] =	ssyncset.done $0x0  }
0x56: {  	[sflag:s17] =	ssyncadd.s32 $0xFFFFC000  }
0x57: {  	[spmem:s1] =	stream.indirect.scatter.add.f32 [tilespmem:s13], [sflag:$0x3], $0x80, s12, s12, $0xb8;
	[tilespmem:$0x1C200] =	vst v63  }
0x58: {  	_ =	swait.ge [sflag:s18], $0x4000  }
0x59: {  	[sflag:s18] =	ssyncset.done $0x0  }
0x5a: {  	[sflag:s18] =	ssyncadd.s32 $0xFFFFC000  }
0x5b: {  	[spmem:s1] =	stream.indirect.scatter.add.f32 [tilespmem:s16], [sflag:$0x4], $0x80, s20, s12, $0xb8;
	[tilespmem:$0x1C200] =	vst v63  }
0x5c: {  	_ =	swait.ge [sflag:s19], $0x4000  }
0x5d: {  	[sflag:s19] =	ssyncset.done $0x0  }
0x5e: {  	[sflag:s19] =	ssyncadd.s32 $0xFFFFC000  }
0x5f: {  	_ =	swait.ge [sflag:s21], $0x4000  }
0x60: {  	s22 =	sadd.s32 $0x1, s22;
	[sflag:s21] =	ssyncset.done $0x0  }
0x61: {  	p0 =	sne.s32 s22, s9;
	[sflag:s21] =	ssyncadd.s32 $0xFFFFC000  }
.Ltmp1:
0x62: {  	[bflag:$0x0] =	sbarrier.arrive $0xFFFF;
	(pc) =	sbr.rel @p0 .LBB2_1-.Ltmp1, $4  }
0x63: {  	[hbm:s8], [sflag:s6] =	dma.local [spmem:s10], $0x2800  }
0x64: {  	_ =	swait.ge [sflag:s11], $0x2800  }
0x65: {  	[sflag:s11] =	ssyncset.done $0x0  }
0x66: {  	[sflag:s11] =	ssyncadd.s32 $0xFFFFD800  }
0x67: {  	_ =	sfence.sel $0x180000  }
0x68: {  	[bflag:$0x0] =	sbarrier.arrive $0xFFFF  }
0x69: {  	p0 =	sne.s32 s2, $0x0;
	_ =	strace $0x90000050  }
0x6a: {  	s0 =	sadd.s32 @!p0 $0x100000, s0;
	[bflag:$0x2] =	sbarrier.arrive $0xFFFF  }
0x6b: {  	[sflag:s0] =	ssyncadd.tile.s32 @!p0 $0x1;
	_ =	shalt  }
.Lfunc_end2:
_tile_overlayer_lowered:
.L_overlay_start_2:
0x6c: {  	(tag) =	ssettag $0x2  }
0x6d: {  	s0 =	rddreg [dreg:$0x0];
	s2 =	stileid.u32  }
0x6e: {  	s1 =	rddreg [dreg:$0x1];
	p0 =	sne.s32 s2, $0x0  }
0x6f: {  	s3 =	rddreg [dreg:$0x2];
	[bflag:$0x3] =	sbarrier.arrive $0xFFFF;
	s2 =	simm.s32 @!p0 $0x1C05  }
0x70: {  	[timem:s3], [sflag:s2] =	dma.local @!p0 [hbm:s0], s1  }
0x71: {  	s0 =	simm.s32 @!p0 $0x5  }
0x72: {  	_ =	swait.ge @!p0 [sflag:s0], s1  }
0x73: {  	s1 =	ssub.s32 @!p0 $0x0, s1;
	[sflag:s0] =	ssyncset.done @!p0 $0x0  }
0x74: {  	[sflag:s0] =	ssyncadd.s32 @!p0 s1  }
0x75: {  	[bflag:$0x3] =	sbarrier.arrive $0xFFFF  }
0x76: {  	_ =	shalt  }

</sc_bundles>
